<compile_context>
chip_gen: v7x
topology: tpu7x:2x2x1
jax: 0.10.2.dev20260603
libtpu: 0.0.44.dev20260713+nightly
codegen_flags: <defaults>
</compile_context>

<pallas_src>
import functools

import jax
import jax.numpy as jnp
from jax import lax
from jax.experimental import pallas as pl
from jax.experimental.pallas import tpu as pltpu
from jax.experimental.pallas import tpu_sc as plsc

N = 10000
NPAD = 10112
DPAD = 10240
D = 128
E = 320000
G = 64
NC, NS = 2, 16
NW = NC * NS
EPW = E // NW
K = 80
NCH = EPW // K
RPT = NPAD // NS
WPT = DPAD // NS
BLK = 1000
GRID = N // BLK

@functools.cache
def _mesh():
    return plsc.VectorSubcoreMesh(core_axis_name="c", subcore_axis_name="s",
                                  num_cores=NC, num_subcores=NS)


def _deg_body(col3, out, col_v, ones_v, zrow_v, acc_sh):
    c = lax.axis_index("c")
    s = lax.axis_index("s")
    wid = c * NS + s

    for i in range(8):
        ones_v[pl.ds(16 * i, 16)] = jnp.ones((16,), jnp.float32)
    for i in range(640 // 16):
        zrow_v[pl.ds(16 * i, 16)] = jnp.zeros((16,), jnp.float32)
    pltpu.sync_copy(zrow_v.at[pl.ds(0, WPT)], acc_sh.at[pl.ds(s * WPT, WPT)])
    plsc.subcore_barrier()

    pltpu.sync_copy(col3.at[wid], col_v)

    def chunk(j, carry):
        pltpu.sync_copy(ones_v.at[pl.ds(0, K)], acc_sh.at[col_v.at[j]],
                        add=True)
        return carry

    lax.fori_loop(0, NCH, chunk, 0)
    plsc.subcore_barrier()

    pltpu.sync_copy(acc_sh.at[pl.ds(s * WPT, WPT)],
                    out.at[pl.ds(c * DPAD + s * WPT, WPT)])


@functools.cache
def _deg_call():
    return pl.kernel(
        _deg_body,
        out_type=jax.ShapeDtypeStruct((2 * DPAD,), jnp.float32),
        mesh=_mesh(),
        scratch_types=[
            pltpu.VMEM((NCH, K), jnp.int32),
            pltpu.VMEM((128,), jnp.float32),
            pltpu.VMEM((640,), jnp.float32),
            pltpu.VMEM_SHARED((DPAD,), jnp.float32),
        ],
    )


def _scatter_body(row2, col3, m, zeros_h, out, row_v, col_v, buf0, buf1,
                  acc_sh, sem0, sem1):
    c = lax.axis_index("c")
    s = lax.axis_index("s")
    wid = c * NS + s

    pltpu.sync_copy(row2.at[wid], row_v)
    pltpu.sync_copy(col3.at[wid], col_v)

    def fire(j, buf, sem):
        pltpu.async_copy(m.at[row_v.at[pl.ds(j * K, K)]], buf, sem)

    def drain(buf, sem):
        pltpu.make_async_copy(zeros_h.at[pl.ds(0, K)], buf, sem).wait()

    fire(0, buf0, sem0)
    fire(1, buf1, sem1)
    pltpu.sync_copy(zeros_h.at[pl.ds(s * RPT, RPT)],
                    acc_sh.at[pl.ds(s * RPT, RPT)])
    plsc.subcore_barrier()

    def it(t, carry):
        j0 = 2 * t
        drain(buf0, sem0)
        pltpu.sync_copy(buf0, acc_sh.at[col_v.at[j0]], add=True)
        fire(j0 + 2, buf0, sem0)
        drain(buf1, sem1)
        pltpu.sync_copy(buf1, acc_sh.at[col_v.at[j0 + 1]], add=True)
        fire(j0 + 3, buf1, sem1)
        return carry

    lax.fori_loop(0, NCH // 2 - 1, it, 0)
    drain(buf0, sem0)
    pltpu.sync_copy(buf0, acc_sh.at[col_v.at[NCH - 3]], add=True)
    fire(NCH - 1, buf0, sem0)
    drain(buf1, sem1)
    pltpu.sync_copy(buf1, acc_sh.at[col_v.at[NCH - 2]], add=True)
    drain(buf0, sem0)
    pltpu.sync_copy(buf0, acc_sh.at[col_v.at[NCH - 1]], add=True)
    plsc.subcore_barrier()

    pltpu.sync_copy(acc_sh.at[pl.ds(s * RPT, RPT)],
                    out.at[pl.ds(c * NPAD + s * RPT, RPT)])


@functools.cache
def _scatter_call():
    return pl.kernel(
        _scatter_body,
        out_type=jax.ShapeDtypeStruct((2 * NPAD, D), jnp.float32),
        mesh=_mesh(),
        scratch_types=[
            pltpu.VMEM((EPW,), jnp.int32),
            pltpu.VMEM((NCH, K), jnp.int32),
            pltpu.VMEM((K, D), jnp.float32),
            pltpu.VMEM((K, D), jnp.float32),
            pltpu.VMEM_SHARED((NPAD, D), jnp.float32),
            pltpu.SemaphoreType.DMA,
            pltpu.SemaphoreType.DMA,
        ],
    )


def _dinv(deg_ref):
    deg = deg_ref[0] + deg_ref[1] + 1.0
    return lax.rsqrt(deg)


def _mm_scale_body(x_ref, w_ref, deg_ref, o_ref):
    h = jnp.dot(x_ref[...], w_ref[...], preferred_element_type=jnp.float32)
    o_ref[...] = _dinv(deg_ref) * h


def _layer_mid_body(s_ref, m_ref, deg_ref, b_ref, w_ref, o_ref):
    dinv = _dinv(deg_ref)
    h = dinv * (s_ref[0] + s_ref[1] + m_ref[...]) + b_ref[...]
    o_ref[...] = dinv * jnp.dot(h, w_ref[...],
                                preferred_element_type=jnp.float32)


def _pool_body(s_ref, m_ref, deg_ref, b_ref, batch_ref,
               o_ref, max_acc, sum_acc, cnt_acc):
    i = pl.program_id(0)

    @pl.when(i == 0)
    def _():
        max_acc[...] = jnp.full((G, D), -jnp.inf, jnp.float32)
        sum_acc[...] = jnp.zeros((G, D), jnp.float32)
        cnt_acc[...] = jnp.zeros((G, 1), jnp.float32)

    dinv = _dinv(deg_ref)
    h = dinv * (s_ref[0] + s_ref[1] + m_ref[...]) + b_ref[...]

    b = batch_ref[...]
    gids = lax.broadcasted_iota(jnp.int32, (1, G), 1)
    oh = (b == gids).astype(jnp.float32)
    sum_acc[...] += lax.dot_general(oh, h, (((0,), (0,)), ((), ())),
                                    preferred_element_type=jnp.float32)
    cnt_acc[...] += lax.dot_general(oh, jnp.ones((BLK, 1), jnp.float32),
                                    (((0,), (0,)), ((), ())),
                                    preferred_element_type=jnp.float32)

    b_lo = jnp.min(b)
    b_hi = jnp.max(b)
    for g in range(G):
        @pl.when((b_lo <= g) & (g <= b_hi))
        def _():
            masked = jnp.where(b == g, h, -jnp.inf)
            max_acc[g, :] = jnp.maximum(max_acc[g, :], jnp.max(masked, axis=0))

    @pl.when(i == GRID - 1)
    def _():
        cnt = cnt_acc[...]
        x_max = jnp.where(cnt > 0.0, max_acc[...], 0.0)
        x_mean = sum_acc[...] / jnp.maximum(cnt, 1.0)
        o_ref[:, pl.ds(0, D)] = x_max
        o_ref[:, pl.ds(D, D)] = x_mean


_row_spec = pl.BlockSpec((BLK, D), lambda i: (i, 0))
_col_spec = pl.BlockSpec((BLK, 1), lambda i: (i, 0))
_s_spec = pl.BlockSpec((2, BLK, D), lambda i: (0, i, 0))
_deg_spec = pl.BlockSpec((2, BLK, 1), lambda i: (0, i, 0))
_w_spec = pl.BlockSpec((D, D), lambda i: (0, 0))
_b_spec = pl.BlockSpec((1, D), lambda i: (0, 0))

_mm_scale_call = pl.pallas_call(
    _mm_scale_body,
    grid=(GRID,),
    in_specs=[_row_spec, _w_spec, _deg_spec],
    out_specs=_row_spec,
    out_shape=jax.ShapeDtypeStruct((N, D), jnp.float32),
)

_layer_mid_call = pl.pallas_call(
    _layer_mid_body,
    grid=(GRID,),
    in_specs=[_s_spec, _row_spec, _deg_spec, _b_spec, _w_spec],
    out_specs=_row_spec,
    out_shape=jax.ShapeDtypeStruct((N, D), jnp.float32),
)

_pool_call = pl.pallas_call(
    _pool_body,
    grid=(GRID,),
    in_specs=[_s_spec, _row_spec, _deg_spec, _b_spec, _col_spec],
    out_specs=pl.BlockSpec((G, 2 * D), lambda i: (0, 0)),
    out_shape=jax.ShapeDtypeStruct((G, 2 * D), jnp.float32),
    scratch_shapes=[pltpu.VMEM((G, D), jnp.float32),
                    pltpu.VMEM((G, D), jnp.float32),
                    pltpu.VMEM((G, 1), jnp.float32)],
)


def kernel(x, edge_index, batch, W1, b1, W2, b2):
    row2 = edge_index[0].reshape(NW, EPW)
    col3 = edge_index[1].reshape(NW, NCH, K)
    batch_c = batch.reshape(N, 1)
    b1r = b1.reshape(1, D)
    b2r = b2.reshape(1, D)

    zeros_h = jnp.zeros((NPAD, D), jnp.float32)
    deg = _deg_call()(col3).reshape(2, DPAD, 1)
    m1 = _mm_scale_call(x, W1, deg)
    s1 = _scatter_call()(row2, col3, m1, zeros_h).reshape(2, NPAD, D)
    m2 = _layer_mid_call(s1, m1, deg, b1r, W2)
    s2 = _scatter_call()(row2, col3, m2, zeros_h).reshape(2, NPAD, D)
    return _pool_call(s2, m2, deg, b2r, batch_c)

# --- scband reference (transcript-rebuilt; emitter-appended) ---
"""Pipeline reference for scband-sf-gcn-layers-69054484185855 (READ-ONLY COPY).

The authoritative reference and input builder live on the scoring server;
editing this copy changes nothing except your own understanding.
"""

import jax, jax.numpy as jnp
import numpy as np

N_NODES = 10000
N_EDGES = 320000
D_IN = 128
D_HID = 128
D_OUT = 128
NUM_GRAPHS = 64


def setup_inputs(seed: int = 0) -> dict:
    key = jax.random.key(seed)
    k1, k2, k3, k4, k5 = jax.random.split(key, 5)
    x = jax.random.normal(k1, (N_NODES, D_IN), dtype=jnp.float32)
    edge_index = jax.random.randint(k2, (2, N_EDGES), 0, N_NODES, dtype=jnp.int32)
    batch = jnp.sort(jax.random.randint(k3, (N_NODES,), 0, NUM_GRAPHS, dtype=jnp.int32))
    # GCNConv parameters (glorot-style init for weights, zeros for bias)
    W1 = jax.random.normal(k4, (D_IN, D_HID), dtype=jnp.float32) * (1.0 / jnp.sqrt(D_IN))
    b1 = jnp.zeros((D_HID,), dtype=jnp.float32)
    W2 = jax.random.normal(k5, (D_HID, D_OUT), dtype=jnp.float32) * (1.0 / jnp.sqrt(D_HID))
    b2 = jnp.zeros((D_OUT,), dtype=jnp.float32)
    return {"x": x, "edge_index": edge_index, "batch": batch, "W1": W1, "b1": b1, "W2": W2, "b2": b2}


def _gcn_conv(x, edge_index, W, b):
    # PyG GCNConv: add self loops, symmetric normalization, linear, scatter-add aggregation, bias.
    num_nodes = x.shape[0]
    loop = jnp.arange(num_nodes, dtype=edge_index.dtype)
    row = jnp.concatenate([edge_index[0], loop])  # source nodes
    col = jnp.concatenate([edge_index[1], loop])  # destination nodes
    deg = jnp.zeros((num_nodes,), dtype=x.dtype).at[col].add(1.0)
    deg_inv_sqrt = jnp.where(deg > 0, 1.0 / jnp.sqrt(deg), 0.0)
    norm = deg_inv_sqrt[row] * deg_inv_sqrt[col]
    h = x @ W
    msg = norm[:, None] * h[row]
    out = jax.ops.segment_sum(msg, col, num_segments=num_nodes)
    return out + b


def reference(x, edge_index, batch, W1, b1, W2, b2):
    h = _gcn_conv(x, edge_index, W1, b1)
    h = _gcn_conv(h, edge_index, W2, b2)
    counts = jax.ops.segment_sum(jnp.ones((h.shape[0],), dtype=h.dtype), batch, num_segments=NUM_GRAPHS)
    x_max = jax.ops.segment_max(h, batch, num_segments=NUM_GRAPHS)
    x_max = jnp.where(counts[:, None] > 0, x_max, 0.0)
    x_sum = jax.ops.segment_sum(h, batch, num_segments=NUM_GRAPHS)
    x_mean = x_sum / jnp.maximum(counts, 1.0)[:, None]
    gnn_feat = jnp.concatenate([x_max, x_mean], axis=1)
    return gnn_feat

if __name__ == "__main__":
    import jax
    _d = setup_inputs()
    print(jax.jit(kernel)(*tuple(_d.values())))

</pallas_src>

<mosaic_0001>
#map = affine_map<(d0, d1) -> (0, 0, 0)>
#map1 = affine_map<(d0, d1) -> (0)>
module attributes {stable_mosaic.version = 14 : i64} {
  func.func @_deg_body(%arg0: i32, %arg1: i32, %arg2: memref<32x125x80xi32, #tpu.memory_space<hbm>>, %arg3: memref<20480xf32, #tpu.memory_space<hbm>>, %arg4: memref<125x80xi32, #tpu.memory_space<vmem>>, %arg5: memref<128xf32, #tpu.memory_space<vmem>>, %arg6: memref<640xf32, #tpu.memory_space<vmem>>, %arg7: memref<10240xf32, #tpu.memory_space<vmem_shared>>) attributes {dimension_semantics = [#tpu.dimension_semantics<core_parallel>, #tpu.dimension_semantics<subcore_parallel>], iteration_bounds = array<i64: 2, 16>, scalar_prefetch = 0 : i64, scratch_operands = 4 : i64, tpu.core_type = #tpu.core_type<sc_vector_subcore>, window_params = [{transform_indices = #map}, {transform_indices = #map1}]} {
    %mul3A = arith.constant 16 : i32
    %mul3A_0 = arith.muli %arg0, %mul3A : i32
    %add3A = arith.addi %mul3A_0, %arg1 : i32
    %broadcast_in_dim3A = arith.constant 1.000000e+00 : f32
    %broadcast_in_dim3A_1 = vector.broadcast %broadcast_in_dim3A : f32 to vector<16xf32>
    %swap3A = arith.constant 0 : index
    %swap3A_2 = tpu.vector_load %arg5[%swap3A] {strides = array<i32>} : memref<128xf32, #tpu.memory_space<vmem>>, vector<16xf32>,
    %swap3A_3 = vector.shape_cast %swap3A_2 : vector<16xf32> to vector<16xf32>
    %swap3A_4 = vector.shape_cast %broadcast_in_dim3A_1 : vector<16xf32> to vector<16xf32>
    tpu.vector_store %arg5[%swap3A], %swap3A_4 {strides = array<i32>} : memref<128xf32, #tpu.memory_space<vmem>>, vector<16xf32>,
    %broadcast_in_dim3A_5 = arith.constant 1.000000e+00 : f32
    %broadcast_in_dim3A_6 = vector.broadcast %broadcast_in_dim3A_5 : f32 to vector<16xf32>
    %swap3A_7 = arith.constant 16 : index
    %swap3A_8 = tpu.vector_load %arg5[%swap3A_7] {strides = array<i32>} : memref<128xf32, #tpu.memory_space<vmem>>, vector<16xf32>,
    %swap3A_9 = vector.shape_cast %swap3A_8 : vector<16xf32> to vector<16xf32>
    %swap3A_10 = vector.shape_cast %broadcast_in_dim3A_6 : vector<16xf32> to vector<16xf32>
    tpu.vector_store %arg5[%swap3A_7], %swap3A_10 {strides = array<i32>} : memref<128xf32, #tpu.memory_space<vmem>>, vector<16xf32>,
    %broadcast_in_dim3A_11 = arith.constant 1.000000e+00 : f32
    %broadcast_in_dim3A_12 = vector.broadcast %broadcast_in_dim3A_11 : f32 to vector<16xf32>
    %swap3A_13 = arith.constant 32 : index
    %swap3A_14 = tpu.vector_load %arg5[%swap3A_13] {strides = array<i32>} : memref<128xf32, #tpu.memory_space<vmem>>, vector<16xf32>,
    %swap3A_15 = vector.shape_cast %swap3A_14 : vector<16xf32> to vector<16xf32>
    %swap3A_16 = vector.shape_cast %broadcast_in_dim3A_12 : vector<16xf32> to vector<16xf32>
    tpu.vector_store %arg5[%swap3A_13], %swap3A_16 {strides = array<i32>} : memref<128xf32, #tpu.memory_space<vmem>>, vector<16xf32>,
    %broadcast_in_dim3A_17 = arith.constant 1.000000e+00 : f32
    %broadcast_in_dim3A_18 = vector.broadcast %broadcast_in_dim3A_17 : f32 to vector<16xf32>
    %swap3A_19 = arith.constant 48 : index
    %swap3A_20 = tpu.vector_load %arg5[%swap3A_19] {strides = array<i32>} : memref<128xf32, #tpu.memory_space<vmem>>, vector<16xf32>,
    %swap3A_21 = vector.shape_cast %swap3A_20 : vector<16xf32> to vector<16xf32>
    %swap3A_22 = vector.shape_cast %broadcast_in_dim3A_18 : vector<16xf32> to vector<16xf32>
    tpu.vector_store %arg5[%swap3A_19], %swap3A_22 {strides = array<i32>} : memref<128xf32, #tpu.memory_space<vmem>>, vector<16xf32>,
    %broadcast_in_dim3A_23 = arith.constant 1.000000e+00 : f32
    %broadcast_in_dim3A_24 = vector.broadcast %broadcast_in_dim3A_23 : f32 to vector<16xf32>
    %swap3A_25 = arith.constant 64 : index
    %swap3A_26 = tpu.vector_load %arg5[%swap3A_25] {strides = array<i32>} : memref<128xf32, #tpu.memory_space<vmem>>, vector<16xf32>,
    %swap3A_27 = vector.shape_cast %swap3A_26 : vector<16xf32> to vector<16xf32>
    %swap3A_28 = vector.shape_cast %broadcast_in_dim3A_24 : vector<16xf32> to vector<16xf32>
    tpu.vector_store %arg5[%swap3A_25], %swap3A_28 {strides = array<i32>} : memref<128xf32, #tpu.memory_space<vmem>>, vector<16xf32>,
    %broadcast_in_dim3A_29 = arith.constant 1.000000e+00 : f32
    %broadcast_in_dim3A_30 = vector.broadcast %broadcast_in_dim3A_29 : f32 to vector<16xf32>
    %swap3A_31 = arith.constant 80 : index
    %swap3A_32 = tpu.vector_load %arg5[%swap3A_31] {strides = array<i32>} : memref<128xf32, #tpu.memory_space<vmem>>, vector<16xf32>,
    %swap3A_33 = vector.shape_cast %swap3A_32 : vector<16xf32> to vector<16xf32>
    %swap3A_34 = vector.shape_cast %broadcast_in_dim3A_30 : vector<16xf32> to vector<16xf32>
    tpu.vector_store %arg5[%swap3A_31], %swap3A_34 {strides = array<i32>} : memref<128xf32, #tpu.memory_space<vmem>>, vector<16xf32>,
    %broadcast_in_dim3A_35 = arith.constant 1.000000e+00 : f32
    %broadcast_in_dim3A_36 = vector.broadcast %broadcast_in_dim3A_35 : f32 to vector<16xf32>
    %swap3A_37 = arith.constant 96 : index
    %swap3A_38 = tpu.vector_load %arg5[%swap3A_37] {strides = array<i32>} : memref<128xf32, #tpu.memory_space<vmem>>, vector<16xf32>,
    %swap3A_39 = vector.shape_cast %swap3A_38 : vector<16xf32> to vector<16xf32>
    %swap3A_40 = vector.shape_cast %broadcast_in_dim3A_36 : vector<16xf32> to vector<16xf32>
    tpu.vector_store %arg5[%swap3A_37], %swap3A_40 {strides = array<i32>} : memref<128xf32, #tpu.memory_space<vmem>>, vector<16xf32>,
    %broadcast_in_dim3A_41 = arith.constant 1.000000e+00 : f32
    %broadcast_in_dim3A_42 = vector.broadcast %broadcast_in_dim3A_41 : f32 to vector<16xf32>
    %swap3A_43 = arith.constant 112 : index
    %swap3A_44 = tpu.vector_load %arg5[%swap3A_43] {strides = array<i32>} : memref<128xf32, #tpu.memory_space<vmem>>, vector<16xf32>,
    %swap3A_45 = vector.shape_cast %swap3A_44 : vector<16xf32> to vector<16xf32>
    %swap3A_46 = vector.shape_cast %broadcast_in_dim3A_42 : vector<16xf32> to vector<16xf32>
    tpu.vector_store %arg5[%swap3A_43], %swap3A_46 {strides = array<i32>} : memref<128xf32, #tpu.memory_space<vmem>>, vector<16xf32>,
    %broadcast_in_dim3A_47 = arith.constant 0.000000e+00 : f32
    %broadcast_in_dim3A_48 = vector.broadcast %broadcast_in_dim3A_47 : f32 to vector<16xf32>
    %swap3A_49 = arith.constant 0 : index
    %swap3A_50 = tpu.vector_load %arg6[%swap3A_49] {strides = array<i32>} : memref<640xf32, #tpu.memory_space<vmem>>, vector<16xf32>,
    %swap3A_51 = vector.shape_cast %swap3A_50 : vector<16xf32> to vector<16xf32>
    %swap3A_52 = vector.shape_cast %broadcast_in_dim3A_48 : vector<16xf32> to vector<16xf32>
    tpu.vector_store %arg6[%swap3A_49], %swap3A_52 {strides = array<i32>} : memref<640xf32, #tpu.memory_space<vmem>>, vector<16xf32>,
    %broadcast_in_dim3A_53 = arith.constant 0.000000e+00 : f32
    %broadcast_in_dim3A_54 = vector.broadcast %broadcast_in_dim3A_53 : f32 to vector<16xf32>
    %swap3A_55 = arith.constant 16 : index
    %swap3A_56 = tpu.vector_load %arg6[%swap3A_55] {strides = array<i32>} : memref<640xf32, #tpu.memory_space<vmem>>, vector<16xf32>,
    %swap3A_57 = vector.shape_cast %swap3A_56 : vector<16xf32> to vector<16xf32>
    %swap3A_58 = vector.shape_cast %broadcast_in_dim3A_54 : vector<16xf32> to vector<16xf32>
    tpu.vector_store %arg6[%swap3A_55], %swap3A_58 {strides = array<i32>} : memref<640xf32, #tpu.memory_space<vmem>>, vector<16xf32>,
    %broadcast_in_dim3A_59 = arith.constant 0.000000e+00 : f32
    %broadcast_in_dim3A_60 = vector.broadcast %broadcast_in_dim3A_59 : f32 to vector<16xf32>
    %swap3A_61 = arith.constant 32 : index
    %swap3A_62 = tpu.vector_load %arg6[%swap3A_61] {strides = array<i32>} : memref<640xf32, #tpu.memory_space<vmem>>, vector<16xf32>,
    %swap3A_63 = vector.shape_cast %swap3A_62 : vector<16xf32> to vector<16xf32>
    %swap3A_64 = vector.shape_cast %broadcast_in_dim3A_60 : vector<16xf32> to vector<16xf32>
    tpu.vector_store %arg6[%swap3A_61], %swap3A_64 {strides = array<i32>} : memref<640xf32, #tpu.memory_space<vmem>>, vector<16xf32>,
    %broadcast_in_dim3A_65 = arith.constant 0.000000e+00 : f32
    %broadcast_in_dim3A_66 = vector.broadcast %broadcast_in_dim3A_65 : f32 to vector<16xf32>
    %swap3A_67 = arith.constant 48 : index
    %swap3A_68 = tpu.vector_load %arg6[%swap3A_67] {strides = array<i32>} : memref<640xf32, #tpu.memory_space<vmem>>, vector<16xf32>,
    %swap3A_69 = vector.shape_cast %swap3A_68 : vector<16xf32> to vector<16xf32>
    %swap3A_70 = vector.shape_cast %broadcast_in_dim3A_66 : vector<16xf32> to vector<16xf32>
    tpu.vector_store %arg6[%swap3A_67], %swap3A_70 {strides = array<i32>} : memref<640xf32, #tpu.memory_space<vmem>>, vector<16xf32>,
    %broadcast_in_dim3A_71 = arith.constant 0.000000e+00 : f32
    %broadcast_in_dim3A_72 = vector.broadcast %broadcast_in_dim3A_71 : f32 to vector<16xf32>
    %swap3A_73 = arith.constant 64 : index
    %swap3A_74 = tpu.vector_load %arg6[%swap3A_73] {strides = array<i32>} : memref<640xf32, #tpu.memory_space<vmem>>, vector<16xf32>,
    %swap3A_75 = vector.shape_cast %swap3A_74 : vector<16xf32> to vector<16xf32>
    %swap3A_76 = vector.shape_cast %broadcast_in_dim3A_72 : vector<16xf32> to vector<16xf32>
    tpu.vector_store %arg6[%swap3A_73], %swap3A_76 {strides = array<i32>} : memref<640xf32, #tpu.memory_space<vmem>>, vector<16xf32>,
    %broadcast_in_dim3A_77 = arith.constant 0.000000e+00 : f32
    %broadcast_in_dim3A_78 = vector.broadcast %broadcast_in_dim3A_77 : f32 to vector<16xf32>
    %swap3A_79 = arith.constant 80 : index
    %swap3A_80 = tpu.vector_load %arg6[%swap3A_79] {strides = array<i32>} : memref<640xf32, #tpu.memory_space<vmem>>, vector<16xf32>,
    %swap3A_81 = vector.shape_cast %swap3A_80 : vector<16xf32> to vector<16xf32>
    %swap3A_82 = vector.shape_cast %broadcast_in_dim3A_78 : vector<16xf32> to vector<16xf32>
    tpu.vector_store %arg6[%swap3A_79], %swap3A_82 {strides = array<i32>} : memref<640xf32, #tpu.memory_space<vmem>>, vector<16xf32>,
    %broadcast_in_dim3A_83 = arith.constant 0.000000e+00 : f32
    %broadcast_in_dim3A_84 = vector.broadcast %broadcast_in_dim3A_83 : f32 to vector<16xf32>
    %swap3A_85 = arith.constant 96 : index
    %swap3A_86 = tpu.vector_load %arg6[%swap3A_85] {strides = array<i32>} : memref<640xf32, #tpu.memory_space<vmem>>, vector<16xf32>,
    %swap3A_87 = vector.shape_cast %swap3A_86 : vector<16xf32> to vector<16xf32>
    %swap3A_88 = vector.shape_cast %broadcast_in_dim3A_84 : vector<16xf32> to vector<16xf32>
    tpu.vector_store %arg6[%swap3A_85], %swap3A_88 {strides = array<i32>} : memref<640xf32, #tpu.memory_space<vmem>>, vector<16xf32>,
    %broadcast_in_dim3A_89 = arith.constant 0.000000e+00 : f32
    %broadcast_in_dim3A_90 = vector.broadcast %broadcast_in_dim3A_89 : f32 to vector<16xf32>
    %swap3A_91 = arith.constant 112 : index
    %swap3A_92 = tpu.vector_load %arg6[%swap3A_91] {strides = array<i32>} : memref<640xf32, #tpu.memory_space<vmem>>, vector<16xf32>,
    %swap3A_93 = vector.shape_cast %swap3A_92 : vector<16xf32> to vector<16xf32>
    %swap3A_94 = vector.shape_cast %broadcast_in_dim3A_90 : vector<16xf32> to vector<16xf32>
    tpu.vector_store %arg6[%swap3A_91], %swap3A_94 {strides = array<i32>} : memref<640xf32, #tpu.memory_space<vmem>>, vector<16xf32>,
    %broadcast_in_dim3A_95 = arith.constant 0.000000e+00 : f32
    %broadcast_in_dim3A_96 = vector.broadcast %broadcast_in_dim3A_95 : f32 to vector<16xf32>
    %swap3A_97 = arith.constant 128 : index
    %swap3A_98 = tpu.vector_load %arg6[%swap3A_97] {strides = array<i32>} : memref<640xf32, #tpu.memory_space<vmem>>, vector<16xf32>,
    %swap3A_99 = vector.shape_cast %swap3A_98 : vector<16xf32> to vector<16xf32>
    %swap3A_100 = vector.shape_cast %broadcast_in_dim3A_96 : vector<16xf32> to vector<16xf32>
    tpu.vector_store %arg6[%swap3A_97], %swap3A_100 {strides = array<i32>} : memref<640xf32, #tpu.memory_space<vmem>>, vector<16xf32>,
    %broadcast_in_dim3A_101 = arith.constant 0.000000e+00 : f32
    %broadcast_in_dim3A_102 = vector.broadcast %broadcast_in_dim3A_101 : f32 to vector<16xf32>
    %swap3A_103 = arith.constant 144 : index
    %swap3A_104 = tpu.vector_load %arg6[%swap3A_103] {strides = array<i32>} : memref<640xf32, #tpu.memory_space<vmem>>, vector<16xf32>,
    %swap3A_105 = vector.shape_cast %swap3A_104 : vector<16xf32> to vector<16xf32>
    %swap3A_106 = vector.shape_cast %broadcast_in_dim3A_102 : vector<16xf32> to vector<16xf32>
    tpu.vector_store %arg6[%swap3A_103], %swap3A_106 {strides = array<i32>} : memref<640xf32, #tpu.memory_space<vmem>>, vector<16xf32>,
    %broadcast_in_dim3A_107 = arith.constant 0.000000e+00 : f32
    %broadcast_in_dim3A_108 = vector.broadcast %broadcast_in_dim3A_107 : f32 to vector<16xf32>
    %swap3A_109 = arith.constant 160 : index
    %swap3A_110 = tpu.vector_load %arg6[%swap3A_109] {strides = array<i32>} : memref<640xf32, #tpu.memory_space<vmem>>, vector<16xf32>,
    %swap3A_111 = vector.shape_cast %swap3A_110 : vector<16xf32> to vector<16xf32>
    %swap3A_112 = vector.shape_cast %broadcast_in_dim3A_108 : vector<16xf32> to vector<16xf32>
    tpu.vector_store %arg6[%swap3A_109], %swap3A_112 {strides = array<i32>} : memref<640xf32, #tpu.memory_space<vmem>>, vector<16xf32>,
    %broadcast_in_dim3A_113 = arith.constant 0.000000e+00 : f32
    %broadcast_in_dim3A_114 = vector.broadcast %broadcast_in_dim3A_113 : f32 to vector<16xf32>
    %swap3A_115 = arith.constant 176 : index
    %swap3A_116 = tpu.vector_load %arg6[%swap3A_115] {strides = array<i32>} : memref<640xf32, #tpu.memory_space<vmem>>, vector<16xf32>,
    %swap3A_117 = vector.shape_cast %swap3A_116 : vector<16xf32> to vector<16xf32>
    %swap3A_118 = vector.shape_cast %broadcast_in_dim3A_114 : vector<16xf32> to vector<16xf32>
    tpu.vector_store %arg6[%swap3A_115], %swap3A_118 {strides = array<i32>} : memref<640xf32, #tpu.memory_space<vmem>>, vector<16xf32>,
    %broadcast_in_dim3A_119 = arith.constant 0.000000e+00 : f32
    %broadcast_in_dim3A_120 = vector.broadcast %broadcast_in_dim3A_119 : f32 to vector<16xf32>
    %swap3A_121 = arith.constant 192 : index
    %swap3A_122 = tpu.vector_load %arg6[%swap3A_121] {strides = array<i32>} : memref<640xf32, #tpu.memory_space<vmem>>, vector<16xf32>,
    %swap3A_123 = vector.shape_cast %swap3A_122 : vector<16xf32> to vector<16xf32>
    %swap3A_124 = vector.shape_cast %broadcast_in_dim3A_120 : vector<16xf32> to vector<16xf32>
    tpu.vector_store %arg6[%swap3A_121], %swap3A_124 {strides = array<i32>} : memref<640xf32, #tpu.memory_space<vmem>>, vector<16xf32>,
    %broadcast_in_dim3A_125 = arith.constant 0.000000e+00 : f32
    %broadcast_in_dim3A_126 = vector.broadcast %broadcast_in_dim3A_125 : f32 to vector<16xf32>
    %swap3A_127 = arith.constant 208 : index
    %swap3A_128 = tpu.vector_load %arg6[%swap3A_127] {strides = array<i32>} : memref<640xf32, #tpu.memory_space<vmem>>, vector<16xf32>,
    %swap3A_129 = vector.shape_cast %swap3A_128 : vector<16xf32> to vector<16xf32>
    %swap3A_130 = vector.shape_cast %broadcast_in_dim3A_126 : vector<16xf32> to vector<16xf32>
    tpu.vector_store %arg6[%swap3A_127], %swap3A_130 {strides = array<i32>} : memref<640xf32, #tpu.memory_space<vmem>>, vector<16xf32>,
    %broadcast_in_dim3A_131 = arith.constant 0.000000e+00 : f32
    %broadcast_in_dim3A_132 = vector.broadcast %broadcast_in_dim3A_131 : f32 to vector<16xf32>
    %swap3A_133 = arith.constant 224 : index
    %swap3A_134 = tpu.vector_load %arg6[%swap3A_133] {strides = array<i32>} : memref<640xf32, #tpu.memory_space<vmem>>, vector<16xf32>,
    %swap3A_135 = vector.shape_cast %swap3A_134 : vector<16xf32> to vector<16xf32>
    %swap3A_136 = vector.shape_cast %broadcast_in_dim3A_132 : vector<16xf32> to vector<16xf32>
    tpu.vector_store %arg6[%swap3A_133], %swap3A_136 {strides = array<i32>} : memref<640xf32, #tpu.memory_space<vmem>>, vector<16xf32>,
    %broadcast_in_dim3A_137 = arith.constant 0.000000e+00 : f32
    %broadcast_in_dim3A_138 = vector.broadcast %broadcast_in_dim3A_137 : f32 to vector<16xf32>
    %swap3A_139 = arith.constant 240 : index
    %swap3A_140 = tpu.vector_load %arg6[%swap3A_139] {strides = array<i32>} : memref<640xf32, #tpu.memory_space<vmem>>, vector<16xf32>,
    %swap3A_141 = vector.shape_cast %swap3A_140 : vector<16xf32> to vector<16xf32>
    %swap3A_142 = vector.shape_cast %broadcast_in_dim3A_138 : vector<16xf32> to vector<16xf32>
    tpu.vector_store %arg6[%swap3A_139], %swap3A_142 {strides = array<i32>} : memref<640xf32, #tpu.memory_space<vmem>>, vector<16xf32>,
    %broadcast_in_dim3A_143 = arith.constant 0.000000e+00 : f32
    %broadcast_in_dim3A_144 = vector.broadcast %broadcast_in_dim3A_143 : f32 to vector<16xf32>
    %swap3A_145 = arith.constant 256 : index
    %swap3A_146 = tpu.vector_load %arg6[%swap3A_145] {strides = array<i32>} : memref<640xf32, #tpu.memory_space<vmem>>, vector<16xf32>,
    %swap3A_147 = vector.shape_cast %swap3A_146 : vector<16xf32> to vector<16xf32>
    %swap3A_148 = vector.shape_cast %broadcast_in_dim3A_144 : vector<16xf32> to vector<16xf32>
    tpu.vector_store %arg6[%swap3A_145], %swap3A_148 {strides = array<i32>} : memref<640xf32, #tpu.memory_space<vmem>>, vector<16xf32>,
    %broadcast_in_dim3A_149 = arith.constant 0.000000e+00 : f32
    %broadcast_in_dim3A_150 = vector.broadcast %broadcast_in_dim3A_149 : f32 to vector<16xf32>
    %swap3A_151 = arith.constant 272 : index
    %swap3A_152 = tpu.vector_load %arg6[%swap3A_151] {strides = array<i32>} : memref<640xf32, #tpu.memory_space<vmem>>, vector<16xf32>,
    %swap3A_153 = vector.shape_cast %swap3A_152 : vector<16xf32> to vector<16xf32>
    %swap3A_154 = vector.shape_cast %broadcast_in_dim3A_150 : vector<16xf32> to vector<16xf32>
    tpu.vector_store %arg6[%swap3A_151], %swap3A_154 {strides = array<i32>} : memref<640xf32, #tpu.memory_space<vmem>>, vector<16xf32>,
    %broadcast_in_dim3A_155 = arith.constant 0.000000e+00 : f32
    %broadcast_in_dim3A_156 = vector.broadcast %broadcast_in_dim3A_155 : f32 to vector<16xf32>
    %swap3A_157 = arith.constant 288 : index
    %swap3A_158 = tpu.vector_load %arg6[%swap3A_157] {strides = array<i32>} : memref<640xf32, #tpu.memory_space<vmem>>, vector<16xf32>,
    %swap3A_159 = vector.shape_cast %swap3A_158 : vector<16xf32> to vector<16xf32>
    %swap3A_160 = vector.shape_cast %broadcast_in_dim3A_156 : vector<16xf32> to vector<16xf32>
    tpu.vector_store %arg6[%swap3A_157], %swap3A_160 {strides = array<i32>} : memref<640xf32, #tpu.memory_space<vmem>>, vector<16xf32>,
    %broadcast_in_dim3A_161 = arith.constant 0.000000e+00 : f32
    %broadcast_in_dim3A_162 = vector.broadcast %broadcast_in_dim3A_161 : f32 to vector<16xf32>
    %swap3A_163 = arith.constant 304 : index
    %swap3A_164 = tpu.vector_load %arg6[%swap3A_163] {strides = array<i32>} : memref<640xf32, #tpu.memory_space<vmem>>, vector<16xf32>,
    %swap3A_165 = vector.shape_cast %swap3A_164 : vector<16xf32> to vector<16xf32>
    %swap3A_166 = vector.shape_cast %broadcast_in_dim3A_162 : vector<16xf32> to vector<16xf32>
    tpu.vector_store %arg6[%swap3A_163], %swap3A_166 {strides = array<i32>} : memref<640xf32, #tpu.memory_space<vmem>>, vector<16xf32>,
    %broadcast_in_dim3A_167 = arith.constant 0.000000e+00 : f32
    %broadcast_in_dim3A_168 = vector.broadcast %broadcast_in_dim3A_167 : f32 to vector<16xf32>
    %swap3A_169 = arith.constant 320 : index
    %swap3A_170 = tpu.vector_load %arg6[%swap3A_169] {strides = array<i32>} : memref<640xf32, #tpu.memory_space<vmem>>, vector<16xf32>,
    %swap3A_171 = vector.shape_cast %swap3A_170 : vector<16xf32> to vector<16xf32>
    %swap3A_172 = vector.shape_cast %broadcast_in_dim3A_168 : vector<16xf32> to vector<16xf32>
    tpu.vector_store %arg6[%swap3A_169], %swap3A_172 {strides = array<i32>} : memref<640xf32, #tpu.memory_space<vmem>>, vector<16xf32>,
    %broadcast_in_dim3A_173 = arith.constant 0.000000e+00 : f32
    %broadcast_in_dim3A_174 = vector.broadcast %broadcast_in_dim3A_173 : f32 to vector<16xf32>
    %swap3A_175 = arith.constant 336 : index
    %swap3A_176 = tpu.vector_load %arg6[%swap3A_175] {strides = array<i32>} : memref<640xf32, #tpu.memory_space<vmem>>, vector<16xf32>,
    %swap3A_177 = vector.shape_cast %swap3A_176 : vector<16xf32> to vector<16xf32>
    %swap3A_178 = vector.shape_cast %broadcast_in_dim3A_174 : vector<16xf32> to vector<16xf32>
    tpu.vector_store %arg6[%swap3A_175], %swap3A_178 {strides = array<i32>} : memref<640xf32, #tpu.memory_space<vmem>>, vector<16xf32>,
    %broadcast_in_dim3A_179 = arith.constant 0.000000e+00 : f32
    %broadcast_in_dim3A_180 = vector.broadcast %broadcast_in_dim3A_179 : f32 to vector<16xf32>
    %swap3A_181 = arith.constant 352 : index
    %swap3A_182 = tpu.vector_load %arg6[%swap3A_181] {strides = array<i32>} : memref<640xf32, #tpu.memory_space<vmem>>, vector<16xf32>,
    %swap3A_183 = vector.shape_cast %swap3A_182 : vector<16xf32> to vector<16xf32>
    %swap3A_184 = vector.shape_cast %broadcast_in_dim3A_180 : vector<16xf32> to vector<16xf32>
    tpu.vector_store %arg6[%swap3A_181], %swap3A_184 {strides = array<i32>} : memref<640xf32, #tpu.memory_space<vmem>>, vector<16xf32>,
    %broadcast_in_dim3A_185 = arith.constant 0.000000e+00 : f32
    %broadcast_in_dim3A_186 = vector.broadcast %broadcast_in_dim3A_185 : f32 to vector<16xf32>
    %swap3A_187 = arith.constant 368 : index
    %swap3A_188 = tpu.vector_load %arg6[%swap3A_187] {strides = array<i32>} : memref<640xf32, #tpu.memory_space<vmem>>, vector<16xf32>,
    %swap3A_189 = vector.shape_cast %swap3A_188 : vector<16xf32> to vector<16xf32>
    %swap3A_190 = vector.shape_cast %broadcast_in_dim3A_186 : vector<16xf32> to vector<16xf32>
    tpu.vector_store %arg6[%swap3A_187], %swap3A_190 {strides = array<i32>} : memref<640xf32, #tpu.memory_space<vmem>>, vector<16xf32>,
    %broadcast_in_dim3A_191 = arith.constant 0.000000e+00 : f32
    %broadcast_in_dim3A_192 = vector.broadcast %broadcast_in_dim3A_191 : f32 to vector<16xf32>
    %swap3A_193 = arith.constant 384 : index
    %swap3A_194 = tpu.vector_load %arg6[%swap3A_193] {strides = array<i32>} : memref<640xf32, #tpu.memory_space<vmem>>, vector<16xf32>,
    %swap3A_195 = vector.shape_cast %swap3A_194 : vector<16xf32> to vector<16xf32>
    %swap3A_196 = vector.shape_cast %broadcast_in_dim3A_192 : vector<16xf32> to vector<16xf32>
    tpu.vector_store %arg6[%swap3A_193], %swap3A_196 {strides = array<i32>} : memref<640xf32, #tpu.memory_space<vmem>>, vector<16xf32>,
    %broadcast_in_dim3A_197 = arith.constant 0.000000e+00 : f32
    %broadcast_in_dim3A_198 = vector.broadcast %broadcast_in_dim3A_197 : f32 to vector<16xf32>
    %swap3A_199 = arith.constant 400 : index
    %swap3A_200 = tpu.vector_load %arg6[%swap3A_199] {strides = array<i32>} : memref<640xf32, #tpu.memory_space<vmem>>, vector<16xf32>,
    %swap3A_201 = vector.shape_cast %swap3A_200 : vector<16xf32> to vector<16xf32>
    %swap3A_202 = vector.shape_cast %broadcast_in_dim3A_198 : vector<16xf32> to vector<16xf32>
    tpu.vector_store %arg6[%swap3A_199], %swap3A_202 {strides = array<i32>} : memref<640xf32, #tpu.memory_space<vmem>>, vector<16xf32>,
    %broadcast_in_dim3A_203 = arith.constant 0.000000e+00 : f32
    %broadcast_in_dim3A_204 = vector.broadcast %broadcast_in_dim3A_203 : f32 to vector<16xf32>
    %swap3A_205 = arith.constant 416 : index
    %swap3A_206 = tpu.vector_load %arg6[%swap3A_205] {strides = array<i32>} : memref<640xf32, #tpu.memory_space<vmem>>, vector<16xf32>,
    %swap3A_207 = vector.shape_cast %swap3A_206 : vector<16xf32> to vector<16xf32>
    %swap3A_208 = vector.shape_cast %broadcast_in_dim3A_204 : vector<16xf32> to vector<16xf32>
    tpu.vector_store %arg6[%swap3A_205], %swap3A_208 {strides = array<i32>} : memref<640xf32, #tpu.memory_space<vmem>>, vector<16xf32>,
    %broadcast_in_dim3A_209 = arith.constant 0.000000e+00 : f32
    %broadcast_in_dim3A_210 = vector.broadcast %broadcast_in_dim3A_209 : f32 to vector<16xf32>
    %swap3A_211 = arith.constant 432 : index
    %swap3A_212 = tpu.vector_load %arg6[%swap3A_211] {strides = array<i32>} : memref<640xf32, #tpu.memory_space<vmem>>, vector<16xf32>,
    %swap3A_213 = vector.shape_cast %swap3A_212 : vector<16xf32> to vector<16xf32>
    %swap3A_214 = vector.shape_cast %broadcast_in_dim3A_210 : vector<16xf32> to vector<16xf32>
    tpu.vector_store %arg6[%swap3A_211], %swap3A_214 {strides = array<i32>} : memref<640xf32, #tpu.memory_space<vmem>>, vector<16xf32>,
    %broadcast_in_dim3A_215 = arith.constant 0.000000e+00 : f32
    %broadcast_in_dim3A_216 = vector.broadcast %broadcast_in_dim3A_215 : f32 to vector<16xf32>
    %swap3A_217 = arith.constant 448 : index
    %swap3A_218 = tpu.vector_load %arg6[%swap3A_217] {strides = array<i32>} : memref<640xf32, #tpu.memory_space<vmem>>, vector<16xf32>,
    %swap3A_219 = vector.shape_cast %swap3A_218 : vector<16xf32> to vector<16xf32>
    %swap3A_220 = vector.shape_cast %broadcast_in_dim3A_216 : vector<16xf32> to vector<16xf32>
    tpu.vector_store %arg6[%swap3A_217], %swap3A_220 {strides = array<i32>} : memref<640xf32, #tpu.memory_space<vmem>>, vector<16xf32>,
    %broadcast_in_dim3A_221 = arith.constant 0.000000e+00 : f32
    %broadcast_in_dim3A_222 = vector.broadcast %broadcast_in_dim3A_221 : f32 to vector<16xf32>
    %swap3A_223 = arith.constant 464 : index
    %swap3A_224 = tpu.vector_load %arg6[%swap3A_223] {strides = array<i32>} : memref<640xf32, #tpu.memory_space<vmem>>, vector<16xf32>,
    %swap3A_225 = vector.shape_cast %swap3A_224 : vector<16xf32> to vector<16xf32>
    %swap3A_226 = vector.shape_cast %broadcast_in_dim3A_222 : vector<16xf32> to vector<16xf32>
    tpu.vector_store %arg6[%swap3A_223], %swap3A_226 {strides = array<i32>} : memref<640xf32, #tpu.memory_space<vmem>>, vector<16xf32>,
    %broadcast_in_dim3A_227 = arith.constant 0.000000e+00 : f32
    %broadcast_in_dim3A_228 = vector.broadcast %broadcast_in_dim3A_227 : f32 to vector<16xf32>
    %swap3A_229 = arith.constant 480 : index
    %swap3A_230 = tpu.vector_load %arg6[%swap3A_229] {strides = array<i32>} : memref<640xf32, #tpu.memory_space<vmem>>, vector<16xf32>,
    %swap3A_231 = vector.shape_cast %swap3A_230 : vector<16xf32> to vector<16xf32>
    %swap3A_232 = vector.shape_cast %broadcast_in_dim3A_228 : vector<16xf32> to vector<16xf32>
    tpu.vector_store %arg6[%swap3A_229], %swap3A_232 {strides = array<i32>} : memref<640xf32, #tpu.memory_space<vmem>>, vector<16xf32>,
    %broadcast_in_dim3A_233 = arith.constant 0.000000e+00 : f32
    %broadcast_in_dim3A_234 = vector.broadcast %broadcast_in_dim3A_233 : f32 to vector<16xf32>
    %swap3A_235 = arith.constant 496 : index
    %swap3A_236 = tpu.vector_load %arg6[%swap3A_235] {strides = array<i32>} : memref<640xf32, #tpu.memory_space<vmem>>, vector<16xf32>,
    %swap3A_237 = vector.shape_cast %swap3A_236 : vector<16xf32> to vector<16xf32>
    %swap3A_238 = vector.shape_cast %broadcast_in_dim3A_234 : vector<16xf32> to vector<16xf32>
    tpu.vector_store %arg6[%swap3A_235], %swap3A_238 {strides = array<i32>} : memref<640xf32, #tpu.memory_space<vmem>>, vector<16xf32>,
    %broadcast_in_dim3A_239 = arith.constant 0.000000e+00 : f32
    %broadcast_in_dim3A_240 = vector.broadcast %broadcast_in_dim3A_239 : f32 to vector<16xf32>
    %swap3A_241 = arith.constant 512 : index
    %swap3A_242 = tpu.vector_load %arg6[%swap3A_241] {strides = array<i32>} : memref<640xf32, #tpu.memory_space<vmem>>, vector<16xf32>,
    %swap3A_243 = vector.shape_cast %swap3A_242 : vector<16xf32> to vector<16xf32>
    %swap3A_244 = vector.shape_cast %broadcast_in_dim3A_240 : vector<16xf32> to vector<16xf32>
    tpu.vector_store %arg6[%swap3A_241], %swap3A_244 {strides = array<i32>} : memref<640xf32, #tpu.memory_space<vmem>>, vector<16xf32>,
    %broadcast_in_dim3A_245 = arith.constant 0.000000e+00 : f32
    %broadcast_in_dim3A_246 = vector.broadcast %broadcast_in_dim3A_245 : f32 to vector<16xf32>
    %swap3A_247 = arith.constant 528 : index
    %swap3A_248 = tpu.vector_load %arg6[%swap3A_247] {strides = array<i32>} : memref<640xf32, #tpu.memory_space<vmem>>, vector<16xf32>,
    %swap3A_249 = vector.shape_cast %swap3A_248 : vector<16xf32> to vector<16xf32>
    %swap3A_250 = vector.shape_cast %broadcast_in_dim3A_246 : vector<16xf32> to vector<16xf32>
    tpu.vector_store %arg6[%swap3A_247], %swap3A_250 {strides = array<i32>} : memref<640xf32, #tpu.memory_space<vmem>>, vector<16xf32>,
    %broadcast_in_dim3A_251 = arith.constant 0.000000e+00 : f32
    %broadcast_in_dim3A_252 = vector.broadcast %broadcast_in_dim3A_251 : f32 to vector<16xf32>
    %swap3A_253 = arith.constant 544 : index
    %swap3A_254 = tpu.vector_load %arg6[%swap3A_253] {strides = array<i32>} : memref<640xf32, #tpu.memory_space<vmem>>, vector<16xf32>,
    %swap3A_255 = vector.shape_cast %swap3A_254 : vector<16xf32> to vector<16xf32>
    %swap3A_256 = vector.shape_cast %broadcast_in_dim3A_252 : vector<16xf32> to vector<16xf32>
    tpu.vector_store %arg6[%swap3A_253], %swap3A_256 {strides = array<i32>} : memref<640xf32, #tpu.memory_space<vmem>>, vector<16xf32>,
    %broadcast_in_dim3A_257 = arith.constant 0.000000e+00 : f32
    %broadcast_in_dim3A_258 = vector.broadcast %broadcast_in_dim3A_257 : f32 to vector<16xf32>
    %swap3A_259 = arith.constant 560 : index
    %swap3A_260 = tpu.vector_load %arg6[%swap3A_259] {strides = array<i32>} : memref<640xf32, #tpu.memory_space<vmem>>, vector<16xf32>,
    %swap3A_261 = vector.shape_cast %swap3A_260 : vector<16xf32> to vector<16xf32>
    %swap3A_262 = vector.shape_cast %broadcast_in_dim3A_258 : vector<16xf32> to vector<16xf32>
    tpu.vector_store %arg6[%swap3A_259], %swap3A_262 {strides = array<i32>} : memref<640xf32, #tpu.memory_space<vmem>>, vector<16xf32>,
    %broadcast_in_dim3A_263 = arith.constant 0.000000e+00 : f32
    %broadcast_in_dim3A_264 = vector.broadcast %broadcast_in_dim3A_263 : f32 to vector<16xf32>
    %swap3A_265 = arith.constant 576 : index
    %swap3A_266 = tpu.vector_load %arg6[%swap3A_265] {strides = array<i32>} : memref<640xf32, #tpu.memory_space<vmem>>, vector<16xf32>,
    %swap3A_267 = vector.shape_cast %swap3A_266 : vector<16xf32> to vector<16xf32>
    %swap3A_268 = vector.shape_cast %broadcast_in_dim3A_264 : vector<16xf32> to vector<16xf32>
    tpu.vector_store %arg6[%swap3A_265], %swap3A_268 {strides = array<i32>} : memref<640xf32, #tpu.memory_space<vmem>>, vector<16xf32>,
    %broadcast_in_dim3A_269 = arith.constant 0.000000e+00 : f32
    %broadcast_in_dim3A_270 = vector.broadcast %broadcast_in_dim3A_269 : f32 to vector<16xf32>
    %swap3A_271 = arith.constant 592 : index
    %swap3A_272 = tpu.vector_load %arg6[%swap3A_271] {strides = array<i32>} : memref<640xf32, #tpu.memory_space<vmem>>, vector<16xf32>,
    %swap3A_273 = vector.shape_cast %swap3A_272 : vector<16xf32> to vector<16xf32>
    %swap3A_274 = vector.shape_cast %broadcast_in_dim3A_270 : vector<16xf32> to vector<16xf32>
    tpu.vector_store %arg6[%swap3A_271], %swap3A_274 {strides = array<i32>} : memref<640xf32, #tpu.memory_space<vmem>>, vector<16xf32>,
    %broadcast_in_dim3A_275 = arith.constant 0.000000e+00 : f32
    %broadcast_in_dim3A_276 = vector.broadcast %broadcast_in_dim3A_275 : f32 to vector<16xf32>
    %swap3A_277 = arith.constant 608 : index
    %swap3A_278 = tpu.vector_load %arg6[%swap3A_277] {strides = array<i32>} : memref<640xf32, #tpu.memory_space<vmem>>, vector<16xf32>,
    %swap3A_279 = vector.shape_cast %swap3A_278 : vector<16xf32> to vector<16xf32>
    %swap3A_280 = vector.shape_cast %broadcast_in_dim3A_276 : vector<16xf32> to vector<16xf32>
    tpu.vector_store %arg6[%swap3A_277], %swap3A_280 {strides = array<i32>} : memref<640xf32, #tpu.memory_space<vmem>>, vector<16xf32>,
    %broadcast_in_dim3A_281 = arith.constant 0.000000e+00 : f32
    %broadcast_in_dim3A_282 = vector.broadcast %broadcast_in_dim3A_281 : f32 to vector<16xf32>
    %swap3A_283 = arith.constant 624 : index
    %swap3A_284 = tpu.vector_load %arg6[%swap3A_283] {strides = array<i32>} : memref<640xf32, #tpu.memory_space<vmem>>, vector<16xf32>,
    %swap3A_285 = vector.shape_cast %swap3A_284 : vector<16xf32> to vector<16xf32>
    %swap3A_286 = vector.shape_cast %broadcast_in_dim3A_282 : vector<16xf32> to vector<16xf32>
    tpu.vector_store %arg6[%swap3A_283], %swap3A_286 {strides = array<i32>} : memref<640xf32, #tpu.memory_space<vmem>>, vector<16xf32>,
    %mul3A_287 = arith.constant 640 : i32
    %mul3A_288 = arith.muli %arg1, %mul3A_287 : i32
    "tpu.region"() ({
      %run_scoped3A = tpu.sem_alloc : memref<!tpu.dma_semaphore, #tpu.memory_space<semaphore_mem>>
      %dma_start3A = arith.constant 0 : i32
      %dma_start3A_302 = tpu.memref_slice %arg6[%dma_start3A] : memref<640xf32, #tpu.memory_space<vmem>> -> memref<640xf32, #tpu.memory_space<vmem>>
      %dma_start3A_303 = tpu.memref_slice %arg7[%mul3A_288] : memref<10240xf32, #tpu.memory_space<vmem_shared>> -> memref<640xf32, #tpu.memory_space<vmem_shared>>
      %dma_start3A_304 = tpu.memref_slice %arg7[%mul3A_288] : memref<10240xf32, #tpu.memory_space<vmem_shared>> -> memref<640xf32, #tpu.memory_space<vmem_shared>>
      %dma_start3A_305 = arith.constant 0 : i32
      %dma_start3A_306 = tpu.memref_slice %arg6[%dma_start3A_305] : memref<640xf32, #tpu.memory_space<vmem>> -> memref<640xf32, #tpu.memory_space<vmem>>
      tpu.enqueue_dma source(%dma_start3A_306 : memref<640xf32, #tpu.memory_space<vmem>>) target(%dma_start3A_304 : memref<640xf32, #tpu.memory_space<vmem_shared>>) target_semaphore(%run_scoped3A : memref<!tpu.dma_semaphore, #tpu.memory_space<semaphore_mem>>)
      %dma_wait3A = arith.constant 0 : i32
      %dma_wait3A_307 = tpu.memref_slice %arg6[%dma_wait3A] : memref<640xf32, #tpu.memory_space<vmem>> -> memref<640xf32, #tpu.memory_space<vmem>>
      %dma_wait3A_308 = tpu.memref_slice %arg7[%mul3A_288] : memref<10240xf32, #tpu.memory_space<vmem_shared>> -> memref<640xf32, #tpu.memory_space<vmem_shared>>
      %dma_wait3A_309 = tpu.memref_slice %arg7[%mul3A_288] : memref<10240xf32, #tpu.memory_space<vmem_shared>> -> memref<640xf32, #tpu.memory_space<vmem_shared>>
      %dma_wait3A_310 = arith.constant 0 : i32
      %dma_wait3A_311 = tpu.memref_slice %arg6[%dma_wait3A_310] : memref<640xf32, #tpu.memory_space<vmem>> -> memref<640xf32, #tpu.memory_space<vmem>>
      tpu.wait_dma2 semaphore(%run_scoped3A : memref<!tpu.dma_semaphore, #tpu.memory_space<semaphore_mem>>) src(%dma_wait3A_311 : memref<640xf32, #tpu.memory_space<vmem>>) dst(%dma_wait3A_309 : memref<640xf32, #tpu.memory_space<vmem_shared>>)
      tpu.yield
    }) : () -> ()
    %barrier3A = arith.constant 0 : index
    tpu.barrier barrier_id(%barrier3A)
    "tpu.region"() ({
      %run_scoped3A = tpu.sem_alloc : memref<!tpu.dma_semaphore, #tpu.memory_space<semaphore_mem>>
      %dma_start3A = arith.constant 0 : i32
      %dma_start3A_302 = arith.constant 0 : i32
      %dma_start3A_303 = tpu.memref_slice %arg2[%add3A, %dma_start3A, %dma_start3A_302] : memref<32x125x80xi32, #tpu.memory_space<hbm>> -> memref<1x125x80xi32, #tpu.memory_space<hbm>>
      %dma_start3A_304 = tpu.memref_squeeze %dma_start3A_303 : memref<1x125x80xi32, #tpu.memory_space<hbm>> -> memref<125x80xi32, #tpu.memory_space<hbm>>
      %dma_start3A_305 = arith.constant 0 : i32
      %dma_start3A_306 = arith.constant 0 : i32
      %dma_start3A_307 = tpu.memref_slice %arg2[%add3A, %dma_start3A_305, %dma_start3A_306] : memref<32x125x80xi32, #tpu.memory_space<hbm>> -> memref<1x125x80xi32, #tpu.memory_space<hbm>>
      %dma_start3A_308 = tpu.memref_squeeze %dma_start3A_307 : memref<1x125x80xi32, #tpu.memory_space<hbm>> -> memref<125x80xi32, #tpu.memory_space<hbm>>
      tpu.enqueue_dma source(%dma_start3A_308 : memref<125x80xi32, #tpu.memory_space<hbm>>) target(%arg4 : memref<125x80xi32, #tpu.memory_space<vmem>>) target_semaphore(%run_scoped3A : memref<!tpu.dma_semaphore, #tpu.memory_space<semaphore_mem>>)
      %dma_wait3A = arith.constant 0 : i32
      %dma_wait3A_309 = arith.constant 0 : i32
      %dma_wait3A_310 = tpu.memref_slice %arg2[%add3A, %dma_wait3A, %dma_wait3A_309] : memref<32x125x80xi32, #tpu.memory_space<hbm>> -> memref<1x125x80xi32, #tpu.memory_space<hbm>>
      %dma_wait3A_311 = tpu.memref_squeeze %dma_wait3A_310 : memref<1x125x80xi32, #tpu.memory_space<hbm>> -> memref<125x80xi32, #tpu.memory_space<hbm>>
      %dma_wait3A_312 = arith.constant 0 : i32
      %dma_wait3A_313 = arith.constant 0 : i32
      %dma_wait3A_314 = tpu.memref_slice %arg2[%add3A, %dma_wait3A_312, %dma_wait3A_313] : memref<32x125x80xi32, #tpu.memory_space<hbm>> -> memref<1x125x80xi32, #tpu.memory_space<hbm>>
      %dma_wait3A_315 = tpu.memref_squeeze %dma_wait3A_314 : memref<1x125x80xi32, #tpu.memory_space<hbm>> -> memref<125x80xi32, #tpu.memory_space<hbm>>
      tpu.wait_dma2 semaphore(%run_scoped3A : memref<!tpu.dma_semaphore, #tpu.memory_space<semaphore_mem>>) src(%dma_wait3A_315 : memref<125x80xi32, #tpu.memory_space<hbm>>) dst(%arg4 : memref<125x80xi32, #tpu.memory_space<vmem>>)
      tpu.yield
    }) : () -> ()
    %scan3A = arith.constant 0 : i32
    %scan3A_289 = arith.constant 0 : i32
    %scan3A_290 = arith.constant 125 : i32
    %scan3A_291 = arith.addi %scan3A_289, %scan3A_290 : i32
    %scan3A_292 = arith.constant 1 : i32
    scf.for %scan3A_302 = %scan3A_289 to %scan3A_291 step %scan3A_292  : i32 {
      "tpu.region"() ({
        %run_scoped3A = tpu.sem_alloc : memref<!tpu.dma_semaphore, #tpu.memory_space<semaphore_mem>>
        %dma_start3A = arith.constant 0 : i32
        %dma_start3A_303 = tpu.memref_slice %arg5[%dma_start3A] : memref<128xf32, #tpu.memory_space<vmem>> -> memref<80xf32, #tpu.memory_space<vmem>>
        %dma_start3A_304 = arith.constant 0 : i32
        %dma_start3A_305 = tpu.memref_slice %arg4[%scan3A_302, %dma_start3A_304] : memref<125x80xi32, #tpu.memory_space<vmem>> -> memref<1x80xi32, #tpu.memory_space<vmem>>
        %dma_start3A_306 = tpu.memref_squeeze %dma_start3A_305 : memref<1x80xi32, #tpu.memory_space<vmem>> -> memref<80xi32, #tpu.memory_space<vmem>>
        %dma_start3A_307 = arith.constant 0 : i32
        %dma_start3A_308 = tpu.memref_slice %arg7[%dma_start3A_307] : memref<10240xf32, #tpu.memory_space<vmem_shared>> -> memref<10240xf32, #tpu.memory_space<vmem_shared>>
        tpu.enqueue_indirect_dma source(%dma_start3A_303 : memref<80xf32, #tpu.memory_space<vmem>>) target(%dma_start3A_308 : memref<10240xf32, #tpu.memory_space<vmem_shared>>) offsets(%dma_start3A_306 : memref<80xi32, #tpu.memory_space<vmem>>) semaphore(%run_scoped3A : memref<!tpu.dma_semaphore, #tpu.memory_space<semaphore_mem>>) {add = true}
        %dma_wait3A = arith.constant 0 : i32
        %dma_wait3A_309 = tpu.memref_slice %arg5[%dma_wait3A] : memref<128xf32, #tpu.memory_space<vmem>> -> memref<80xf32, #tpu.memory_space<vmem>>
        %dma_wait3A_310 = arith.constant 0 : i32
        %dma_wait3A_311 = tpu.memref_slice %arg4[%scan3A_302, %dma_wait3A_310] : memref<125x80xi32, #tpu.memory_space<vmem>> -> memref<1x80xi32, #tpu.memory_space<vmem>>
        %dma_wait3A_312 = tpu.memref_squeeze %dma_wait3A_311 : memref<1x80xi32, #tpu.memory_space<vmem>> -> memref<80xi32, #tpu.memory_space<vmem>>
        %dma_wait3A_313 = arith.constant 0 : i32
        %dma_wait3A_314 = tpu.memref_slice %arg7[%dma_wait3A_313] : memref<10240xf32, #tpu.memory_space<vmem_shared>> -> memref<10240xf32, #tpu.memory_space<vmem_shared>>
        tpu.wait_indirect_dma semaphore(%run_scoped3A : memref<!tpu.dma_semaphore, #tpu.memory_space<semaphore_mem>>) src(%dma_wait3A_309 : memref<80xf32, #tpu.memory_space<vmem>>) dst(%dma_wait3A_314 : memref<10240xf32, #tpu.memory_space<vmem_shared>>)
        tpu.yield
      }) : () -> ()
    }
    %scan3A_293 = arith.constant 125 : i32
    %barrier3A_294 = arith.constant 0 : index
    tpu.barrier barrier_id(%barrier3A_294)
    %mul3A_295 = arith.constant 640 : i32
    %mul3A_296 = arith.muli %arg1, %mul3A_295 : i32
    %mul3A_297 = arith.constant 10240 : i32
    %mul3A_298 = arith.muli %arg0, %mul3A_297 : i32
    %mul3A_299 = arith.constant 640 : i32
    %mul3A_300 = arith.muli %arg1, %mul3A_299 : i32
    %add3A_301 = arith.addi %mul3A_298, %mul3A_300 : i32
    "tpu.region"() ({
      %run_scoped3A = tpu.sem_alloc : memref<!tpu.dma_semaphore, #tpu.memory_space<semaphore_mem>>
      %dma_start3A = tpu.memref_slice %arg3[%add3A_301] : memref<20480xf32, #tpu.memory_space<hbm>> -> memref<640xf32, #tpu.memory_space<hbm>>
      %dma_start3A_302 = tpu.memref_slice %arg7[%mul3A_296] : memref<10240xf32, #tpu.memory_space<vmem_shared>> -> memref<640xf32, #tpu.memory_space<vmem_shared>>
      tpu.enqueue_dma source(%dma_start3A_302 : memref<640xf32, #tpu.memory_space<vmem_shared>>) target(%dma_start3A : memref<640xf32, #tpu.memory_space<hbm>>) target_semaphore(%run_scoped3A : memref<!tpu.dma_semaphore, #tpu.memory_space<semaphore_mem>>)
      %dma_wait3A = tpu.memref_slice %arg3[%add3A_301] : memref<20480xf32, #tpu.memory_space<hbm>> -> memref<640xf32, #tpu.memory_space<hbm>>
      %dma_wait3A_303 = tpu.memref_slice %arg7[%mul3A_296] : memref<10240xf32, #tpu.memory_space<vmem_shared>> -> memref<640xf32, #tpu.memory_space<vmem_shared>>
      tpu.wait_dma2 semaphore(%run_scoped3A : memref<!tpu.dma_semaphore, #tpu.memory_space<semaphore_mem>>) src(%dma_wait3A_303 : memref<640xf32, #tpu.memory_space<vmem_shared>>) dst(%dma_wait3A : memref<640xf32, #tpu.memory_space<hbm>>)
      tpu.yield
    }) : () -> ()
    return
  }
}

#map = affine_map<(d0, d1) -> (0, 0)>
#map1 = affine_map<(d0, d1) -> (0, 0, 0)>
module attributes {stable_mosaic.version = 14 : i64} {
  func.func @_scatter_body(%arg0: i32, %arg1: i32, %arg2: memref<32x10000xi32, #tpu.memory_space<hbm>>, %arg3: memref<32x125x80xi32, #tpu.memory_space<hbm>>, %arg4: memref<10000x128xf32, #tpu.memory_space<hbm>>, %arg5: memref<10112x128xf32, #tpu.memory_space<hbm>>, %arg6: memref<20224x128xf32, #tpu.memory_space<hbm>>, %arg7: memref<10000xi32, #tpu.memory_space<vmem>>, %arg8: memref<125x80xi32, #tpu.memory_space<vmem>>, %arg9: memref<80x128xf32, #tpu.memory_space<vmem>>, %arg10: memref<80x128xf32, #tpu.memory_space<vmem>>, %arg11: memref<10112x128xf32, #tpu.memory_space<vmem_shared>>, %arg12: memref<!tpu.dma_semaphore, #tpu.memory_space<semaphore_mem>>, %arg13: memref<!tpu.dma_semaphore, #tpu.memory_space<semaphore_mem>>) attributes {dimension_semantics = [#tpu.dimension_semantics<core_parallel>, #tpu.dimension_semantics<subcore_parallel>], iteration_bounds = array<i64: 2, 16>, scalar_prefetch = 0 : i64, scratch_operands = 7 : i64, tpu.core_type = #tpu.core_type<sc_vector_subcore>, window_params = [{transform_indices = #map}, {transform_indices = #map1}, {transform_indices = #map}, {transform_indices = #map}, {transform_indices = #map}]} {
    %mul3A = arith.constant 16 : i32
    %mul3A_0 = arith.muli %arg0, %mul3A : i32
    %add3A = arith.addi %mul3A_0, %arg1 : i32
    "tpu.region"() ({
      %run_scoped3A_51 = tpu.sem_alloc : memref<!tpu.dma_semaphore, #tpu.memory_space<semaphore_mem>>
      %dma_start3A_52 = arith.constant 0 : i32
      %dma_start3A_53 = tpu.memref_slice %arg2[%add3A, %dma_start3A_52] : memref<32x10000xi32, #tpu.memory_space<hbm>> -> memref<1x10000xi32, #tpu.memory_space<hbm>>
      %dma_start3A_54 = tpu.memref_squeeze %dma_start3A_53 : memref<1x10000xi32, #tpu.memory_space<hbm>> -> memref<10000xi32, #tpu.memory_space<hbm>>
      %dma_start3A_55 = arith.constant 0 : i32
      %dma_start3A_56 = tpu.memref_slice %arg2[%add3A, %dma_start3A_55] : memref<32x10000xi32, #tpu.memory_space<hbm>> -> memref<1x10000xi32, #tpu.memory_space<hbm>>
      %dma_start3A_57 = tpu.memref_squeeze %dma_start3A_56 : memref<1x10000xi32, #tpu.memory_space<hbm>> -> memref<10000xi32, #tpu.memory_space<hbm>>
      tpu.enqueue_dma source(%dma_start3A_57 : memref<10000xi32, #tpu.memory_space<hbm>>) target(%arg7 : memref<10000xi32, #tpu.memory_space<vmem>>) target_semaphore(%run_scoped3A_51 : memref<!tpu.dma_semaphore, #tpu.memory_space<semaphore_mem>>)
      %dma_wait3A_58 = arith.constant 0 : i32
      %dma_wait3A_59 = tpu.memref_slice %arg2[%add3A, %dma_wait3A_58] : memref<32x10000xi32, #tpu.memory_space<hbm>> -> memref<1x10000xi32, #tpu.memory_space<hbm>>
      %dma_wait3A_60 = tpu.memref_squeeze %dma_wait3A_59 : memref<1x10000xi32, #tpu.memory_space<hbm>> -> memref<10000xi32, #tpu.memory_space<hbm>>
      %dma_wait3A_61 = arith.constant 0 : i32
      %dma_wait3A_62 = tpu.memref_slice %arg2[%add3A, %dma_wait3A_61] : memref<32x10000xi32, #tpu.memory_space<hbm>> -> memref<1x10000xi32, #tpu.memory_space<hbm>>
      %dma_wait3A_63 = tpu.memref_squeeze %dma_wait3A_62 : memref<1x10000xi32, #tpu.memory_space<hbm>> -> memref<10000xi32, #tpu.memory_space<hbm>>
      tpu.wait_dma2 semaphore(%run_scoped3A_51 : memref<!tpu.dma_semaphore, #tpu.memory_space<semaphore_mem>>) src(%dma_wait3A_63 : memref<10000xi32, #tpu.memory_space<hbm>>) dst(%arg7 : memref<10000xi32, #tpu.memory_space<vmem>>)
      tpu.yield
    }) : () -> ()
    "tpu.region"() ({
      %run_scoped3A_51 = tpu.sem_alloc : memref<!tpu.dma_semaphore, #tpu.memory_space<semaphore_mem>>
      %dma_start3A_52 = arith.constant 0 : i32
      %dma_start3A_53 = arith.constant 0 : i32
      %dma_start3A_54 = tpu.memref_slice %arg3[%add3A, %dma_start3A_52, %dma_start3A_53] : memref<32x125x80xi32, #tpu.memory_space<hbm>> -> memref<1x125x80xi32, #tpu.memory_space<hbm>>
      %dma_start3A_55 = tpu.memref_squeeze %dma_start3A_54 : memref<1x125x80xi32, #tpu.memory_space<hbm>> -> memref<125x80xi32, #tpu.memory_space<hbm>>
      %dma_start3A_56 = arith.constant 0 : i32
      %dma_start3A_57 = arith.constant 0 : i32
      %dma_start3A_58 = tpu.memref_slice %arg3[%add3A, %dma_start3A_56, %dma_start3A_57] : memref<32x125x80xi32, #tpu.memory_space<hbm>> -> memref<1x125x80xi32, #tpu.memory_space<hbm>>
      %dma_start3A_59 = tpu.memref_squeeze %dma_start3A_58 : memref<1x125x80xi32, #tpu.memory_space<hbm>> -> memref<125x80xi32, #tpu.memory_space<hbm>>
      tpu.enqueue_dma source(%dma_start3A_59 : memref<125x80xi32, #tpu.memory_space<hbm>>) target(%arg8 : memref<125x80xi32, #tpu.memory_space<vmem>>) target_semaphore(%run_scoped3A_51 : memref<!tpu.dma_semaphore, #tpu.memory_space<semaphore_mem>>)
      %dma_wait3A_60 = arith.constant 0 : i32
      %dma_wait3A_61 = arith.constant 0 : i32
      %dma_wait3A_62 = tpu.memref_slice %arg3[%add3A, %dma_wait3A_60, %dma_wait3A_61] : memref<32x125x80xi32, #tpu.memory_space<hbm>> -> memref<1x125x80xi32, #tpu.memory_space<hbm>>
      %dma_wait3A_63 = tpu.memref_squeeze %dma_wait3A_62 : memref<1x125x80xi32, #tpu.memory_space<hbm>> -> memref<125x80xi32, #tpu.memory_space<hbm>>
      %dma_wait3A_64 = arith.constant 0 : i32
      %dma_wait3A_65 = arith.constant 0 : i32
      %dma_wait3A_66 = tpu.memref_slice %arg3[%add3A, %dma_wait3A_64, %dma_wait3A_65] : memref<32x125x80xi32, #tpu.memory_space<hbm>> -> memref<1x125x80xi32, #tpu.memory_space<hbm>>
      %dma_wait3A_67 = tpu.memref_squeeze %dma_wait3A_66 : memref<1x125x80xi32, #tpu.memory_space<hbm>> -> memref<125x80xi32, #tpu.memory_space<hbm>>
      tpu.wait_dma2 semaphore(%run_scoped3A_51 : memref<!tpu.dma_semaphore, #tpu.memory_space<semaphore_mem>>) src(%dma_wait3A_67 : memref<125x80xi32, #tpu.memory_space<hbm>>) dst(%arg8 : memref<125x80xi32, #tpu.memory_space<vmem>>)
      tpu.yield
    }) : () -> ()
    %dma_start3A = arith.constant 0 : i32
    %dma_start3A_1 = tpu.memref_slice %arg7[%dma_start3A] : memref<10000xi32, #tpu.memory_space<vmem>> -> memref<80xi32, #tpu.memory_space<vmem>>
    %dma_start3A_2 = arith.constant 0 : i32
    %dma_start3A_3 = arith.constant 0 : i32
    %dma_start3A_4 = tpu.memref_slice %arg4[%dma_start3A_2, %dma_start3A_3] : memref<10000x128xf32, #tpu.memory_space<hbm>> -> memref<10000x128xf32, #tpu.memory_space<hbm>>
    tpu.enqueue_indirect_dma source(%dma_start3A_4 : memref<10000x128xf32, #tpu.memory_space<hbm>>) target(%arg9 : memref<80x128xf32, #tpu.memory_space<vmem>>) offsets(%dma_start3A_1 : memref<80xi32, #tpu.memory_space<vmem>>) semaphore(%arg12 : memref<!tpu.dma_semaphore, #tpu.memory_space<semaphore_mem>>)
    %dma_start3A_5 = arith.constant 80 : i32
    %dma_start3A_6 = tpu.memref_slice %arg7[%dma_start3A_5] : memref<10000xi32, #tpu.memory_space<vmem>> -> memref<80xi32, #tpu.memory_space<vmem>>
    %dma_start3A_7 = arith.constant 0 : i32
    %dma_start3A_8 = arith.constant 0 : i32
    %dma_start3A_9 = tpu.memref_slice %arg4[%dma_start3A_7, %dma_start3A_8] : memref<10000x128xf32, #tpu.memory_space<hbm>> -> memref<10000x128xf32, #tpu.memory_space<hbm>>
    tpu.enqueue_indirect_dma source(%dma_start3A_9 : memref<10000x128xf32, #tpu.memory_space<hbm>>) target(%arg10 : memref<80x128xf32, #tpu.memory_space<vmem>>) offsets(%dma_start3A_6 : memref<80xi32, #tpu.memory_space<vmem>>) semaphore(%arg13 : memref<!tpu.dma_semaphore, #tpu.memory_space<semaphore_mem>>)
    %mul3A_10 = arith.constant 632 : i32
    %mul3A_11 = arith.muli %arg1, %mul3A_10 : i32
    %mul3A_12 = arith.constant 632 : i32
    %mul3A_13 = arith.muli %arg1, %mul3A_12 : i32
    "tpu.region"() ({
      %run_scoped3A_51 = tpu.sem_alloc : memref<!tpu.dma_semaphore, #tpu.memory_space<semaphore_mem>>
      %dma_start3A_52 = arith.constant 0 : i32
      %dma_start3A_53 = tpu.memref_slice %arg11[%mul3A_13, %dma_start3A_52] : memref<10112x128xf32, #tpu.memory_space<vmem_shared>> -> memref<632x128xf32, #tpu.memory_space<vmem_shared>>
      %dma_start3A_54 = arith.constant 0 : i32
      %dma_start3A_55 = tpu.memref_slice %arg5[%mul3A_11, %dma_start3A_54] : memref<10112x128xf32, #tpu.memory_space<hbm>> -> memref<632x128xf32, #tpu.memory_space<hbm>>
      tpu.enqueue_dma source(%dma_start3A_55 : memref<632x128xf32, #tpu.memory_space<hbm>>) target(%dma_start3A_53 : memref<632x128xf32, #tpu.memory_space<vmem_shared>>) target_semaphore(%run_scoped3A_51 : memref<!tpu.dma_semaphore, #tpu.memory_space<semaphore_mem>>)
      %dma_wait3A_56 = arith.constant 0 : i32
      %dma_wait3A_57 = tpu.memref_slice %arg11[%mul3A_13, %dma_wait3A_56] : memref<10112x128xf32, #tpu.memory_space<vmem_shared>> -> memref<632x128xf32, #tpu.memory_space<vmem_shared>>
      %dma_wait3A_58 = arith.constant 0 : i32
      %dma_wait3A_59 = tpu.memref_slice %arg5[%mul3A_11, %dma_wait3A_58] : memref<10112x128xf32, #tpu.memory_space<hbm>> -> memref<632x128xf32, #tpu.memory_space<hbm>>
      tpu.wait_dma2 semaphore(%run_scoped3A_51 : memref<!tpu.dma_semaphore, #tpu.memory_space<semaphore_mem>>) src(%dma_wait3A_59 : memref<632x128xf32, #tpu.memory_space<hbm>>) dst(%dma_wait3A_57 : memref<632x128xf32, #tpu.memory_space<vmem_shared>>)
      tpu.yield
    }) : () -> ()
    %barrier3A = arith.constant 0 : index
    tpu.barrier barrier_id(%barrier3A)
    %scan3A = arith.constant 0 : i32
    %scan3A_14 = arith.constant 0 : i32
    %scan3A_15 = arith.constant 61 : i32
    %scan3A_16 = arith.addi %scan3A_14, %scan3A_15 : i32
    %scan3A_17 = arith.constant 1 : i32
    scf.for %scan3A_51 = %scan3A_14 to %scan3A_16 step %scan3A_17  : i32 {
      %mul3A_52 = arith.constant 2 : i32
      %mul3A_53 = arith.muli %mul3A_52, %scan3A_51 : i32
      %dma_wait3A_54 = arith.constant 0 : i32
      %dma_wait3A_55 = arith.constant 0 : i32
      %dma_wait3A_56 = tpu.memref_slice %arg5[%dma_wait3A_54, %dma_wait3A_55] : memref<10112x128xf32, #tpu.memory_space<hbm>> -> memref<80x128xf32, #tpu.memory_space<hbm>>
      %dma_wait3A_57 = arith.constant 0 : i32
      %dma_wait3A_58 = arith.constant 0 : i32
      %dma_wait3A_59 = tpu.memref_slice %arg5[%dma_wait3A_57, %dma_wait3A_58] : memref<10112x128xf32, #tpu.memory_space<hbm>> -> memref<80x128xf32, #tpu.memory_space<hbm>>
      tpu.wait_dma2 semaphore(%arg12 : memref<!tpu.dma_semaphore, #tpu.memory_space<semaphore_mem>>) src(%dma_wait3A_59 : memref<80x128xf32, #tpu.memory_space<hbm>>) dst(%arg9 : memref<80x128xf32, #tpu.memory_space<vmem>>)
      "tpu.region"() ({
        %run_scoped3A_84 = tpu.sem_alloc : memref<!tpu.dma_semaphore, #tpu.memory_space<semaphore_mem>>
        %dma_start3A_85 = arith.constant 0 : i32
        %dma_start3A_86 = tpu.memref_slice %arg8[%mul3A_53, %dma_start3A_85] : memref<125x80xi32, #tpu.memory_space<vmem>> -> memref<1x80xi32, #tpu.memory_space<vmem>>
        %dma_start3A_87 = tpu.memref_squeeze %dma_start3A_86 : memref<1x80xi32, #tpu.memory_space<vmem>> -> memref<80xi32, #tpu.memory_space<vmem>>
        %dma_start3A_88 = arith.constant 0 : i32
        %dma_start3A_89 = arith.constant 0 : i32
        %dma_start3A_90 = tpu.memref_slice %arg11[%dma_start3A_88, %dma_start3A_89] : memref<10112x128xf32, #tpu.memory_space<vmem_shared>> -> memref<10112x128xf32, #tpu.memory_space<vmem_shared>>
        tpu.enqueue_indirect_dma source(%arg9 : memref<80x128xf32, #tpu.memory_space<vmem>>) target(%dma_start3A_90 : memref<10112x128xf32, #tpu.memory_space<vmem_shared>>) offsets(%dma_start3A_87 : memref<80xi32, #tpu.memory_space<vmem>>) semaphore(%run_scoped3A_84 : memref<!tpu.dma_semaphore, #tpu.memory_space<semaphore_mem>>) {add = true}
        %dma_wait3A_91 = arith.constant 0 : i32
        %dma_wait3A_92 = tpu.memref_slice %arg8[%mul3A_53, %dma_wait3A_91] : memref<125x80xi32, #tpu.memory_space<vmem>> -> memref<1x80xi32, #tpu.memory_space<vmem>>
        %dma_wait3A_93 = tpu.memref_squeeze %dma_wait3A_92 : memref<1x80xi32, #tpu.memory_space<vmem>> -> memref<80xi32, #tpu.memory_space<vmem>>
        %dma_wait3A_94 = arith.constant 0 : i32
        %dma_wait3A_95 = arith.constant 0 : i32
        %dma_wait3A_96 = tpu.memref_slice %arg11[%dma_wait3A_94, %dma_wait3A_95] : memref<10112x128xf32, #tpu.memory_space<vmem_shared>> -> memref<10112x128xf32, #tpu.memory_space<vmem_shared>>
        tpu.wait_indirect_dma semaphore(%run_scoped3A_84 : memref<!tpu.dma_semaphore, #tpu.memory_space<semaphore_mem>>) src(%arg9 : memref<80x128xf32, #tpu.memory_space<vmem>>) dst(%dma_wait3A_96 : memref<10112x128xf32, #tpu.memory_space<vmem_shared>>)
        tpu.yield
      }) : () -> ()
      %add3A_60 = arith.constant 2 : i32
      %add3A_61 = arith.addi %mul3A_53, %add3A_60 : i32
      %mul3A_62 = arith.constant 80 : i32
      %mul3A_63 = arith.muli %add3A_61, %mul3A_62 : i32
      %dma_start3A_64 = tpu.memref_slice %arg7[%mul3A_63] : memref<10000xi32, #tpu.memory_space<vmem>> -> memref<80xi32, #tpu.memory_space<vmem>>
      %dma_start3A_65 = arith.constant 0 : i32
      %dma_start3A_66 = arith.constant 0 : i32
      %dma_start3A_67 = tpu.memref_slice %arg4[%dma_start3A_65, %dma_start3A_66] : memref<10000x128xf32, #tpu.memory_space<hbm>> -> memref<10000x128xf32, #tpu.memory_space<hbm>>
      tpu.enqueue_indirect_dma source(%dma_start3A_67 : memref<10000x128xf32, #tpu.memory_space<hbm>>) target(%arg9 : memref<80x128xf32, #tpu.memory_space<vmem>>) offsets(%dma_start3A_64 : memref<80xi32, #tpu.memory_space<vmem>>) semaphore(%arg12 : memref<!tpu.dma_semaphore, #tpu.memory_space<semaphore_mem>>)
      %dma_wait3A_68 = arith.constant 0 : i32
      %dma_wait3A_69 = arith.constant 0 : i32
      %dma_wait3A_70 = tpu.memref_slice %arg5[%dma_wait3A_68, %dma_wait3A_69] : memref<10112x128xf32, #tpu.memory_space<hbm>> -> memref<80x128xf32, #tpu.memory_space<hbm>>
      %dma_wait3A_71 = arith.constant 0 : i32
      %dma_wait3A_72 = arith.constant 0 : i32
      %dma_wait3A_73 = tpu.memref_slice %arg5[%dma_wait3A_71, %dma_wait3A_72] : memref<10112x128xf32, #tpu.memory_space<hbm>> -> memref<80x128xf32, #tpu.memory_space<hbm>>
      tpu.wait_dma2 semaphore(%arg13 : memref<!tpu.dma_semaphore, #tpu.memory_space<semaphore_mem>>) src(%dma_wait3A_73 : memref<80x128xf32, #tpu.memory_space<hbm>>) dst(%arg10 : memref<80x128xf32, #tpu.memory_space<vmem>>)
      %add3A_74 = arith.constant 1 : i32
      %add3A_75 = arith.addi %mul3A_53, %add3A_74 : i32
      "tpu.region"() ({
        %run_scoped3A_84 = tpu.sem_alloc : memref<!tpu.dma_semaphore, #tpu.memory_space<semaphore_mem>>
        %dma_start3A_85 = arith.constant 0 : i32
        %dma_start3A_86 = tpu.memref_slice %arg8[%add3A_75, %dma_start3A_85] : memref<125x80xi32, #tpu.memory_space<vmem>> -> memref<1x80xi32, #tpu.memory_space<vmem>>
        %dma_start3A_87 = tpu.memref_squeeze %dma_start3A_86 : memref<1x80xi32, #tpu.memory_space<vmem>> -> memref<80xi32, #tpu.memory_space<vmem>>
        %dma_start3A_88 = arith.constant 0 : i32
        %dma_start3A_89 = arith.constant 0 : i32
        %dma_start3A_90 = tpu.memref_slice %arg11[%dma_start3A_88, %dma_start3A_89] : memref<10112x128xf32, #tpu.memory_space<vmem_shared>> -> memref<10112x128xf32, #tpu.memory_space<vmem_shared>>
        tpu.enqueue_indirect_dma source(%arg10 : memref<80x128xf32, #tpu.memory_space<vmem>>) target(%dma_start3A_90 : memref<10112x128xf32, #tpu.memory_space<vmem_shared>>) offsets(%dma_start3A_87 : memref<80xi32, #tpu.memory_space<vmem>>) semaphore(%run_scoped3A_84 : memref<!tpu.dma_semaphore, #tpu.memory_space<semaphore_mem>>) {add = true}
        %dma_wait3A_91 = arith.constant 0 : i32
        %dma_wait3A_92 = tpu.memref_slice %arg8[%add3A_75, %dma_wait3A_91] : memref<125x80xi32, #tpu.memory_space<vmem>> -> memref<1x80xi32, #tpu.memory_space<vmem>>
        %dma_wait3A_93 = tpu.memref_squeeze %dma_wait3A_92 : memref<1x80xi32, #tpu.memory_space<vmem>> -> memref<80xi32, #tpu.memory_space<vmem>>
        %dma_wait3A_94 = arith.constant 0 : i32
        %dma_wait3A_95 = arith.constant 0 : i32
        %dma_wait3A_96 = tpu.memref_slice %arg11[%dma_wait3A_94, %dma_wait3A_95] : memref<10112x128xf32, #tpu.memory_space<vmem_shared>> -> memref<10112x128xf32, #tpu.memory_space<vmem_shared>>
        tpu.wait_indirect_dma semaphore(%run_scoped3A_84 : memref<!tpu.dma_semaphore, #tpu.memory_space<semaphore_mem>>) src(%arg10 : memref<80x128xf32, #tpu.memory_space<vmem>>) dst(%dma_wait3A_96 : memref<10112x128xf32, #tpu.memory_space<vmem_shared>>)
        tpu.yield
      }) : () -> ()
      %add3A_76 = arith.constant 3 : i32
      %add3A_77 = arith.addi %mul3A_53, %add3A_76 : i32
      %mul3A_78 = arith.constant 80 : i32
      %mul3A_79 = arith.muli %add3A_77, %mul3A_78 : i32
      %dma_start3A_80 = tpu.memref_slice %arg7[%mul3A_79] : memref<10000xi32, #tpu.memory_space<vmem>> -> memref<80xi32, #tpu.memory_space<vmem>>
      %dma_start3A_81 = arith.constant 0 : i32
      %dma_start3A_82 = arith.constant 0 : i32
      %dma_start3A_83 = tpu.memref_slice %arg4[%dma_start3A_81, %dma_start3A_82] : memref<10000x128xf32, #tpu.memory_space<hbm>> -> memref<10000x128xf32, #tpu.memory_space<hbm>>
      tpu.enqueue_indirect_dma source(%dma_start3A_83 : memref<10000x128xf32, #tpu.memory_space<hbm>>) target(%arg10 : memref<80x128xf32, #tpu.memory_space<vmem>>) offsets(%dma_start3A_80 : memref<80xi32, #tpu.memory_space<vmem>>) semaphore(%arg13 : memref<!tpu.dma_semaphore, #tpu.memory_space<semaphore_mem>>)
    }
    %scan3A_18 = arith.constant 61 : i32
    %dma_wait3A = arith.constant 0 : i32
    %dma_wait3A_19 = arith.constant 0 : i32
    %dma_wait3A_20 = tpu.memref_slice %arg5[%dma_wait3A, %dma_wait3A_19] : memref<10112x128xf32, #tpu.memory_space<hbm>> -> memref<80x128xf32, #tpu.memory_space<hbm>>
    %dma_wait3A_21 = arith.constant 0 : i32
    %dma_wait3A_22 = arith.constant 0 : i32
    %dma_wait3A_23 = tpu.memref_slice %arg5[%dma_wait3A_21, %dma_wait3A_22] : memref<10112x128xf32, #tpu.memory_space<hbm>> -> memref<80x128xf32, #tpu.memory_space<hbm>>
    tpu.wait_dma2 semaphore(%arg12 : memref<!tpu.dma_semaphore, #tpu.memory_space<semaphore_mem>>) src(%dma_wait3A_23 : memref<80x128xf32, #tpu.memory_space<hbm>>) dst(%arg9 : memref<80x128xf32, #tpu.memory_space<vmem>>)
    %run_scoped3A = arith.constant 122 : i32
    "tpu.region"() ({
      %run_scoped3A_51 = tpu.sem_alloc : memref<!tpu.dma_semaphore, #tpu.memory_space<semaphore_mem>>
      %dma_start3A_52 = arith.constant 0 : i32
      %dma_start3A_53 = tpu.memref_slice %arg8[%run_scoped3A, %dma_start3A_52] : memref<125x80xi32, #tpu.memory_space<vmem>> -> memref<1x80xi32, #tpu.memory_space<vmem>>
      %dma_start3A_54 = tpu.memref_squeeze %dma_start3A_53 : memref<1x80xi32, #tpu.memory_space<vmem>> -> memref<80xi32, #tpu.memory_space<vmem>>
      %dma_start3A_55 = arith.constant 0 : i32
      %dma_start3A_56 = arith.constant 0 : i32
      %dma_start3A_57 = tpu.memref_slice %arg11[%dma_start3A_55, %dma_start3A_56] : memref<10112x128xf32, #tpu.memory_space<vmem_shared>> -> memref<10112x128xf32, #tpu.memory_space<vmem_shared>>
      tpu.enqueue_indirect_dma source(%arg9 : memref<80x128xf32, #tpu.memory_space<vmem>>) target(%dma_start3A_57 : memref<10112x128xf32, #tpu.memory_space<vmem_shared>>) offsets(%dma_start3A_54 : memref<80xi32, #tpu.memory_space<vmem>>) semaphore(%run_scoped3A_51 : memref<!tpu.dma_semaphore, #tpu.memory_space<semaphore_mem>>) {add = true}
      %dma_wait3A_58 = arith.constant 0 : i32
      %dma_wait3A_59 = tpu.memref_slice %arg8[%run_scoped3A, %dma_wait3A_58] : memref<125x80xi32, #tpu.memory_space<vmem>> -> memref<1x80xi32, #tpu.memory_space<vmem>>
      %dma_wait3A_60 = tpu.memref_squeeze %dma_wait3A_59 : memref<1x80xi32, #tpu.memory_space<vmem>> -> memref<80xi32, #tpu.memory_space<vmem>>
      %dma_wait3A_61 = arith.constant 0 : i32
      %dma_wait3A_62 = arith.constant 0 : i32
      %dma_wait3A_63 = tpu.memref_slice %arg11[%dma_wait3A_61, %dma_wait3A_62] : memref<10112x128xf32, #tpu.memory_space<vmem_shared>> -> memref<10112x128xf32, #tpu.memory_space<vmem_shared>>
      tpu.wait_indirect_dma semaphore(%run_scoped3A_51 : memref<!tpu.dma_semaphore, #tpu.memory_space<semaphore_mem>>) src(%arg9 : memref<80x128xf32, #tpu.memory_space<vmem>>) dst(%dma_wait3A_63 : memref<10112x128xf32, #tpu.memory_space<vmem_shared>>)
      tpu.yield
    }) : () -> ()
    %dma_start3A_24 = arith.constant 9920 : i32
    %dma_start3A_25 = tpu.memref_slice %arg7[%dma_start3A_24] : memref<10000xi32, #tpu.memory_space<vmem>> -> memref<80xi32, #tpu.memory_space<vmem>>
    %dma_start3A_26 = arith.constant 0 : i32
    %dma_start3A_27 = arith.constant 0 : i32
    %dma_start3A_28 = tpu.memref_slice %arg4[%dma_start3A_26, %dma_start3A_27] : memref<10000x128xf32, #tpu.memory_space<hbm>> -> memref<10000x128xf32, #tpu.memory_space<hbm>>
    tpu.enqueue_indirect_dma source(%dma_start3A_28 : memref<10000x128xf32, #tpu.memory_space<hbm>>) target(%arg9 : memref<80x128xf32, #tpu.memory_space<vmem>>) offsets(%dma_start3A_25 : memref<80xi32, #tpu.memory_space<vmem>>) semaphore(%arg12 : memref<!tpu.dma_semaphore, #tpu.memory_space<semaphore_mem>>)
    %dma_wait3A_29 = arith.constant 0 : i32
    %dma_wait3A_30 = arith.constant 0 : i32
    %dma_wait3A_31 = tpu.memref_slice %arg5[%dma_wait3A_29, %dma_wait3A_30] : memref<10112x128xf32, #tpu.memory_space<hbm>> -> memref<80x128xf32, #tpu.memory_space<hbm>>
    %dma_wait3A_32 = arith.constant 0 : i32
    %dma_wait3A_33 = arith.constant 0 : i32
    %dma_wait3A_34 = tpu.memref_slice %arg5[%dma_wait3A_32, %dma_wait3A_33] : memref<10112x128xf32, #tpu.memory_space<hbm>> -> memref<80x128xf32, #tpu.memory_space<hbm>>
    tpu.wait_dma2 semaphore(%arg13 : memref<!tpu.dma_semaphore, #tpu.memory_space<semaphore_mem>>) src(%dma_wait3A_34 : memref<80x128xf32, #tpu.memory_space<hbm>>) dst(%arg10 : memref<80x128xf32, #tpu.memory_space<vmem>>)
    %run_scoped3A_35 = arith.constant 123 : i32
    "tpu.region"() ({
      %run_scoped3A_51 = tpu.sem_alloc : memref<!tpu.dma_semaphore, #tpu.memory_space<semaphore_mem>>
      %dma_start3A_52 = arith.constant 0 : i32
      %dma_start3A_53 = tpu.memref_slice %arg8[%run_scoped3A_35, %dma_start3A_52] : memref<125x80xi32, #tpu.memory_space<vmem>> -> memref<1x80xi32, #tpu.memory_space<vmem>>
      %dma_start3A_54 = tpu.memref_squeeze %dma_start3A_53 : memref<1x80xi32, #tpu.memory_space<vmem>> -> memref<80xi32, #tpu.memory_space<vmem>>
      %dma_start3A_55 = arith.constant 0 : i32
      %dma_start3A_56 = arith.constant 0 : i32
      %dma_start3A_57 = tpu.memref_slice %arg11[%dma_start3A_55, %dma_start3A_56] : memref<10112x128xf32, #tpu.memory_space<vmem_shared>> -> memref<10112x128xf32, #tpu.memory_space<vmem_shared>>
      tpu.enqueue_indirect_dma source(%arg10 : memref<80x128xf32, #tpu.memory_space<vmem>>) target(%dma_start3A_57 : memref<10112x128xf32, #tpu.memory_space<vmem_shared>>) offsets(%dma_start3A_54 : memref<80xi32, #tpu.memory_space<vmem>>) semaphore(%run_scoped3A_51 : memref<!tpu.dma_semaphore, #tpu.memory_space<semaphore_mem>>) {add = true}
      %dma_wait3A_58 = arith.constant 0 : i32
      %dma_wait3A_59 = tpu.memref_slice %arg8[%run_scoped3A_35, %dma_wait3A_58] : memref<125x80xi32, #tpu.memory_space<vmem>> -> memref<1x80xi32, #tpu.memory_space<vmem>>
      %dma_wait3A_60 = tpu.memref_squeeze %dma_wait3A_59 : memref<1x80xi32, #tpu.memory_space<vmem>> -> memref<80xi32, #tpu.memory_space<vmem>>
      %dma_wait3A_61 = arith.constant 0 : i32
      %dma_wait3A_62 = arith.constant 0 : i32
      %dma_wait3A_63 = tpu.memref_slice %arg11[%dma_wait3A_61, %dma_wait3A_62] : memref<10112x128xf32, #tpu.memory_space<vmem_shared>> -> memref<10112x128xf32, #tpu.memory_space<vmem_shared>>
      tpu.wait_indirect_dma semaphore(%run_scoped3A_51 : memref<!tpu.dma_semaphore, #tpu.memory_space<semaphore_mem>>) src(%arg10 : memref<80x128xf32, #tpu.memory_space<vmem>>) dst(%dma_wait3A_63 : memref<10112x128xf32, #tpu.memory_space<vmem_shared>>)
      tpu.yield
    }) : () -> ()
    %dma_wait3A_36 = arith.constant 0 : i32
    %dma_wait3A_37 = arith.constant 0 : i32
    %dma_wait3A_38 = tpu.memref_slice %arg5[%dma_wait3A_36, %dma_wait3A_37] : memref<10112x128xf32, #tpu.memory_space<hbm>> -> memref<80x128xf32, #tpu.memory_space<hbm>>
    %dma_wait3A_39 = arith.constant 0 : i32
    %dma_wait3A_40 = arith.constant 0 : i32
    %dma_wait3A_41 = tpu.memref_slice %arg5[%dma_wait3A_39, %dma_wait3A_40] : memref<10112x128xf32, #tpu.memory_space<hbm>> -> memref<80x128xf32, #tpu.memory_space<hbm>>
    tpu.wait_dma2 semaphore(%arg12 : memref<!tpu.dma_semaphore, #tpu.memory_space<semaphore_mem>>) src(%dma_wait3A_41 : memref<80x128xf32, #tpu.memory_space<hbm>>) dst(%arg9 : memref<80x128xf32, #tpu.memory_space<vmem>>)
    %run_scoped3A_42 = arith.constant 124 : i32
    "tpu.region"() ({
      %run_scoped3A_51 = tpu.sem_alloc : memref<!tpu.dma_semaphore, #tpu.memory_space<semaphore_mem>>
      %dma_start3A_52 = arith.constant 0 : i32
      %dma_start3A_53 = tpu.memref_slice %arg8[%run_scoped3A_42, %dma_start3A_52] : memref<125x80xi32, #tpu.memory_space<vmem>> -> memref<1x80xi32, #tpu.memory_space<vmem>>
      %dma_start3A_54 = tpu.memref_squeeze %dma_start3A_53 : memref<1x80xi32, #tpu.memory_space<vmem>> -> memref<80xi32, #tpu.memory_space<vmem>>
      %dma_start3A_55 = arith.constant 0 : i32
      %dma_start3A_56 = arith.constant 0 : i32
      %dma_start3A_57 = tpu.memref_slice %arg11[%dma_start3A_55, %dma_start3A_56] : memref<10112x128xf32, #tpu.memory_space<vmem_shared>> -> memref<10112x128xf32, #tpu.memory_space<vmem_shared>>
      tpu.enqueue_indirect_dma source(%arg9 : memref<80x128xf32, #tpu.memory_space<vmem>>) target(%dma_start3A_57 : memref<10112x128xf32, #tpu.memory_space<vmem_shared>>) offsets(%dma_start3A_54 : memref<80xi32, #tpu.memory_space<vmem>>) semaphore(%run_scoped3A_51 : memref<!tpu.dma_semaphore, #tpu.memory_space<semaphore_mem>>) {add = true}
      %dma_wait3A_58 = arith.constant 0 : i32
      %dma_wait3A_59 = tpu.memref_slice %arg8[%run_scoped3A_42, %dma_wait3A_58] : memref<125x80xi32, #tpu.memory_space<vmem>> -> memref<1x80xi32, #tpu.memory_space<vmem>>
      %dma_wait3A_60 = tpu.memref_squeeze %dma_wait3A_59 : memref<1x80xi32, #tpu.memory_space<vmem>> -> memref<80xi32, #tpu.memory_space<vmem>>
      %dma_wait3A_61 = arith.constant 0 : i32
      %dma_wait3A_62 = arith.constant 0 : i32
      %dma_wait3A_63 = tpu.memref_slice %arg11[%dma_wait3A_61, %dma_wait3A_62] : memref<10112x128xf32, #tpu.memory_space<vmem_shared>> -> memref<10112x128xf32, #tpu.memory_space<vmem_shared>>
      tpu.wait_indirect_dma semaphore(%run_scoped3A_51 : memref<!tpu.dma_semaphore, #tpu.memory_space<semaphore_mem>>) src(%arg9 : memref<80x128xf32, #tpu.memory_space<vmem>>) dst(%dma_wait3A_63 : memref<10112x128xf32, #tpu.memory_space<vmem_shared>>)
      tpu.yield
    }) : () -> ()
    %barrier3A_43 = arith.constant 0 : index
    tpu.barrier barrier_id(%barrier3A_43)
    %mul3A_44 = arith.constant 632 : i32
    %mul3A_45 = arith.muli %arg1, %mul3A_44 : i32
    %mul3A_46 = arith.constant 10112 : i32
    %mul3A_47 = arith.muli %arg0, %mul3A_46 : i32
    %mul3A_48 = arith.constant 632 : i32
    %mul3A_49 = arith.muli %arg1, %mul3A_48 : i32
    %add3A_50 = arith.addi %mul3A_47, %mul3A_49 : i32
    "tpu.region"() ({
      %run_scoped3A_51 = tpu.sem_alloc : memref<!tpu.dma_semaphore, #tpu.memory_space<semaphore_mem>>
      %dma_start3A_52 = arith.constant 0 : i32
      %dma_start3A_53 = tpu.memref_slice %arg6[%add3A_50, %dma_start3A_52] : memref<20224x128xf32, #tpu.memory_space<hbm>> -> memref<632x128xf32, #tpu.memory_space<hbm>>
      %dma_start3A_54 = arith.constant 0 : i32
      %dma_start3A_55 = tpu.memref_slice %arg11[%mul3A_45, %dma_start3A_54] : memref<10112x128xf32, #tpu.memory_space<vmem_shared>> -> memref<632x128xf32, #tpu.memory_space<vmem_shared>>
      tpu.enqueue_dma source(%dma_start3A_55 : memref<632x128xf32, #tpu.memory_space<vmem_shared>>) target(%dma_start3A_53 : memref<632x128xf32, #tpu.memory_space<hbm>>) target_semaphore(%run_scoped3A_51 : memref<!tpu.dma_semaphore, #tpu.memory_space<semaphore_mem>>)
      %dma_wait3A_56 = arith.constant 0 : i32
      %dma_wait3A_57 = tpu.memref_slice %arg6[%add3A_50, %dma_wait3A_56] : memref<20224x128xf32, #tpu.memory_space<hbm>> -> memref<632x128xf32, #tpu.memory_space<hbm>>
      %dma_wait3A_58 = arith.constant 0 : i32
      %dma_wait3A_59 = tpu.memref_slice %arg11[%mul3A_45, %dma_wait3A_58] : memref<10112x128xf32, #tpu.memory_space<vmem_shared>> -> memref<632x128xf32, #tpu.memory_space<vmem_shared>>
      tpu.wait_dma2 semaphore(%run_scoped3A_51 : memref<!tpu.dma_semaphore, #tpu.memory_space<semaphore_mem>>) src(%dma_wait3A_59 : memref<632x128xf32, #tpu.memory_space<vmem_shared>>) dst(%dma_wait3A_57 : memref<632x128xf32, #tpu.memory_space<hbm>>)
      tpu.yield
    }) : () -> ()
    return
  }
}

#map = affine_map<(d0, d1) -> (0, 0)>
#map1 = affine_map<(d0, d1) -> (0, 0, 0)>
module attributes {stable_mosaic.version = 14 : i64} {
  func.func @_scatter_body(%arg0: i32, %arg1: i32, %arg2: memref<32x10000xi32, #tpu.memory_space<hbm>>, %arg3: memref<32x125x80xi32, #tpu.memory_space<hbm>>, %arg4: memref<10000x128xf32, #tpu.memory_space<hbm>>, %arg5: memref<10112x128xf32, #tpu.memory_space<hbm>>, %arg6: memref<20224x128xf32, #tpu.memory_space<hbm>>, %arg7: memref<10000xi32, #tpu.memory_space<vmem>>, %arg8: memref<125x80xi32, #tpu.memory_space<vmem>>, %arg9: memref<80x128xf32, #tpu.memory_space<vmem>>, %arg10: memref<80x128xf32, #tpu.memory_space<vmem>>, %arg11: memref<10112x128xf32, #tpu.memory_space<vmem_shared>>, %arg12: memref<!tpu.dma_semaphore, #tpu.memory_space<semaphore_mem>>, %arg13: memref<!tpu.dma_semaphore, #tpu.memory_space<semaphore_mem>>) attributes {dimension_semantics = [#tpu.dimension_semantics<core_parallel>, #tpu.dimension_semantics<subcore_parallel>], iteration_bounds = array<i64: 2, 16>, scalar_prefetch = 0 : i64, scratch_operands = 7 : i64, tpu.core_type = #tpu.core_type<sc_vector_subcore>, window_params = [{transform_indices = #map}, {transform_indices = #map1}, {transform_indices = #map}, {transform_indices = #map}, {transform_indices = #map}]} {
    %mul3A = arith.constant 16 : i32
    %mul3A_0 = arith.muli %arg0, %mul3A : i32
    %add3A = arith.addi %mul3A_0, %arg1 : i32
    "tpu.region"() ({
      %run_scoped3A_51 = tpu.sem_alloc : memref<!tpu.dma_semaphore, #tpu.memory_space<semaphore_mem>>
      %dma_start3A_52 = arith.constant 0 : i32
      %dma_start3A_53 = tpu.memref_slice %arg2[%add3A, %dma_start3A_52] : memref<32x10000xi32, #tpu.memory_space<hbm>> -> memref<1x10000xi32, #tpu.memory_space<hbm>>
      %dma_start3A_54 = tpu.memref_squeeze %dma_start3A_53 : memref<1x10000xi32, #tpu.memory_space<hbm>> -> memref<10000xi32, #tpu.memory_space<hbm>>
      %dma_start3A_55 = arith.constant 0 : i32
      %dma_start3A_56 = tpu.memref_slice %arg2[%add3A, %dma_start3A_55] : memref<32x10000xi32, #tpu.memory_space<hbm>> -> memref<1x10000xi32, #tpu.memory_space<hbm>>
      %dma_start3A_57 = tpu.memref_squeeze %dma_start3A_56 : memref<1x10000xi32, #tpu.memory_space<hbm>> -> memref<10000xi32, #tpu.memory_space<hbm>>
      tpu.enqueue_dma source(%dma_start3A_57 : memref<10000xi32, #tpu.memory_space<hbm>>) target(%arg7 : memref<10000xi32, #tpu.memory_space<vmem>>) target_semaphore(%run_scoped3A_51 : memref<!tpu.dma_semaphore, #tpu.memory_space<semaphore_mem>>)
      %dma_wait3A_58 = arith.constant 0 : i32
      %dma_wait3A_59 = tpu.memref_slice %arg2[%add3A, %dma_wait3A_58] : memref<32x10000xi32, #tpu.memory_space<hbm>> -> memref<1x10000xi32, #tpu.memory_space<hbm>>
      %dma_wait3A_60 = tpu.memref_squeeze %dma_wait3A_59 : memref<1x10000xi32, #tpu.memory_space<hbm>> -> memref<10000xi32, #tpu.memory_space<hbm>>
      %dma_wait3A_61 = arith.constant 0 : i32
      %dma_wait3A_62 = tpu.memref_slice %arg2[%add3A, %dma_wait3A_61] : memref<32x10000xi32, #tpu.memory_space<hbm>> -> memref<1x10000xi32, #tpu.memory_space<hbm>>
      %dma_wait3A_63 = tpu.memref_squeeze %dma_wait3A_62 : memref<1x10000xi32, #tpu.memory_space<hbm>> -> memref<10000xi32, #tpu.memory_space<hbm>>
      tpu.wait_dma2 semaphore(%run_scoped3A_51 : memref<!tpu.dma_semaphore, #tpu.memory_space<semaphore_mem>>) src(%dma_wait3A_63 : memref<10000xi32, #tpu.memory_space<hbm>>) dst(%arg7 : memref<10000xi32, #tpu.memory_space<vmem>>)
      tpu.yield
    }) : () -> ()
    "tpu.region"() ({
      %run_scoped3A_51 = tpu.sem_alloc : memref<!tpu.dma_semaphore, #tpu.memory_space<semaphore_mem>>
      %dma_start3A_52 = arith.constant 0 : i32
      %dma_start3A_53 = arith.constant 0 : i32
      %dma_start3A_54 = tpu.memref_slice %arg3[%add3A, %dma_start3A_52, %dma_start3A_53] : memref<32x125x80xi32, #tpu.memory_space<hbm>> -> memref<1x125x80xi32, #tpu.memory_space<hbm>>
      %dma_start3A_55 = tpu.memref_squeeze %dma_start3A_54 : memref<1x125x80xi32, #tpu.memory_space<hbm>> -> memref<125x80xi32, #tpu.memory_space<hbm>>
      %dma_start3A_56 = arith.constant 0 : i32
      %dma_start3A_57 = arith.constant 0 : i32
      %dma_start3A_58 = tpu.memref_slice %arg3[%add3A, %dma_start3A_56, %dma_start3A_57] : memref<32x125x80xi32, #tpu.memory_space<hbm>> -> memref<1x125x80xi32, #tpu.memory_space<hbm>>
      %dma_start3A_59 = tpu.memref_squeeze %dma_start3A_58 : memref<1x125x80xi32, #tpu.memory_space<hbm>> -> memref<125x80xi32, #tpu.memory_space<hbm>>
      tpu.enqueue_dma source(%dma_start3A_59 : memref<125x80xi32, #tpu.memory_space<hbm>>) target(%arg8 : memref<125x80xi32, #tpu.memory_space<vmem>>) target_semaphore(%run_scoped3A_51 : memref<!tpu.dma_semaphore, #tpu.memory_space<semaphore_mem>>)
      %dma_wait3A_60 = arith.constant 0 : i32
      %dma_wait3A_61 = arith.constant 0 : i32
      %dma_wait3A_62 = tpu.memref_slice %arg3[%add3A, %dma_wait3A_60, %dma_wait3A_61] : memref<32x125x80xi32, #tpu.memory_space<hbm>> -> memref<1x125x80xi32, #tpu.memory_space<hbm>>
      %dma_wait3A_63 = tpu.memref_squeeze %dma_wait3A_62 : memref<1x125x80xi32, #tpu.memory_space<hbm>> -> memref<125x80xi32, #tpu.memory_space<hbm>>
      %dma_wait3A_64 = arith.constant 0 : i32
      %dma_wait3A_65 = arith.constant 0 : i32
      %dma_wait3A_66 = tpu.memref_slice %arg3[%add3A, %dma_wait3A_64, %dma_wait3A_65] : memref<32x125x80xi32, #tpu.memory_space<hbm>> -> memref<1x125x80xi32, #tpu.memory_space<hbm>>
      %dma_wait3A_67 = tpu.memref_squeeze %dma_wait3A_66 : memref<1x125x80xi32, #tpu.memory_space<hbm>> -> memref<125x80xi32, #tpu.memory_space<hbm>>
      tpu.wait_dma2 semaphore(%run_scoped3A_51 : memref<!tpu.dma_semaphore, #tpu.memory_space<semaphore_mem>>) src(%dma_wait3A_67 : memref<125x80xi32, #tpu.memory_space<hbm>>) dst(%arg8 : memref<125x80xi32, #tpu.memory_space<vmem>>)
      tpu.yield
    }) : () -> ()
    %dma_start3A = arith.constant 0 : i32
    %dma_start3A_1 = tpu.memref_slice %arg7[%dma_start3A] : memref<10000xi32, #tpu.memory_space<vmem>> -> memref<80xi32, #tpu.memory_space<vmem>>
    %dma_start3A_2 = arith.constant 0 : i32
    %dma_start3A_3 = arith.constant 0 : i32
    %dma_start3A_4 = tpu.memref_slice %arg4[%dma_start3A_2, %dma_start3A_3] : memref<10000x128xf32, #tpu.memory_space<hbm>> -> memref<10000x128xf32, #tpu.memory_space<hbm>>
    tpu.enqueue_indirect_dma source(%dma_start3A_4 : memref<10000x128xf32, #tpu.memory_space<hbm>>) target(%arg9 : memref<80x128xf32, #tpu.memory_space<vmem>>) offsets(%dma_start3A_1 : memref<80xi32, #tpu.memory_space<vmem>>) semaphore(%arg12 : memref<!tpu.dma_semaphore, #tpu.memory_space<semaphore_mem>>)
    %dma_start3A_5 = arith.constant 80 : i32
    %dma_start3A_6 = tpu.memref_slice %arg7[%dma_start3A_5] : memref<10000xi32, #tpu.memory_space<vmem>> -> memref<80xi32, #tpu.memory_space<vmem>>
    %dma_start3A_7 = arith.constant 0 : i32
    %dma_start3A_8 = arith.constant 0 : i32
    %dma_start3A_9 = tpu.memref_slice %arg4[%dma_start3A_7, %dma_start3A_8] : memref<10000x128xf32, #tpu.memory_space<hbm>> -> memref<10000x128xf32, #tpu.memory_space<hbm>>
    tpu.enqueue_indirect_dma source(%dma_start3A_9 : memref<10000x128xf32, #tpu.memory_space<hbm>>) target(%arg10 : memref<80x128xf32, #tpu.memory_space<vmem>>) offsets(%dma_start3A_6 : memref<80xi32, #tpu.memory_space<vmem>>) semaphore(%arg13 : memref<!tpu.dma_semaphore, #tpu.memory_space<semaphore_mem>>)
    %mul3A_10 = arith.constant 632 : i32
    %mul3A_11 = arith.muli %arg1, %mul3A_10 : i32
    %mul3A_12 = arith.constant 632 : i32
    %mul3A_13 = arith.muli %arg1, %mul3A_12 : i32
    "tpu.region"() ({
      %run_scoped3A_51 = tpu.sem_alloc : memref<!tpu.dma_semaphore, #tpu.memory_space<semaphore_mem>>
      %dma_start3A_52 = arith.constant 0 : i32
      %dma_start3A_53 = tpu.memref_slice %arg11[%mul3A_13, %dma_start3A_52] : memref<10112x128xf32, #tpu.memory_space<vmem_shared>> -> memref<632x128xf32, #tpu.memory_space<vmem_shared>>
      %dma_start3A_54 = arith.constant 0 : i32
      %dma_start3A_55 = tpu.memref_slice %arg5[%mul3A_11, %dma_start3A_54] : memref<10112x128xf32, #tpu.memory_space<hbm>> -> memref<632x128xf32, #tpu.memory_space<hbm>>
      tpu.enqueue_dma source(%dma_start3A_55 : memref<632x128xf32, #tpu.memory_space<hbm>>) target(%dma_start3A_53 : memref<632x128xf32, #tpu.memory_space<vmem_shared>>) target_semaphore(%run_scoped3A_51 : memref<!tpu.dma_semaphore, #tpu.memory_space<semaphore_mem>>)
      %dma_wait3A_56 = arith.constant 0 : i32
      %dma_wait3A_57 = tpu.memref_slice %arg11[%mul3A_13, %dma_wait3A_56] : memref<10112x128xf32, #tpu.memory_space<vmem_shared>> -> memref<632x128xf32, #tpu.memory_space<vmem_shared>>
      %dma_wait3A_58 = arith.constant 0 : i32
      %dma_wait3A_59 = tpu.memref_slice %arg5[%mul3A_11, %dma_wait3A_58] : memref<10112x128xf32, #tpu.memory_space<hbm>> -> memref<632x128xf32, #tpu.memory_space<hbm>>
      tpu.wait_dma2 semaphore(%run_scoped3A_51 : memref<!tpu.dma_semaphore, #tpu.memory_space<semaphore_mem>>) src(%dma_wait3A_59 : memref<632x128xf32, #tpu.memory_space<hbm>>) dst(%dma_wait3A_57 : memref<632x128xf32, #tpu.memory_space<vmem_shared>>)
      tpu.yield
    }) : () -> ()
    %barrier3A = arith.constant 0 : index
    tpu.barrier barrier_id(%barrier3A)
    %scan3A = arith.constant 0 : i32
    %scan3A_14 = arith.constant 0 : i32
    %scan3A_15 = arith.constant 61 : i32
    %scan3A_16 = arith.addi %scan3A_14, %scan3A_15 : i32
    %scan3A_17 = arith.constant 1 : i32
    scf.for %scan3A_51 = %scan3A_14 to %scan3A_16 step %scan3A_17  : i32 {
      %mul3A_52 = arith.constant 2 : i32
      %mul3A_53 = arith.muli %mul3A_52, %scan3A_51 : i32
      %dma_wait3A_54 = arith.constant 0 : i32
      %dma_wait3A_55 = arith.constant 0 : i32
      %dma_wait3A_56 = tpu.memref_slice %arg5[%dma_wait3A_54, %dma_wait3A_55] : memref<10112x128xf32, #tpu.memory_space<hbm>> -> memref<80x128xf32, #tpu.memory_space<hbm>>
      %dma_wait3A_57 = arith.constant 0 : i32
      %dma_wait3A_58 = arith.constant 0 : i32
      %dma_wait3A_59 = tpu.memref_slice %arg5[%dma_wait3A_57, %dma_wait3A_58] : memref<10112x128xf32, #tpu.memory_space<hbm>> -> memref<80x128xf32, #tpu.memory_space<hbm>>
      tpu.wait_dma2 semaphore(%arg12 : memref<!tpu.dma_semaphore, #tpu.memory_space<semaphore_mem>>) src(%dma_wait3A_59 : memref<80x128xf32, #tpu.memory_space<hbm>>) dst(%arg9 : memref<80x128xf32, #tpu.memory_space<vmem>>)
      "tpu.region"() ({
        %run_scoped3A_84 = tpu.sem_alloc : memref<!tpu.dma_semaphore, #tpu.memory_space<semaphore_mem>>
        %dma_start3A_85 = arith.constant 0 : i32
        %dma_start3A_86 = tpu.memref_slice %arg8[%mul3A_53, %dma_start3A_85] : memref<125x80xi32, #tpu.memory_space<vmem>> -> memref<1x80xi32, #tpu.memory_space<vmem>>
        %dma_start3A_87 = tpu.memref_squeeze %dma_start3A_86 : memref<1x80xi32, #tpu.memory_space<vmem>> -> memref<80xi32, #tpu.memory_space<vmem>>
        %dma_start3A_88 = arith.constant 0 : i32
        %dma_start3A_89 = arith.constant 0 : i32
        %dma_start3A_90 = tpu.memref_slice %arg11[%dma_start3A_88, %dma_start3A_89] : memref<10112x128xf32, #tpu.memory_space<vmem_shared>> -> memref<10112x128xf32, #tpu.memory_space<vmem_shared>>
        tpu.enqueue_indirect_dma source(%arg9 : memref<80x128xf32, #tpu.memory_space<vmem>>) target(%dma_start3A_90 : memref<10112x128xf32, #tpu.memory_space<vmem_shared>>) offsets(%dma_start3A_87 : memref<80xi32, #tpu.memory_space<vmem>>) semaphore(%run_scoped3A_84 : memref<!tpu.dma_semaphore, #tpu.memory_space<semaphore_mem>>) {add = true}
        %dma_wait3A_91 = arith.constant 0 : i32
        %dma_wait3A_92 = tpu.memref_slice %arg8[%mul3A_53, %dma_wait3A_91] : memref<125x80xi32, #tpu.memory_space<vmem>> -> memref<1x80xi32, #tpu.memory_space<vmem>>
        %dma_wait3A_93 = tpu.memref_squeeze %dma_wait3A_92 : memref<1x80xi32, #tpu.memory_space<vmem>> -> memref<80xi32, #tpu.memory_space<vmem>>
        %dma_wait3A_94 = arith.constant 0 : i32
        %dma_wait3A_95 = arith.constant 0 : i32
        %dma_wait3A_96 = tpu.memref_slice %arg11[%dma_wait3A_94, %dma_wait3A_95] : memref<10112x128xf32, #tpu.memory_space<vmem_shared>> -> memref<10112x128xf32, #tpu.memory_space<vmem_shared>>
        tpu.wait_indirect_dma semaphore(%run_scoped3A_84 : memref<!tpu.dma_semaphore, #tpu.memory_space<semaphore_mem>>) src(%arg9 : memref<80x128xf32, #tpu.memory_space<vmem>>) dst(%dma_wait3A_96 : memref<10112x128xf32, #tpu.memory_space<vmem_shared>>)
        tpu.yield
      }) : () -> ()
      %add3A_60 = arith.constant 2 : i32
      %add3A_61 = arith.addi %mul3A_53, %add3A_60 : i32
      %mul3A_62 = arith.constant 80 : i32
      %mul3A_63 = arith.muli %add3A_61, %mul3A_62 : i32
      %dma_start3A_64 = tpu.memref_slice %arg7[%mul3A_63] : memref<10000xi32, #tpu.memory_space<vmem>> -> memref<80xi32, #tpu.memory_space<vmem>>
      %dma_start3A_65 = arith.constant 0 : i32
      %dma_start3A_66 = arith.constant 0 : i32
      %dma_start3A_67 = tpu.memref_slice %arg4[%dma_start3A_65, %dma_start3A_66] : memref<10000x128xf32, #tpu.memory_space<hbm>> -> memref<10000x128xf32, #tpu.memory_space<hbm>>
      tpu.enqueue_indirect_dma source(%dma_start3A_67 : memref<10000x128xf32, #tpu.memory_space<hbm>>) target(%arg9 : memref<80x128xf32, #tpu.memory_space<vmem>>) offsets(%dma_start3A_64 : memref<80xi32, #tpu.memory_space<vmem>>) semaphore(%arg12 : memref<!tpu.dma_semaphore, #tpu.memory_space<semaphore_mem>>)
      %dma_wait3A_68 = arith.constant 0 : i32
      %dma_wait3A_69 = arith.constant 0 : i32
      %dma_wait3A_70 = tpu.memref_slice %arg5[%dma_wait3A_68, %dma_wait3A_69] : memref<10112x128xf32, #tpu.memory_space<hbm>> -> memref<80x128xf32, #tpu.memory_space<hbm>>
      %dma_wait3A_71 = arith.constant 0 : i32
      %dma_wait3A_72 = arith.constant 0 : i32
      %dma_wait3A_73 = tpu.memref_slice %arg5[%dma_wait3A_71, %dma_wait3A_72] : memref<10112x128xf32, #tpu.memory_space<hbm>> -> memref<80x128xf32, #tpu.memory_space<hbm>>
      tpu.wait_dma2 semaphore(%arg13 : memref<!tpu.dma_semaphore, #tpu.memory_space<semaphore_mem>>) src(%dma_wait3A_73 : memref<80x128xf32, #tpu.memory_space<hbm>>) dst(%arg10 : memref<80x128xf32, #tpu.memory_space<vmem>>)
      %add3A_74 = arith.constant 1 : i32
      %add3A_75 = arith.addi %mul3A_53, %add3A_74 : i32
      "tpu.region"() ({
        %run_scoped3A_84 = tpu.sem_alloc : memref<!tpu.dma_semaphore, #tpu.memory_space<semaphore_mem>>
        %dma_start3A_85 = arith.constant 0 : i32
        %dma_start3A_86 = tpu.memref_slice %arg8[%add3A_75, %dma_start3A_85] : memref<125x80xi32, #tpu.memory_space<vmem>> -> memref<1x80xi32, #tpu.memory_space<vmem>>
        %dma_start3A_87 = tpu.memref_squeeze %dma_start3A_86 : memref<1x80xi32, #tpu.memory_space<vmem>> -> memref<80xi32, #tpu.memory_space<vmem>>
        %dma_start3A_88 = arith.constant 0 : i32
        %dma_start3A_89 = arith.constant 0 : i32
        %dma_start3A_90 = tpu.memref_slice %arg11[%dma_start3A_88, %dma_start3A_89] : memref<10112x128xf32, #tpu.memory_space<vmem_shared>> -> memref<10112x128xf32, #tpu.memory_space<vmem_shared>>
        tpu.enqueue_indirect_dma source(%arg10 : memref<80x128xf32, #tpu.memory_space<vmem>>) target(%dma_start3A_90 : memref<10112x128xf32, #tpu.memory_space<vmem_shared>>) offsets(%dma_start3A_87 : memref<80xi32, #tpu.memory_space<vmem>>) semaphore(%run_scoped3A_84 : memref<!tpu.dma_semaphore, #tpu.memory_space<semaphore_mem>>) {add = true}
        %dma_wait3A_91 = arith.constant 0 : i32
        %dma_wait3A_92 = tpu.memref_slice %arg8[%add3A_75, %dma_wait3A_91] : memref<125x80xi32, #tpu.memory_space<vmem>> -> memref<1x80xi32, #tpu.memory_space<vmem>>
        %dma_wait3A_93 = tpu.memref_squeeze %dma_wait3A_92 : memref<1x80xi32, #tpu.memory_space<vmem>> -> memref<80xi32, #tpu.memory_space<vmem>>
        %dma_wait3A_94 = arith.constant 0 : i32
        %dma_wait3A_95 = arith.constant 0 : i32
        %dma_wait3A_96 = tpu.memref_slice %arg11[%dma_wait3A_94, %dma_wait3A_95] : memref<10112x128xf32, #tpu.memory_space<vmem_shared>> -> memref<10112x128xf32, #tpu.memory_space<vmem_shared>>
        tpu.wait_indirect_dma semaphore(%run_scoped3A_84 : memref<!tpu.dma_semaphore, #tpu.memory_space<semaphore_mem>>) src(%arg10 : memref<80x128xf32, #tpu.memory_space<vmem>>) dst(%dma_wait3A_96 : memref<10112x128xf32, #tpu.memory_space<vmem_shared>>)
        tpu.yield
      }) : () -> ()
      %add3A_76 = arith.constant 3 : i32
      %add3A_77 = arith.addi %mul3A_53, %add3A_76 : i32
      %mul3A_78 = arith.constant 80 : i32
      %mul3A_79 = arith.muli %add3A_77, %mul3A_78 : i32
      %dma_start3A_80 = tpu.memref_slice %arg7[%mul3A_79] : memref<10000xi32, #tpu.memory_space<vmem>> -> memref<80xi32, #tpu.memory_space<vmem>>
      %dma_start3A_81 = arith.constant 0 : i32
      %dma_start3A_82 = arith.constant 0 : i32
      %dma_start3A_83 = tpu.memref_slice %arg4[%dma_start3A_81, %dma_start3A_82] : memref<10000x128xf32, #tpu.memory_space<hbm>> -> memref<10000x128xf32, #tpu.memory_space<hbm>>
      tpu.enqueue_indirect_dma source(%dma_start3A_83 : memref<10000x128xf32, #tpu.memory_space<hbm>>) target(%arg10 : memref<80x128xf32, #tpu.memory_space<vmem>>) offsets(%dma_start3A_80 : memref<80xi32, #tpu.memory_space<vmem>>) semaphore(%arg13 : memref<!tpu.dma_semaphore, #tpu.memory_space<semaphore_mem>>)
    }
    %scan3A_18 = arith.constant 61 : i32
    %dma_wait3A = arith.constant 0 : i32
    %dma_wait3A_19 = arith.constant 0 : i32
    %dma_wait3A_20 = tpu.memref_slice %arg5[%dma_wait3A, %dma_wait3A_19] : memref<10112x128xf32, #tpu.memory_space<hbm>> -> memref<80x128xf32, #tpu.memory_space<hbm>>
    %dma_wait3A_21 = arith.constant 0 : i32
    %dma_wait3A_22 = arith.constant 0 : i32
    %dma_wait3A_23 = tpu.memref_slice %arg5[%dma_wait3A_21, %dma_wait3A_22] : memref<10112x128xf32, #tpu.memory_space<hbm>> -> memref<80x128xf32, #tpu.memory_space<hbm>>
    tpu.wait_dma2 semaphore(%arg12 : memref<!tpu.dma_semaphore, #tpu.memory_space<semaphore_mem>>) src(%dma_wait3A_23 : memref<80x128xf32, #tpu.memory_space<hbm>>) dst(%arg9 : memref<80x128xf32, #tpu.memory_space<vmem>>)
    %run_scoped3A = arith.constant 122 : i32
    "tpu.region"() ({
      %run_scoped3A_51 = tpu.sem_alloc : memref<!tpu.dma_semaphore, #tpu.memory_space<semaphore_mem>>
      %dma_start3A_52 = arith.constant 0 : i32
      %dma_start3A_53 = tpu.memref_slice %arg8[%run_scoped3A, %dma_start3A_52] : memref<125x80xi32, #tpu.memory_space<vmem>> -> memref<1x80xi32, #tpu.memory_space<vmem>>
      %dma_start3A_54 = tpu.memref_squeeze %dma_start3A_53 : memref<1x80xi32, #tpu.memory_space<vmem>> -> memref<80xi32, #tpu.memory_space<vmem>>
      %dma_start3A_55 = arith.constant 0 : i32
      %dma_start3A_56 = arith.constant 0 : i32
      %dma_start3A_57 = tpu.memref_slice %arg11[%dma_start3A_55, %dma_start3A_56] : memref<10112x128xf32, #tpu.memory_space<vmem_shared>> -> memref<10112x128xf32, #tpu.memory_space<vmem_shared>>
      tpu.enqueue_indirect_dma source(%arg9 : memref<80x128xf32, #tpu.memory_space<vmem>>) target(%dma_start3A_57 : memref<10112x128xf32, #tpu.memory_space<vmem_shared>>) offsets(%dma_start3A_54 : memref<80xi32, #tpu.memory_space<vmem>>) semaphore(%run_scoped3A_51 : memref<!tpu.dma_semaphore, #tpu.memory_space<semaphore_mem>>) {add = true}
      %dma_wait3A_58 = arith.constant 0 : i32
      %dma_wait3A_59 = tpu.memref_slice %arg8[%run_scoped3A, %dma_wait3A_58] : memref<125x80xi32, #tpu.memory_space<vmem>> -> memref<1x80xi32, #tpu.memory_space<vmem>>
      %dma_wait3A_60 = tpu.memref_squeeze %dma_wait3A_59 : memref<1x80xi32, #tpu.memory_space<vmem>> -> memref<80xi32, #tpu.memory_space<vmem>>
      %dma_wait3A_61 = arith.constant 0 : i32
      %dma_wait3A_62 = arith.constant 0 : i32
      %dma_wait3A_63 = tpu.memref_slice %arg11[%dma_wait3A_61, %dma_wait3A_62] : memref<10112x128xf32, #tpu.memory_space<vmem_shared>> -> memref<10112x128xf32, #tpu.memory_space<vmem_shared>>
      tpu.wait_indirect_dma semaphore(%run_scoped3A_51 : memref<!tpu.dma_semaphore, #tpu.memory_space<semaphore_mem>>) src(%arg9 : memref<80x128xf32, #tpu.memory_space<vmem>>) dst(%dma_wait3A_63 : memref<10112x128xf32, #tpu.memory_space<vmem_shared>>)
      tpu.yield
    }) : () -> ()
    %dma_start3A_24 = arith.constant 9920 : i32
    %dma_start3A_25 = tpu.memref_slice %arg7[%dma_start3A_24] : memref<10000xi32, #tpu.memory_space<vmem>> -> memref<80xi32, #tpu.memory_space<vmem>>
    %dma_start3A_26 = arith.constant 0 : i32
    %dma_start3A_27 = arith.constant 0 : i32
    %dma_start3A_28 = tpu.memref_slice %arg4[%dma_start3A_26, %dma_start3A_27] : memref<10000x128xf32, #tpu.memory_space<hbm>> -> memref<10000x128xf32, #tpu.memory_space<hbm>>
    tpu.enqueue_indirect_dma source(%dma_start3A_28 : memref<10000x128xf32, #tpu.memory_space<hbm>>) target(%arg9 : memref<80x128xf32, #tpu.memory_space<vmem>>) offsets(%dma_start3A_25 : memref<80xi32, #tpu.memory_space<vmem>>) semaphore(%arg12 : memref<!tpu.dma_semaphore, #tpu.memory_space<semaphore_mem>>)
    %dma_wait3A_29 = arith.constant 0 : i32
    %dma_wait3A_30 = arith.constant 0 : i32
    %dma_wait3A_31 = tpu.memref_slice %arg5[%dma_wait3A_29, %dma_wait3A_30] : memref<10112x128xf32, #tpu.memory_space<hbm>> -> memref<80x128xf32, #tpu.memory_space<hbm>>
    %dma_wait3A_32 = arith.constant 0 : i32
    %dma_wait3A_33 = arith.constant 0 : i32
    %dma_wait3A_34 = tpu.memref_slice %arg5[%dma_wait3A_32, %dma_wait3A_33] : memref<10112x128xf32, #tpu.memory_space<hbm>> -> memref<80x128xf32, #tpu.memory_space<hbm>>
    tpu.wait_dma2 semaphore(%arg13 : memref<!tpu.dma_semaphore, #tpu.memory_space<semaphore_mem>>) src(%dma_wait3A_34 : memref<80x128xf32, #tpu.memory_space<hbm>>) dst(%arg10 : memref<80x128xf32, #tpu.memory_space<vmem>>)
    %run_scoped3A_35 = arith.constant 123 : i32
    "tpu.region"() ({
      %run_scoped3A_51 = tpu.sem_alloc : memref<!tpu.dma_semaphore, #tpu.memory_space<semaphore_mem>>
      %dma_start3A_52 = arith.constant 0 : i32
      %dma_start3A_53 = tpu.memref_slice %arg8[%run_scoped3A_35, %dma_start3A_52] : memref<125x80xi32, #tpu.memory_space<vmem>> -> memref<1x80xi32, #tpu.memory_space<vmem>>
      %dma_start3A_54 = tpu.memref_squeeze %dma_start3A_53 : memref<1x80xi32, #tpu.memory_space<vmem>> -> memref<80xi32, #tpu.memory_space<vmem>>
      %dma_start3A_55 = arith.constant 0 : i32
      %dma_start3A_56 = arith.constant 0 : i32
      %dma_start3A_57 = tpu.memref_slice %arg11[%dma_start3A_55, %dma_start3A_56] : memref<10112x128xf32, #tpu.memory_space<vmem_shared>> -> memref<10112x128xf32, #tpu.memory_space<vmem_shared>>
      tpu.enqueue_indirect_dma source(%arg10 : memref<80x128xf32, #tpu.memory_space<vmem>>) target(%dma_start3A_57 : memref<10112x128xf32, #tpu.memory_space<vmem_shared>>) offsets(%dma_start3A_54 : memref<80xi32, #tpu.memory_space<vmem>>) semaphore(%run_scoped3A_51 : memref<!tpu.dma_semaphore, #tpu.memory_space<semaphore_mem>>) {add = true}
      %dma_wait3A_58 = arith.constant 0 : i32
      %dma_wait3A_59 = tpu.memref_slice %arg8[%run_scoped3A_35, %dma_wait3A_58] : memref<125x80xi32, #tpu.memory_space<vmem>> -> memref<1x80xi32, #tpu.memory_space<vmem>>
      %dma_wait3A_60 = tpu.memref_squeeze %dma_wait3A_59 : memref<1x80xi32, #tpu.memory_space<vmem>> -> memref<80xi32, #tpu.memory_space<vmem>>
      %dma_wait3A_61 = arith.constant 0 : i32
      %dma_wait3A_62 = arith.constant 0 : i32
      %dma_wait3A_63 = tpu.memref_slice %arg11[%dma_wait3A_61, %dma_wait3A_62] : memref<10112x128xf32, #tpu.memory_space<vmem_shared>> -> memref<10112x128xf32, #tpu.memory_space<vmem_shared>>
      tpu.wait_indirect_dma semaphore(%run_scoped3A_51 : memref<!tpu.dma_semaphore, #tpu.memory_space<semaphore_mem>>) src(%arg10 : memref<80x128xf32, #tpu.memory_space<vmem>>) dst(%dma_wait3A_63 : memref<10112x128xf32, #tpu.memory_space<vmem_shared>>)
      tpu.yield
    }) : () -> ()
    %dma_wait3A_36 = arith.constant 0 : i32
    %dma_wait3A_37 = arith.constant 0 : i32
    %dma_wait3A_38 = tpu.memref_slice %arg5[%dma_wait3A_36, %dma_wait3A_37] : memref<10112x128xf32, #tpu.memory_space<hbm>> -> memref<80x128xf32, #tpu.memory_space<hbm>>
    %dma_wait3A_39 = arith.constant 0 : i32
    %dma_wait3A_40 = arith.constant 0 : i32
    %dma_wait3A_41 = tpu.memref_slice %arg5[%dma_wait3A_39, %dma_wait3A_40] : memref<10112x128xf32, #tpu.memory_space<hbm>> -> memref<80x128xf32, #tpu.memory_space<hbm>>
    tpu.wait_dma2 semaphore(%arg12 : memref<!tpu.dma_semaphore, #tpu.memory_space<semaphore_mem>>) src(%dma_wait3A_41 : memref<80x128xf32, #tpu.memory_space<hbm>>) dst(%arg9 : memref<80x128xf32, #tpu.memory_space<vmem>>)
    %run_scoped3A_42 = arith.constant 124 : i32
    "tpu.region"() ({
      %run_scoped3A_51 = tpu.sem_alloc : memref<!tpu.dma_semaphore, #tpu.memory_space<semaphore_mem>>
      %dma_start3A_52 = arith.constant 0 : i32
      %dma_start3A_53 = tpu.memref_slice %arg8[%run_scoped3A_42, %dma_start3A_52] : memref<125x80xi32, #tpu.memory_space<vmem>> -> memref<1x80xi32, #tpu.memory_space<vmem>>
      %dma_start3A_54 = tpu.memref_squeeze %dma_start3A_53 : memref<1x80xi32, #tpu.memory_space<vmem>> -> memref<80xi32, #tpu.memory_space<vmem>>
      %dma_start3A_55 = arith.constant 0 : i32
      %dma_start3A_56 = arith.constant 0 : i32
      %dma_start3A_57 = tpu.memref_slice %arg11[%dma_start3A_55, %dma_start3A_56] : memref<10112x128xf32, #tpu.memory_space<vmem_shared>> -> memref<10112x128xf32, #tpu.memory_space<vmem_shared>>
      tpu.enqueue_indirect_dma source(%arg9 : memref<80x128xf32, #tpu.memory_space<vmem>>) target(%dma_start3A_57 : memref<10112x128xf32, #tpu.memory_space<vmem_shared>>) offsets(%dma_start3A_54 : memref<80xi32, #tpu.memory_space<vmem>>) semaphore(%run_scoped3A_51 : memref<!tpu.dma_semaphore, #tpu.memory_space<semaphore_mem>>) {add = true}
      %dma_wait3A_58 = arith.constant 0 : i32
      %dma_wait3A_59 = tpu.memref_slice %arg8[%run_scoped3A_42, %dma_wait3A_58] : memref<125x80xi32, #tpu.memory_space<vmem>> -> memref<1x80xi32, #tpu.memory_space<vmem>>
      %dma_wait3A_60 = tpu.memref_squeeze %dma_wait3A_59 : memref<1x80xi32, #tpu.memory_space<vmem>> -> memref<80xi32, #tpu.memory_space<vmem>>
      %dma_wait3A_61 = arith.constant 0 : i32
      %dma_wait3A_62 = arith.constant 0 : i32
      %dma_wait3A_63 = tpu.memref_slice %arg11[%dma_wait3A_61, %dma_wait3A_62] : memref<10112x128xf32, #tpu.memory_space<vmem_shared>> -> memref<10112x128xf32, #tpu.memory_space<vmem_shared>>
      tpu.wait_indirect_dma semaphore(%run_scoped3A_51 : memref<!tpu.dma_semaphore, #tpu.memory_space<semaphore_mem>>) src(%arg9 : memref<80x128xf32, #tpu.memory_space<vmem>>) dst(%dma_wait3A_63 : memref<10112x128xf32, #tpu.memory_space<vmem_shared>>)
      tpu.yield
    }) : () -> ()
    %barrier3A_43 = arith.constant 0 : index
    tpu.barrier barrier_id(%barrier3A_43)
    %mul3A_44 = arith.constant 632 : i32
    %mul3A_45 = arith.muli %arg1, %mul3A_44 : i32
    %mul3A_46 = arith.constant 10112 : i32
    %mul3A_47 = arith.muli %arg0, %mul3A_46 : i32
    %mul3A_48 = arith.constant 632 : i32
    %mul3A_49 = arith.muli %arg1, %mul3A_48 : i32
    %add3A_50 = arith.addi %mul3A_47, %mul3A_49 : i32
    "tpu.region"() ({
      %run_scoped3A_51 = tpu.sem_alloc : memref<!tpu.dma_semaphore, #tpu.memory_space<semaphore_mem>>
      %dma_start3A_52 = arith.constant 0 : i32
      %dma_start3A_53 = tpu.memref_slice %arg6[%add3A_50, %dma_start3A_52] : memref<20224x128xf32, #tpu.memory_space<hbm>> -> memref<632x128xf32, #tpu.memory_space<hbm>>
      %dma_start3A_54 = arith.constant 0 : i32
      %dma_start3A_55 = tpu.memref_slice %arg11[%mul3A_45, %dma_start3A_54] : memref<10112x128xf32, #tpu.memory_space<vmem_shared>> -> memref<632x128xf32, #tpu.memory_space<vmem_shared>>
      tpu.enqueue_dma source(%dma_start3A_55 : memref<632x128xf32, #tpu.memory_space<vmem_shared>>) target(%dma_start3A_53 : memref<632x128xf32, #tpu.memory_space<hbm>>) target_semaphore(%run_scoped3A_51 : memref<!tpu.dma_semaphore, #tpu.memory_space<semaphore_mem>>)
      %dma_wait3A_56 = arith.constant 0 : i32
      %dma_wait3A_57 = tpu.memref_slice %arg6[%add3A_50, %dma_wait3A_56] : memref<20224x128xf32, #tpu.memory_space<hbm>> -> memref<632x128xf32, #tpu.memory_space<hbm>>
      %dma_wait3A_58 = arith.constant 0 : i32
      %dma_wait3A_59 = tpu.memref_slice %arg11[%mul3A_45, %dma_wait3A_58] : memref<10112x128xf32, #tpu.memory_space<vmem_shared>> -> memref<632x128xf32, #tpu.memory_space<vmem_shared>>
      tpu.wait_dma2 semaphore(%run_scoped3A_51 : memref<!tpu.dma_semaphore, #tpu.memory_space<semaphore_mem>>) src(%dma_wait3A_59 : memref<632x128xf32, #tpu.memory_space<vmem_shared>>) dst(%dma_wait3A_57 : memref<632x128xf32, #tpu.memory_space<hbm>>)
      tpu.yield
    }) : () -> ()
    return
  }
}

module attributes {stable_mosaic.version = 14 : i64} {
  func.func @_mm_scale_body(%arg0: i32, %arg1: memref<1000x128xf32, #tpu.memory_space<vmem>>, %arg2: memref<128x128xf32, #tpu.memory_space<vmem>>, %arg3: memref<2x1000x1xf32, #tpu.memory_space<vmem>>, %arg4: memref<1000x128xf32, #tpu.memory_space<vmem>>) attributes {dimension_semantics = [#tpu.dimension_semantics<arbitrary>], iteration_bounds = array<i64: 10>, scalar_prefetch = 0 : i64, scratch_operands = 0 : i64, tpu.core_type = #tpu.core_type<tc>, window_params = [{transform_indices = @transform_0, window_bounds = array<i64: 1000, 128>}, {pipeline_mode = #tpu.pipeline_mode<synchronous>, transform_indices = @transform_1, window_bounds = array<i64: 128, 128>}, {transform_indices = @transform_2, window_bounds = array<i64: 2, 1000, 1>}, {transform_indices = @transform_3, window_bounds = array<i64: 1000, 128>}]} {
    %get3A = arith.constant 0 : index
    %get3A_0 = arith.constant 0 : index
    %get3A_1 = vector.load %arg1[%get3A, %get3A_0] : memref<1000x128xf32, #tpu.memory_space<vmem>>, vector<1000x128xf32>
    %get3A_2 = arith.constant 0 : index
    %get3A_3 = arith.constant 0 : index
    %get3A_4 = vector.load %arg2[%get3A_2, %get3A_3] : memref<128x128xf32, #tpu.memory_space<vmem>>, vector<128x128xf32>
    %dot_general3A = arith.constant dense<0.000000e+00> : vector<1000x128xf32>
    %dot_general3A_5 = tpu.matmul %get3A_1, %get3A_4, %dot_general3A {dimension_numbers = #tpu.dot_dimension_numbers<[1], [0], [0], [1], [0, 0, 1, 1], [], []>, transpose_lhs_hint = false} : vector<1000x128xf32>, vector<128x128xf32>, vector<1000x128xf32> -> vector<1000x128xf32>
    %get3A_6 = arith.constant 0 : index
    %get3A_7 = arith.constant 0 : index
    %get3A_8 = arith.constant 0 : index
    %get3A_9 = vector.load %arg3[%get3A_6, %get3A_7, %get3A_8] : memref<2x1000x1xf32, #tpu.memory_space<vmem>>, vector<1x1000x1xf32>
    %get3A_10 = vector.shape_cast %get3A_9 : vector<1x1000x1xf32> to vector<1000x1xf32>
    %get3A_11 = arith.constant 1 : index
    %get3A_12 = arith.constant 0 : index
    %get3A_13 = arith.constant 0 : index
    %get3A_14 = vector.load %arg3[%get3A_11, %get3A_12, %get3A_13] : memref<2x1000x1xf32, #tpu.memory_space<vmem>>, vector<1x1000x1xf32>
    %get3A_15 = vector.shape_cast %get3A_14 : vector<1x1000x1xf32> to vector<1000x1xf32>
    %add3A = arith.addf %get3A_10, %get3A_15 : vector<1000x1xf32>
    %add3A_16 = arith.constant 1.000000e+00 : f32
    %add3A_17 = vector.broadcast %add3A_16 : f32 to vector<1000x1xf32>
    %add3A_18 = arith.addf %add3A, %add3A_17 : vector<1000x1xf32>
    %rsqrt3A = math.rsqrt %add3A_18 : vector<1000x1xf32>
    %mul3A = vector.broadcast %rsqrt3A : vector<1000x1xf32> to vector<1000x128xf32>
    %mul3A_19 = arith.mulf %mul3A, %dot_general3A_5 : vector<1000x128xf32>
    %swap3A = arith.constant 0 : index
    %swap3A_20 = arith.constant 0 : index
    %swap3A_21 = vector.load %arg4[%swap3A, %swap3A_20] : memref<1000x128xf32, #tpu.memory_space<vmem>>, vector<1000x128xf32>
    tpu.vector_store %arg4[%swap3A, %swap3A_20], %mul3A_19 {strides = array<i32>} : memref<1000x128xf32, #tpu.memory_space<vmem>>, vector<1000x128xf32>,
    return
  }
  func.func @transform_0(%arg0: i32) -> (i32, i32) {
    %c0_i32 = arith.constant 0 : i32
    %c0_i32_0 = arith.constant 0 : i32
    return %arg0, %c0_i32 : i32, i32
  }
  func.func @transform_1(%arg0: i32) -> (i32, i32) {
    %c0_i32 = arith.constant 0 : i32
    %c0_i32_0 = arith.constant 0 : i32
    %c0_i32_1 = arith.constant 0 : i32
    return %c0_i32, %c0_i32_0 : i32, i32
  }
  func.func @transform_2(%arg0: i32) -> (i32, i32, i32) {
    %c0_i32 = arith.constant 0 : i32
    %c0_i32_0 = arith.constant 0 : i32
    %c0_i32_1 = arith.constant 0 : i32
    return %c0_i32, %arg0, %c0_i32_0 : i32, i32, i32
  }
  func.func @transform_3(%arg0: i32) -> (i32, i32) {
    %c0_i32 = arith.constant 0 : i32
    %c0_i32_0 = arith.constant 0 : i32
    return %arg0, %c0_i32 : i32, i32
  }
}

module attributes {stable_mosaic.version = 14 : i64} {
  func.func @_layer_mid_body(%arg0: i32, %arg1: memref<2x1000x128xf32, #tpu.memory_space<vmem>>, %arg2: memref<1000x128xf32, #tpu.memory_space<vmem>>, %arg3: memref<2x1000x1xf32, #tpu.memory_space<vmem>>, %arg4: memref<1x128xf32, #tpu.memory_space<vmem>>, %arg5: memref<128x128xf32, #tpu.memory_space<vmem>>, %arg6: memref<1000x128xf32, #tpu.memory_space<vmem>>) attributes {dimension_semantics = [#tpu.dimension_semantics<arbitrary>], iteration_bounds = array<i64: 10>, scalar_prefetch = 0 : i64, scratch_operands = 0 : i64, tpu.core_type = #tpu.core_type<tc>, window_params = [{transform_indices = @transform_0, window_bounds = array<i64: 2, 1000, 128>}, {transform_indices = @transform_1, window_bounds = array<i64: 1000, 128>}, {transform_indices = @transform_2, window_bounds = array<i64: 2, 1000, 1>}, {pipeline_mode = #tpu.pipeline_mode<synchronous>, transform_indices = @transform_3, window_bounds = array<i64: 1, 128>}, {pipeline_mode = #tpu.pipeline_mode<synchronous>, transform_indices = @transform_4, window_bounds = array<i64: 128, 128>}, {transform_indices = @transform_5, window_bounds = array<i64: 1000, 128>}]} {
    %get3A = arith.constant 0 : index
    %get3A_0 = arith.constant 0 : index
    %get3A_1 = arith.constant 0 : index
    %get3A_2 = vector.load %arg3[%get3A, %get3A_0, %get3A_1] : memref<2x1000x1xf32, #tpu.memory_space<vmem>>, vector<1x1000x1xf32>
    %get3A_3 = vector.shape_cast %get3A_2 : vector<1x1000x1xf32> to vector<1000x1xf32>
    %get3A_4 = arith.constant 1 : index
    %get3A_5 = arith.constant 0 : index
    %get3A_6 = arith.constant 0 : index
    %get3A_7 = vector.load %arg3[%get3A_4, %get3A_5, %get3A_6] : memref<2x1000x1xf32, #tpu.memory_space<vmem>>, vector<1x1000x1xf32>
    %get3A_8 = vector.shape_cast %get3A_7 : vector<1x1000x1xf32> to vector<1000x1xf32>
    %add3A = arith.addf %get3A_3, %get3A_8 : vector<1000x1xf32>
    %add3A_9 = arith.constant 1.000000e+00 : f32
    %add3A_10 = vector.broadcast %add3A_9 : f32 to vector<1000x1xf32>
    %add3A_11 = arith.addf %add3A, %add3A_10 : vector<1000x1xf32>
    %rsqrt3A = math.rsqrt %add3A_11 : vector<1000x1xf32>
    %get3A_12 = arith.constant 0 : index
    %get3A_13 = arith.constant 0 : index
    %get3A_14 = arith.constant 0 : index
    %get3A_15 = vector.load %arg1[%get3A_12, %get3A_13, %get3A_14] : memref<2x1000x128xf32, #tpu.memory_space<vmem>>, vector<1x1000x128xf32>
    %get3A_16 = vector.shape_cast %get3A_15 : vector<1x1000x128xf32> to vector<1000x128xf32>
    %get3A_17 = arith.constant 1 : index
    %get3A_18 = arith.constant 0 : index
    %get3A_19 = arith.constant 0 : index
    %get3A_20 = vector.load %arg1[%get3A_17, %get3A_18, %get3A_19] : memref<2x1000x128xf32, #tpu.memory_space<vmem>>, vector<1x1000x128xf32>
    %get3A_21 = vector.shape_cast %get3A_20 : vector<1x1000x128xf32> to vector<1000x128xf32>
    %add3A_22 = arith.addf %get3A_16, %get3A_21 : vector<1000x128xf32>
    %get3A_23 = arith.constant 0 : index
    %get3A_24 = arith.constant 0 : index
    %get3A_25 = vector.load %arg2[%get3A_23, %get3A_24] : memref<1000x128xf32, #tpu.memory_space<vmem>>, vector<1000x128xf32>
    %add3A_26 = arith.addf %add3A_22, %get3A_25 : vector<1000x128xf32>
    %mul3A = vector.broadcast %rsqrt3A : vector<1000x1xf32> to vector<1000x128xf32>
    %mul3A_27 = arith.mulf %mul3A, %add3A_26 : vector<1000x128xf32>
    %get3A_28 = arith.constant 0 : index
    %get3A_29 = arith.constant 0 : index
    %get3A_30 = vector.load %arg4[%get3A_28, %get3A_29] : memref<1x128xf32, #tpu.memory_space<vmem>>, vector<1x128xf32>
    %add3A_31 = vector.broadcast %get3A_30 : vector<1x128xf32> to vector<1000x128xf32>
    %add3A_32 = arith.addf %mul3A_27, %add3A_31 : vector<1000x128xf32>
    %get3A_33 = arith.constant 0 : index
    %get3A_34 = arith.constant 0 : index
    %get3A_35 = vector.load %arg5[%get3A_33, %get3A_34] : memref<128x128xf32, #tpu.memory_space<vmem>>, vector<128x128xf32>
    %dot_general3A = arith.constant dense<0.000000e+00> : vector<1000x128xf32>
    %dot_general3A_36 = tpu.matmul %add3A_32, %get3A_35, %dot_general3A {dimension_numbers = #tpu.dot_dimension_numbers<[1], [0], [0], [1], [0, 0, 1, 1], [], []>, transpose_lhs_hint = false} : vector<1000x128xf32>, vector<128x128xf32>, vector<1000x128xf32> -> vector<1000x128xf32>
    %mul3A_37 = vector.broadcast %rsqrt3A : vector<1000x1xf32> to vector<1000x128xf32>
    %mul3A_38 = arith.mulf %mul3A_37, %dot_general3A_36 : vector<1000x128xf32>
    %swap3A = arith.constant 0 : index
    %swap3A_39 = arith.constant 0 : index
    %swap3A_40 = vector.load %arg6[%swap3A, %swap3A_39] : memref<1000x128xf32, #tpu.memory_space<vmem>>, vector<1000x128xf32>
    tpu.vector_store %arg6[%swap3A, %swap3A_39], %mul3A_38 {strides = array<i32>} : memref<1000x128xf32, #tpu.memory_space<vmem>>, vector<1000x128xf32>,
    return
  }
  func.func @transform_0(%arg0: i32) -> (i32, i32, i32) {
    %c0_i32 = arith.constant 0 : i32
    %c0_i32_0 = arith.constant 0 : i32
    %c0_i32_1 = arith.constant 0 : i32
    return %c0_i32, %arg0, %c0_i32_0 : i32, i32, i32
  }
  func.func @transform_1(%arg0: i32) -> (i32, i32) {
    %c0_i32 = arith.constant 0 : i32
    %c0_i32_0 = arith.constant 0 : i32
    return %arg0, %c0_i32 : i32, i32
  }
  func.func @transform_2(%arg0: i32) -> (i32, i32, i32) {
    %c0_i32 = arith.constant 0 : i32
    %c0_i32_0 = arith.constant 0 : i32
    %c0_i32_1 = arith.constant 0 : i32
    return %c0_i32, %arg0, %c0_i32_0 : i32, i32, i32
  }
  func.func @transform_3(%arg0: i32) -> (i32, i32) {
    %c0_i32 = arith.constant 0 : i32
    %c0_i32_0 = arith.constant 0 : i32
    %c0_i32_1 = arith.constant 0 : i32
    return %c0_i32, %c0_i32_0 : i32, i32
  }
  func.func @transform_4(%arg0: i32) -> (i32, i32) {
    %c0_i32 = arith.constant 0 : i32
    %c0_i32_0 = arith.constant 0 : i32
    %c0_i32_1 = arith.constant 0 : i32
    return %c0_i32, %c0_i32_0 : i32, i32
  }
  func.func @transform_5(%arg0: i32) -> (i32, i32) {
    %c0_i32 = arith.constant 0 : i32
    %c0_i32_0 = arith.constant 0 : i32
    return %arg0, %c0_i32 : i32, i32
  }
}

module attributes {stable_mosaic.version = 14 : i64} {
  func.func @_pool_body(%arg0: i32, %arg1: memref<2x1000x128xf32, #tpu.memory_space<vmem>>, %arg2: memref<1000x128xf32, #tpu.memory_space<vmem>>, %arg3: memref<2x1000x1xf32, #tpu.memory_space<vmem>>, %arg4: memref<1x128xf32, #tpu.memory_space<vmem>>, %arg5: memref<1000x1xi32, #tpu.memory_space<vmem>>, %arg6: memref<64x256xf32, #tpu.memory_space<vmem>>, %arg7: memref<64x128xf32, #tpu.memory_space<vmem>>, %arg8: memref<64x128xf32, #tpu.memory_space<vmem>>, %arg9: memref<64x1xf32, #tpu.memory_space<vmem>>) attributes {dimension_semantics = [#tpu.dimension_semantics<arbitrary>], iteration_bounds = array<i64: 10>, scalar_prefetch = 0 : i64, scratch_operands = 3 : i64, tpu.core_type = #tpu.core_type<tc>, window_params = [{transform_indices = @transform_0, window_bounds = array<i64: 2, 1000, 128>}, {transform_indices = @transform_1, window_bounds = array<i64: 1000, 128>}, {transform_indices = @transform_2, window_bounds = array<i64: 2, 1000, 1>}, {pipeline_mode = #tpu.pipeline_mode<synchronous>, transform_indices = @transform_3, window_bounds = array<i64: 1, 128>}, {transform_indices = @transform_4, window_bounds = array<i64: 1000, 1>}, {pipeline_mode = #tpu.pipeline_mode<synchronous>, transform_indices = @transform_5, window_bounds = array<i64: 64, 256>}]} {
    %eq3A = arith.constant 0 : i32
    %eq3A_0 = arith.cmpi eq, %arg0, %eq3A : i32
    %convert_element_type3A = arith.extui %eq3A_0 : i1 to i32
    %cond3A = arith.constant 0 : i32
    %cond3A_1 = arith.cmpi ne, %convert_element_type3A, %cond3A : i32
    scf.if %cond3A_1 {
      %broadcast_in_dim3A_582 = arith.constant 0xFF800000 : f32
      %broadcast_in_dim3A_583 = vector.broadcast %broadcast_in_dim3A_582 : f32 to vector<64x128xf32>
      %swap3A_584 = arith.constant 0 : index
      %swap3A_585 = arith.constant 0 : index
      %swap3A_586 = vector.load %arg7[%swap3A_584, %swap3A_585] : memref<64x128xf32, #tpu.memory_space<vmem>>, vector<64x128xf32>
      tpu.vector_store %arg7[%swap3A_584, %swap3A_585], %broadcast_in_dim3A_583 {strides = array<i32>} : memref<64x128xf32, #tpu.memory_space<vmem>>, vector<64x128xf32>,
      %broadcast_in_dim3A_587 = arith.constant 0.000000e+00 : f32
      %broadcast_in_dim3A_588 = vector.broadcast %broadcast_in_dim3A_587 : f32 to vector<64x128xf32>
      %swap3A_589 = arith.constant 0 : index
      %swap3A_590 = arith.constant 0 : index
      %swap3A_591 = vector.load %arg8[%swap3A_589, %swap3A_590] : memref<64x128xf32, #tpu.memory_space<vmem>>, vector<64x128xf32>
      tpu.vector_store %arg8[%swap3A_589, %swap3A_590], %broadcast_in_dim3A_588 {strides = array<i32>} : memref<64x128xf32, #tpu.memory_space<vmem>>, vector<64x128xf32>,
      %broadcast_in_dim3A_592 = arith.constant 0.000000e+00 : f32
      %broadcast_in_dim3A_593 = vector.broadcast %broadcast_in_dim3A_592 : f32 to vector<64x1xf32>
      %swap3A_594 = arith.constant 0 : index
      %swap3A_595 = arith.constant 0 : index
      %swap3A_596 = vector.load %arg9[%swap3A_594, %swap3A_595] : memref<64x1xf32, #tpu.memory_space<vmem>>, vector<64x1xf32>
      tpu.vector_store %arg9[%swap3A_594, %swap3A_595], %broadcast_in_dim3A_593 {strides = array<i32>} : memref<64x1xf32, #tpu.memory_space<vmem>>, vector<64x1xf32>,
    } else {
    }
    %get3A = arith.constant 0 : index
    %get3A_2 = arith.constant 0 : index
    %get3A_3 = arith.constant 0 : index
    %get3A_4 = vector.load %arg3[%get3A, %get3A_2, %get3A_3] : memref<2x1000x1xf32, #tpu.memory_space<vmem>>, vector<1x1000x1xf32>
    %get3A_5 = vector.shape_cast %get3A_4 : vector<1x1000x1xf32> to vector<1000x1xf32>
    %get3A_6 = arith.constant 1 : index
    %get3A_7 = arith.constant 0 : index
    %get3A_8 = arith.constant 0 : index
    %get3A_9 = vector.load %arg3[%get3A_6, %get3A_7, %get3A_8] : memref<2x1000x1xf32, #tpu.memory_space<vmem>>, vector<1x1000x1xf32>
    %get3A_10 = vector.shape_cast %get3A_9 : vector<1x1000x1xf32> to vector<1000x1xf32>
    %add3A = arith.addf %get3A_5, %get3A_10 : vector<1000x1xf32>
    %add3A_11 = arith.constant 1.000000e+00 : f32
    %add3A_12 = vector.broadcast %add3A_11 : f32 to vector<1000x1xf32>
    %add3A_13 = arith.addf %add3A, %add3A_12 : vector<1000x1xf32>
    %rsqrt3A = math.rsqrt %add3A_13 : vector<1000x1xf32>
    %get3A_14 = arith.constant 0 : index
    %get3A_15 = arith.constant 0 : index
    %get3A_16 = arith.constant 0 : index
    %get3A_17 = vector.load %arg1[%get3A_14, %get3A_15, %get3A_16] : memref<2x1000x128xf32, #tpu.memory_space<vmem>>, vector<1x1000x128xf32>
    %get3A_18 = vector.shape_cast %get3A_17 : vector<1x1000x128xf32> to vector<1000x128xf32>
    %get3A_19 = arith.constant 1 : index
    %get3A_20 = arith.constant 0 : index
    %get3A_21 = arith.constant 0 : index
    %get3A_22 = vector.load %arg1[%get3A_19, %get3A_20, %get3A_21] : memref<2x1000x128xf32, #tpu.memory_space<vmem>>, vector<1x1000x128xf32>
    %get3A_23 = vector.shape_cast %get3A_22 : vector<1x1000x128xf32> to vector<1000x128xf32>
    %add3A_24 = arith.addf %get3A_18, %get3A_23 : vector<1000x128xf32>
    %get3A_25 = arith.constant 0 : index
    %get3A_26 = arith.constant 0 : index
    %get3A_27 = vector.load %arg2[%get3A_25, %get3A_26] : memref<1000x128xf32, #tpu.memory_space<vmem>>, vector<1000x128xf32>
    %add3A_28 = arith.addf %add3A_24, %get3A_27 : vector<1000x128xf32>
    %mul3A = vector.broadcast %rsqrt3A : vector<1000x1xf32> to vector<1000x128xf32>
    %mul3A_29 = arith.mulf %mul3A, %add3A_28 : vector<1000x128xf32>
    %get3A_30 = arith.constant 0 : index
    %get3A_31 = arith.constant 0 : index
    %get3A_32 = vector.load %arg4[%get3A_30, %get3A_31] : memref<1x128xf32, #tpu.memory_space<vmem>>, vector<1x128xf32>
    %add3A_33 = vector.broadcast %get3A_32 : vector<1x128xf32> to vector<1000x128xf32>
    %add3A_34 = arith.addf %mul3A_29, %add3A_33 : vector<1000x128xf32>
    %get3A_35 = arith.constant 0 : index
    %get3A_36 = arith.constant 0 : index
    %get3A_37 = vector.load %arg5[%get3A_35, %get3A_36] : memref<1000x1xi32, #tpu.memory_space<vmem>>, vector<1000x1xi32>
    %iota3A = tpu.iota {dimensions = array<i32: 1>} : vector<1x64xi32>
    %eq3A_38 = vector.broadcast %get3A_37 : vector<1000x1xi32> to vector<1000x64xi32>
    %eq3A_39 = vector.broadcast %iota3A : vector<1x64xi32> to vector<1000x64xi32>
    %eq3A_40 = arith.cmpi eq, %eq3A_38, %eq3A_39 : vector<1000x64xi32>
    %convert_element_type3A_41 = arith.extui %eq3A_40 : vector<1000x64xi1> to vector<1000x64xi32>
    %convert_element_type3A_42 = arith.sitofp %convert_element_type3A_41 : vector<1000x64xi32> to vector<1000x64xf32>
    %get3A_43 = arith.constant 0 : index
    %get3A_44 = arith.constant 0 : index
    %get3A_45 = vector.load %arg8[%get3A_43, %get3A_44] : memref<64x128xf32, #tpu.memory_space<vmem>>, vector<64x128xf32>
    %dot_general3A = arith.constant dense<0.000000e+00> : vector<64x128xf32>
    %dot_general3A_46 = tpu.matmul %convert_element_type3A_42, %add3A_34, %dot_general3A {dimension_numbers = #tpu.dot_dimension_numbers<[0], [0], [1], [1], [0, 1, 1, 1], [], []>, transpose_lhs_hint = false} : vector<1000x64xf32>, vector<1000x128xf32>, vector<64x128xf32> -> vector<64x128xf32>
    %add3A_47 = arith.addf %get3A_45, %dot_general3A_46 : vector<64x128xf32>
    %swap3A = arith.constant 0 : index
    %swap3A_48 = arith.constant 0 : index
    %swap3A_49 = vector.load %arg8[%swap3A, %swap3A_48] : memref<64x128xf32, #tpu.memory_space<vmem>>, vector<64x128xf32>
    tpu.vector_store %arg8[%swap3A, %swap3A_48], %add3A_47 {strides = array<i32>} : memref<64x128xf32, #tpu.memory_space<vmem>>, vector<64x128xf32>,
    %get3A_50 = arith.constant 0 : index
    %get3A_51 = arith.constant 0 : index
    %get3A_52 = vector.load %arg9[%get3A_50, %get3A_51] : memref<64x1xf32, #tpu.memory_space<vmem>>, vector<64x1xf32>
    %broadcast_in_dim3A = arith.constant 1.000000e+00 : f32
    %broadcast_in_dim3A_53 = vector.broadcast %broadcast_in_dim3A : f32 to vector<1000x1xf32>
    %dot_general3A_54 = arith.constant dense<0.000000e+00> : vector<64x1xf32>
    %dot_general3A_55 = tpu.matmul %convert_element_type3A_42, %broadcast_in_dim3A_53, %dot_general3A_54 {dimension_numbers = #tpu.dot_dimension_numbers<[0], [0], [1], [1], [0, 1, 1, 1], [], []>, transpose_lhs_hint = false} : vector<1000x64xf32>, vector<1000x1xf32>, vector<64x1xf32> -> vector<64x1xf32>
    %add3A_56 = arith.addf %get3A_52, %dot_general3A_55 : vector<64x1xf32>
    %swap3A_57 = arith.constant 0 : index
    %swap3A_58 = arith.constant 0 : index
    %swap3A_59 = vector.load %arg9[%swap3A_57, %swap3A_58] : memref<64x1xf32, #tpu.memory_space<vmem>>, vector<64x1xf32>
    tpu.vector_store %arg9[%swap3A_57, %swap3A_58], %add3A_56 {strides = array<i32>} : memref<64x1xf32, #tpu.memory_space<vmem>>, vector<64x1xf32>,
    %reduce_min3A = vector.shape_cast %get3A_37 : vector<1000x1xi32> to vector<1x1000x1xi32>
    %reduce_min3A_60 = arith.constant dense<2147483647> : vector<1xi32>
    %reduce_min3A_61 = vector.multi_reduction <minsi>, %reduce_min3A, %reduce_min3A_60 [1, 2] : vector<1x1000x1xi32> to vector<1xi32>
    %reduce_min3A_62 = vector.shape_cast %reduce_min3A_61 : vector<1xi32> to vector<1x1x1xi32>
    %reduce_min3A_63 = vector.extract %reduce_min3A_62[0, 0, 0] : i32 from vector<1x1x1xi32>
    %reduce_max3A = vector.shape_cast %get3A_37 : vector<1000x1xi32> to vector<1x1000x1xi32>
    %reduce_max3A_64 = arith.constant dense<-2147483648> : vector<1xi32>
    %reduce_max3A_65 = vector.multi_reduction <maxsi>, %reduce_max3A, %reduce_max3A_64 [1, 2] : vector<1x1000x1xi32> to vector<1xi32>
    %reduce_max3A_66 = vector.shape_cast %reduce_max3A_65 : vector<1xi32> to vector<1x1x1xi32>
    %reduce_max3A_67 = vector.extract %reduce_max3A_66[0, 0, 0] : i32 from vector<1x1x1xi32>
    %le3A = arith.constant 0 : i32
    %le3A_68 = arith.cmpi sle, %reduce_min3A_63, %le3A : i32
    %ge3A = arith.constant 0 : i32
    %ge3A_69 = arith.cmpi sge, %reduce_max3A_67, %ge3A : i32
    %and3A = arith.andi %le3A_68, %ge3A_69 : i1
    %convert_element_type3A_70 = arith.extui %and3A : i1 to i32
    %cond3A_71 = arith.constant 0 : i32
    %cond3A_72 = arith.cmpi ne, %convert_element_type3A_70, %cond3A_71 : i32
    scf.if %cond3A_72 {
      %eq3A_582 = arith.constant 0 : i32
      %eq3A_583 = vector.broadcast %eq3A_582 : i32 to vector<1000x1xi32>
      %eq3A_584 = arith.cmpi eq, %get3A_37, %eq3A_583 : vector<1000x1xi32>
      %jit3A = arith.constant 0xFF800000 : f32
      %broadcast_in_dim3A_585 = vector.shape_cast %eq3A_584 : vector<1000x1xi1> to vector<1000x1xi1>
      %broadcast_in_dim3A_586 = vector.broadcast %broadcast_in_dim3A_585 : vector<1000x1xi1> to vector<1000x128xi1>
      %broadcast_in_dim3A_587 = vector.broadcast %jit3A : f32 to vector<1000x128xf32>
      %select_n3A = arith.select %broadcast_in_dim3A_586, %add3A_34, %broadcast_in_dim3A_587 : vector<1000x128xi1>, vector<1000x128xf32>
      %get3A_588 = arith.constant 0 : index
      %get3A_589 = arith.constant 0 : index
      %get3A_590 = vector.load %arg7[%get3A_588, %get3A_589] : memref<64x128xf32, #tpu.memory_space<vmem>>, vector<1x128xf32>
      %get3A_591 = vector.shape_cast %get3A_590 : vector<1x128xf32> to vector<128xf32>
      %reduce_max3A_592 = arith.constant dense<0xFF800000> : vector<128xf32>
      %reduce_max3A_593 = vector.multi_reduction <maximumf>, %select_n3A, %reduce_max3A_592 [0] : vector<1000x128xf32> to vector<128xf32>
      %max3A = arith.maximumf %get3A_591, %reduce_max3A_593 : vector<128xf32>
      %swap3A_594 = arith.constant 0 : index
      %swap3A_595 = arith.constant 0 : index
      %swap3A_596 = vector.load %arg7[%swap3A_594, %swap3A_595] : memref<64x128xf32, #tpu.memory_space<vmem>>, vector<1x128xf32>
      %swap3A_597 = vector.shape_cast %swap3A_596 : vector<1x128xf32> to vector<128xf32>
      %swap3A_598 = vector.shape_cast %max3A : vector<128xf32> to vector<1x128xf32>
      tpu.vector_store %arg7[%swap3A_594, %swap3A_595], %swap3A_598 {strides = array<i32>} : memref<64x128xf32, #tpu.memory_space<vmem>>, vector<1x128xf32>,
    } else {
    }
    %le3A_73 = arith.constant 1 : i32
    %le3A_74 = arith.cmpi sle, %reduce_min3A_63, %le3A_73 : i32
    %ge3A_75 = arith.constant 1 : i32
    %ge3A_76 = arith.cmpi sge, %reduce_max3A_67, %ge3A_75 : i32
    %and3A_77 = arith.andi %le3A_74, %ge3A_76 : i1
    %convert_element_type3A_78 = arith.extui %and3A_77 : i1 to i32
    %cond3A_79 = arith.constant 0 : i32
    %cond3A_80 = arith.cmpi ne, %convert_element_type3A_78, %cond3A_79 : i32
    scf.if %cond3A_80 {
      %eq3A_582 = arith.constant 1 : i32
      %eq3A_583 = vector.broadcast %eq3A_582 : i32 to vector<1000x1xi32>
      %eq3A_584 = arith.cmpi eq, %get3A_37, %eq3A_583 : vector<1000x1xi32>
      %jit3A = arith.constant 0xFF800000 : f32
      %broadcast_in_dim3A_585 = vector.shape_cast %eq3A_584 : vector<1000x1xi1> to vector<1000x1xi1>
      %broadcast_in_dim3A_586 = vector.broadcast %broadcast_in_dim3A_585 : vector<1000x1xi1> to vector<1000x128xi1>
      %broadcast_in_dim3A_587 = vector.broadcast %jit3A : f32 to vector<1000x128xf32>
      %select_n3A = arith.select %broadcast_in_dim3A_586, %add3A_34, %broadcast_in_dim3A_587 : vector<1000x128xi1>, vector<1000x128xf32>
      %get3A_588 = arith.constant 1 : index
      %get3A_589 = arith.constant 0 : index
      %get3A_590 = vector.load %arg7[%get3A_588, %get3A_589] : memref<64x128xf32, #tpu.memory_space<vmem>>, vector<1x128xf32>
      %get3A_591 = vector.shape_cast %get3A_590 : vector<1x128xf32> to vector<128xf32>
      %reduce_max3A_592 = arith.constant dense<0xFF800000> : vector<128xf32>
      %reduce_max3A_593 = vector.multi_reduction <maximumf>, %select_n3A, %reduce_max3A_592 [0] : vector<1000x128xf32> to vector<128xf32>
      %max3A = arith.maximumf %get3A_591, %reduce_max3A_593 : vector<128xf32>
      %swap3A_594 = arith.constant 1 : index
      %swap3A_595 = arith.constant 0 : index
      %swap3A_596 = vector.load %arg7[%swap3A_594, %swap3A_595] : memref<64x128xf32, #tpu.memory_space<vmem>>, vector<1x128xf32>
      %swap3A_597 = vector.shape_cast %swap3A_596 : vector<1x128xf32> to vector<128xf32>
      %swap3A_598 = vector.shape_cast %max3A : vector<128xf32> to vector<1x128xf32>
      tpu.vector_store %arg7[%swap3A_594, %swap3A_595], %swap3A_598 {strides = array<i32>} : memref<64x128xf32, #tpu.memory_space<vmem>>, vector<1x128xf32>,
    } else {
    }
    %le3A_81 = arith.constant 2 : i32
    %le3A_82 = arith.cmpi sle, %reduce_min3A_63, %le3A_81 : i32
    %ge3A_83 = arith.constant 2 : i32
    %ge3A_84 = arith.cmpi sge, %reduce_max3A_67, %ge3A_83 : i32
    %and3A_85 = arith.andi %le3A_82, %ge3A_84 : i1
    %convert_element_type3A_86 = arith.extui %and3A_85 : i1 to i32
    %cond3A_87 = arith.constant 0 : i32
    %cond3A_88 = arith.cmpi ne, %convert_element_type3A_86, %cond3A_87 : i32
    scf.if %cond3A_88 {
      %eq3A_582 = arith.constant 2 : i32
      %eq3A_583 = vector.broadcast %eq3A_582 : i32 to vector<1000x1xi32>
      %eq3A_584 = arith.cmpi eq, %get3A_37, %eq3A_583 : vector<1000x1xi32>
      %jit3A = arith.constant 0xFF800000 : f32
      %broadcast_in_dim3A_585 = vector.shape_cast %eq3A_584 : vector<1000x1xi1> to vector<1000x1xi1>
      %broadcast_in_dim3A_586 = vector.broadcast %broadcast_in_dim3A_585 : vector<1000x1xi1> to vector<1000x128xi1>
      %broadcast_in_dim3A_587 = vector.broadcast %jit3A : f32 to vector<1000x128xf32>
      %select_n3A = arith.select %broadcast_in_dim3A_586, %add3A_34, %broadcast_in_dim3A_587 : vector<1000x128xi1>, vector<1000x128xf32>
      %get3A_588 = arith.constant 2 : index
      %get3A_589 = arith.constant 0 : index
      %get3A_590 = vector.load %arg7[%get3A_588, %get3A_589] : memref<64x128xf32, #tpu.memory_space<vmem>>, vector<1x128xf32>
      %get3A_591 = vector.shape_cast %get3A_590 : vector<1x128xf32> to vector<128xf32>
      %reduce_max3A_592 = arith.constant dense<0xFF800000> : vector<128xf32>
      %reduce_max3A_593 = vector.multi_reduction <maximumf>, %select_n3A, %reduce_max3A_592 [0] : vector<1000x128xf32> to vector<128xf32>
      %max3A = arith.maximumf %get3A_591, %reduce_max3A_593 : vector<128xf32>
      %swap3A_594 = arith.constant 2 : index
      %swap3A_595 = arith.constant 0 : index
      %swap3A_596 = vector.load %arg7[%swap3A_594, %swap3A_595] : memref<64x128xf32, #tpu.memory_space<vmem>>, vector<1x128xf32>
      %swap3A_597 = vector.shape_cast %swap3A_596 : vector<1x128xf32> to vector<128xf32>
      %swap3A_598 = vector.shape_cast %max3A : vector<128xf32> to vector<1x128xf32>
      tpu.vector_store %arg7[%swap3A_594, %swap3A_595], %swap3A_598 {strides = array<i32>} : memref<64x128xf32, #tpu.memory_space<vmem>>, vector<1x128xf32>,
    } else {
    }
    %le3A_89 = arith.constant 3 : i32
    %le3A_90 = arith.cmpi sle, %reduce_min3A_63, %le3A_89 : i32
    %ge3A_91 = arith.constant 3 : i32
    %ge3A_92 = arith.cmpi sge, %reduce_max3A_67, %ge3A_91 : i32
    %and3A_93 = arith.andi %le3A_90, %ge3A_92 : i1
    %convert_element_type3A_94 = arith.extui %and3A_93 : i1 to i32
    %cond3A_95 = arith.constant 0 : i32
    %cond3A_96 = arith.cmpi ne, %convert_element_type3A_94, %cond3A_95 : i32
    scf.if %cond3A_96 {
      %eq3A_582 = arith.constant 3 : i32
      %eq3A_583 = vector.broadcast %eq3A_582 : i32 to vector<1000x1xi32>
      %eq3A_584 = arith.cmpi eq, %get3A_37, %eq3A_583 : vector<1000x1xi32>
      %jit3A = arith.constant 0xFF800000 : f32
      %broadcast_in_dim3A_585 = vector.shape_cast %eq3A_584 : vector<1000x1xi1> to vector<1000x1xi1>
      %broadcast_in_dim3A_586 = vector.broadcast %broadcast_in_dim3A_585 : vector<1000x1xi1> to vector<1000x128xi1>
      %broadcast_in_dim3A_587 = vector.broadcast %jit3A : f32 to vector<1000x128xf32>
      %select_n3A = arith.select %broadcast_in_dim3A_586, %add3A_34, %broadcast_in_dim3A_587 : vector<1000x128xi1>, vector<1000x128xf32>
      %get3A_588 = arith.constant 3 : index
      %get3A_589 = arith.constant 0 : index
      %get3A_590 = vector.load %arg7[%get3A_588, %get3A_589] : memref<64x128xf32, #tpu.memory_space<vmem>>, vector<1x128xf32>
      %get3A_591 = vector.shape_cast %get3A_590 : vector<1x128xf32> to vector<128xf32>
      %reduce_max3A_592 = arith.constant dense<0xFF800000> : vector<128xf32>
      %reduce_max3A_593 = vector.multi_reduction <maximumf>, %select_n3A, %reduce_max3A_592 [0] : vector<1000x128xf32> to vector<128xf32>
      %max3A = arith.maximumf %get3A_591, %reduce_max3A_593 : vector<128xf32>
      %swap3A_594 = arith.constant 3 : index
      %swap3A_595 = arith.constant 0 : index
      %swap3A_596 = vector.load %arg7[%swap3A_594, %swap3A_595] : memref<64x128xf32, #tpu.memory_space<vmem>>, vector<1x128xf32>
      %swap3A_597 = vector.shape_cast %swap3A_596 : vector<1x128xf32> to vector<128xf32>
      %swap3A_598 = vector.shape_cast %max3A : vector<128xf32> to vector<1x128xf32>
      tpu.vector_store %arg7[%swap3A_594, %swap3A_595], %swap3A_598 {strides = array<i32>} : memref<64x128xf32, #tpu.memory_space<vmem>>, vector<1x128xf32>,
    } else {
    }
    %le3A_97 = arith.constant 4 : i32
    %le3A_98 = arith.cmpi sle, %reduce_min3A_63, %le3A_97 : i32
    %ge3A_99 = arith.constant 4 : i32
    %ge3A_100 = arith.cmpi sge, %reduce_max3A_67, %ge3A_99 : i32
    %and3A_101 = arith.andi %le3A_98, %ge3A_100 : i1
    %convert_element_type3A_102 = arith.extui %and3A_101 : i1 to i32
    %cond3A_103 = arith.constant 0 : i32
    %cond3A_104 = arith.cmpi ne, %convert_element_type3A_102, %cond3A_103 : i32
    scf.if %cond3A_104 {
      %eq3A_582 = arith.constant 4 : i32
      %eq3A_583 = vector.broadcast %eq3A_582 : i32 to vector<1000x1xi32>
      %eq3A_584 = arith.cmpi eq, %get3A_37, %eq3A_583 : vector<1000x1xi32>
      %jit3A = arith.constant 0xFF800000 : f32
      %broadcast_in_dim3A_585 = vector.shape_cast %eq3A_584 : vector<1000x1xi1> to vector<1000x1xi1>
      %broadcast_in_dim3A_586 = vector.broadcast %broadcast_in_dim3A_585 : vector<1000x1xi1> to vector<1000x128xi1>
      %broadcast_in_dim3A_587 = vector.broadcast %jit3A : f32 to vector<1000x128xf32>
      %select_n3A = arith.select %broadcast_in_dim3A_586, %add3A_34, %broadcast_in_dim3A_587 : vector<1000x128xi1>, vector<1000x128xf32>
      %get3A_588 = arith.constant 4 : index
      %get3A_589 = arith.constant 0 : index
      %get3A_590 = vector.load %arg7[%get3A_588, %get3A_589] : memref<64x128xf32, #tpu.memory_space<vmem>>, vector<1x128xf32>
      %get3A_591 = vector.shape_cast %get3A_590 : vector<1x128xf32> to vector<128xf32>
      %reduce_max3A_592 = arith.constant dense<0xFF800000> : vector<128xf32>
      %reduce_max3A_593 = vector.multi_reduction <maximumf>, %select_n3A, %reduce_max3A_592 [0] : vector<1000x128xf32> to vector<128xf32>
      %max3A = arith.maximumf %get3A_591, %reduce_max3A_593 : vector<128xf32>
      %swap3A_594 = arith.constant 4 : index
      %swap3A_595 = arith.constant 0 : index
      %swap3A_596 = vector.load %arg7[%swap3A_594, %swap3A_595] : memref<64x128xf32, #tpu.memory_space<vmem>>, vector<1x128xf32>
      %swap3A_597 = vector.shape_cast %swap3A_596 : vector<1x128xf32> to vector<128xf32>
      %swap3A_598 = vector.shape_cast %max3A : vector<128xf32> to vector<1x128xf32>
      tpu.vector_store %arg7[%swap3A_594, %swap3A_595], %swap3A_598 {strides = array<i32>} : memref<64x128xf32, #tpu.memory_space<vmem>>, vector<1x128xf32>,
    } else {
    }
    %le3A_105 = arith.constant 5 : i32
    %le3A_106 = arith.cmpi sle, %reduce_min3A_63, %le3A_105 : i32
    %ge3A_107 = arith.constant 5 : i32
    %ge3A_108 = arith.cmpi sge, %reduce_max3A_67, %ge3A_107 : i32
    %and3A_109 = arith.andi %le3A_106, %ge3A_108 : i1
    %convert_element_type3A_110 = arith.extui %and3A_109 : i1 to i32
    %cond3A_111 = arith.constant 0 : i32
    %cond3A_112 = arith.cmpi ne, %convert_element_type3A_110, %cond3A_111 : i32
    scf.if %cond3A_112 {
      %eq3A_582 = arith.constant 5 : i32
      %eq3A_583 = vector.broadcast %eq3A_582 : i32 to vector<1000x1xi32>
      %eq3A_584 = arith.cmpi eq, %get3A_37, %eq3A_583 : vector<1000x1xi32>
      %jit3A = arith.constant 0xFF800000 : f32
      %broadcast_in_dim3A_585 = vector.shape_cast %eq3A_584 : vector<1000x1xi1> to vector<1000x1xi1>
      %broadcast_in_dim3A_586 = vector.broadcast %broadcast_in_dim3A_585 : vector<1000x1xi1> to vector<1000x128xi1>
      %broadcast_in_dim3A_587 = vector.broadcast %jit3A : f32 to vector<1000x128xf32>
      %select_n3A = arith.select %broadcast_in_dim3A_586, %add3A_34, %broadcast_in_dim3A_587 : vector<1000x128xi1>, vector<1000x128xf32>
      %get3A_588 = arith.constant 5 : index
      %get3A_589 = arith.constant 0 : index
      %get3A_590 = vector.load %arg7[%get3A_588, %get3A_589] : memref<64x128xf32, #tpu.memory_space<vmem>>, vector<1x128xf32>
      %get3A_591 = vector.shape_cast %get3A_590 : vector<1x128xf32> to vector<128xf32>
      %reduce_max3A_592 = arith.constant dense<0xFF800000> : vector<128xf32>
      %reduce_max3A_593 = vector.multi_reduction <maximumf>, %select_n3A, %reduce_max3A_592 [0] : vector<1000x128xf32> to vector<128xf32>
      %max3A = arith.maximumf %get3A_591, %reduce_max3A_593 : vector<128xf32>
      %swap3A_594 = arith.constant 5 : index
      %swap3A_595 = arith.constant 0 : index
      %swap3A_596 = vector.load %arg7[%swap3A_594, %swap3A_595] : memref<64x128xf32, #tpu.memory_space<vmem>>, vector<1x128xf32>
      %swap3A_597 = vector.shape_cast %swap3A_596 : vector<1x128xf32> to vector<128xf32>
      %swap3A_598 = vector.shape_cast %max3A : vector<128xf32> to vector<1x128xf32>
      tpu.vector_store %arg7[%swap3A_594, %swap3A_595], %swap3A_598 {strides = array<i32>} : memref<64x128xf32, #tpu.memory_space<vmem>>, vector<1x128xf32>,
    } else {
    }
    %le3A_113 = arith.constant 6 : i32
    %le3A_114 = arith.cmpi sle, %reduce_min3A_63, %le3A_113 : i32
    %ge3A_115 = arith.constant 6 : i32
    %ge3A_116 = arith.cmpi sge, %reduce_max3A_67, %ge3A_115 : i32
    %and3A_117 = arith.andi %le3A_114, %ge3A_116 : i1
    %convert_element_type3A_118 = arith.extui %and3A_117 : i1 to i32
    %cond3A_119 = arith.constant 0 : i32
    %cond3A_120 = arith.cmpi ne, %convert_element_type3A_118, %cond3A_119 : i32
    scf.if %cond3A_120 {
      %eq3A_582 = arith.constant 6 : i32
      %eq3A_583 = vector.broadcast %eq3A_582 : i32 to vector<1000x1xi32>
      %eq3A_584 = arith.cmpi eq, %get3A_37, %eq3A_583 : vector<1000x1xi32>
      %jit3A = arith.constant 0xFF800000 : f32
      %broadcast_in_dim3A_585 = vector.shape_cast %eq3A_584 : vector<1000x1xi1> to vector<1000x1xi1>
      %broadcast_in_dim3A_586 = vector.broadcast %broadcast_in_dim3A_585 : vector<1000x1xi1> to vector<1000x128xi1>
      %broadcast_in_dim3A_587 = vector.broadcast %jit3A : f32 to vector<1000x128xf32>
      %select_n3A = arith.select %broadcast_in_dim3A_586, %add3A_34, %broadcast_in_dim3A_587 : vector<1000x128xi1>, vector<1000x128xf32>
      %get3A_588 = arith.constant 6 : index
      %get3A_589 = arith.constant 0 : index
      %get3A_590 = vector.load %arg7[%get3A_588, %get3A_589] : memref<64x128xf32, #tpu.memory_space<vmem>>, vector<1x128xf32>
      %get3A_591 = vector.shape_cast %get3A_590 : vector<1x128xf32> to vector<128xf32>
      %reduce_max3A_592 = arith.constant dense<0xFF800000> : vector<128xf32>
      %reduce_max3A_593 = vector.multi_reduction <maximumf>, %select_n3A, %reduce_max3A_592 [0] : vector<1000x128xf32> to vector<128xf32>
      %max3A = arith.maximumf %get3A_591, %reduce_max3A_593 : vector<128xf32>
      %swap3A_594 = arith.constant 6 : index
      %swap3A_595 = arith.constant 0 : index
      %swap3A_596 = vector.load %arg7[%swap3A_594, %swap3A_595] : memref<64x128xf32, #tpu.memory_space<vmem>>, vector<1x128xf32>
      %swap3A_597 = vector.shape_cast %swap3A_596 : vector<1x128xf32> to vector<128xf32>
      %swap3A_598 = vector.shape_cast %max3A : vector<128xf32> to vector<1x128xf32>
      tpu.vector_store %arg7[%swap3A_594, %swap3A_595], %swap3A_598 {strides = array<i32>} : memref<64x128xf32, #tpu.memory_space<vmem>>, vector<1x128xf32>,
    } else {
    }
    %le3A_121 = arith.constant 7 : i32
    %le3A_122 = arith.cmpi sle, %reduce_min3A_63, %le3A_121 : i32
    %ge3A_123 = arith.constant 7 : i32
    %ge3A_124 = arith.cmpi sge, %reduce_max3A_67, %ge3A_123 : i32
    %and3A_125 = arith.andi %le3A_122, %ge3A_124 : i1
    %convert_element_type3A_126 = arith.extui %and3A_125 : i1 to i32
    %cond3A_127 = arith.constant 0 : i32
    %cond3A_128 = arith.cmpi ne, %convert_element_type3A_126, %cond3A_127 : i32
    scf.if %cond3A_128 {
      %eq3A_582 = arith.constant 7 : i32
      %eq3A_583 = vector.broadcast %eq3A_582 : i32 to vector<1000x1xi32>
      %eq3A_584 = arith.cmpi eq, %get3A_37, %eq3A_583 : vector<1000x1xi32>
      %jit3A = arith.constant 0xFF800000 : f32
      %broadcast_in_dim3A_585 = vector.shape_cast %eq3A_584 : vector<1000x1xi1> to vector<1000x1xi1>
      %broadcast_in_dim3A_586 = vector.broadcast %broadcast_in_dim3A_585 : vector<1000x1xi1> to vector<1000x128xi1>
      %broadcast_in_dim3A_587 = vector.broadcast %jit3A : f32 to vector<1000x128xf32>
      %select_n3A = arith.select %broadcast_in_dim3A_586, %add3A_34, %broadcast_in_dim3A_587 : vector<1000x128xi1>, vector<1000x128xf32>
      %get3A_588 = arith.constant 7 : index
      %get3A_589 = arith.constant 0 : index
      %get3A_590 = vector.load %arg7[%get3A_588, %get3A_589] : memref<64x128xf32, #tpu.memory_space<vmem>>, vector<1x128xf32>
      %get3A_591 = vector.shape_cast %get3A_590 : vector<1x128xf32> to vector<128xf32>
      %reduce_max3A_592 = arith.constant dense<0xFF800000> : vector<128xf32>
      %reduce_max3A_593 = vector.multi_reduction <maximumf>, %select_n3A, %reduce_max3A_592 [0] : vector<1000x128xf32> to vector<128xf32>
      %max3A = arith.maximumf %get3A_591, %reduce_max3A_593 : vector<128xf32>
      %swap3A_594 = arith.constant 7 : index
      %swap3A_595 = arith.constant 0 : index
      %swap3A_596 = vector.load %arg7[%swap3A_594, %swap3A_595] : memref<64x128xf32, #tpu.memory_space<vmem>>, vector<1x128xf32>
      %swap3A_597 = vector.shape_cast %swap3A_596 : vector<1x128xf32> to vector<128xf32>
      %swap3A_598 = vector.shape_cast %max3A : vector<128xf32> to vector<1x128xf32>
      tpu.vector_store %arg7[%swap3A_594, %swap3A_595], %swap3A_598 {strides = array<i32>} : memref<64x128xf32, #tpu.memory_space<vmem>>, vector<1x128xf32>,
    } else {
    }
    %le3A_129 = arith.constant 8 : i32
    %le3A_130 = arith.cmpi sle, %reduce_min3A_63, %le3A_129 : i32
    %ge3A_131 = arith.constant 8 : i32
    %ge3A_132 = arith.cmpi sge, %reduce_max3A_67, %ge3A_131 : i32
    %and3A_133 = arith.andi %le3A_130, %ge3A_132 : i1
    %convert_element_type3A_134 = arith.extui %and3A_133 : i1 to i32
    %cond3A_135 = arith.constant 0 : i32
    %cond3A_136 = arith.cmpi ne, %convert_element_type3A_134, %cond3A_135 : i32
    scf.if %cond3A_136 {
      %eq3A_582 = arith.constant 8 : i32
      %eq3A_583 = vector.broadcast %eq3A_582 : i32 to vector<1000x1xi32>
      %eq3A_584 = arith.cmpi eq, %get3A_37, %eq3A_583 : vector<1000x1xi32>
      %jit3A = arith.constant 0xFF800000 : f32
      %broadcast_in_dim3A_585 = vector.shape_cast %eq3A_584 : vector<1000x1xi1> to vector<1000x1xi1>
      %broadcast_in_dim3A_586 = vector.broadcast %broadcast_in_dim3A_585 : vector<1000x1xi1> to vector<1000x128xi1>
      %broadcast_in_dim3A_587 = vector.broadcast %jit3A : f32 to vector<1000x128xf32>
      %select_n3A = arith.select %broadcast_in_dim3A_586, %add3A_34, %broadcast_in_dim3A_587 : vector<1000x128xi1>, vector<1000x128xf32>
      %get3A_588 = arith.constant 8 : index
      %get3A_589 = arith.constant 0 : index
      %get3A_590 = vector.load %arg7[%get3A_588, %get3A_589] : memref<64x128xf32, #tpu.memory_space<vmem>>, vector<1x128xf32>
      %get3A_591 = vector.shape_cast %get3A_590 : vector<1x128xf32> to vector<128xf32>
      %reduce_max3A_592 = arith.constant dense<0xFF800000> : vector<128xf32>
      %reduce_max3A_593 = vector.multi_reduction <maximumf>, %select_n3A, %reduce_max3A_592 [0] : vector<1000x128xf32> to vector<128xf32>
      %max3A = arith.maximumf %get3A_591, %reduce_max3A_593 : vector<128xf32>
      %swap3A_594 = arith.constant 8 : index
      %swap3A_595 = arith.constant 0 : index
      %swap3A_596 = vector.load %arg7[%swap3A_594, %swap3A_595] : memref<64x128xf32, #tpu.memory_space<vmem>>, vector<1x128xf32>
      %swap3A_597 = vector.shape_cast %swap3A_596 : vector<1x128xf32> to vector<128xf32>
      %swap3A_598 = vector.shape_cast %max3A : vector<128xf32> to vector<1x128xf32>
      tpu.vector_store %arg7[%swap3A_594, %swap3A_595], %swap3A_598 {strides = array<i32>} : memref<64x128xf32, #tpu.memory_space<vmem>>, vector<1x128xf32>,
    } else {
    }
    %le3A_137 = arith.constant 9 : i32
    %le3A_138 = arith.cmpi sle, %reduce_min3A_63, %le3A_137 : i32
    %ge3A_139 = arith.constant 9 : i32
    %ge3A_140 = arith.cmpi sge, %reduce_max3A_67, %ge3A_139 : i32
    %and3A_141 = arith.andi %le3A_138, %ge3A_140 : i1
    %convert_element_type3A_142 = arith.extui %and3A_141 : i1 to i32
    %cond3A_143 = arith.constant 0 : i32
    %cond3A_144 = arith.cmpi ne, %convert_element_type3A_142, %cond3A_143 : i32
    scf.if %cond3A_144 {
      %eq3A_582 = arith.constant 9 : i32
      %eq3A_583 = vector.broadcast %eq3A_582 : i32 to vector<1000x1xi32>
      %eq3A_584 = arith.cmpi eq, %get3A_37, %eq3A_583 : vector<1000x1xi32>
      %jit3A = arith.constant 0xFF800000 : f32
      %broadcast_in_dim3A_585 = vector.shape_cast %eq3A_584 : vector<1000x1xi1> to vector<1000x1xi1>
      %broadcast_in_dim3A_586 = vector.broadcast %broadcast_in_dim3A_585 : vector<1000x1xi1> to vector<1000x128xi1>
      %broadcast_in_dim3A_587 = vector.broadcast %jit3A : f32 to vector<1000x128xf32>
      %select_n3A = arith.select %broadcast_in_dim3A_586, %add3A_34, %broadcast_in_dim3A_587 : vector<1000x128xi1>, vector<1000x128xf32>
      %get3A_588 = arith.constant 9 : index
      %get3A_589 = arith.constant 0 : index
      %get3A_590 = vector.load %arg7[%get3A_588, %get3A_589] : memref<64x128xf32, #tpu.memory_space<vmem>>, vector<1x128xf32>
      %get3A_591 = vector.shape_cast %get3A_590 : vector<1x128xf32> to vector<128xf32>
      %reduce_max3A_592 = arith.constant dense<0xFF800000> : vector<128xf32>
      %reduce_max3A_593 = vector.multi_reduction <maximumf>, %select_n3A, %reduce_max3A_592 [0] : vector<1000x128xf32> to vector<128xf32>
      %max3A = arith.maximumf %get3A_591, %reduce_max3A_593 : vector<128xf32>
      %swap3A_594 = arith.constant 9 : index
      %swap3A_595 = arith.constant 0 : index
      %swap3A_596 = vector.load %arg7[%swap3A_594, %swap3A_595] : memref<64x128xf32, #tpu.memory_space<vmem>>, vector<1x128xf32>
      %swap3A_597 = vector.shape_cast %swap3A_596 : vector<1x128xf32> to vector<128xf32>
      %swap3A_598 = vector.shape_cast %max3A : vector<128xf32> to vector<1x128xf32>
      tpu.vector_store %arg7[%swap3A_594, %swap3A_595], %swap3A_598 {strides = array<i32>} : memref<64x128xf32, #tpu.memory_space<vmem>>, vector<1x128xf32>,
    } else {
    }
    %le3A_145 = arith.constant 10 : i32
    %le3A_146 = arith.cmpi sle, %reduce_min3A_63, %le3A_145 : i32
    %ge3A_147 = arith.constant 10 : i32
    %ge3A_148 = arith.cmpi sge, %reduce_max3A_67, %ge3A_147 : i32
    %and3A_149 = arith.andi %le3A_146, %ge3A_148 : i1
    %convert_element_type3A_150 = arith.extui %and3A_149 : i1 to i32
    %cond3A_151 = arith.constant 0 : i32
    %cond3A_152 = arith.cmpi ne, %convert_element_type3A_150, %cond3A_151 : i32
    scf.if %cond3A_152 {
      %eq3A_582 = arith.constant 10 : i32
      %eq3A_583 = vector.broadcast %eq3A_582 : i32 to vector<1000x1xi32>
      %eq3A_584 = arith.cmpi eq, %get3A_37, %eq3A_583 : vector<1000x1xi32>
      %jit3A = arith.constant 0xFF800000 : f32
      %broadcast_in_dim3A_585 = vector.shape_cast %eq3A_584 : vector<1000x1xi1> to vector<1000x1xi1>
      %broadcast_in_dim3A_586 = vector.broadcast %broadcast_in_dim3A_585 : vector<1000x1xi1> to vector<1000x128xi1>
      %broadcast_in_dim3A_587 = vector.broadcast %jit3A : f32 to vector<1000x128xf32>
      %select_n3A = arith.select %broadcast_in_dim3A_586, %add3A_34, %broadcast_in_dim3A_587 : vector<1000x128xi1>, vector<1000x128xf32>
      %get3A_588 = arith.constant 10 : index
      %get3A_589 = arith.constant 0 : index
      %get3A_590 = vector.load %arg7[%get3A_588, %get3A_589] : memref<64x128xf32, #tpu.memory_space<vmem>>, vector<1x128xf32>
      %get3A_591 = vector.shape_cast %get3A_590 : vector<1x128xf32> to vector<128xf32>
      %reduce_max3A_592 = arith.constant dense<0xFF800000> : vector<128xf32>
      %reduce_max3A_593 = vector.multi_reduction <maximumf>, %select_n3A, %reduce_max3A_592 [0] : vector<1000x128xf32> to vector<128xf32>
      %max3A = arith.maximumf %get3A_591, %reduce_max3A_593 : vector<128xf32>
      %swap3A_594 = arith.constant 10 : index
      %swap3A_595 = arith.constant 0 : index
      %swap3A_596 = vector.load %arg7[%swap3A_594, %swap3A_595] : memref<64x128xf32, #tpu.memory_space<vmem>>, vector<1x128xf32>
      %swap3A_597 = vector.shape_cast %swap3A_596 : vector<1x128xf32> to vector<128xf32>
      %swap3A_598 = vector.shape_cast %max3A : vector<128xf32> to vector<1x128xf32>
      tpu.vector_store %arg7[%swap3A_594, %swap3A_595], %swap3A_598 {strides = array<i32>} : memref<64x128xf32, #tpu.memory_space<vmem>>, vector<1x128xf32>,
    } else {
    }
    %le3A_153 = arith.constant 11 : i32
    %le3A_154 = arith.cmpi sle, %reduce_min3A_63, %le3A_153 : i32
    %ge3A_155 = arith.constant 11 : i32
    %ge3A_156 = arith.cmpi sge, %reduce_max3A_67, %ge3A_155 : i32
    %and3A_157 = arith.andi %le3A_154, %ge3A_156 : i1
    %convert_element_type3A_158 = arith.extui %and3A_157 : i1 to i32
    %cond3A_159 = arith.constant 0 : i32
    %cond3A_160 = arith.cmpi ne, %convert_element_type3A_158, %cond3A_159 : i32
    scf.if %cond3A_160 {
      %eq3A_582 = arith.constant 11 : i32
      %eq3A_583 = vector.broadcast %eq3A_582 : i32 to vector<1000x1xi32>
      %eq3A_584 = arith.cmpi eq, %get3A_37, %eq3A_583 : vector<1000x1xi32>
      %jit3A = arith.constant 0xFF800000 : f32
      %broadcast_in_dim3A_585 = vector.shape_cast %eq3A_584 : vector<1000x1xi1> to vector<1000x1xi1>
      %broadcast_in_dim3A_586 = vector.broadcast %broadcast_in_dim3A_585 : vector<1000x1xi1> to vector<1000x128xi1>
      %broadcast_in_dim3A_587 = vector.broadcast %jit3A : f32 to vector<1000x128xf32>
      %select_n3A = arith.select %broadcast_in_dim3A_586, %add3A_34, %broadcast_in_dim3A_587 : vector<1000x128xi1>, vector<1000x128xf32>
      %get3A_588 = arith.constant 11 : index
      %get3A_589 = arith.constant 0 : index
      %get3A_590 = vector.load %arg7[%get3A_588, %get3A_589] : memref<64x128xf32, #tpu.memory_space<vmem>>, vector<1x128xf32>
      %get3A_591 = vector.shape_cast %get3A_590 : vector<1x128xf32> to vector<128xf32>
      %reduce_max3A_592 = arith.constant dense<0xFF800000> : vector<128xf32>
      %reduce_max3A_593 = vector.multi_reduction <maximumf>, %select_n3A, %reduce_max3A_592 [0] : vector<1000x128xf32> to vector<128xf32>
      %max3A = arith.maximumf %get3A_591, %reduce_max3A_593 : vector<128xf32>
      %swap3A_594 = arith.constant 11 : index
      %swap3A_595 = arith.constant 0 : index
      %swap3A_596 = vector.load %arg7[%swap3A_594, %swap3A_595] : memref<64x128xf32, #tpu.memory_space<vmem>>, vector<1x128xf32>
      %swap3A_597 = vector.shape_cast %swap3A_596 : vector<1x128xf32> to vector<128xf32>
      %swap3A_598 = vector.shape_cast %max3A : vector<128xf32> to vector<1x128xf32>
      tpu.vector_store %arg7[%swap3A_594, %swap3A_595], %swap3A_598 {strides = array<i32>} : memref<64x128xf32, #tpu.memory_space<vmem>>, vector<1x128xf32>,
    } else {
    }
    %le3A_161 = arith.constant 12 : i32
    %le3A_162 = arith.cmpi sle, %reduce_min3A_63, %le3A_161 : i32
    %ge3A_163 = arith.constant 12 : i32
    %ge3A_164 = arith.cmpi sge, %reduce_max3A_67, %ge3A_163 : i32
    %and3A_165 = arith.andi %le3A_162, %ge3A_164 : i1
    %convert_element_type3A_166 = arith.extui %and3A_165 : i1 to i32
    %cond3A_167 = arith.constant 0 : i32
    %cond3A_168 = arith.cmpi ne, %convert_element_type3A_166, %cond3A_167 : i32
    scf.if %cond3A_168 {
      %eq3A_582 = arith.constant 12 : i32
      %eq3A_583 = vector.broadcast %eq3A_582 : i32 to vector<1000x1xi32>
      %eq3A_584 = arith.cmpi eq, %get3A_37, %eq3A_583 : vector<1000x1xi32>
      %jit3A = arith.constant 0xFF800000 : f32
      %broadcast_in_dim3A_585 = vector.shape_cast %eq3A_584 : vector<1000x1xi1> to vector<1000x1xi1>
      %broadcast_in_dim3A_586 = vector.broadcast %broadcast_in_dim3A_585 : vector<1000x1xi1> to vector<1000x128xi1>
      %broadcast_in_dim3A_587 = vector.broadcast %jit3A : f32 to vector<1000x128xf32>
      %select_n3A = arith.select %broadcast_in_dim3A_586, %add3A_34, %broadcast_in_dim3A_587 : vector<1000x128xi1>, vector<1000x128xf32>
      %get3A_588 = arith.constant 12 : index
      %get3A_589 = arith.constant 0 : index
      %get3A_590 = vector.load %arg7[%get3A_588, %get3A_589] : memref<64x128xf32, #tpu.memory_space<vmem>>, vector<1x128xf32>
      %get3A_591 = vector.shape_cast %get3A_590 : vector<1x128xf32> to vector<128xf32>
      %reduce_max3A_592 = arith.constant dense<0xFF800000> : vector<128xf32>
      %reduce_max3A_593 = vector.multi_reduction <maximumf>, %select_n3A, %reduce_max3A_592 [0] : vector<1000x128xf32> to vector<128xf32>
      %max3A = arith.maximumf %get3A_591, %reduce_max3A_593 : vector<128xf32>
      %swap3A_594 = arith.constant 12 : index
      %swap3A_595 = arith.constant 0 : index
      %swap3A_596 = vector.load %arg7[%swap3A_594, %swap3A_595] : memref<64x128xf32, #tpu.memory_space<vmem>>, vector<1x128xf32>
      %swap3A_597 = vector.shape_cast %swap3A_596 : vector<1x128xf32> to vector<128xf32>
      %swap3A_598 = vector.shape_cast %max3A : vector<128xf32> to vector<1x128xf32>
      tpu.vector_store %arg7[%swap3A_594, %swap3A_595], %swap3A_598 {strides = array<i32>} : memref<64x128xf32, #tpu.memory_space<vmem>>, vector<1x128xf32>,
    } else {
    }
    %le3A_169 = arith.constant 13 : i32
    %le3A_170 = arith.cmpi sle, %reduce_min3A_63, %le3A_169 : i32
    %ge3A_171 = arith.constant 13 : i32
    %ge3A_172 = arith.cmpi sge, %reduce_max3A_67, %ge3A_171 : i32
    %and3A_173 = arith.andi %le3A_170, %ge3A_172 : i1
    %convert_element_type3A_174 = arith.extui %and3A_173 : i1 to i32
    %cond3A_175 = arith.constant 0 : i32
    %cond3A_176 = arith.cmpi ne, %convert_element_type3A_174, %cond3A_175 : i32
    scf.if %cond3A_176 {
      %eq3A_582 = arith.constant 13 : i32
      %eq3A_583 = vector.broadcast %eq3A_582 : i32 to vector<1000x1xi32>
      %eq3A_584 = arith.cmpi eq, %get3A_37, %eq3A_583 : vector<1000x1xi32>
      %jit3A = arith.constant 0xFF800000 : f32
      %broadcast_in_dim3A_585 = vector.shape_cast %eq3A_584 : vector<1000x1xi1> to vector<1000x1xi1>
      %broadcast_in_dim3A_586 = vector.broadcast %broadcast_in_dim3A_585 : vector<1000x1xi1> to vector<1000x128xi1>
      %broadcast_in_dim3A_587 = vector.broadcast %jit3A : f32 to vector<1000x128xf32>
      %select_n3A = arith.select %broadcast_in_dim3A_586, %add3A_34, %broadcast_in_dim3A_587 : vector<1000x128xi1>, vector<1000x128xf32>
      %get3A_588 = arith.constant 13 : index
      %get3A_589 = arith.constant 0 : index
      %get3A_590 = vector.load %arg7[%get3A_588, %get3A_589] : memref<64x128xf32, #tpu.memory_space<vmem>>, vector<1x128xf32>
      %get3A_591 = vector.shape_cast %get3A_590 : vector<1x128xf32> to vector<128xf32>
      %reduce_max3A_592 = arith.constant dense<0xFF800000> : vector<128xf32>
      %reduce_max3A_593 = vector.multi_reduction <maximumf>, %select_n3A, %reduce_max3A_592 [0] : vector<1000x128xf32> to vector<128xf32>
      %max3A = arith.maximumf %get3A_591, %reduce_max3A_593 : vector<128xf32>
      %swap3A_594 = arith.constant 13 : index
      %swap3A_595 = arith.constant 0 : index
      %swap3A_596 = vector.load %arg7[%swap3A_594, %swap3A_595] : memref<64x128xf32, #tpu.memory_space<vmem>>, vector<1x128xf32>
      %swap3A_597 = vector.shape_cast %swap3A_596 : vector<1x128xf32> to vector<128xf32>
      %swap3A_598 = vector.shape_cast %max3A : vector<128xf32> to vector<1x128xf32>
      tpu.vector_store %arg7[%swap3A_594, %swap3A_595], %swap3A_598 {strides = array<i32>} : memref<64x128xf32, #tpu.memory_space<vmem>>, vector<1x128xf32>,
    } else {
    }
    %le3A_177 = arith.constant 14 : i32
    %le3A_178 = arith.cmpi sle, %reduce_min3A_63, %le3A_177 : i32
    %ge3A_179 = arith.constant 14 : i32
    %ge3A_180 = arith.cmpi sge, %reduce_max3A_67, %ge3A_179 : i32
    %and3A_181 = arith.andi %le3A_178, %ge3A_180 : i1
    %convert_element_type3A_182 = arith.extui %and3A_181 : i1 to i32
    %cond3A_183 = arith.constant 0 : i32
    %cond3A_184 = arith.cmpi ne, %convert_element_type3A_182, %cond3A_183 : i32
    scf.if %cond3A_184 {
      %eq3A_582 = arith.constant 14 : i32
      %eq3A_583 = vector.broadcast %eq3A_582 : i32 to vector<1000x1xi32>
      %eq3A_584 = arith.cmpi eq, %get3A_37, %eq3A_583 : vector<1000x1xi32>
      %jit3A = arith.constant 0xFF800000 : f32
      %broadcast_in_dim3A_585 = vector.shape_cast %eq3A_584 : vector<1000x1xi1> to vector<1000x1xi1>
      %broadcast_in_dim3A_586 = vector.broadcast %broadcast_in_dim3A_585 : vector<1000x1xi1> to vector<1000x128xi1>
      %broadcast_in_dim3A_587 = vector.broadcast %jit3A : f32 to vector<1000x128xf32>
      %select_n3A = arith.select %broadcast_in_dim3A_586, %add3A_34, %broadcast_in_dim3A_587 : vector<1000x128xi1>, vector<1000x128xf32>
      %get3A_588 = arith.constant 14 : index
      %get3A_589 = arith.constant 0 : index
      %get3A_590 = vector.load %arg7[%get3A_588, %get3A_589] : memref<64x128xf32, #tpu.memory_space<vmem>>, vector<1x128xf32>
      %get3A_591 = vector.shape_cast %get3A_590 : vector<1x128xf32> to vector<128xf32>
      %reduce_max3A_592 = arith.constant dense<0xFF800000> : vector<128xf32>
      %reduce_max3A_593 = vector.multi_reduction <maximumf>, %select_n3A, %reduce_max3A_592 [0] : vector<1000x128xf32> to vector<128xf32>
      %max3A = arith.maximumf %get3A_591, %reduce_max3A_593 : vector<128xf32>
      %swap3A_594 = arith.constant 14 : index
      %swap3A_595 = arith.constant 0 : index
      %swap3A_596 = vector.load %arg7[%swap3A_594, %swap3A_595] : memref<64x128xf32, #tpu.memory_space<vmem>>, vector<1x128xf32>
      %swap3A_597 = vector.shape_cast %swap3A_596 : vector<1x128xf32> to vector<128xf32>
      %swap3A_598 = vector.shape_cast %max3A : vector<128xf32> to vector<1x128xf32>
      tpu.vector_store %arg7[%swap3A_594, %swap3A_595], %swap3A_598 {strides = array<i32>} : memref<64x128xf32, #tpu.memory_space<vmem>>, vector<1x128xf32>,
    } else {
    }
    %le3A_185 = arith.constant 15 : i32
    %le3A_186 = arith.cmpi sle, %reduce_min3A_63, %le3A_185 : i32
    %ge3A_187 = arith.constant 15 : i32
    %ge3A_188 = arith.cmpi sge, %reduce_max3A_67, %ge3A_187 : i32
    %and3A_189 = arith.andi %le3A_186, %ge3A_188 : i1
    %convert_element_type3A_190 = arith.extui %and3A_189 : i1 to i32
    %cond3A_191 = arith.constant 0 : i32
    %cond3A_192 = arith.cmpi ne, %convert_element_type3A_190, %cond3A_191 : i32
    scf.if %cond3A_192 {
      %eq3A_582 = arith.constant 15 : i32
      %eq3A_583 = vector.broadcast %eq3A_582 : i32 to vector<1000x1xi32>
      %eq3A_584 = arith.cmpi eq, %get3A_37, %eq3A_583 : vector<1000x1xi32>
      %jit3A = arith.constant 0xFF800000 : f32
      %broadcast_in_dim3A_585 = vector.shape_cast %eq3A_584 : vector<1000x1xi1> to vector<1000x1xi1>
      %broadcast_in_dim3A_586 = vector.broadcast %broadcast_in_dim3A_585 : vector<1000x1xi1> to vector<1000x128xi1>
      %broadcast_in_dim3A_587 = vector.broadcast %jit3A : f32 to vector<1000x128xf32>
      %select_n3A = arith.select %broadcast_in_dim3A_586, %add3A_34, %broadcast_in_dim3A_587 : vector<1000x128xi1>, vector<1000x128xf32>
      %get3A_588 = arith.constant 15 : index
      %get3A_589 = arith.constant 0 : index
      %get3A_590 = vector.load %arg7[%get3A_588, %get3A_589] : memref<64x128xf32, #tpu.memory_space<vmem>>, vector<1x128xf32>
      %get3A_591 = vector.shape_cast %get3A_590 : vector<1x128xf32> to vector<128xf32>
      %reduce_max3A_592 = arith.constant dense<0xFF800000> : vector<128xf32>
      %reduce_max3A_593 = vector.multi_reduction <maximumf>, %select_n3A, %reduce_max3A_592 [0] : vector<1000x128xf32> to vector<128xf32>
      %max3A = arith.maximumf %get3A_591, %reduce_max3A_593 : vector<128xf32>
      %swap3A_594 = arith.constant 15 : index
      %swap3A_595 = arith.constant 0 : index
      %swap3A_596 = vector.load %arg7[%swap3A_594, %swap3A_595] : memref<64x128xf32, #tpu.memory_space<vmem>>, vector<1x128xf32>
      %swap3A_597 = vector.shape_cast %swap3A_596 : vector<1x128xf32> to vector<128xf32>
      %swap3A_598 = vector.shape_cast %max3A : vector<128xf32> to vector<1x128xf32>
      tpu.vector_store %arg7[%swap3A_594, %swap3A_595], %swap3A_598 {strides = array<i32>} : memref<64x128xf32, #tpu.memory_space<vmem>>, vector<1x128xf32>,
    } else {
    }
    %le3A_193 = arith.constant 16 : i32
    %le3A_194 = arith.cmpi sle, %reduce_min3A_63, %le3A_193 : i32
    %ge3A_195 = arith.constant 16 : i32
    %ge3A_196 = arith.cmpi sge, %reduce_max3A_67, %ge3A_195 : i32
    %and3A_197 = arith.andi %le3A_194, %ge3A_196 : i1
    %convert_element_type3A_198 = arith.extui %and3A_197 : i1 to i32
    %cond3A_199 = arith.constant 0 : i32
    %cond3A_200 = arith.cmpi ne, %convert_element_type3A_198, %cond3A_199 : i32
    scf.if %cond3A_200 {
      %eq3A_582 = arith.constant 16 : i32
      %eq3A_583 = vector.broadcast %eq3A_582 : i32 to vector<1000x1xi32>
      %eq3A_584 = arith.cmpi eq, %get3A_37, %eq3A_583 : vector<1000x1xi32>
      %jit3A = arith.constant 0xFF800000 : f32
      %broadcast_in_dim3A_585 = vector.shape_cast %eq3A_584 : vector<1000x1xi1> to vector<1000x1xi1>
      %broadcast_in_dim3A_586 = vector.broadcast %broadcast_in_dim3A_585 : vector<1000x1xi1> to vector<1000x128xi1>
      %broadcast_in_dim3A_587 = vector.broadcast %jit3A : f32 to vector<1000x128xf32>
      %select_n3A = arith.select %broadcast_in_dim3A_586, %add3A_34, %broadcast_in_dim3A_587 : vector<1000x128xi1>, vector<1000x128xf32>
      %get3A_588 = arith.constant 16 : index
      %get3A_589 = arith.constant 0 : index
      %get3A_590 = vector.load %arg7[%get3A_588, %get3A_589] : memref<64x128xf32, #tpu.memory_space<vmem>>, vector<1x128xf32>
      %get3A_591 = vector.shape_cast %get3A_590 : vector<1x128xf32> to vector<128xf32>
      %reduce_max3A_592 = arith.constant dense<0xFF800000> : vector<128xf32>
      %reduce_max3A_593 = vector.multi_reduction <maximumf>, %select_n3A, %reduce_max3A_592 [0] : vector<1000x128xf32> to vector<128xf32>
      %max3A = arith.maximumf %get3A_591, %reduce_max3A_593 : vector<128xf32>
      %swap3A_594 = arith.constant 16 : index
      %swap3A_595 = arith.constant 0 : index
      %swap3A_596 = vector.load %arg7[%swap3A_594, %swap3A_595] : memref<64x128xf32, #tpu.memory_space<vmem>>, vector<1x128xf32>
      %swap3A_597 = vector.shape_cast %swap3A_596 : vector<1x128xf32> to vector<128xf32>
      %swap3A_598 = vector.shape_cast %max3A : vector<128xf32> to vector<1x128xf32>
      tpu.vector_store %arg7[%swap3A_594, %swap3A_595], %swap3A_598 {strides = array<i32>} : memref<64x128xf32, #tpu.memory_space<vmem>>, vector<1x128xf32>,
    } else {
    }
    %le3A_201 = arith.constant 17 : i32
    %le3A_202 = arith.cmpi sle, %reduce_min3A_63, %le3A_201 : i32
    %ge3A_203 = arith.constant 17 : i32
    %ge3A_204 = arith.cmpi sge, %reduce_max3A_67, %ge3A_203 : i32
    %and3A_205 = arith.andi %le3A_202, %ge3A_204 : i1
    %convert_element_type3A_206 = arith.extui %and3A_205 : i1 to i32
    %cond3A_207 = arith.constant 0 : i32
    %cond3A_208 = arith.cmpi ne, %convert_element_type3A_206, %cond3A_207 : i32
    scf.if %cond3A_208 {
      %eq3A_582 = arith.constant 17 : i32
      %eq3A_583 = vector.broadcast %eq3A_582 : i32 to vector<1000x1xi32>
      %eq3A_584 = arith.cmpi eq, %get3A_37, %eq3A_583 : vector<1000x1xi32>
      %jit3A = arith.constant 0xFF800000 : f32
      %broadcast_in_dim3A_585 = vector.shape_cast %eq3A_584 : vector<1000x1xi1> to vector<1000x1xi1>
      %broadcast_in_dim3A_586 = vector.broadcast %broadcast_in_dim3A_585 : vector<1000x1xi1> to vector<1000x128xi1>
      %broadcast_in_dim3A_587 = vector.broadcast %jit3A : f32 to vector<1000x128xf32>
      %select_n3A = arith.select %broadcast_in_dim3A_586, %add3A_34, %broadcast_in_dim3A_587 : vector<1000x128xi1>, vector<1000x128xf32>
      %get3A_588 = arith.constant 17 : index
      %get3A_589 = arith.constant 0 : index
      %get3A_590 = vector.load %arg7[%get3A_588, %get3A_589] : memref<64x128xf32, #tpu.memory_space<vmem>>, vector<1x128xf32>
      %get3A_591 = vector.shape_cast %get3A_590 : vector<1x128xf32> to vector<128xf32>
      %reduce_max3A_592 = arith.constant dense<0xFF800000> : vector<128xf32>
      %reduce_max3A_593 = vector.multi_reduction <maximumf>, %select_n3A, %reduce_max3A_592 [0] : vector<1000x128xf32> to vector<128xf32>
      %max3A = arith.maximumf %get3A_591, %reduce_max3A_593 : vector<128xf32>
      %swap3A_594 = arith.constant 17 : index
      %swap3A_595 = arith.constant 0 : index
      %swap3A_596 = vector.load %arg7[%swap3A_594, %swap3A_595] : memref<64x128xf32, #tpu.memory_space<vmem>>, vector<1x128xf32>
      %swap3A_597 = vector.shape_cast %swap3A_596 : vector<1x128xf32> to vector<128xf32>
      %swap3A_598 = vector.shape_cast %max3A : vector<128xf32> to vector<1x128xf32>
      tpu.vector_store %arg7[%swap3A_594, %swap3A_595], %swap3A_598 {strides = array<i32>} : memref<64x128xf32, #tpu.memory_space<vmem>>, vector<1x128xf32>,
    } else {
    }
    %le3A_209 = arith.constant 18 : i32
    %le3A_210 = arith.cmpi sle, %reduce_min3A_63, %le3A_209 : i32
    %ge3A_211 = arith.constant 18 : i32
    %ge3A_212 = arith.cmpi sge, %reduce_max3A_67, %ge3A_211 : i32
    %and3A_213 = arith.andi %le3A_210, %ge3A_212 : i1
    %convert_element_type3A_214 = arith.extui %and3A_213 : i1 to i32
    %cond3A_215 = arith.constant 0 : i32
    %cond3A_216 = arith.cmpi ne, %convert_element_type3A_214, %cond3A_215 : i32
    scf.if %cond3A_216 {
      %eq3A_582 = arith.constant 18 : i32
      %eq3A_583 = vector.broadcast %eq3A_582 : i32 to vector<1000x1xi32>
      %eq3A_584 = arith.cmpi eq, %get3A_37, %eq3A_583 : vector<1000x1xi32>
      %jit3A = arith.constant 0xFF800000 : f32
      %broadcast_in_dim3A_585 = vector.shape_cast %eq3A_584 : vector<1000x1xi1> to vector<1000x1xi1>
      %broadcast_in_dim3A_586 = vector.broadcast %broadcast_in_dim3A_585 : vector<1000x1xi1> to vector<1000x128xi1>
      %broadcast_in_dim3A_587 = vector.broadcast %jit3A : f32 to vector<1000x128xf32>
      %select_n3A = arith.select %broadcast_in_dim3A_586, %add3A_34, %broadcast_in_dim3A_587 : vector<1000x128xi1>, vector<1000x128xf32>
      %get3A_588 = arith.constant 18 : index
      %get3A_589 = arith.constant 0 : index
      %get3A_590 = vector.load %arg7[%get3A_588, %get3A_589] : memref<64x128xf32, #tpu.memory_space<vmem>>, vector<1x128xf32>
      %get3A_591 = vector.shape_cast %get3A_590 : vector<1x128xf32> to vector<128xf32>
      %reduce_max3A_592 = arith.constant dense<0xFF800000> : vector<128xf32>
      %reduce_max3A_593 = vector.multi_reduction <maximumf>, %select_n3A, %reduce_max3A_592 [0] : vector<1000x128xf32> to vector<128xf32>
      %max3A = arith.maximumf %get3A_591, %reduce_max3A_593 : vector<128xf32>
      %swap3A_594 = arith.constant 18 : index
      %swap3A_595 = arith.constant 0 : index
      %swap3A_596 = vector.load %arg7[%swap3A_594, %swap3A_595] : memref<64x128xf32, #tpu.memory_space<vmem>>, vector<1x128xf32>
      %swap3A_597 = vector.shape_cast %swap3A_596 : vector<1x128xf32> to vector<128xf32>
      %swap3A_598 = vector.shape_cast %max3A : vector<128xf32> to vector<1x128xf32>
      tpu.vector_store %arg7[%swap3A_594, %swap3A_595], %swap3A_598 {strides = array<i32>} : memref<64x128xf32, #tpu.memory_space<vmem>>, vector<1x128xf32>,
    } else {
    }
    %le3A_217 = arith.constant 19 : i32
    %le3A_218 = arith.cmpi sle, %reduce_min3A_63, %le3A_217 : i32
    %ge3A_219 = arith.constant 19 : i32
    %ge3A_220 = arith.cmpi sge, %reduce_max3A_67, %ge3A_219 : i32
    %and3A_221 = arith.andi %le3A_218, %ge3A_220 : i1
    %convert_element_type3A_222 = arith.extui %and3A_221 : i1 to i32
    %cond3A_223 = arith.constant 0 : i32
    %cond3A_224 = arith.cmpi ne, %convert_element_type3A_222, %cond3A_223 : i32
    scf.if %cond3A_224 {
      %eq3A_582 = arith.constant 19 : i32
      %eq3A_583 = vector.broadcast %eq3A_582 : i32 to vector<1000x1xi32>
      %eq3A_584 = arith.cmpi eq, %get3A_37, %eq3A_583 : vector<1000x1xi32>
      %jit3A = arith.constant 0xFF800000 : f32
      %broadcast_in_dim3A_585 = vector.shape_cast %eq3A_584 : vector<1000x1xi1> to vector<1000x1xi1>
      %broadcast_in_dim3A_586 = vector.broadcast %broadcast_in_dim3A_585 : vector<1000x1xi1> to vector<1000x128xi1>
      %broadcast_in_dim3A_587 = vector.broadcast %jit3A : f32 to vector<1000x128xf32>
      %select_n3A = arith.select %broadcast_in_dim3A_586, %add3A_34, %broadcast_in_dim3A_587 : vector<1000x128xi1>, vector<1000x128xf32>
      %get3A_588 = arith.constant 19 : index
      %get3A_589 = arith.constant 0 : index
      %get3A_590 = vector.load %arg7[%get3A_588, %get3A_589] : memref<64x128xf32, #tpu.memory_space<vmem>>, vector<1x128xf32>
      %get3A_591 = vector.shape_cast %get3A_590 : vector<1x128xf32> to vector<128xf32>
      %reduce_max3A_592 = arith.constant dense<0xFF800000> : vector<128xf32>
      %reduce_max3A_593 = vector.multi_reduction <maximumf>, %select_n3A, %reduce_max3A_592 [0] : vector<1000x128xf32> to vector<128xf32>
      %max3A = arith.maximumf %get3A_591, %reduce_max3A_593 : vector<128xf32>
      %swap3A_594 = arith.constant 19 : index
      %swap3A_595 = arith.constant 0 : index
      %swap3A_596 = vector.load %arg7[%swap3A_594, %swap3A_595] : memref<64x128xf32, #tpu.memory_space<vmem>>, vector<1x128xf32>
      %swap3A_597 = vector.shape_cast %swap3A_596 : vector<1x128xf32> to vector<128xf32>
      %swap3A_598 = vector.shape_cast %max3A : vector<128xf32> to vector<1x128xf32>
      tpu.vector_store %arg7[%swap3A_594, %swap3A_595], %swap3A_598 {strides = array<i32>} : memref<64x128xf32, #tpu.memory_space<vmem>>, vector<1x128xf32>,
    } else {
    }
    %le3A_225 = arith.constant 20 : i32
    %le3A_226 = arith.cmpi sle, %reduce_min3A_63, %le3A_225 : i32
    %ge3A_227 = arith.constant 20 : i32
    %ge3A_228 = arith.cmpi sge, %reduce_max3A_67, %ge3A_227 : i32
    %and3A_229 = arith.andi %le3A_226, %ge3A_228 : i1
    %convert_element_type3A_230 = arith.extui %and3A_229 : i1 to i32
    %cond3A_231 = arith.constant 0 : i32
    %cond3A_232 = arith.cmpi ne, %convert_element_type3A_230, %cond3A_231 : i32
    scf.if %cond3A_232 {
      %eq3A_582 = arith.constant 20 : i32
      %eq3A_583 = vector.broadcast %eq3A_582 : i32 to vector<1000x1xi32>
      %eq3A_584 = arith.cmpi eq, %get3A_37, %eq3A_583 : vector<1000x1xi32>
      %jit3A = arith.constant 0xFF800000 : f32
      %broadcast_in_dim3A_585 = vector.shape_cast %eq3A_584 : vector<1000x1xi1> to vector<1000x1xi1>
      %broadcast_in_dim3A_586 = vector.broadcast %broadcast_in_dim3A_585 : vector<1000x1xi1> to vector<1000x128xi1>
      %broadcast_in_dim3A_587 = vector.broadcast %jit3A : f32 to vector<1000x128xf32>
      %select_n3A = arith.select %broadcast_in_dim3A_586, %add3A_34, %broadcast_in_dim3A_587 : vector<1000x128xi1>, vector<1000x128xf32>
      %get3A_588 = arith.constant 20 : index
      %get3A_589 = arith.constant 0 : index
      %get3A_590 = vector.load %arg7[%get3A_588, %get3A_589] : memref<64x128xf32, #tpu.memory_space<vmem>>, vector<1x128xf32>
      %get3A_591 = vector.shape_cast %get3A_590 : vector<1x128xf32> to vector<128xf32>
      %reduce_max3A_592 = arith.constant dense<0xFF800000> : vector<128xf32>
      %reduce_max3A_593 = vector.multi_reduction <maximumf>, %select_n3A, %reduce_max3A_592 [0] : vector<1000x128xf32> to vector<128xf32>
      %max3A = arith.maximumf %get3A_591, %reduce_max3A_593 : vector<128xf32>
      %swap3A_594 = arith.constant 20 : index
      %swap3A_595 = arith.constant 0 : index
      %swap3A_596 = vector.load %arg7[%swap3A_594, %swap3A_595] : memref<64x128xf32, #tpu.memory_space<vmem>>, vector<1x128xf32>
      %swap3A_597 = vector.shape_cast %swap3A_596 : vector<1x128xf32> to vector<128xf32>
      %swap3A_598 = vector.shape_cast %max3A : vector<128xf32> to vector<1x128xf32>
      tpu.vector_store %arg7[%swap3A_594, %swap3A_595], %swap3A_598 {strides = array<i32>} : memref<64x128xf32, #tpu.memory_space<vmem>>, vector<1x128xf32>,
    } else {
    }
    %le3A_233 = arith.constant 21 : i32
    %le3A_234 = arith.cmpi sle, %reduce_min3A_63, %le3A_233 : i32
    %ge3A_235 = arith.constant 21 : i32
    %ge3A_236 = arith.cmpi sge, %reduce_max3A_67, %ge3A_235 : i32
    %and3A_237 = arith.andi %le3A_234, %ge3A_236 : i1
    %convert_element_type3A_238 = arith.extui %and3A_237 : i1 to i32
    %cond3A_239 = arith.constant 0 : i32
    %cond3A_240 = arith.cmpi ne, %convert_element_type3A_238, %cond3A_239 : i32
    scf.if %cond3A_240 {
      %eq3A_582 = arith.constant 21 : i32
      %eq3A_583 = vector.broadcast %eq3A_582 : i32 to vector<1000x1xi32>
      %eq3A_584 = arith.cmpi eq, %get3A_37, %eq3A_583 : vector<1000x1xi32>
      %jit3A = arith.constant 0xFF800000 : f32
      %broadcast_in_dim3A_585 = vector.shape_cast %eq3A_584 : vector<1000x1xi1> to vector<1000x1xi1>
      %broadcast_in_dim3A_586 = vector.broadcast %broadcast_in_dim3A_585 : vector<1000x1xi1> to vector<1000x128xi1>
      %broadcast_in_dim3A_587 = vector.broadcast %jit3A : f32 to vector<1000x128xf32>
      %select_n3A = arith.select %broadcast_in_dim3A_586, %add3A_34, %broadcast_in_dim3A_587 : vector<1000x128xi1>, vector<1000x128xf32>
      %get3A_588 = arith.constant 21 : index
      %get3A_589 = arith.constant 0 : index
      %get3A_590 = vector.load %arg7[%get3A_588, %get3A_589] : memref<64x128xf32, #tpu.memory_space<vmem>>, vector<1x128xf32>
      %get3A_591 = vector.shape_cast %get3A_590 : vector<1x128xf32> to vector<128xf32>
      %reduce_max3A_592 = arith.constant dense<0xFF800000> : vector<128xf32>
      %reduce_max3A_593 = vector.multi_reduction <maximumf>, %select_n3A, %reduce_max3A_592 [0] : vector<1000x128xf32> to vector<128xf32>
      %max3A = arith.maximumf %get3A_591, %reduce_max3A_593 : vector<128xf32>
      %swap3A_594 = arith.constant 21 : index
      %swap3A_595 = arith.constant 0 : index
      %swap3A_596 = vector.load %arg7[%swap3A_594, %swap3A_595] : memref<64x128xf32, #tpu.memory_space<vmem>>, vector<1x128xf32>
      %swap3A_597 = vector.shape_cast %swap3A_596 : vector<1x128xf32> to vector<128xf32>
      %swap3A_598 = vector.shape_cast %max3A : vector<128xf32> to vector<1x128xf32>
      tpu.vector_store %arg7[%swap3A_594, %swap3A_595], %swap3A_598 {strides = array<i32>} : memref<64x128xf32, #tpu.memory_space<vmem>>, vector<1x128xf32>,
    } else {
    }
    %le3A_241 = arith.constant 22 : i32
    %le3A_242 = arith.cmpi sle, %reduce_min3A_63, %le3A_241 : i32
    %ge3A_243 = arith.constant 22 : i32
    %ge3A_244 = arith.cmpi sge, %reduce_max3A_67, %ge3A_243 : i32
    %and3A_245 = arith.andi %le3A_242, %ge3A_244 : i1
    %convert_element_type3A_246 = arith.extui %and3A_245 : i1 to i32
    %cond3A_247 = arith.constant 0 : i32
    %cond3A_248 = arith.cmpi ne, %convert_element_type3A_246, %cond3A_247 : i32
    scf.if %cond3A_248 {
      %eq3A_582 = arith.constant 22 : i32
      %eq3A_583 = vector.broadcast %eq3A_582 : i32 to vector<1000x1xi32>
      %eq3A_584 = arith.cmpi eq, %get3A_37, %eq3A_583 : vector<1000x1xi32>
      %jit3A = arith.constant 0xFF800000 : f32
      %broadcast_in_dim3A_585 = vector.shape_cast %eq3A_584 : vector<1000x1xi1> to vector<1000x1xi1>
      %broadcast_in_dim3A_586 = vector.broadcast %broadcast_in_dim3A_585 : vector<1000x1xi1> to vector<1000x128xi1>
      %broadcast_in_dim3A_587 = vector.broadcast %jit3A : f32 to vector<1000x128xf32>
      %select_n3A = arith.select %broadcast_in_dim3A_586, %add3A_34, %broadcast_in_dim3A_587 : vector<1000x128xi1>, vector<1000x128xf32>
      %get3A_588 = arith.constant 22 : index
      %get3A_589 = arith.constant 0 : index
      %get3A_590 = vector.load %arg7[%get3A_588, %get3A_589] : memref<64x128xf32, #tpu.memory_space<vmem>>, vector<1x128xf32>
      %get3A_591 = vector.shape_cast %get3A_590 : vector<1x128xf32> to vector<128xf32>
      %reduce_max3A_592 = arith.constant dense<0xFF800000> : vector<128xf32>
      %reduce_max3A_593 = vector.multi_reduction <maximumf>, %select_n3A, %reduce_max3A_592 [0] : vector<1000x128xf32> to vector<128xf32>
      %max3A = arith.maximumf %get3A_591, %reduce_max3A_593 : vector<128xf32>
      %swap3A_594 = arith.constant 22 : index
      %swap3A_595 = arith.constant 0 : index
      %swap3A_596 = vector.load %arg7[%swap3A_594, %swap3A_595] : memref<64x128xf32, #tpu.memory_space<vmem>>, vector<1x128xf32>
      %swap3A_597 = vector.shape_cast %swap3A_596 : vector<1x128xf32> to vector<128xf32>
      %swap3A_598 = vector.shape_cast %max3A : vector<128xf32> to vector<1x128xf32>
      tpu.vector_store %arg7[%swap3A_594, %swap3A_595], %swap3A_598 {strides = array<i32>} : memref<64x128xf32, #tpu.memory_space<vmem>>, vector<1x128xf32>,
    } else {
    }
    %le3A_249 = arith.constant 23 : i32
    %le3A_250 = arith.cmpi sle, %reduce_min3A_63, %le3A_249 : i32
    %ge3A_251 = arith.constant 23 : i32
    %ge3A_252 = arith.cmpi sge, %reduce_max3A_67, %ge3A_251 : i32
    %and3A_253 = arith.andi %le3A_250, %ge3A_252 : i1
    %convert_element_type3A_254 = arith.extui %and3A_253 : i1 to i32
    %cond3A_255 = arith.constant 0 : i32
    %cond3A_256 = arith.cmpi ne, %convert_element_type3A_254, %cond3A_255 : i32
    scf.if %cond3A_256 {
      %eq3A_582 = arith.constant 23 : i32
      %eq3A_583 = vector.broadcast %eq3A_582 : i32 to vector<1000x1xi32>
      %eq3A_584 = arith.cmpi eq, %get3A_37, %eq3A_583 : vector<1000x1xi32>
      %jit3A = arith.constant 0xFF800000 : f32
      %broadcast_in_dim3A_585 = vector.shape_cast %eq3A_584 : vector<1000x1xi1> to vector<1000x1xi1>
      %broadcast_in_dim3A_586 = vector.broadcast %broadcast_in_dim3A_585 : vector<1000x1xi1> to vector<1000x128xi1>
      %broadcast_in_dim3A_587 = vector.broadcast %jit3A : f32 to vector<1000x128xf32>
      %select_n3A = arith.select %broadcast_in_dim3A_586, %add3A_34, %broadcast_in_dim3A_587 : vector<1000x128xi1>, vector<1000x128xf32>
      %get3A_588 = arith.constant 23 : index
      %get3A_589 = arith.constant 0 : index
      %get3A_590 = vector.load %arg7[%get3A_588, %get3A_589] : memref<64x128xf32, #tpu.memory_space<vmem>>, vector<1x128xf32>
      %get3A_591 = vector.shape_cast %get3A_590 : vector<1x128xf32> to vector<128xf32>
      %reduce_max3A_592 = arith.constant dense<0xFF800000> : vector<128xf32>
      %reduce_max3A_593 = vector.multi_reduction <maximumf>, %select_n3A, %reduce_max3A_592 [0] : vector<1000x128xf32> to vector<128xf32>
      %max3A = arith.maximumf %get3A_591, %reduce_max3A_593 : vector<128xf32>
      %swap3A_594 = arith.constant 23 : index
      %swap3A_595 = arith.constant 0 : index
      %swap3A_596 = vector.load %arg7[%swap3A_594, %swap3A_595] : memref<64x128xf32, #tpu.memory_space<vmem>>, vector<1x128xf32>
      %swap3A_597 = vector.shape_cast %swap3A_596 : vector<1x128xf32> to vector<128xf32>
      %swap3A_598 = vector.shape_cast %max3A : vector<128xf32> to vector<1x128xf32>
      tpu.vector_store %arg7[%swap3A_594, %swap3A_595], %swap3A_598 {strides = array<i32>} : memref<64x128xf32, #tpu.memory_space<vmem>>, vector<1x128xf32>,
    } else {
    }
    %le3A_257 = arith.constant 24 : i32
    %le3A_258 = arith.cmpi sle, %reduce_min3A_63, %le3A_257 : i32
    %ge3A_259 = arith.constant 24 : i32
    %ge3A_260 = arith.cmpi sge, %reduce_max3A_67, %ge3A_259 : i32
    %and3A_261 = arith.andi %le3A_258, %ge3A_260 : i1
    %convert_element_type3A_262 = arith.extui %and3A_261 : i1 to i32
    %cond3A_263 = arith.constant 0 : i32
    %cond3A_264 = arith.cmpi ne, %convert_element_type3A_262, %cond3A_263 : i32
    scf.if %cond3A_264 {
      %eq3A_582 = arith.constant 24 : i32
      %eq3A_583 = vector.broadcast %eq3A_582 : i32 to vector<1000x1xi32>
      %eq3A_584 = arith.cmpi eq, %get3A_37, %eq3A_583 : vector<1000x1xi32>
      %jit3A = arith.constant 0xFF800000 : f32
      %broadcast_in_dim3A_585 = vector.shape_cast %eq3A_584 : vector<1000x1xi1> to vector<1000x1xi1>
      %broadcast_in_dim3A_586 = vector.broadcast %broadcast_in_dim3A_585 : vector<1000x1xi1> to vector<1000x128xi1>
      %broadcast_in_dim3A_587 = vector.broadcast %jit3A : f32 to vector<1000x128xf32>
      %select_n3A = arith.select %broadcast_in_dim3A_586, %add3A_34, %broadcast_in_dim3A_587 : vector<1000x128xi1>, vector<1000x128xf32>
      %get3A_588 = arith.constant 24 : index
      %get3A_589 = arith.constant 0 : index
      %get3A_590 = vector.load %arg7[%get3A_588, %get3A_589] : memref<64x128xf32, #tpu.memory_space<vmem>>, vector<1x128xf32>
      %get3A_591 = vector.shape_cast %get3A_590 : vector<1x128xf32> to vector<128xf32>
      %reduce_max3A_592 = arith.constant dense<0xFF800000> : vector<128xf32>
      %reduce_max3A_593 = vector.multi_reduction <maximumf>, %select_n3A, %reduce_max3A_592 [0] : vector<1000x128xf32> to vector<128xf32>
      %max3A = arith.maximumf %get3A_591, %reduce_max3A_593 : vector<128xf32>
      %swap3A_594 = arith.constant 24 : index
      %swap3A_595 = arith.constant 0 : index
      %swap3A_596 = vector.load %arg7[%swap3A_594, %swap3A_595] : memref<64x128xf32, #tpu.memory_space<vmem>>, vector<1x128xf32>
      %swap3A_597 = vector.shape_cast %swap3A_596 : vector<1x128xf32> to vector<128xf32>
      %swap3A_598 = vector.shape_cast %max3A : vector<128xf32> to vector<1x128xf32>
      tpu.vector_store %arg7[%swap3A_594, %swap3A_595], %swap3A_598 {strides = array<i32>} : memref<64x128xf32, #tpu.memory_space<vmem>>, vector<1x128xf32>,
    } else {
    }
    %le3A_265 = arith.constant 25 : i32
    %le3A_266 = arith.cmpi sle, %reduce_min3A_63, %le3A_265 : i32
    %ge3A_267 = arith.constant 25 : i32
    %ge3A_268 = arith.cmpi sge, %reduce_max3A_67, %ge3A_267 : i32
    %and3A_269 = arith.andi %le3A_266, %ge3A_268 : i1
    %convert_element_type3A_270 = arith.extui %and3A_269 : i1 to i32
    %cond3A_271 = arith.constant 0 : i32
    %cond3A_272 = arith.cmpi ne, %convert_element_type3A_270, %cond3A_271 : i32
    scf.if %cond3A_272 {
      %eq3A_582 = arith.constant 25 : i32
      %eq3A_583 = vector.broadcast %eq3A_582 : i32 to vector<1000x1xi32>
      %eq3A_584 = arith.cmpi eq, %get3A_37, %eq3A_583 : vector<1000x1xi32>
      %jit3A = arith.constant 0xFF800000 : f32
      %broadcast_in_dim3A_585 = vector.shape_cast %eq3A_584 : vector<1000x1xi1> to vector<1000x1xi1>
      %broadcast_in_dim3A_586 = vector.broadcast %broadcast_in_dim3A_585 : vector<1000x1xi1> to vector<1000x128xi1>
      %broadcast_in_dim3A_587 = vector.broadcast %jit3A : f32 to vector<1000x128xf32>
      %select_n3A = arith.select %broadcast_in_dim3A_586, %add3A_34, %broadcast_in_dim3A_587 : vector<1000x128xi1>, vector<1000x128xf32>
      %get3A_588 = arith.constant 25 : index
      %get3A_589 = arith.constant 0 : index
      %get3A_590 = vector.load %arg7[%get3A_588, %get3A_589] : memref<64x128xf32, #tpu.memory_space<vmem>>, vector<1x128xf32>
      %get3A_591 = vector.shape_cast %get3A_590 : vector<1x128xf32> to vector<128xf32>
      %reduce_max3A_592 = arith.constant dense<0xFF800000> : vector<128xf32>
      %reduce_max3A_593 = vector.multi_reduction <maximumf>, %select_n3A, %reduce_max3A_592 [0] : vector<1000x128xf32> to vector<128xf32>
      %max3A = arith.maximumf %get3A_591, %reduce_max3A_593 : vector<128xf32>
      %swap3A_594 = arith.constant 25 : index
      %swap3A_595 = arith.constant 0 : index
      %swap3A_596 = vector.load %arg7[%swap3A_594, %swap3A_595] : memref<64x128xf32, #tpu.memory_space<vmem>>, vector<1x128xf32>
      %swap3A_597 = vector.shape_cast %swap3A_596 : vector<1x128xf32> to vector<128xf32>
      %swap3A_598 = vector.shape_cast %max3A : vector<128xf32> to vector<1x128xf32>
      tpu.vector_store %arg7[%swap3A_594, %swap3A_595], %swap3A_598 {strides = array<i32>} : memref<64x128xf32, #tpu.memory_space<vmem>>, vector<1x128xf32>,
    } else {
    }
    %le3A_273 = arith.constant 26 : i32
    %le3A_274 = arith.cmpi sle, %reduce_min3A_63, %le3A_273 : i32
    %ge3A_275 = arith.constant 26 : i32
    %ge3A_276 = arith.cmpi sge, %reduce_max3A_67, %ge3A_275 : i32
    %and3A_277 = arith.andi %le3A_274, %ge3A_276 : i1
    %convert_element_type3A_278 = arith.extui %and3A_277 : i1 to i32
    %cond3A_279 = arith.constant 0 : i32
    %cond3A_280 = arith.cmpi ne, %convert_element_type3A_278, %cond3A_279 : i32
    scf.if %cond3A_280 {
      %eq3A_582 = arith.constant 26 : i32
      %eq3A_583 = vector.broadcast %eq3A_582 : i32 to vector<1000x1xi32>
      %eq3A_584 = arith.cmpi eq, %get3A_37, %eq3A_583 : vector<1000x1xi32>
      %jit3A = arith.constant 0xFF800000 : f32
      %broadcast_in_dim3A_585 = vector.shape_cast %eq3A_584 : vector<1000x1xi1> to vector<1000x1xi1>
      %broadcast_in_dim3A_586 = vector.broadcast %broadcast_in_dim3A_585 : vector<1000x1xi1> to vector<1000x128xi1>
      %broadcast_in_dim3A_587 = vector.broadcast %jit3A : f32 to vector<1000x128xf32>
      %select_n3A = arith.select %broadcast_in_dim3A_586, %add3A_34, %broadcast_in_dim3A_587 : vector<1000x128xi1>, vector<1000x128xf32>
      %get3A_588 = arith.constant 26 : index
      %get3A_589 = arith.constant 0 : index
      %get3A_590 = vector.load %arg7[%get3A_588, %get3A_589] : memref<64x128xf32, #tpu.memory_space<vmem>>, vector<1x128xf32>
      %get3A_591 = vector.shape_cast %get3A_590 : vector<1x128xf32> to vector<128xf32>
      %reduce_max3A_592 = arith.constant dense<0xFF800000> : vector<128xf32>
      %reduce_max3A_593 = vector.multi_reduction <maximumf>, %select_n3A, %reduce_max3A_592 [0] : vector<1000x128xf32> to vector<128xf32>
      %max3A = arith.maximumf %get3A_591, %reduce_max3A_593 : vector<128xf32>
      %swap3A_594 = arith.constant 26 : index
      %swap3A_595 = arith.constant 0 : index
      %swap3A_596 = vector.load %arg7[%swap3A_594, %swap3A_595] : memref<64x128xf32, #tpu.memory_space<vmem>>, vector<1x128xf32>
      %swap3A_597 = vector.shape_cast %swap3A_596 : vector<1x128xf32> to vector<128xf32>
      %swap3A_598 = vector.shape_cast %max3A : vector<128xf32> to vector<1x128xf32>
      tpu.vector_store %arg7[%swap3A_594, %swap3A_595], %swap3A_598 {strides = array<i32>} : memref<64x128xf32, #tpu.memory_space<vmem>>, vector<1x128xf32>,
    } else {
    }
    %le3A_281 = arith.constant 27 : i32
    %le3A_282 = arith.cmpi sle, %reduce_min3A_63, %le3A_281 : i32
    %ge3A_283 = arith.constant 27 : i32
    %ge3A_284 = arith.cmpi sge, %reduce_max3A_67, %ge3A_283 : i32
    %and3A_285 = arith.andi %le3A_282, %ge3A_284 : i1
    %convert_element_type3A_286 = arith.extui %and3A_285 : i1 to i32
    %cond3A_287 = arith.constant 0 : i32
    %cond3A_288 = arith.cmpi ne, %convert_element_type3A_286, %cond3A_287 : i32
    scf.if %cond3A_288 {
      %eq3A_582 = arith.constant 27 : i32
      %eq3A_583 = vector.broadcast %eq3A_582 : i32 to vector<1000x1xi32>
      %eq3A_584 = arith.cmpi eq, %get3A_37, %eq3A_583 : vector<1000x1xi32>
      %jit3A = arith.constant 0xFF800000 : f32
      %broadcast_in_dim3A_585 = vector.shape_cast %eq3A_584 : vector<1000x1xi1> to vector<1000x1xi1>
      %broadcast_in_dim3A_586 = vector.broadcast %broadcast_in_dim3A_585 : vector<1000x1xi1> to vector<1000x128xi1>
      %broadcast_in_dim3A_587 = vector.broadcast %jit3A : f32 to vector<1000x128xf32>
      %select_n3A = arith.select %broadcast_in_dim3A_586, %add3A_34, %broadcast_in_dim3A_587 : vector<1000x128xi1>, vector<1000x128xf32>
      %get3A_588 = arith.constant 27 : index
      %get3A_589 = arith.constant 0 : index
      %get3A_590 = vector.load %arg7[%get3A_588, %get3A_589] : memref<64x128xf32, #tpu.memory_space<vmem>>, vector<1x128xf32>
      %get3A_591 = vector.shape_cast %get3A_590 : vector<1x128xf32> to vector<128xf32>
      %reduce_max3A_592 = arith.constant dense<0xFF800000> : vector<128xf32>
      %reduce_max3A_593 = vector.multi_reduction <maximumf>, %select_n3A, %reduce_max3A_592 [0] : vector<1000x128xf32> to vector<128xf32>
      %max3A = arith.maximumf %get3A_591, %reduce_max3A_593 : vector<128xf32>
      %swap3A_594 = arith.constant 27 : index
      %swap3A_595 = arith.constant 0 : index
      %swap3A_596 = vector.load %arg7[%swap3A_594, %swap3A_595] : memref<64x128xf32, #tpu.memory_space<vmem>>, vector<1x128xf32>
      %swap3A_597 = vector.shape_cast %swap3A_596 : vector<1x128xf32> to vector<128xf32>
      %swap3A_598 = vector.shape_cast %max3A : vector<128xf32> to vector<1x128xf32>
      tpu.vector_store %arg7[%swap3A_594, %swap3A_595], %swap3A_598 {strides = array<i32>} : memref<64x128xf32, #tpu.memory_space<vmem>>, vector<1x128xf32>,
    } else {
    }
    %le3A_289 = arith.constant 28 : i32
    %le3A_290 = arith.cmpi sle, %reduce_min3A_63, %le3A_289 : i32
    %ge3A_291 = arith.constant 28 : i32
    %ge3A_292 = arith.cmpi sge, %reduce_max3A_67, %ge3A_291 : i32
    %and3A_293 = arith.andi %le3A_290, %ge3A_292 : i1
    %convert_element_type3A_294 = arith.extui %and3A_293 : i1 to i32
    %cond3A_295 = arith.constant 0 : i32
    %cond3A_296 = arith.cmpi ne, %convert_element_type3A_294, %cond3A_295 : i32
    scf.if %cond3A_296 {
      %eq3A_582 = arith.constant 28 : i32
      %eq3A_583 = vector.broadcast %eq3A_582 : i32 to vector<1000x1xi32>
      %eq3A_584 = arith.cmpi eq, %get3A_37, %eq3A_583 : vector<1000x1xi32>
      %jit3A = arith.constant 0xFF800000 : f32
      %broadcast_in_dim3A_585 = vector.shape_cast %eq3A_584 : vector<1000x1xi1> to vector<1000x1xi1>
      %broadcast_in_dim3A_586 = vector.broadcast %broadcast_in_dim3A_585 : vector<1000x1xi1> to vector<1000x128xi1>
      %broadcast_in_dim3A_587 = vector.broadcast %jit3A : f32 to vector<1000x128xf32>
      %select_n3A = arith.select %broadcast_in_dim3A_586, %add3A_34, %broadcast_in_dim3A_587 : vector<1000x128xi1>, vector<1000x128xf32>
      %get3A_588 = arith.constant 28 : index
      %get3A_589 = arith.constant 0 : index
      %get3A_590 = vector.load %arg7[%get3A_588, %get3A_589] : memref<64x128xf32, #tpu.memory_space<vmem>>, vector<1x128xf32>
      %get3A_591 = vector.shape_cast %get3A_590 : vector<1x128xf32> to vector<128xf32>
      %reduce_max3A_592 = arith.constant dense<0xFF800000> : vector<128xf32>
      %reduce_max3A_593 = vector.multi_reduction <maximumf>, %select_n3A, %reduce_max3A_592 [0] : vector<1000x128xf32> to vector<128xf32>
      %max3A = arith.maximumf %get3A_591, %reduce_max3A_593 : vector<128xf32>
      %swap3A_594 = arith.constant 28 : index
      %swap3A_595 = arith.constant 0 : index
      %swap3A_596 = vector.load %arg7[%swap3A_594, %swap3A_595] : memref<64x128xf32, #tpu.memory_space<vmem>>, vector<1x128xf32>
      %swap3A_597 = vector.shape_cast %swap3A_596 : vector<1x128xf32> to vector<128xf32>
      %swap3A_598 = vector.shape_cast %max3A : vector<128xf32> to vector<1x128xf32>
      tpu.vector_store %arg7[%swap3A_594, %swap3A_595], %swap3A_598 {strides = array<i32>} : memref<64x128xf32, #tpu.memory_space<vmem>>, vector<1x128xf32>,
    } else {
    }
    %le3A_297 = arith.constant 29 : i32
    %le3A_298 = arith.cmpi sle, %reduce_min3A_63, %le3A_297 : i32
    %ge3A_299 = arith.constant 29 : i32
    %ge3A_300 = arith.cmpi sge, %reduce_max3A_67, %ge3A_299 : i32
    %and3A_301 = arith.andi %le3A_298, %ge3A_300 : i1
    %convert_element_type3A_302 = arith.extui %and3A_301 : i1 to i32
    %cond3A_303 = arith.constant 0 : i32
    %cond3A_304 = arith.cmpi ne, %convert_element_type3A_302, %cond3A_303 : i32
    scf.if %cond3A_304 {
      %eq3A_582 = arith.constant 29 : i32
      %eq3A_583 = vector.broadcast %eq3A_582 : i32 to vector<1000x1xi32>
      %eq3A_584 = arith.cmpi eq, %get3A_37, %eq3A_583 : vector<1000x1xi32>
      %jit3A = arith.constant 0xFF800000 : f32
      %broadcast_in_dim3A_585 = vector.shape_cast %eq3A_584 : vector<1000x1xi1> to vector<1000x1xi1>
      %broadcast_in_dim3A_586 = vector.broadcast %broadcast_in_dim3A_585 : vector<1000x1xi1> to vector<1000x128xi1>
      %broadcast_in_dim3A_587 = vector.broadcast %jit3A : f32 to vector<1000x128xf32>
      %select_n3A = arith.select %broadcast_in_dim3A_586, %add3A_34, %broadcast_in_dim3A_587 : vector<1000x128xi1>, vector<1000x128xf32>
      %get3A_588 = arith.constant 29 : index
      %get3A_589 = arith.constant 0 : index
      %get3A_590 = vector.load %arg7[%get3A_588, %get3A_589] : memref<64x128xf32, #tpu.memory_space<vmem>>, vector<1x128xf32>
      %get3A_591 = vector.shape_cast %get3A_590 : vector<1x128xf32> to vector<128xf32>
      %reduce_max3A_592 = arith.constant dense<0xFF800000> : vector<128xf32>
      %reduce_max3A_593 = vector.multi_reduction <maximumf>, %select_n3A, %reduce_max3A_592 [0] : vector<1000x128xf32> to vector<128xf32>
      %max3A = arith.maximumf %get3A_591, %reduce_max3A_593 : vector<128xf32>
      %swap3A_594 = arith.constant 29 : index
      %swap3A_595 = arith.constant 0 : index
      %swap3A_596 = vector.load %arg7[%swap3A_594, %swap3A_595] : memref<64x128xf32, #tpu.memory_space<vmem>>, vector<1x128xf32>
      %swap3A_597 = vector.shape_cast %swap3A_596 : vector<1x128xf32> to vector<128xf32>
      %swap3A_598 = vector.shape_cast %max3A : vector<128xf32> to vector<1x128xf32>
      tpu.vector_store %arg7[%swap3A_594, %swap3A_595], %swap3A_598 {strides = array<i32>} : memref<64x128xf32, #tpu.memory_space<vmem>>, vector<1x128xf32>,
    } else {
    }
    %le3A_305 = arith.constant 30 : i32
    %le3A_306 = arith.cmpi sle, %reduce_min3A_63, %le3A_305 : i32
    %ge3A_307 = arith.constant 30 : i32
    %ge3A_308 = arith.cmpi sge, %reduce_max3A_67, %ge3A_307 : i32
    %and3A_309 = arith.andi %le3A_306, %ge3A_308 : i1
    %convert_element_type3A_310 = arith.extui %and3A_309 : i1 to i32
    %cond3A_311 = arith.constant 0 : i32
    %cond3A_312 = arith.cmpi ne, %convert_element_type3A_310, %cond3A_311 : i32
    scf.if %cond3A_312 {
      %eq3A_582 = arith.constant 30 : i32
      %eq3A_583 = vector.broadcast %eq3A_582 : i32 to vector<1000x1xi32>
      %eq3A_584 = arith.cmpi eq, %get3A_37, %eq3A_583 : vector<1000x1xi32>
      %jit3A = arith.constant 0xFF800000 : f32
      %broadcast_in_dim3A_585 = vector.shape_cast %eq3A_584 : vector<1000x1xi1> to vector<1000x1xi1>
      %broadcast_in_dim3A_586 = vector.broadcast %broadcast_in_dim3A_585 : vector<1000x1xi1> to vector<1000x128xi1>
      %broadcast_in_dim3A_587 = vector.broadcast %jit3A : f32 to vector<1000x128xf32>
      %select_n3A = arith.select %broadcast_in_dim3A_586, %add3A_34, %broadcast_in_dim3A_587 : vector<1000x128xi1>, vector<1000x128xf32>
      %get3A_588 = arith.constant 30 : index
      %get3A_589 = arith.constant 0 : index
      %get3A_590 = vector.load %arg7[%get3A_588, %get3A_589] : memref<64x128xf32, #tpu.memory_space<vmem>>, vector<1x128xf32>
      %get3A_591 = vector.shape_cast %get3A_590 : vector<1x128xf32> to vector<128xf32>
      %reduce_max3A_592 = arith.constant dense<0xFF800000> : vector<128xf32>
      %reduce_max3A_593 = vector.multi_reduction <maximumf>, %select_n3A, %reduce_max3A_592 [0] : vector<1000x128xf32> to vector<128xf32>
      %max3A = arith.maximumf %get3A_591, %reduce_max3A_593 : vector<128xf32>
      %swap3A_594 = arith.constant 30 : index
      %swap3A_595 = arith.constant 0 : index
      %swap3A_596 = vector.load %arg7[%swap3A_594, %swap3A_595] : memref<64x128xf32, #tpu.memory_space<vmem>>, vector<1x128xf32>
      %swap3A_597 = vector.shape_cast %swap3A_596 : vector<1x128xf32> to vector<128xf32>
      %swap3A_598 = vector.shape_cast %max3A : vector<128xf32> to vector<1x128xf32>
      tpu.vector_store %arg7[%swap3A_594, %swap3A_595], %swap3A_598 {strides = array<i32>} : memref<64x128xf32, #tpu.memory_space<vmem>>, vector<1x128xf32>,
    } else {
    }
    %le3A_313 = arith.constant 31 : i32
    %le3A_314 = arith.cmpi sle, %reduce_min3A_63, %le3A_313 : i32
    %ge3A_315 = arith.constant 31 : i32
    %ge3A_316 = arith.cmpi sge, %reduce_max3A_67, %ge3A_315 : i32
    %and3A_317 = arith.andi %le3A_314, %ge3A_316 : i1
    %convert_element_type3A_318 = arith.extui %and3A_317 : i1 to i32
    %cond3A_319 = arith.constant 0 : i32
    %cond3A_320 = arith.cmpi ne, %convert_element_type3A_318, %cond3A_319 : i32
    scf.if %cond3A_320 {
      %eq3A_582 = arith.constant 31 : i32
      %eq3A_583 = vector.broadcast %eq3A_582 : i32 to vector<1000x1xi32>
      %eq3A_584 = arith.cmpi eq, %get3A_37, %eq3A_583 : vector<1000x1xi32>
      %jit3A = arith.constant 0xFF800000 : f32
      %broadcast_in_dim3A_585 = vector.shape_cast %eq3A_584 : vector<1000x1xi1> to vector<1000x1xi1>
      %broadcast_in_dim3A_586 = vector.broadcast %broadcast_in_dim3A_585 : vector<1000x1xi1> to vector<1000x128xi1>
      %broadcast_in_dim3A_587 = vector.broadcast %jit3A : f32 to vector<1000x128xf32>
      %select_n3A = arith.select %broadcast_in_dim3A_586, %add3A_34, %broadcast_in_dim3A_587 : vector<1000x128xi1>, vector<1000x128xf32>
      %get3A_588 = arith.constant 31 : index
      %get3A_589 = arith.constant 0 : index
      %get3A_590 = vector.load %arg7[%get3A_588, %get3A_589] : memref<64x128xf32, #tpu.memory_space<vmem>>, vector<1x128xf32>
      %get3A_591 = vector.shape_cast %get3A_590 : vector<1x128xf32> to vector<128xf32>
      %reduce_max3A_592 = arith.constant dense<0xFF800000> : vector<128xf32>
      %reduce_max3A_593 = vector.multi_reduction <maximumf>, %select_n3A, %reduce_max3A_592 [0] : vector<1000x128xf32> to vector<128xf32>
      %max3A = arith.maximumf %get3A_591, %reduce_max3A_593 : vector<128xf32>
      %swap3A_594 = arith.constant 31 : index
      %swap3A_595 = arith.constant 0 : index
      %swap3A_596 = vector.load %arg7[%swap3A_594, %swap3A_595] : memref<64x128xf32, #tpu.memory_space<vmem>>, vector<1x128xf32>
      %swap3A_597 = vector.shape_cast %swap3A_596 : vector<1x128xf32> to vector<128xf32>
      %swap3A_598 = vector.shape_cast %max3A : vector<128xf32> to vector<1x128xf32>
      tpu.vector_store %arg7[%swap3A_594, %swap3A_595], %swap3A_598 {strides = array<i32>} : memref<64x128xf32, #tpu.memory_space<vmem>>, vector<1x128xf32>,
    } else {
    }
    %le3A_321 = arith.constant 32 : i32
    %le3A_322 = arith.cmpi sle, %reduce_min3A_63, %le3A_321 : i32
    %ge3A_323 = arith.constant 32 : i32
    %ge3A_324 = arith.cmpi sge, %reduce_max3A_67, %ge3A_323 : i32
    %and3A_325 = arith.andi %le3A_322, %ge3A_324 : i1
    %convert_element_type3A_326 = arith.extui %and3A_325 : i1 to i32
    %cond3A_327 = arith.constant 0 : i32
    %cond3A_328 = arith.cmpi ne, %convert_element_type3A_326, %cond3A_327 : i32
    scf.if %cond3A_328 {
      %eq3A_582 = arith.constant 32 : i32
      %eq3A_583 = vector.broadcast %eq3A_582 : i32 to vector<1000x1xi32>
      %eq3A_584 = arith.cmpi eq, %get3A_37, %eq3A_583 : vector<1000x1xi32>
      %jit3A = arith.constant 0xFF800000 : f32
      %broadcast_in_dim3A_585 = vector.shape_cast %eq3A_584 : vector<1000x1xi1> to vector<1000x1xi1>
      %broadcast_in_dim3A_586 = vector.broadcast %broadcast_in_dim3A_585 : vector<1000x1xi1> to vector<1000x128xi1>
      %broadcast_in_dim3A_587 = vector.broadcast %jit3A : f32 to vector<1000x128xf32>
      %select_n3A = arith.select %broadcast_in_dim3A_586, %add3A_34, %broadcast_in_dim3A_587 : vector<1000x128xi1>, vector<1000x128xf32>
      %get3A_588 = arith.constant 32 : index
      %get3A_589 = arith.constant 0 : index
      %get3A_590 = vector.load %arg7[%get3A_588, %get3A_589] : memref<64x128xf32, #tpu.memory_space<vmem>>, vector<1x128xf32>
      %get3A_591 = vector.shape_cast %get3A_590 : vector<1x128xf32> to vector<128xf32>
      %reduce_max3A_592 = arith.constant dense<0xFF800000> : vector<128xf32>
      %reduce_max3A_593 = vector.multi_reduction <maximumf>, %select_n3A, %reduce_max3A_592 [0] : vector<1000x128xf32> to vector<128xf32>
      %max3A = arith.maximumf %get3A_591, %reduce_max3A_593 : vector<128xf32>
      %swap3A_594 = arith.constant 32 : index
      %swap3A_595 = arith.constant 0 : index
      %swap3A_596 = vector.load %arg7[%swap3A_594, %swap3A_595] : memref<64x128xf32, #tpu.memory_space<vmem>>, vector<1x128xf32>
      %swap3A_597 = vector.shape_cast %swap3A_596 : vector<1x128xf32> to vector<128xf32>
      %swap3A_598 = vector.shape_cast %max3A : vector<128xf32> to vector<1x128xf32>
      tpu.vector_store %arg7[%swap3A_594, %swap3A_595], %swap3A_598 {strides = array<i32>} : memref<64x128xf32, #tpu.memory_space<vmem>>, vector<1x128xf32>,
    } else {
    }
    %le3A_329 = arith.constant 33 : i32
    %le3A_330 = arith.cmpi sle, %reduce_min3A_63, %le3A_329 : i32
    %ge3A_331 = arith.constant 33 : i32
    %ge3A_332 = arith.cmpi sge, %reduce_max3A_67, %ge3A_331 : i32
    %and3A_333 = arith.andi %le3A_330, %ge3A_332 : i1
    %convert_element_type3A_334 = arith.extui %and3A_333 : i1 to i32
    %cond3A_335 = arith.constant 0 : i32
    %cond3A_336 = arith.cmpi ne, %convert_element_type3A_334, %cond3A_335 : i32
    scf.if %cond3A_336 {
      %eq3A_582 = arith.constant 33 : i32
      %eq3A_583 = vector.broadcast %eq3A_582 : i32 to vector<1000x1xi32>
      %eq3A_584 = arith.cmpi eq, %get3A_37, %eq3A_583 : vector<1000x1xi32>
      %jit3A = arith.constant 0xFF800000 : f32
      %broadcast_in_dim3A_585 = vector.shape_cast %eq3A_584 : vector<1000x1xi1> to vector<1000x1xi1>
      %broadcast_in_dim3A_586 = vector.broadcast %broadcast_in_dim3A_585 : vector<1000x1xi1> to vector<1000x128xi1>
      %broadcast_in_dim3A_587 = vector.broadcast %jit3A : f32 to vector<1000x128xf32>
      %select_n3A = arith.select %broadcast_in_dim3A_586, %add3A_34, %broadcast_in_dim3A_587 : vector<1000x128xi1>, vector<1000x128xf32>
      %get3A_588 = arith.constant 33 : index
      %get3A_589 = arith.constant 0 : index
      %get3A_590 = vector.load %arg7[%get3A_588, %get3A_589] : memref<64x128xf32, #tpu.memory_space<vmem>>, vector<1x128xf32>
      %get3A_591 = vector.shape_cast %get3A_590 : vector<1x128xf32> to vector<128xf32>
      %reduce_max3A_592 = arith.constant dense<0xFF800000> : vector<128xf32>
      %reduce_max3A_593 = vector.multi_reduction <maximumf>, %select_n3A, %reduce_max3A_592 [0] : vector<1000x128xf32> to vector<128xf32>
      %max3A = arith.maximumf %get3A_591, %reduce_max3A_593 : vector<128xf32>
      %swap3A_594 = arith.constant 33 : index
      %swap3A_595 = arith.constant 0 : index
      %swap3A_596 = vector.load %arg7[%swap3A_594, %swap3A_595] : memref<64x128xf32, #tpu.memory_space<vmem>>, vector<1x128xf32>
      %swap3A_597 = vector.shape_cast %swap3A_596 : vector<1x128xf32> to vector<128xf32>
      %swap3A_598 = vector.shape_cast %max3A : vector<128xf32> to vector<1x128xf32>
      tpu.vector_store %arg7[%swap3A_594, %swap3A_595], %swap3A_598 {strides = array<i32>} : memref<64x128xf32, #tpu.memory_space<vmem>>, vector<1x128xf32>,
    } else {
    }
    %le3A_337 = arith.constant 34 : i32
    %le3A_338 = arith.cmpi sle, %reduce_min3A_63, %le3A_337 : i32
    %ge3A_339 = arith.constant 34 : i32
    %ge3A_340 = arith.cmpi sge, %reduce_max3A_67, %ge3A_339 : i32
    %and3A_341 = arith.andi %le3A_338, %ge3A_340 : i1
    %convert_element_type3A_342 = arith.extui %and3A_341 : i1 to i32
    %cond3A_343 = arith.constant 0 : i32
    %cond3A_344 = arith.cmpi ne, %convert_element_type3A_342, %cond3A_343 : i32
    scf.if %cond3A_344 {
      %eq3A_582 = arith.constant 34 : i32
      %eq3A_583 = vector.broadcast %eq3A_582 : i32 to vector<1000x1xi32>
      %eq3A_584 = arith.cmpi eq, %get3A_37, %eq3A_583 : vector<1000x1xi32>
      %jit3A = arith.constant 0xFF800000 : f32
      %broadcast_in_dim3A_585 = vector.shape_cast %eq3A_584 : vector<1000x1xi1> to vector<1000x1xi1>
      %broadcast_in_dim3A_586 = vector.broadcast %broadcast_in_dim3A_585 : vector<1000x1xi1> to vector<1000x128xi1>
      %broadcast_in_dim3A_587 = vector.broadcast %jit3A : f32 to vector<1000x128xf32>
      %select_n3A = arith.select %broadcast_in_dim3A_586, %add3A_34, %broadcast_in_dim3A_587 : vector<1000x128xi1>, vector<1000x128xf32>
      %get3A_588 = arith.constant 34 : index
      %get3A_589 = arith.constant 0 : index
      %get3A_590 = vector.load %arg7[%get3A_588, %get3A_589] : memref<64x128xf32, #tpu.memory_space<vmem>>, vector<1x128xf32>
      %get3A_591 = vector.shape_cast %get3A_590 : vector<1x128xf32> to vector<128xf32>
      %reduce_max3A_592 = arith.constant dense<0xFF800000> : vector<128xf32>
      %reduce_max3A_593 = vector.multi_reduction <maximumf>, %select_n3A, %reduce_max3A_592 [0] : vector<1000x128xf32> to vector<128xf32>
      %max3A = arith.maximumf %get3A_591, %reduce_max3A_593 : vector<128xf32>
      %swap3A_594 = arith.constant 34 : index
      %swap3A_595 = arith.constant 0 : index
      %swap3A_596 = vector.load %arg7[%swap3A_594, %swap3A_595] : memref<64x128xf32, #tpu.memory_space<vmem>>, vector<1x128xf32>
      %swap3A_597 = vector.shape_cast %swap3A_596 : vector<1x128xf32> to vector<128xf32>
      %swap3A_598 = vector.shape_cast %max3A : vector<128xf32> to vector<1x128xf32>
      tpu.vector_store %arg7[%swap3A_594, %swap3A_595], %swap3A_598 {strides = array<i32>} : memref<64x128xf32, #tpu.memory_space<vmem>>, vector<1x128xf32>,
    } else {
    }
    %le3A_345 = arith.constant 35 : i32
    %le3A_346 = arith.cmpi sle, %reduce_min3A_63, %le3A_345 : i32
    %ge3A_347 = arith.constant 35 : i32
    %ge3A_348 = arith.cmpi sge, %reduce_max3A_67, %ge3A_347 : i32
    %and3A_349 = arith.andi %le3A_346, %ge3A_348 : i1
    %convert_element_type3A_350 = arith.extui %and3A_349 : i1 to i32
    %cond3A_351 = arith.constant 0 : i32
    %cond3A_352 = arith.cmpi ne, %convert_element_type3A_350, %cond3A_351 : i32
    scf.if %cond3A_352 {
      %eq3A_582 = arith.constant 35 : i32
      %eq3A_583 = vector.broadcast %eq3A_582 : i32 to vector<1000x1xi32>
      %eq3A_584 = arith.cmpi eq, %get3A_37, %eq3A_583 : vector<1000x1xi32>
      %jit3A = arith.constant 0xFF800000 : f32
      %broadcast_in_dim3A_585 = vector.shape_cast %eq3A_584 : vector<1000x1xi1> to vector<1000x1xi1>
      %broadcast_in_dim3A_586 = vector.broadcast %broadcast_in_dim3A_585 : vector<1000x1xi1> to vector<1000x128xi1>
      %broadcast_in_dim3A_587 = vector.broadcast %jit3A : f32 to vector<1000x128xf32>
      %select_n3A = arith.select %broadcast_in_dim3A_586, %add3A_34, %broadcast_in_dim3A_587 : vector<1000x128xi1>, vector<1000x128xf32>
      %get3A_588 = arith.constant 35 : index
      %get3A_589 = arith.constant 0 : index
      %get3A_590 = vector.load %arg7[%get3A_588, %get3A_589] : memref<64x128xf32, #tpu.memory_space<vmem>>, vector<1x128xf32>
      %get3A_591 = vector.shape_cast %get3A_590 : vector<1x128xf32> to vector<128xf32>
      %reduce_max3A_592 = arith.constant dense<0xFF800000> : vector<128xf32>
      %reduce_max3A_593 = vector.multi_reduction <maximumf>, %select_n3A, %reduce_max3A_592 [0] : vector<1000x128xf32> to vector<128xf32>
      %max3A = arith.maximumf %get3A_591, %reduce_max3A_593 : vector<128xf32>
      %swap3A_594 = arith.constant 35 : index
      %swap3A_595 = arith.constant 0 : index
      %swap3A_596 = vector.load %arg7[%swap3A_594, %swap3A_595] : memref<64x128xf32, #tpu.memory_space<vmem>>, vector<1x128xf32>
      %swap3A_597 = vector.shape_cast %swap3A_596 : vector<1x128xf32> to vector<128xf32>
      %swap3A_598 = vector.shape_cast %max3A : vector<128xf32> to vector<1x128xf32>
      tpu.vector_store %arg7[%swap3A_594, %swap3A_595], %swap3A_598 {strides = array<i32>} : memref<64x128xf32, #tpu.memory_space<vmem>>, vector<1x128xf32>,
    } else {
    }
    %le3A_353 = arith.constant 36 : i32
    %le3A_354 = arith.cmpi sle, %reduce_min3A_63, %le3A_353 : i32
    %ge3A_355 = arith.constant 36 : i32
    %ge3A_356 = arith.cmpi sge, %reduce_max3A_67, %ge3A_355 : i32
    %and3A_357 = arith.andi %le3A_354, %ge3A_356 : i1
    %convert_element_type3A_358 = arith.extui %and3A_357 : i1 to i32
    %cond3A_359 = arith.constant 0 : i32
    %cond3A_360 = arith.cmpi ne, %convert_element_type3A_358, %cond3A_359 : i32
    scf.if %cond3A_360 {
      %eq3A_582 = arith.constant 36 : i32
      %eq3A_583 = vector.broadcast %eq3A_582 : i32 to vector<1000x1xi32>
      %eq3A_584 = arith.cmpi eq, %get3A_37, %eq3A_583 : vector<1000x1xi32>
      %jit3A = arith.constant 0xFF800000 : f32
      %broadcast_in_dim3A_585 = vector.shape_cast %eq3A_584 : vector<1000x1xi1> to vector<1000x1xi1>
      %broadcast_in_dim3A_586 = vector.broadcast %broadcast_in_dim3A_585 : vector<1000x1xi1> to vector<1000x128xi1>
      %broadcast_in_dim3A_587 = vector.broadcast %jit3A : f32 to vector<1000x128xf32>
      %select_n3A = arith.select %broadcast_in_dim3A_586, %add3A_34, %broadcast_in_dim3A_587 : vector<1000x128xi1>, vector<1000x128xf32>
      %get3A_588 = arith.constant 36 : index
      %get3A_589 = arith.constant 0 : index
      %get3A_590 = vector.load %arg7[%get3A_588, %get3A_589] : memref<64x128xf32, #tpu.memory_space<vmem>>, vector<1x128xf32>
      %get3A_591 = vector.shape_cast %get3A_590 : vector<1x128xf32> to vector<128xf32>
      %reduce_max3A_592 = arith.constant dense<0xFF800000> : vector<128xf32>
      %reduce_max3A_593 = vector.multi_reduction <maximumf>, %select_n3A, %reduce_max3A_592 [0] : vector<1000x128xf32> to vector<128xf32>
      %max3A = arith.maximumf %get3A_591, %reduce_max3A_593 : vector<128xf32>
      %swap3A_594 = arith.constant 36 : index
      %swap3A_595 = arith.constant 0 : index
      %swap3A_596 = vector.load %arg7[%swap3A_594, %swap3A_595] : memref<64x128xf32, #tpu.memory_space<vmem>>, vector<1x128xf32>
      %swap3A_597 = vector.shape_cast %swap3A_596 : vector<1x128xf32> to vector<128xf32>
      %swap3A_598 = vector.shape_cast %max3A : vector<128xf32> to vector<1x128xf32>
      tpu.vector_store %arg7[%swap3A_594, %swap3A_595], %swap3A_598 {strides = array<i32>} : memref<64x128xf32, #tpu.memory_space<vmem>>, vector<1x128xf32>,
    } else {
    }
    %le3A_361 = arith.constant 37 : i32
    %le3A_362 = arith.cmpi sle, %reduce_min3A_63, %le3A_361 : i32
    %ge3A_363 = arith.constant 37 : i32
    %ge3A_364 = arith.cmpi sge, %reduce_max3A_67, %ge3A_363 : i32
    %and3A_365 = arith.andi %le3A_362, %ge3A_364 : i1
    %convert_element_type3A_366 = arith.extui %and3A_365 : i1 to i32
    %cond3A_367 = arith.constant 0 : i32
    %cond3A_368 = arith.cmpi ne, %convert_element_type3A_366, %cond3A_367 : i32
    scf.if %cond3A_368 {
      %eq3A_582 = arith.constant 37 : i32
      %eq3A_583 = vector.broadcast %eq3A_582 : i32 to vector<1000x1xi32>
      %eq3A_584 = arith.cmpi eq, %get3A_37, %eq3A_583 : vector<1000x1xi32>
      %jit3A = arith.constant 0xFF800000 : f32
      %broadcast_in_dim3A_585 = vector.shape_cast %eq3A_584 : vector<1000x1xi1> to vector<1000x1xi1>
      %broadcast_in_dim3A_586 = vector.broadcast %broadcast_in_dim3A_585 : vector<1000x1xi1> to vector<1000x128xi1>
      %broadcast_in_dim3A_587 = vector.broadcast %jit3A : f32 to vector<1000x128xf32>
      %select_n3A = arith.select %broadcast_in_dim3A_586, %add3A_34, %broadcast_in_dim3A_587 : vector<1000x128xi1>, vector<1000x128xf32>
      %get3A_588 = arith.constant 37 : index
      %get3A_589 = arith.constant 0 : index
      %get3A_590 = vector.load %arg7[%get3A_588, %get3A_589] : memref<64x128xf32, #tpu.memory_space<vmem>>, vector<1x128xf32>
      %get3A_591 = vector.shape_cast %get3A_590 : vector<1x128xf32> to vector<128xf32>
      %reduce_max3A_592 = arith.constant dense<0xFF800000> : vector<128xf32>
      %reduce_max3A_593 = vector.multi_reduction <maximumf>, %select_n3A, %reduce_max3A_592 [0] : vector<1000x128xf32> to vector<128xf32>
      %max3A = arith.maximumf %get3A_591, %reduce_max3A_593 : vector<128xf32>
      %swap3A_594 = arith.constant 37 : index
      %swap3A_595 = arith.constant 0 : index
      %swap3A_596 = vector.load %arg7[%swap3A_594, %swap3A_595] : memref<64x128xf32, #tpu.memory_space<vmem>>, vector<1x128xf32>
      %swap3A_597 = vector.shape_cast %swap3A_596 : vector<1x128xf32> to vector<128xf32>
      %swap3A_598 = vector.shape_cast %max3A : vector<128xf32> to vector<1x128xf32>
      tpu.vector_store %arg7[%swap3A_594, %swap3A_595], %swap3A_598 {strides = array<i32>} : memref<64x128xf32, #tpu.memory_space<vmem>>, vector<1x128xf32>,
    } else {
    }
    %le3A_369 = arith.constant 38 : i32
    %le3A_370 = arith.cmpi sle, %reduce_min3A_63, %le3A_369 : i32
    %ge3A_371 = arith.constant 38 : i32
    %ge3A_372 = arith.cmpi sge, %reduce_max3A_67, %ge3A_371 : i32
    %and3A_373 = arith.andi %le3A_370, %ge3A_372 : i1
    %convert_element_type3A_374 = arith.extui %and3A_373 : i1 to i32
    %cond3A_375 = arith.constant 0 : i32
    %cond3A_376 = arith.cmpi ne, %convert_element_type3A_374, %cond3A_375 : i32
    scf.if %cond3A_376 {
      %eq3A_582 = arith.constant 38 : i32
      %eq3A_583 = vector.broadcast %eq3A_582 : i32 to vector<1000x1xi32>
      %eq3A_584 = arith.cmpi eq, %get3A_37, %eq3A_583 : vector<1000x1xi32>
      %jit3A = arith.constant 0xFF800000 : f32
      %broadcast_in_dim3A_585 = vector.shape_cast %eq3A_584 : vector<1000x1xi1> to vector<1000x1xi1>
      %broadcast_in_dim3A_586 = vector.broadcast %broadcast_in_dim3A_585 : vector<1000x1xi1> to vector<1000x128xi1>
      %broadcast_in_dim3A_587 = vector.broadcast %jit3A : f32 to vector<1000x128xf32>
      %select_n3A = arith.select %broadcast_in_dim3A_586, %add3A_34, %broadcast_in_dim3A_587 : vector<1000x128xi1>, vector<1000x128xf32>
      %get3A_588 = arith.constant 38 : index
      %get3A_589 = arith.constant 0 : index
      %get3A_590 = vector.load %arg7[%get3A_588, %get3A_589] : memref<64x128xf32, #tpu.memory_space<vmem>>, vector<1x128xf32>
      %get3A_591 = vector.shape_cast %get3A_590 : vector<1x128xf32> to vector<128xf32>
      %reduce_max3A_592 = arith.constant dense<0xFF800000> : vector<128xf32>
      %reduce_max3A_593 = vector.multi_reduction <maximumf>, %select_n3A, %reduce_max3A_592 [0] : vector<1000x128xf32> to vector<128xf32>
      %max3A = arith.maximumf %get3A_591, %reduce_max3A_593 : vector<128xf32>
      %swap3A_594 = arith.constant 38 : index
      %swap3A_595 = arith.constant 0 : index
      %swap3A_596 = vector.load %arg7[%swap3A_594, %swap3A_595] : memref<64x128xf32, #tpu.memory_space<vmem>>, vector<1x128xf32>
      %swap3A_597 = vector.shape_cast %swap3A_596 : vector<1x128xf32> to vector<128xf32>
      %swap3A_598 = vector.shape_cast %max3A : vector<128xf32> to vector<1x128xf32>
      tpu.vector_store %arg7[%swap3A_594, %swap3A_595], %swap3A_598 {strides = array<i32>} : memref<64x128xf32, #tpu.memory_space<vmem>>, vector<1x128xf32>,
    } else {
    }
    %le3A_377 = arith.constant 39 : i32
    %le3A_378 = arith.cmpi sle, %reduce_min3A_63, %le3A_377 : i32
    %ge3A_379 = arith.constant 39 : i32
    %ge3A_380 = arith.cmpi sge, %reduce_max3A_67, %ge3A_379 : i32
    %and3A_381 = arith.andi %le3A_378, %ge3A_380 : i1
    %convert_element_type3A_382 = arith.extui %and3A_381 : i1 to i32
    %cond3A_383 = arith.constant 0 : i32
    %cond3A_384 = arith.cmpi ne, %convert_element_type3A_382, %cond3A_383 : i32
    scf.if %cond3A_384 {
      %eq3A_582 = arith.constant 39 : i32
      %eq3A_583 = vector.broadcast %eq3A_582 : i32 to vector<1000x1xi32>
      %eq3A_584 = arith.cmpi eq, %get3A_37, %eq3A_583 : vector<1000x1xi32>
      %jit3A = arith.constant 0xFF800000 : f32
      %broadcast_in_dim3A_585 = vector.shape_cast %eq3A_584 : vector<1000x1xi1> to vector<1000x1xi1>
      %broadcast_in_dim3A_586 = vector.broadcast %broadcast_in_dim3A_585 : vector<1000x1xi1> to vector<1000x128xi1>
      %broadcast_in_dim3A_587 = vector.broadcast %jit3A : f32 to vector<1000x128xf32>
      %select_n3A = arith.select %broadcast_in_dim3A_586, %add3A_34, %broadcast_in_dim3A_587 : vector<1000x128xi1>, vector<1000x128xf32>
      %get3A_588 = arith.constant 39 : index
      %get3A_589 = arith.constant 0 : index
      %get3A_590 = vector.load %arg7[%get3A_588, %get3A_589] : memref<64x128xf32, #tpu.memory_space<vmem>>, vector<1x128xf32>
      %get3A_591 = vector.shape_cast %get3A_590 : vector<1x128xf32> to vector<128xf32>
      %reduce_max3A_592 = arith.constant dense<0xFF800000> : vector<128xf32>
      %reduce_max3A_593 = vector.multi_reduction <maximumf>, %select_n3A, %reduce_max3A_592 [0] : vector<1000x128xf32> to vector<128xf32>
      %max3A = arith.maximumf %get3A_591, %reduce_max3A_593 : vector<128xf32>
      %swap3A_594 = arith.constant 39 : index
      %swap3A_595 = arith.constant 0 : index
      %swap3A_596 = vector.load %arg7[%swap3A_594, %swap3A_595] : memref<64x128xf32, #tpu.memory_space<vmem>>, vector<1x128xf32>
      %swap3A_597 = vector.shape_cast %swap3A_596 : vector<1x128xf32> to vector<128xf32>
      %swap3A_598 = vector.shape_cast %max3A : vector<128xf32> to vector<1x128xf32>
      tpu.vector_store %arg7[%swap3A_594, %swap3A_595], %swap3A_598 {strides = array<i32>} : memref<64x128xf32, #tpu.memory_space<vmem>>, vector<1x128xf32>,
    } else {
    }
    %le3A_385 = arith.constant 40 : i32
    %le3A_386 = arith.cmpi sle, %reduce_min3A_63, %le3A_385 : i32
    %ge3A_387 = arith.constant 40 : i32
    %ge3A_388 = arith.cmpi sge, %reduce_max3A_67, %ge3A_387 : i32
    %and3A_389 = arith.andi %le3A_386, %ge3A_388 : i1
    %convert_element_type3A_390 = arith.extui %and3A_389 : i1 to i32
    %cond3A_391 = arith.constant 0 : i32
    %cond3A_392 = arith.cmpi ne, %convert_element_type3A_390, %cond3A_391 : i32
    scf.if %cond3A_392 {
      %eq3A_582 = arith.constant 40 : i32
      %eq3A_583 = vector.broadcast %eq3A_582 : i32 to vector<1000x1xi32>
      %eq3A_584 = arith.cmpi eq, %get3A_37, %eq3A_583 : vector<1000x1xi32>
      %jit3A = arith.constant 0xFF800000 : f32
      %broadcast_in_dim3A_585 = vector.shape_cast %eq3A_584 : vector<1000x1xi1> to vector<1000x1xi1>
      %broadcast_in_dim3A_586 = vector.broadcast %broadcast_in_dim3A_585 : vector<1000x1xi1> to vector<1000x128xi1>
      %broadcast_in_dim3A_587 = vector.broadcast %jit3A : f32 to vector<1000x128xf32>
      %select_n3A = arith.select %broadcast_in_dim3A_586, %add3A_34, %broadcast_in_dim3A_587 : vector<1000x128xi1>, vector<1000x128xf32>
      %get3A_588 = arith.constant 40 : index
      %get3A_589 = arith.constant 0 : index
      %get3A_590 = vector.load %arg7[%get3A_588, %get3A_589] : memref<64x128xf32, #tpu.memory_space<vmem>>, vector<1x128xf32>
      %get3A_591 = vector.shape_cast %get3A_590 : vector<1x128xf32> to vector<128xf32>
      %reduce_max3A_592 = arith.constant dense<0xFF800000> : vector<128xf32>
      %reduce_max3A_593 = vector.multi_reduction <maximumf>, %select_n3A, %reduce_max3A_592 [0] : vector<1000x128xf32> to vector<128xf32>
      %max3A = arith.maximumf %get3A_591, %reduce_max3A_593 : vector<128xf32>
      %swap3A_594 = arith.constant 40 : index
      %swap3A_595 = arith.constant 0 : index
      %swap3A_596 = vector.load %arg7[%swap3A_594, %swap3A_595] : memref<64x128xf32, #tpu.memory_space<vmem>>, vector<1x128xf32>
      %swap3A_597 = vector.shape_cast %swap3A_596 : vector<1x128xf32> to vector<128xf32>
      %swap3A_598 = vector.shape_cast %max3A : vector<128xf32> to vector<1x128xf32>
      tpu.vector_store %arg7[%swap3A_594, %swap3A_595], %swap3A_598 {strides = array<i32>} : memref<64x128xf32, #tpu.memory_space<vmem>>, vector<1x128xf32>,
    } else {
    }
    %le3A_393 = arith.constant 41 : i32
    %le3A_394 = arith.cmpi sle, %reduce_min3A_63, %le3A_393 : i32
    %ge3A_395 = arith.constant 41 : i32
    %ge3A_396 = arith.cmpi sge, %reduce_max3A_67, %ge3A_395 : i32
    %and3A_397 = arith.andi %le3A_394, %ge3A_396 : i1
    %convert_element_type3A_398 = arith.extui %and3A_397 : i1 to i32
    %cond3A_399 = arith.constant 0 : i32
    %cond3A_400 = arith.cmpi ne, %convert_element_type3A_398, %cond3A_399 : i32
    scf.if %cond3A_400 {
      %eq3A_582 = arith.constant 41 : i32
      %eq3A_583 = vector.broadcast %eq3A_582 : i32 to vector<1000x1xi32>
      %eq3A_584 = arith.cmpi eq, %get3A_37, %eq3A_583 : vector<1000x1xi32>
      %jit3A = arith.constant 0xFF800000 : f32
      %broadcast_in_dim3A_585 = vector.shape_cast %eq3A_584 : vector<1000x1xi1> to vector<1000x1xi1>
      %broadcast_in_dim3A_586 = vector.broadcast %broadcast_in_dim3A_585 : vector<1000x1xi1> to vector<1000x128xi1>
      %broadcast_in_dim3A_587 = vector.broadcast %jit3A : f32 to vector<1000x128xf32>
      %select_n3A = arith.select %broadcast_in_dim3A_586, %add3A_34, %broadcast_in_dim3A_587 : vector<1000x128xi1>, vector<1000x128xf32>
      %get3A_588 = arith.constant 41 : index
      %get3A_589 = arith.constant 0 : index
      %get3A_590 = vector.load %arg7[%get3A_588, %get3A_589] : memref<64x128xf32, #tpu.memory_space<vmem>>, vector<1x128xf32>
      %get3A_591 = vector.shape_cast %get3A_590 : vector<1x128xf32> to vector<128xf32>
      %reduce_max3A_592 = arith.constant dense<0xFF800000> : vector<128xf32>
      %reduce_max3A_593 = vector.multi_reduction <maximumf>, %select_n3A, %reduce_max3A_592 [0] : vector<1000x128xf32> to vector<128xf32>
      %max3A = arith.maximumf %get3A_591, %reduce_max3A_593 : vector<128xf32>
      %swap3A_594 = arith.constant 41 : index
      %swap3A_595 = arith.constant 0 : index
      %swap3A_596 = vector.load %arg7[%swap3A_594, %swap3A_595] : memref<64x128xf32, #tpu.memory_space<vmem>>, vector<1x128xf32>
      %swap3A_597 = vector.shape_cast %swap3A_596 : vector<1x128xf32> to vector<128xf32>
      %swap3A_598 = vector.shape_cast %max3A : vector<128xf32> to vector<1x128xf32>
      tpu.vector_store %arg7[%swap3A_594, %swap3A_595], %swap3A_598 {strides = array<i32>} : memref<64x128xf32, #tpu.memory_space<vmem>>, vector<1x128xf32>,
    } else {
    }
    %le3A_401 = arith.constant 42 : i32
    %le3A_402 = arith.cmpi sle, %reduce_min3A_63, %le3A_401 : i32
    %ge3A_403 = arith.constant 42 : i32
    %ge3A_404 = arith.cmpi sge, %reduce_max3A_67, %ge3A_403 : i32
    %and3A_405 = arith.andi %le3A_402, %ge3A_404 : i1
    %convert_element_type3A_406 = arith.extui %and3A_405 : i1 to i32
    %cond3A_407 = arith.constant 0 : i32
    %cond3A_408 = arith.cmpi ne, %convert_element_type3A_406, %cond3A_407 : i32
    scf.if %cond3A_408 {
      %eq3A_582 = arith.constant 42 : i32
      %eq3A_583 = vector.broadcast %eq3A_582 : i32 to vector<1000x1xi32>
      %eq3A_584 = arith.cmpi eq, %get3A_37, %eq3A_583 : vector<1000x1xi32>
      %jit3A = arith.constant 0xFF800000 : f32
      %broadcast_in_dim3A_585 = vector.shape_cast %eq3A_584 : vector<1000x1xi1> to vector<1000x1xi1>
      %broadcast_in_dim3A_586 = vector.broadcast %broadcast_in_dim3A_585 : vector<1000x1xi1> to vector<1000x128xi1>
      %broadcast_in_dim3A_587 = vector.broadcast %jit3A : f32 to vector<1000x128xf32>
      %select_n3A = arith.select %broadcast_in_dim3A_586, %add3A_34, %broadcast_in_dim3A_587 : vector<1000x128xi1>, vector<1000x128xf32>
      %get3A_588 = arith.constant 42 : index
      %get3A_589 = arith.constant 0 : index
      %get3A_590 = vector.load %arg7[%get3A_588, %get3A_589] : memref<64x128xf32, #tpu.memory_space<vmem>>, vector<1x128xf32>
      %get3A_591 = vector.shape_cast %get3A_590 : vector<1x128xf32> to vector<128xf32>
      %reduce_max3A_592 = arith.constant dense<0xFF800000> : vector<128xf32>
      %reduce_max3A_593 = vector.multi_reduction <maximumf>, %select_n3A, %reduce_max3A_592 [0] : vector<1000x128xf32> to vector<128xf32>
      %max3A = arith.maximumf %get3A_591, %reduce_max3A_593 : vector<128xf32>
      %swap3A_594 = arith.constant 42 : index
      %swap3A_595 = arith.constant 0 : index
      %swap3A_596 = vector.load %arg7[%swap3A_594, %swap3A_595] : memref<64x128xf32, #tpu.memory_space<vmem>>, vector<1x128xf32>
      %swap3A_597 = vector.shape_cast %swap3A_596 : vector<1x128xf32> to vector<128xf32>
      %swap3A_598 = vector.shape_cast %max3A : vector<128xf32> to vector<1x128xf32>
      tpu.vector_store %arg7[%swap3A_594, %swap3A_595], %swap3A_598 {strides = array<i32>} : memref<64x128xf32, #tpu.memory_space<vmem>>, vector<1x128xf32>,
    } else {
    }
    %le3A_409 = arith.constant 43 : i32
    %le3A_410 = arith.cmpi sle, %reduce_min3A_63, %le3A_409 : i32
    %ge3A_411 = arith.constant 43 : i32
    %ge3A_412 = arith.cmpi sge, %reduce_max3A_67, %ge3A_411 : i32
    %and3A_413 = arith.andi %le3A_410, %ge3A_412 : i1
    %convert_element_type3A_414 = arith.extui %and3A_413 : i1 to i32
    %cond3A_415 = arith.constant 0 : i32
    %cond3A_416 = arith.cmpi ne, %convert_element_type3A_414, %cond3A_415 : i32
    scf.if %cond3A_416 {
      %eq3A_582 = arith.constant 43 : i32
      %eq3A_583 = vector.broadcast %eq3A_582 : i32 to vector<1000x1xi32>
      %eq3A_584 = arith.cmpi eq, %get3A_37, %eq3A_583 : vector<1000x1xi32>
      %jit3A = arith.constant 0xFF800000 : f32
      %broadcast_in_dim3A_585 = vector.shape_cast %eq3A_584 : vector<1000x1xi1> to vector<1000x1xi1>
      %broadcast_in_dim3A_586 = vector.broadcast %broadcast_in_dim3A_585 : vector<1000x1xi1> to vector<1000x128xi1>
      %broadcast_in_dim3A_587 = vector.broadcast %jit3A : f32 to vector<1000x128xf32>
      %select_n3A = arith.select %broadcast_in_dim3A_586, %add3A_34, %broadcast_in_dim3A_587 : vector<1000x128xi1>, vector<1000x128xf32>
      %get3A_588 = arith.constant 43 : index
      %get3A_589 = arith.constant 0 : index
      %get3A_590 = vector.load %arg7[%get3A_588, %get3A_589] : memref<64x128xf32, #tpu.memory_space<vmem>>, vector<1x128xf32>
      %get3A_591 = vector.shape_cast %get3A_590 : vector<1x128xf32> to vector<128xf32>
      %reduce_max3A_592 = arith.constant dense<0xFF800000> : vector<128xf32>
      %reduce_max3A_593 = vector.multi_reduction <maximumf>, %select_n3A, %reduce_max3A_592 [0] : vector<1000x128xf32> to vector<128xf32>
      %max3A = arith.maximumf %get3A_591, %reduce_max3A_593 : vector<128xf32>
      %swap3A_594 = arith.constant 43 : index
      %swap3A_595 = arith.constant 0 : index
      %swap3A_596 = vector.load %arg7[%swap3A_594, %swap3A_595] : memref<64x128xf32, #tpu.memory_space<vmem>>, vector<1x128xf32>
      %swap3A_597 = vector.shape_cast %swap3A_596 : vector<1x128xf32> to vector<128xf32>
      %swap3A_598 = vector.shape_cast %max3A : vector<128xf32> to vector<1x128xf32>
      tpu.vector_store %arg7[%swap3A_594, %swap3A_595], %swap3A_598 {strides = array<i32>} : memref<64x128xf32, #tpu.memory_space<vmem>>, vector<1x128xf32>,
    } else {
    }
    %le3A_417 = arith.constant 44 : i32
    %le3A_418 = arith.cmpi sle, %reduce_min3A_63, %le3A_417 : i32
    %ge3A_419 = arith.constant 44 : i32
    %ge3A_420 = arith.cmpi sge, %reduce_max3A_67, %ge3A_419 : i32
    %and3A_421 = arith.andi %le3A_418, %ge3A_420 : i1
    %convert_element_type3A_422 = arith.extui %and3A_421 : i1 to i32
    %cond3A_423 = arith.constant 0 : i32
    %cond3A_424 = arith.cmpi ne, %convert_element_type3A_422, %cond3A_423 : i32
    scf.if %cond3A_424 {
      %eq3A_582 = arith.constant 44 : i32
      %eq3A_583 = vector.broadcast %eq3A_582 : i32 to vector<1000x1xi32>
      %eq3A_584 = arith.cmpi eq, %get3A_37, %eq3A_583 : vector<1000x1xi32>
      %jit3A = arith.constant 0xFF800000 : f32
      %broadcast_in_dim3A_585 = vector.shape_cast %eq3A_584 : vector<1000x1xi1> to vector<1000x1xi1>
      %broadcast_in_dim3A_586 = vector.broadcast %broadcast_in_dim3A_585 : vector<1000x1xi1> to vector<1000x128xi1>
      %broadcast_in_dim3A_587 = vector.broadcast %jit3A : f32 to vector<1000x128xf32>
      %select_n3A = arith.select %broadcast_in_dim3A_586, %add3A_34, %broadcast_in_dim3A_587 : vector<1000x128xi1>, vector<1000x128xf32>
      %get3A_588 = arith.constant 44 : index
      %get3A_589 = arith.constant 0 : index
      %get3A_590 = vector.load %arg7[%get3A_588, %get3A_589] : memref<64x128xf32, #tpu.memory_space<vmem>>, vector<1x128xf32>
      %get3A_591 = vector.shape_cast %get3A_590 : vector<1x128xf32> to vector<128xf32>
      %reduce_max3A_592 = arith.constant dense<0xFF800000> : vector<128xf32>
      %reduce_max3A_593 = vector.multi_reduction <maximumf>, %select_n3A, %reduce_max3A_592 [0] : vector<1000x128xf32> to vector<128xf32>
      %max3A = arith.maximumf %get3A_591, %reduce_max3A_593 : vector<128xf32>
      %swap3A_594 = arith.constant 44 : index
      %swap3A_595 = arith.constant 0 : index
      %swap3A_596 = vector.load %arg7[%swap3A_594, %swap3A_595] : memref<64x128xf32, #tpu.memory_space<vmem>>, vector<1x128xf32>
      %swap3A_597 = vector.shape_cast %swap3A_596 : vector<1x128xf32> to vector<128xf32>
      %swap3A_598 = vector.shape_cast %max3A : vector<128xf32> to vector<1x128xf32>
      tpu.vector_store %arg7[%swap3A_594, %swap3A_595], %swap3A_598 {strides = array<i32>} : memref<64x128xf32, #tpu.memory_space<vmem>>, vector<1x128xf32>,
    } else {
    }
    %le3A_425 = arith.constant 45 : i32
    %le3A_426 = arith.cmpi sle, %reduce_min3A_63, %le3A_425 : i32
    %ge3A_427 = arith.constant 45 : i32
    %ge3A_428 = arith.cmpi sge, %reduce_max3A_67, %ge3A_427 : i32
    %and3A_429 = arith.andi %le3A_426, %ge3A_428 : i1
    %convert_element_type3A_430 = arith.extui %and3A_429 : i1 to i32
    %cond3A_431 = arith.constant 0 : i32
    %cond3A_432 = arith.cmpi ne, %convert_element_type3A_430, %cond3A_431 : i32
    scf.if %cond3A_432 {
      %eq3A_582 = arith.constant 45 : i32
      %eq3A_583 = vector.broadcast %eq3A_582 : i32 to vector<1000x1xi32>
      %eq3A_584 = arith.cmpi eq, %get3A_37, %eq3A_583 : vector<1000x1xi32>
      %jit3A = arith.constant 0xFF800000 : f32
      %broadcast_in_dim3A_585 = vector.shape_cast %eq3A_584 : vector<1000x1xi1> to vector<1000x1xi1>
      %broadcast_in_dim3A_586 = vector.broadcast %broadcast_in_dim3A_585 : vector<1000x1xi1> to vector<1000x128xi1>
      %broadcast_in_dim3A_587 = vector.broadcast %jit3A : f32 to vector<1000x128xf32>
      %select_n3A = arith.select %broadcast_in_dim3A_586, %add3A_34, %broadcast_in_dim3A_587 : vector<1000x128xi1>, vector<1000x128xf32>
      %get3A_588 = arith.constant 45 : index
      %get3A_589 = arith.constant 0 : index
      %get3A_590 = vector.load %arg7[%get3A_588, %get3A_589] : memref<64x128xf32, #tpu.memory_space<vmem>>, vector<1x128xf32>
      %get3A_591 = vector.shape_cast %get3A_590 : vector<1x128xf32> to vector<128xf32>
      %reduce_max3A_592 = arith.constant dense<0xFF800000> : vector<128xf32>
      %reduce_max3A_593 = vector.multi_reduction <maximumf>, %select_n3A, %reduce_max3A_592 [0] : vector<1000x128xf32> to vector<128xf32>
      %max3A = arith.maximumf %get3A_591, %reduce_max3A_593 : vector<128xf32>
      %swap3A_594 = arith.constant 45 : index
      %swap3A_595 = arith.constant 0 : index
      %swap3A_596 = vector.load %arg7[%swap3A_594, %swap3A_595] : memref<64x128xf32, #tpu.memory_space<vmem>>, vector<1x128xf32>
      %swap3A_597 = vector.shape_cast %swap3A_596 : vector<1x128xf32> to vector<128xf32>
      %swap3A_598 = vector.shape_cast %max3A : vector<128xf32> to vector<1x128xf32>
      tpu.vector_store %arg7[%swap3A_594, %swap3A_595], %swap3A_598 {strides = array<i32>} : memref<64x128xf32, #tpu.memory_space<vmem>>, vector<1x128xf32>,
    } else {
    }
    %le3A_433 = arith.constant 46 : i32
    %le3A_434 = arith.cmpi sle, %reduce_min3A_63, %le3A_433 : i32
    %ge3A_435 = arith.constant 46 : i32
    %ge3A_436 = arith.cmpi sge, %reduce_max3A_67, %ge3A_435 : i32
    %and3A_437 = arith.andi %le3A_434, %ge3A_436 : i1
    %convert_element_type3A_438 = arith.extui %and3A_437 : i1 to i32
    %cond3A_439 = arith.constant 0 : i32
    %cond3A_440 = arith.cmpi ne, %convert_element_type3A_438, %cond3A_439 : i32
    scf.if %cond3A_440 {
      %eq3A_582 = arith.constant 46 : i32
      %eq3A_583 = vector.broadcast %eq3A_582 : i32 to vector<1000x1xi32>
      %eq3A_584 = arith.cmpi eq, %get3A_37, %eq3A_583 : vector<1000x1xi32>
      %jit3A = arith.constant 0xFF800000 : f32
      %broadcast_in_dim3A_585 = vector.shape_cast %eq3A_584 : vector<1000x1xi1> to vector<1000x1xi1>
      %broadcast_in_dim3A_586 = vector.broadcast %broadcast_in_dim3A_585 : vector<1000x1xi1> to vector<1000x128xi1>
      %broadcast_in_dim3A_587 = vector.broadcast %jit3A : f32 to vector<1000x128xf32>
      %select_n3A = arith.select %broadcast_in_dim3A_586, %add3A_34, %broadcast_in_dim3A_587 : vector<1000x128xi1>, vector<1000x128xf32>
      %get3A_588 = arith.constant 46 : index
      %get3A_589 = arith.constant 0 : index
      %get3A_590 = vector.load %arg7[%get3A_588, %get3A_589] : memref<64x128xf32, #tpu.memory_space<vmem>>, vector<1x128xf32>
      %get3A_591 = vector.shape_cast %get3A_590 : vector<1x128xf32> to vector<128xf32>
      %reduce_max3A_592 = arith.constant dense<0xFF800000> : vector<128xf32>
      %reduce_max3A_593 = vector.multi_reduction <maximumf>, %select_n3A, %reduce_max3A_592 [0] : vector<1000x128xf32> to vector<128xf32>
      %max3A = arith.maximumf %get3A_591, %reduce_max3A_593 : vector<128xf32>
      %swap3A_594 = arith.constant 46 : index
      %swap3A_595 = arith.constant 0 : index
      %swap3A_596 = vector.load %arg7[%swap3A_594, %swap3A_595] : memref<64x128xf32, #tpu.memory_space<vmem>>, vector<1x128xf32>
      %swap3A_597 = vector.shape_cast %swap3A_596 : vector<1x128xf32> to vector<128xf32>
      %swap3A_598 = vector.shape_cast %max3A : vector<128xf32> to vector<1x128xf32>
      tpu.vector_store %arg7[%swap3A_594, %swap3A_595], %swap3A_598 {strides = array<i32>} : memref<64x128xf32, #tpu.memory_space<vmem>>, vector<1x128xf32>,
    } else {
    }
    %le3A_441 = arith.constant 47 : i32
    %le3A_442 = arith.cmpi sle, %reduce_min3A_63, %le3A_441 : i32
    %ge3A_443 = arith.constant 47 : i32
    %ge3A_444 = arith.cmpi sge, %reduce_max3A_67, %ge3A_443 : i32
    %and3A_445 = arith.andi %le3A_442, %ge3A_444 : i1
    %convert_element_type3A_446 = arith.extui %and3A_445 : i1 to i32
    %cond3A_447 = arith.constant 0 : i32
    %cond3A_448 = arith.cmpi ne, %convert_element_type3A_446, %cond3A_447 : i32
    scf.if %cond3A_448 {
      %eq3A_582 = arith.constant 47 : i32
      %eq3A_583 = vector.broadcast %eq3A_582 : i32 to vector<1000x1xi32>
      %eq3A_584 = arith.cmpi eq, %get3A_37, %eq3A_583 : vector<1000x1xi32>
      %jit3A = arith.constant 0xFF800000 : f32
      %broadcast_in_dim3A_585 = vector.shape_cast %eq3A_584 : vector<1000x1xi1> to vector<1000x1xi1>
      %broadcast_in_dim3A_586 = vector.broadcast %broadcast_in_dim3A_585 : vector<1000x1xi1> to vector<1000x128xi1>
      %broadcast_in_dim3A_587 = vector.broadcast %jit3A : f32 to vector<1000x128xf32>
      %select_n3A = arith.select %broadcast_in_dim3A_586, %add3A_34, %broadcast_in_dim3A_587 : vector<1000x128xi1>, vector<1000x128xf32>
      %get3A_588 = arith.constant 47 : index
      %get3A_589 = arith.constant 0 : index
      %get3A_590 = vector.load %arg7[%get3A_588, %get3A_589] : memref<64x128xf32, #tpu.memory_space<vmem>>, vector<1x128xf32>
      %get3A_591 = vector.shape_cast %get3A_590 : vector<1x128xf32> to vector<128xf32>
      %reduce_max3A_592 = arith.constant dense<0xFF800000> : vector<128xf32>
      %reduce_max3A_593 = vector.multi_reduction <maximumf>, %select_n3A, %reduce_max3A_592 [0] : vector<1000x128xf32> to vector<128xf32>
      %max3A = arith.maximumf %get3A_591, %reduce_max3A_593 : vector<128xf32>
      %swap3A_594 = arith.constant 47 : index
      %swap3A_595 = arith.constant 0 : index
      %swap3A_596 = vector.load %arg7[%swap3A_594, %swap3A_595] : memref<64x128xf32, #tpu.memory_space<vmem>>, vector<1x128xf32>
      %swap3A_597 = vector.shape_cast %swap3A_596 : vector<1x128xf32> to vector<128xf32>
      %swap3A_598 = vector.shape_cast %max3A : vector<128xf32> to vector<1x128xf32>
      tpu.vector_store %arg7[%swap3A_594, %swap3A_595], %swap3A_598 {strides = array<i32>} : memref<64x128xf32, #tpu.memory_space<vmem>>, vector<1x128xf32>,
    } else {
    }
    %le3A_449 = arith.constant 48 : i32
    %le3A_450 = arith.cmpi sle, %reduce_min3A_63, %le3A_449 : i32
    %ge3A_451 = arith.constant 48 : i32
    %ge3A_452 = arith.cmpi sge, %reduce_max3A_67, %ge3A_451 : i32
    %and3A_453 = arith.andi %le3A_450, %ge3A_452 : i1
    %convert_element_type3A_454 = arith.extui %and3A_453 : i1 to i32
    %cond3A_455 = arith.constant 0 : i32
    %cond3A_456 = arith.cmpi ne, %convert_element_type3A_454, %cond3A_455 : i32
    scf.if %cond3A_456 {
      %eq3A_582 = arith.constant 48 : i32
      %eq3A_583 = vector.broadcast %eq3A_582 : i32 to vector<1000x1xi32>
      %eq3A_584 = arith.cmpi eq, %get3A_37, %eq3A_583 : vector<1000x1xi32>
      %jit3A = arith.constant 0xFF800000 : f32
      %broadcast_in_dim3A_585 = vector.shape_cast %eq3A_584 : vector<1000x1xi1> to vector<1000x1xi1>
      %broadcast_in_dim3A_586 = vector.broadcast %broadcast_in_dim3A_585 : vector<1000x1xi1> to vector<1000x128xi1>
      %broadcast_in_dim3A_587 = vector.broadcast %jit3A : f32 to vector<1000x128xf32>
      %select_n3A = arith.select %broadcast_in_dim3A_586, %add3A_34, %broadcast_in_dim3A_587 : vector<1000x128xi1>, vector<1000x128xf32>
      %get3A_588 = arith.constant 48 : index
      %get3A_589 = arith.constant 0 : index
      %get3A_590 = vector.load %arg7[%get3A_588, %get3A_589] : memref<64x128xf32, #tpu.memory_space<vmem>>, vector<1x128xf32>
      %get3A_591 = vector.shape_cast %get3A_590 : vector<1x128xf32> to vector<128xf32>
      %reduce_max3A_592 = arith.constant dense<0xFF800000> : vector<128xf32>
      %reduce_max3A_593 = vector.multi_reduction <maximumf>, %select_n3A, %reduce_max3A_592 [0] : vector<1000x128xf32> to vector<128xf32>
      %max3A = arith.maximumf %get3A_591, %reduce_max3A_593 : vector<128xf32>
      %swap3A_594 = arith.constant 48 : index
      %swap3A_595 = arith.constant 0 : index
      %swap3A_596 = vector.load %arg7[%swap3A_594, %swap3A_595] : memref<64x128xf32, #tpu.memory_space<vmem>>, vector<1x128xf32>
      %swap3A_597 = vector.shape_cast %swap3A_596 : vector<1x128xf32> to vector<128xf32>
      %swap3A_598 = vector.shape_cast %max3A : vector<128xf32> to vector<1x128xf32>
      tpu.vector_store %arg7[%swap3A_594, %swap3A_595], %swap3A_598 {strides = array<i32>} : memref<64x128xf32, #tpu.memory_space<vmem>>, vector<1x128xf32>,
    } else {
    }
    %le3A_457 = arith.constant 49 : i32
    %le3A_458 = arith.cmpi sle, %reduce_min3A_63, %le3A_457 : i32
    %ge3A_459 = arith.constant 49 : i32
    %ge3A_460 = arith.cmpi sge, %reduce_max3A_67, %ge3A_459 : i32
    %and3A_461 = arith.andi %le3A_458, %ge3A_460 : i1
    %convert_element_type3A_462 = arith.extui %and3A_461 : i1 to i32
    %cond3A_463 = arith.constant 0 : i32
    %cond3A_464 = arith.cmpi ne, %convert_element_type3A_462, %cond3A_463 : i32
    scf.if %cond3A_464 {
      %eq3A_582 = arith.constant 49 : i32
      %eq3A_583 = vector.broadcast %eq3A_582 : i32 to vector<1000x1xi32>
      %eq3A_584 = arith.cmpi eq, %get3A_37, %eq3A_583 : vector<1000x1xi32>
      %jit3A = arith.constant 0xFF800000 : f32
      %broadcast_in_dim3A_585 = vector.shape_cast %eq3A_584 : vector<1000x1xi1> to vector<1000x1xi1>
      %broadcast_in_dim3A_586 = vector.broadcast %broadcast_in_dim3A_585 : vector<1000x1xi1> to vector<1000x128xi1>
      %broadcast_in_dim3A_587 = vector.broadcast %jit3A : f32 to vector<1000x128xf32>
      %select_n3A = arith.select %broadcast_in_dim3A_586, %add3A_34, %broadcast_in_dim3A_587 : vector<1000x128xi1>, vector<1000x128xf32>
      %get3A_588 = arith.constant 49 : index
      %get3A_589 = arith.constant 0 : index
      %get3A_590 = vector.load %arg7[%get3A_588, %get3A_589] : memref<64x128xf32, #tpu.memory_space<vmem>>, vector<1x128xf32>
      %get3A_591 = vector.shape_cast %get3A_590 : vector<1x128xf32> to vector<128xf32>
      %reduce_max3A_592 = arith.constant dense<0xFF800000> : vector<128xf32>
      %reduce_max3A_593 = vector.multi_reduction <maximumf>, %select_n3A, %reduce_max3A_592 [0] : vector<1000x128xf32> to vector<128xf32>
      %max3A = arith.maximumf %get3A_591, %reduce_max3A_593 : vector<128xf32>
      %swap3A_594 = arith.constant 49 : index
      %swap3A_595 = arith.constant 0 : index
      %swap3A_596 = vector.load %arg7[%swap3A_594, %swap3A_595] : memref<64x128xf32, #tpu.memory_space<vmem>>, vector<1x128xf32>
      %swap3A_597 = vector.shape_cast %swap3A_596 : vector<1x128xf32> to vector<128xf32>
      %swap3A_598 = vector.shape_cast %max3A : vector<128xf32> to vector<1x128xf32>
      tpu.vector_store %arg7[%swap3A_594, %swap3A_595], %swap3A_598 {strides = array<i32>} : memref<64x128xf32, #tpu.memory_space<vmem>>, vector<1x128xf32>,
    } else {
    }
    %le3A_465 = arith.constant 50 : i32
    %le3A_466 = arith.cmpi sle, %reduce_min3A_63, %le3A_465 : i32
    %ge3A_467 = arith.constant 50 : i32
    %ge3A_468 = arith.cmpi sge, %reduce_max3A_67, %ge3A_467 : i32
    %and3A_469 = arith.andi %le3A_466, %ge3A_468 : i1
    %convert_element_type3A_470 = arith.extui %and3A_469 : i1 to i32
    %cond3A_471 = arith.constant 0 : i32
    %cond3A_472 = arith.cmpi ne, %convert_element_type3A_470, %cond3A_471 : i32
    scf.if %cond3A_472 {
      %eq3A_582 = arith.constant 50 : i32
      %eq3A_583 = vector.broadcast %eq3A_582 : i32 to vector<1000x1xi32>
      %eq3A_584 = arith.cmpi eq, %get3A_37, %eq3A_583 : vector<1000x1xi32>
      %jit3A = arith.constant 0xFF800000 : f32
      %broadcast_in_dim3A_585 = vector.shape_cast %eq3A_584 : vector<1000x1xi1> to vector<1000x1xi1>
      %broadcast_in_dim3A_586 = vector.broadcast %broadcast_in_dim3A_585 : vector<1000x1xi1> to vector<1000x128xi1>
      %broadcast_in_dim3A_587 = vector.broadcast %jit3A : f32 to vector<1000x128xf32>
      %select_n3A = arith.select %broadcast_in_dim3A_586, %add3A_34, %broadcast_in_dim3A_587 : vector<1000x128xi1>, vector<1000x128xf32>
      %get3A_588 = arith.constant 50 : index
      %get3A_589 = arith.constant 0 : index
      %get3A_590 = vector.load %arg7[%get3A_588, %get3A_589] : memref<64x128xf32, #tpu.memory_space<vmem>>, vector<1x128xf32>
      %get3A_591 = vector.shape_cast %get3A_590 : vector<1x128xf32> to vector<128xf32>
      %reduce_max3A_592 = arith.constant dense<0xFF800000> : vector<128xf32>
      %reduce_max3A_593 = vector.multi_reduction <maximumf>, %select_n3A, %reduce_max3A_592 [0] : vector<1000x128xf32> to vector<128xf32>
      %max3A = arith.maximumf %get3A_591, %reduce_max3A_593 : vector<128xf32>
      %swap3A_594 = arith.constant 50 : index
      %swap3A_595 = arith.constant 0 : index
      %swap3A_596 = vector.load %arg7[%swap3A_594, %swap3A_595] : memref<64x128xf32, #tpu.memory_space<vmem>>, vector<1x128xf32>
      %swap3A_597 = vector.shape_cast %swap3A_596 : vector<1x128xf32> to vector<128xf32>
      %swap3A_598 = vector.shape_cast %max3A : vector<128xf32> to vector<1x128xf32>
      tpu.vector_store %arg7[%swap3A_594, %swap3A_595], %swap3A_598 {strides = array<i32>} : memref<64x128xf32, #tpu.memory_space<vmem>>, vector<1x128xf32>,
    } else {
    }
    %le3A_473 = arith.constant 51 : i32
    %le3A_474 = arith.cmpi sle, %reduce_min3A_63, %le3A_473 : i32
    %ge3A_475 = arith.constant 51 : i32
    %ge3A_476 = arith.cmpi sge, %reduce_max3A_67, %ge3A_475 : i32
    %and3A_477 = arith.andi %le3A_474, %ge3A_476 : i1
    %convert_element_type3A_478 = arith.extui %and3A_477 : i1 to i32
    %cond3A_479 = arith.constant 0 : i32
    %cond3A_480 = arith.cmpi ne, %convert_element_type3A_478, %cond3A_479 : i32
    scf.if %cond3A_480 {
      %eq3A_582 = arith.constant 51 : i32
      %eq3A_583 = vector.broadcast %eq3A_582 : i32 to vector<1000x1xi32>
      %eq3A_584 = arith.cmpi eq, %get3A_37, %eq3A_583 : vector<1000x1xi32>
      %jit3A = arith.constant 0xFF800000 : f32
      %broadcast_in_dim3A_585 = vector.shape_cast %eq3A_584 : vector<1000x1xi1> to vector<1000x1xi1>
      %broadcast_in_dim3A_586 = vector.broadcast %broadcast_in_dim3A_585 : vector<1000x1xi1> to vector<1000x128xi1>
      %broadcast_in_dim3A_587 = vector.broadcast %jit3A : f32 to vector<1000x128xf32>
      %select_n3A = arith.select %broadcast_in_dim3A_586, %add3A_34, %broadcast_in_dim3A_587 : vector<1000x128xi1>, vector<1000x128xf32>
      %get3A_588 = arith.constant 51 : index
      %get3A_589 = arith.constant 0 : index
      %get3A_590 = vector.load %arg7[%get3A_588, %get3A_589] : memref<64x128xf32, #tpu.memory_space<vmem>>, vector<1x128xf32>
      %get3A_591 = vector.shape_cast %get3A_590 : vector<1x128xf32> to vector<128xf32>
      %reduce_max3A_592 = arith.constant dense<0xFF800000> : vector<128xf32>
      %reduce_max3A_593 = vector.multi_reduction <maximumf>, %select_n3A, %reduce_max3A_592 [0] : vector<1000x128xf32> to vector<128xf32>
      %max3A = arith.maximumf %get3A_591, %reduce_max3A_593 : vector<128xf32>
      %swap3A_594 = arith.constant 51 : index
      %swap3A_595 = arith.constant 0 : index
      %swap3A_596 = vector.load %arg7[%swap3A_594, %swap3A_595] : memref<64x128xf32, #tpu.memory_space<vmem>>, vector<1x128xf32>
      %swap3A_597 = vector.shape_cast %swap3A_596 : vector<1x128xf32> to vector<128xf32>
      %swap3A_598 = vector.shape_cast %max3A : vector<128xf32> to vector<1x128xf32>
      tpu.vector_store %arg7[%swap3A_594, %swap3A_595], %swap3A_598 {strides = array<i32>} : memref<64x128xf32, #tpu.memory_space<vmem>>, vector<1x128xf32>,
    } else {
    }
    %le3A_481 = arith.constant 52 : i32
    %le3A_482 = arith.cmpi sle, %reduce_min3A_63, %le3A_481 : i32
    %ge3A_483 = arith.constant 52 : i32
    %ge3A_484 = arith.cmpi sge, %reduce_max3A_67, %ge3A_483 : i32
    %and3A_485 = arith.andi %le3A_482, %ge3A_484 : i1
    %convert_element_type3A_486 = arith.extui %and3A_485 : i1 to i32
    %cond3A_487 = arith.constant 0 : i32
    %cond3A_488 = arith.cmpi ne, %convert_element_type3A_486, %cond3A_487 : i32
    scf.if %cond3A_488 {
      %eq3A_582 = arith.constant 52 : i32
      %eq3A_583 = vector.broadcast %eq3A_582 : i32 to vector<1000x1xi32>
      %eq3A_584 = arith.cmpi eq, %get3A_37, %eq3A_583 : vector<1000x1xi32>
      %jit3A = arith.constant 0xFF800000 : f32
      %broadcast_in_dim3A_585 = vector.shape_cast %eq3A_584 : vector<1000x1xi1> to vector<1000x1xi1>
      %broadcast_in_dim3A_586 = vector.broadcast %broadcast_in_dim3A_585 : vector<1000x1xi1> to vector<1000x128xi1>
      %broadcast_in_dim3A_587 = vector.broadcast %jit3A : f32 to vector<1000x128xf32>
      %select_n3A = arith.select %broadcast_in_dim3A_586, %add3A_34, %broadcast_in_dim3A_587 : vector<1000x128xi1>, vector<1000x128xf32>
      %get3A_588 = arith.constant 52 : index
      %get3A_589 = arith.constant 0 : index
      %get3A_590 = vector.load %arg7[%get3A_588, %get3A_589] : memref<64x128xf32, #tpu.memory_space<vmem>>, vector<1x128xf32>
      %get3A_591 = vector.shape_cast %get3A_590 : vector<1x128xf32> to vector<128xf32>
      %reduce_max3A_592 = arith.constant dense<0xFF800000> : vector<128xf32>
      %reduce_max3A_593 = vector.multi_reduction <maximumf>, %select_n3A, %reduce_max3A_592 [0] : vector<1000x128xf32> to vector<128xf32>
      %max3A = arith.maximumf %get3A_591, %reduce_max3A_593 : vector<128xf32>
      %swap3A_594 = arith.constant 52 : index
      %swap3A_595 = arith.constant 0 : index
      %swap3A_596 = vector.load %arg7[%swap3A_594, %swap3A_595] : memref<64x128xf32, #tpu.memory_space<vmem>>, vector<1x128xf32>
      %swap3A_597 = vector.shape_cast %swap3A_596 : vector<1x128xf32> to vector<128xf32>
      %swap3A_598 = vector.shape_cast %max3A : vector<128xf32> to vector<1x128xf32>
      tpu.vector_store %arg7[%swap3A_594, %swap3A_595], %swap3A_598 {strides = array<i32>} : memref<64x128xf32, #tpu.memory_space<vmem>>, vector<1x128xf32>,
    } else {
    }
    %le3A_489 = arith.constant 53 : i32
    %le3A_490 = arith.cmpi sle, %reduce_min3A_63, %le3A_489 : i32
    %ge3A_491 = arith.constant 53 : i32
    %ge3A_492 = arith.cmpi sge, %reduce_max3A_67, %ge3A_491 : i32
    %and3A_493 = arith.andi %le3A_490, %ge3A_492 : i1
    %convert_element_type3A_494 = arith.extui %and3A_493 : i1 to i32
    %cond3A_495 = arith.constant 0 : i32
    %cond3A_496 = arith.cmpi ne, %convert_element_type3A_494, %cond3A_495 : i32
    scf.if %cond3A_496 {
      %eq3A_582 = arith.constant 53 : i32
      %eq3A_583 = vector.broadcast %eq3A_582 : i32 to vector<1000x1xi32>
      %eq3A_584 = arith.cmpi eq, %get3A_37, %eq3A_583 : vector<1000x1xi32>
      %jit3A = arith.constant 0xFF800000 : f32
      %broadcast_in_dim3A_585 = vector.shape_cast %eq3A_584 : vector<1000x1xi1> to vector<1000x1xi1>
      %broadcast_in_dim3A_586 = vector.broadcast %broadcast_in_dim3A_585 : vector<1000x1xi1> to vector<1000x128xi1>
      %broadcast_in_dim3A_587 = vector.broadcast %jit3A : f32 to vector<1000x128xf32>
      %select_n3A = arith.select %broadcast_in_dim3A_586, %add3A_34, %broadcast_in_dim3A_587 : vector<1000x128xi1>, vector<1000x128xf32>
      %get3A_588 = arith.constant 53 : index
      %get3A_589 = arith.constant 0 : index
      %get3A_590 = vector.load %arg7[%get3A_588, %get3A_589] : memref<64x128xf32, #tpu.memory_space<vmem>>, vector<1x128xf32>
      %get3A_591 = vector.shape_cast %get3A_590 : vector<1x128xf32> to vector<128xf32>
      %reduce_max3A_592 = arith.constant dense<0xFF800000> : vector<128xf32>
      %reduce_max3A_593 = vector.multi_reduction <maximumf>, %select_n3A, %reduce_max3A_592 [0] : vector<1000x128xf32> to vector<128xf32>
      %max3A = arith.maximumf %get3A_591, %reduce_max3A_593 : vector<128xf32>
      %swap3A_594 = arith.constant 53 : index
      %swap3A_595 = arith.constant 0 : index
      %swap3A_596 = vector.load %arg7[%swap3A_594, %swap3A_595] : memref<64x128xf32, #tpu.memory_space<vmem>>, vector<1x128xf32>
      %swap3A_597 = vector.shape_cast %swap3A_596 : vector<1x128xf32> to vector<128xf32>
      %swap3A_598 = vector.shape_cast %max3A : vector<128xf32> to vector<1x128xf32>
      tpu.vector_store %arg7[%swap3A_594, %swap3A_595], %swap3A_598 {strides = array<i32>} : memref<64x128xf32, #tpu.memory_space<vmem>>, vector<1x128xf32>,
    } else {
    }
    %le3A_497 = arith.constant 54 : i32
    %le3A_498 = arith.cmpi sle, %reduce_min3A_63, %le3A_497 : i32
    %ge3A_499 = arith.constant 54 : i32
    %ge3A_500 = arith.cmpi sge, %reduce_max3A_67, %ge3A_499 : i32
    %and3A_501 = arith.andi %le3A_498, %ge3A_500 : i1
    %convert_element_type3A_502 = arith.extui %and3A_501 : i1 to i32
    %cond3A_503 = arith.constant 0 : i32
    %cond3A_504 = arith.cmpi ne, %convert_element_type3A_502, %cond3A_503 : i32
    scf.if %cond3A_504 {
      %eq3A_582 = arith.constant 54 : i32
      %eq3A_583 = vector.broadcast %eq3A_582 : i32 to vector<1000x1xi32>
      %eq3A_584 = arith.cmpi eq, %get3A_37, %eq3A_583 : vector<1000x1xi32>
      %jit3A = arith.constant 0xFF800000 : f32
      %broadcast_in_dim3A_585 = vector.shape_cast %eq3A_584 : vector<1000x1xi1> to vector<1000x1xi1>
      %broadcast_in_dim3A_586 = vector.broadcast %broadcast_in_dim3A_585 : vector<1000x1xi1> to vector<1000x128xi1>
      %broadcast_in_dim3A_587 = vector.broadcast %jit3A : f32 to vector<1000x128xf32>
      %select_n3A = arith.select %broadcast_in_dim3A_586, %add3A_34, %broadcast_in_dim3A_587 : vector<1000x128xi1>, vector<1000x128xf32>
      %get3A_588 = arith.constant 54 : index
      %get3A_589 = arith.constant 0 : index
      %get3A_590 = vector.load %arg7[%get3A_588, %get3A_589] : memref<64x128xf32, #tpu.memory_space<vmem>>, vector<1x128xf32>
      %get3A_591 = vector.shape_cast %get3A_590 : vector<1x128xf32> to vector<128xf32>
      %reduce_max3A_592 = arith.constant dense<0xFF800000> : vector<128xf32>
      %reduce_max3A_593 = vector.multi_reduction <maximumf>, %select_n3A, %reduce_max3A_592 [0] : vector<1000x128xf32> to vector<128xf32>
      %max3A = arith.maximumf %get3A_591, %reduce_max3A_593 : vector<128xf32>
      %swap3A_594 = arith.constant 54 : index
      %swap3A_595 = arith.constant 0 : index
      %swap3A_596 = vector.load %arg7[%swap3A_594, %swap3A_595] : memref<64x128xf32, #tpu.memory_space<vmem>>, vector<1x128xf32>
      %swap3A_597 = vector.shape_cast %swap3A_596 : vector<1x128xf32> to vector<128xf32>
      %swap3A_598 = vector.shape_cast %max3A : vector<128xf32> to vector<1x128xf32>
      tpu.vector_store %arg7[%swap3A_594, %swap3A_595], %swap3A_598 {strides = array<i32>} : memref<64x128xf32, #tpu.memory_space<vmem>>, vector<1x128xf32>,
    } else {
    }
    %le3A_505 = arith.constant 55 : i32
    %le3A_506 = arith.cmpi sle, %reduce_min3A_63, %le3A_505 : i32
    %ge3A_507 = arith.constant 55 : i32
    %ge3A_508 = arith.cmpi sge, %reduce_max3A_67, %ge3A_507 : i32
    %and3A_509 = arith.andi %le3A_506, %ge3A_508 : i1
    %convert_element_type3A_510 = arith.extui %and3A_509 : i1 to i32
    %cond3A_511 = arith.constant 0 : i32
    %cond3A_512 = arith.cmpi ne, %convert_element_type3A_510, %cond3A_511 : i32
    scf.if %cond3A_512 {
      %eq3A_582 = arith.constant 55 : i32
      %eq3A_583 = vector.broadcast %eq3A_582 : i32 to vector<1000x1xi32>
      %eq3A_584 = arith.cmpi eq, %get3A_37, %eq3A_583 : vector<1000x1xi32>
      %jit3A = arith.constant 0xFF800000 : f32
      %broadcast_in_dim3A_585 = vector.shape_cast %eq3A_584 : vector<1000x1xi1> to vector<1000x1xi1>
      %broadcast_in_dim3A_586 = vector.broadcast %broadcast_in_dim3A_585 : vector<1000x1xi1> to vector<1000x128xi1>
      %broadcast_in_dim3A_587 = vector.broadcast %jit3A : f32 to vector<1000x128xf32>
      %select_n3A = arith.select %broadcast_in_dim3A_586, %add3A_34, %broadcast_in_dim3A_587 : vector<1000x128xi1>, vector<1000x128xf32>
      %get3A_588 = arith.constant 55 : index
      %get3A_589 = arith.constant 0 : index
      %get3A_590 = vector.load %arg7[%get3A_588, %get3A_589] : memref<64x128xf32, #tpu.memory_space<vmem>>, vector<1x128xf32>
      %get3A_591 = vector.shape_cast %get3A_590 : vector<1x128xf32> to vector<128xf32>
      %reduce_max3A_592 = arith.constant dense<0xFF800000> : vector<128xf32>
      %reduce_max3A_593 = vector.multi_reduction <maximumf>, %select_n3A, %reduce_max3A_592 [0] : vector<1000x128xf32> to vector<128xf32>
      %max3A = arith.maximumf %get3A_591, %reduce_max3A_593 : vector<128xf32>
      %swap3A_594 = arith.constant 55 : index
      %swap3A_595 = arith.constant 0 : index
      %swap3A_596 = vector.load %arg7[%swap3A_594, %swap3A_595] : memref<64x128xf32, #tpu.memory_space<vmem>>, vector<1x128xf32>
      %swap3A_597 = vector.shape_cast %swap3A_596 : vector<1x128xf32> to vector<128xf32>
      %swap3A_598 = vector.shape_cast %max3A : vector<128xf32> to vector<1x128xf32>
      tpu.vector_store %arg7[%swap3A_594, %swap3A_595], %swap3A_598 {strides = array<i32>} : memref<64x128xf32, #tpu.memory_space<vmem>>, vector<1x128xf32>,
    } else {
    }
    %le3A_513 = arith.constant 56 : i32
    %le3A_514 = arith.cmpi sle, %reduce_min3A_63, %le3A_513 : i32
    %ge3A_515 = arith.constant 56 : i32
    %ge3A_516 = arith.cmpi sge, %reduce_max3A_67, %ge3A_515 : i32
    %and3A_517 = arith.andi %le3A_514, %ge3A_516 : i1
    %convert_element_type3A_518 = arith.extui %and3A_517 : i1 to i32
    %cond3A_519 = arith.constant 0 : i32
    %cond3A_520 = arith.cmpi ne, %convert_element_type3A_518, %cond3A_519 : i32
    scf.if %cond3A_520 {
      %eq3A_582 = arith.constant 56 : i32
      %eq3A_583 = vector.broadcast %eq3A_582 : i32 to vector<1000x1xi32>
      %eq3A_584 = arith.cmpi eq, %get3A_37, %eq3A_583 : vector<1000x1xi32>
      %jit3A = arith.constant 0xFF800000 : f32
      %broadcast_in_dim3A_585 = vector.shape_cast %eq3A_584 : vector<1000x1xi1> to vector<1000x1xi1>
      %broadcast_in_dim3A_586 = vector.broadcast %broadcast_in_dim3A_585 : vector<1000x1xi1> to vector<1000x128xi1>
      %broadcast_in_dim3A_587 = vector.broadcast %jit3A : f32 to vector<1000x128xf32>
      %select_n3A = arith.select %broadcast_in_dim3A_586, %add3A_34, %broadcast_in_dim3A_587 : vector<1000x128xi1>, vector<1000x128xf32>
      %get3A_588 = arith.constant 56 : index
      %get3A_589 = arith.constant 0 : index
      %get3A_590 = vector.load %arg7[%get3A_588, %get3A_589] : memref<64x128xf32, #tpu.memory_space<vmem>>, vector<1x128xf32>
      %get3A_591 = vector.shape_cast %get3A_590 : vector<1x128xf32> to vector<128xf32>
      %reduce_max3A_592 = arith.constant dense<0xFF800000> : vector<128xf32>
      %reduce_max3A_593 = vector.multi_reduction <maximumf>, %select_n3A, %reduce_max3A_592 [0] : vector<1000x128xf32> to vector<128xf32>
      %max3A = arith.maximumf %get3A_591, %reduce_max3A_593 : vector<128xf32>
      %swap3A_594 = arith.constant 56 : index
      %swap3A_595 = arith.constant 0 : index
      %swap3A_596 = vector.load %arg7[%swap3A_594, %swap3A_595] : memref<64x128xf32, #tpu.memory_space<vmem>>, vector<1x128xf32>
      %swap3A_597 = vector.shape_cast %swap3A_596 : vector<1x128xf32> to vector<128xf32>
      %swap3A_598 = vector.shape_cast %max3A : vector<128xf32> to vector<1x128xf32>
      tpu.vector_store %arg7[%swap3A_594, %swap3A_595], %swap3A_598 {strides = array<i32>} : memref<64x128xf32, #tpu.memory_space<vmem>>, vector<1x128xf32>,
    } else {
    }
    %le3A_521 = arith.constant 57 : i32
    %le3A_522 = arith.cmpi sle, %reduce_min3A_63, %le3A_521 : i32
    %ge3A_523 = arith.constant 57 : i32
    %ge3A_524 = arith.cmpi sge, %reduce_max3A_67, %ge3A_523 : i32
    %and3A_525 = arith.andi %le3A_522, %ge3A_524 : i1
    %convert_element_type3A_526 = arith.extui %and3A_525 : i1 to i32
    %cond3A_527 = arith.constant 0 : i32
    %cond3A_528 = arith.cmpi ne, %convert_element_type3A_526, %cond3A_527 : i32
    scf.if %cond3A_528 {
      %eq3A_582 = arith.constant 57 : i32
      %eq3A_583 = vector.broadcast %eq3A_582 : i32 to vector<1000x1xi32>
      %eq3A_584 = arith.cmpi eq, %get3A_37, %eq3A_583 : vector<1000x1xi32>
      %jit3A = arith.constant 0xFF800000 : f32
      %broadcast_in_dim3A_585 = vector.shape_cast %eq3A_584 : vector<1000x1xi1> to vector<1000x1xi1>
      %broadcast_in_dim3A_586 = vector.broadcast %broadcast_in_dim3A_585 : vector<1000x1xi1> to vector<1000x128xi1>
      %broadcast_in_dim3A_587 = vector.broadcast %jit3A : f32 to vector<1000x128xf32>
      %select_n3A = arith.select %broadcast_in_dim3A_586, %add3A_34, %broadcast_in_dim3A_587 : vector<1000x128xi1>, vector<1000x128xf32>
      %get3A_588 = arith.constant 57 : index
      %get3A_589 = arith.constant 0 : index
      %get3A_590 = vector.load %arg7[%get3A_588, %get3A_589] : memref<64x128xf32, #tpu.memory_space<vmem>>, vector<1x128xf32>
      %get3A_591 = vector.shape_cast %get3A_590 : vector<1x128xf32> to vector<128xf32>
      %reduce_max3A_592 = arith.constant dense<0xFF800000> : vector<128xf32>
      %reduce_max3A_593 = vector.multi_reduction <maximumf>, %select_n3A, %reduce_max3A_592 [0] : vector<1000x128xf32> to vector<128xf32>
      %max3A = arith.maximumf %get3A_591, %reduce_max3A_593 : vector<128xf32>
      %swap3A_594 = arith.constant 57 : index
      %swap3A_595 = arith.constant 0 : index
      %swap3A_596 = vector.load %arg7[%swap3A_594, %swap3A_595] : memref<64x128xf32, #tpu.memory_space<vmem>>, vector<1x128xf32>
      %swap3A_597 = vector.shape_cast %swap3A_596 : vector<1x128xf32> to vector<128xf32>
      %swap3A_598 = vector.shape_cast %max3A : vector<128xf32> to vector<1x128xf32>
      tpu.vector_store %arg7[%swap3A_594, %swap3A_595], %swap3A_598 {strides = array<i32>} : memref<64x128xf32, #tpu.memory_space<vmem>>, vector<1x128xf32>,
    } else {
    }
    %le3A_529 = arith.constant 58 : i32
    %le3A_530 = arith.cmpi sle, %reduce_min3A_63, %le3A_529 : i32
    %ge3A_531 = arith.constant 58 : i32
    %ge3A_532 = arith.cmpi sge, %reduce_max3A_67, %ge3A_531 : i32
    %and3A_533 = arith.andi %le3A_530, %ge3A_532 : i1
    %convert_element_type3A_534 = arith.extui %and3A_533 : i1 to i32
    %cond3A_535 = arith.constant 0 : i32
    %cond3A_536 = arith.cmpi ne, %convert_element_type3A_534, %cond3A_535 : i32
    scf.if %cond3A_536 {
      %eq3A_582 = arith.constant 58 : i32
      %eq3A_583 = vector.broadcast %eq3A_582 : i32 to vector<1000x1xi32>
      %eq3A_584 = arith.cmpi eq, %get3A_37, %eq3A_583 : vector<1000x1xi32>
      %jit3A = arith.constant 0xFF800000 : f32
      %broadcast_in_dim3A_585 = vector.shape_cast %eq3A_584 : vector<1000x1xi1> to vector<1000x1xi1>
      %broadcast_in_dim3A_586 = vector.broadcast %broadcast_in_dim3A_585 : vector<1000x1xi1> to vector<1000x128xi1>
      %broadcast_in_dim3A_587 = vector.broadcast %jit3A : f32 to vector<1000x128xf32>
      %select_n3A = arith.select %broadcast_in_dim3A_586, %add3A_34, %broadcast_in_dim3A_587 : vector<1000x128xi1>, vector<1000x128xf32>
      %get3A_588 = arith.constant 58 : index
      %get3A_589 = arith.constant 0 : index
      %get3A_590 = vector.load %arg7[%get3A_588, %get3A_589] : memref<64x128xf32, #tpu.memory_space<vmem>>, vector<1x128xf32>
      %get3A_591 = vector.shape_cast %get3A_590 : vector<1x128xf32> to vector<128xf32>
      %reduce_max3A_592 = arith.constant dense<0xFF800000> : vector<128xf32>
      %reduce_max3A_593 = vector.multi_reduction <maximumf>, %select_n3A, %reduce_max3A_592 [0] : vector<1000x128xf32> to vector<128xf32>
      %max3A = arith.maximumf %get3A_591, %reduce_max3A_593 : vector<128xf32>
      %swap3A_594 = arith.constant 58 : index
      %swap3A_595 = arith.constant 0 : index
      %swap3A_596 = vector.load %arg7[%swap3A_594, %swap3A_595] : memref<64x128xf32, #tpu.memory_space<vmem>>, vector<1x128xf32>
      %swap3A_597 = vector.shape_cast %swap3A_596 : vector<1x128xf32> to vector<128xf32>
      %swap3A_598 = vector.shape_cast %max3A : vector<128xf32> to vector<1x128xf32>
      tpu.vector_store %arg7[%swap3A_594, %swap3A_595], %swap3A_598 {strides = array<i32>} : memref<64x128xf32, #tpu.memory_space<vmem>>, vector<1x128xf32>,
    } else {
    }
    %le3A_537 = arith.constant 59 : i32
    %le3A_538 = arith.cmpi sle, %reduce_min3A_63, %le3A_537 : i32
    %ge3A_539 = arith.constant 59 : i32
    %ge3A_540 = arith.cmpi sge, %reduce_max3A_67, %ge3A_539 : i32
    %and3A_541 = arith.andi %le3A_538, %ge3A_540 : i1
    %convert_element_type3A_542 = arith.extui %and3A_541 : i1 to i32
    %cond3A_543 = arith.constant 0 : i32
    %cond3A_544 = arith.cmpi ne, %convert_element_type3A_542, %cond3A_543 : i32
    scf.if %cond3A_544 {
      %eq3A_582 = arith.constant 59 : i32
      %eq3A_583 = vector.broadcast %eq3A_582 : i32 to vector<1000x1xi32>
      %eq3A_584 = arith.cmpi eq, %get3A_37, %eq3A_583 : vector<1000x1xi32>
      %jit3A = arith.constant 0xFF800000 : f32
      %broadcast_in_dim3A_585 = vector.shape_cast %eq3A_584 : vector<1000x1xi1> to vector<1000x1xi1>
      %broadcast_in_dim3A_586 = vector.broadcast %broadcast_in_dim3A_585 : vector<1000x1xi1> to vector<1000x128xi1>
      %broadcast_in_dim3A_587 = vector.broadcast %jit3A : f32 to vector<1000x128xf32>
      %select_n3A = arith.select %broadcast_in_dim3A_586, %add3A_34, %broadcast_in_dim3A_587 : vector<1000x128xi1>, vector<1000x128xf32>
      %get3A_588 = arith.constant 59 : index
      %get3A_589 = arith.constant 0 : index
      %get3A_590 = vector.load %arg7[%get3A_588, %get3A_589] : memref<64x128xf32, #tpu.memory_space<vmem>>, vector<1x128xf32>
      %get3A_591 = vector.shape_cast %get3A_590 : vector<1x128xf32> to vector<128xf32>
      %reduce_max3A_592 = arith.constant dense<0xFF800000> : vector<128xf32>
      %reduce_max3A_593 = vector.multi_reduction <maximumf>, %select_n3A, %reduce_max3A_592 [0] : vector<1000x128xf32> to vector<128xf32>
      %max3A = arith.maximumf %get3A_591, %reduce_max3A_593 : vector<128xf32>
      %swap3A_594 = arith.constant 59 : index
      %swap3A_595 = arith.constant 0 : index
      %swap3A_596 = vector.load %arg7[%swap3A_594, %swap3A_595] : memref<64x128xf32, #tpu.memory_space<vmem>>, vector<1x128xf32>
      %swap3A_597 = vector.shape_cast %swap3A_596 : vector<1x128xf32> to vector<128xf32>
      %swap3A_598 = vector.shape_cast %max3A : vector<128xf32> to vector<1x128xf32>
      tpu.vector_store %arg7[%swap3A_594, %swap3A_595], %swap3A_598 {strides = array<i32>} : memref<64x128xf32, #tpu.memory_space<vmem>>, vector<1x128xf32>,
    } else {
    }
    %le3A_545 = arith.constant 60 : i32
    %le3A_546 = arith.cmpi sle, %reduce_min3A_63, %le3A_545 : i32
    %ge3A_547 = arith.constant 60 : i32
    %ge3A_548 = arith.cmpi sge, %reduce_max3A_67, %ge3A_547 : i32
    %and3A_549 = arith.andi %le3A_546, %ge3A_548 : i1
    %convert_element_type3A_550 = arith.extui %and3A_549 : i1 to i32
    %cond3A_551 = arith.constant 0 : i32
    %cond3A_552 = arith.cmpi ne, %convert_element_type3A_550, %cond3A_551 : i32
    scf.if %cond3A_552 {
      %eq3A_582 = arith.constant 60 : i32
      %eq3A_583 = vector.broadcast %eq3A_582 : i32 to vector<1000x1xi32>
      %eq3A_584 = arith.cmpi eq, %get3A_37, %eq3A_583 : vector<1000x1xi32>
      %jit3A = arith.constant 0xFF800000 : f32
      %broadcast_in_dim3A_585 = vector.shape_cast %eq3A_584 : vector<1000x1xi1> to vector<1000x1xi1>
      %broadcast_in_dim3A_586 = vector.broadcast %broadcast_in_dim3A_585 : vector<1000x1xi1> to vector<1000x128xi1>
      %broadcast_in_dim3A_587 = vector.broadcast %jit3A : f32 to vector<1000x128xf32>
      %select_n3A = arith.select %broadcast_in_dim3A_586, %add3A_34, %broadcast_in_dim3A_587 : vector<1000x128xi1>, vector<1000x128xf32>
      %get3A_588 = arith.constant 60 : index
      %get3A_589 = arith.constant 0 : index
      %get3A_590 = vector.load %arg7[%get3A_588, %get3A_589] : memref<64x128xf32, #tpu.memory_space<vmem>>, vector<1x128xf32>
      %get3A_591 = vector.shape_cast %get3A_590 : vector<1x128xf32> to vector<128xf32>
      %reduce_max3A_592 = arith.constant dense<0xFF800000> : vector<128xf32>
      %reduce_max3A_593 = vector.multi_reduction <maximumf>, %select_n3A, %reduce_max3A_592 [0] : vector<1000x128xf32> to vector<128xf32>
      %max3A = arith.maximumf %get3A_591, %reduce_max3A_593 : vector<128xf32>
      %swap3A_594 = arith.constant 60 : index
      %swap3A_595 = arith.constant 0 : index
      %swap3A_596 = vector.load %arg7[%swap3A_594, %swap3A_595] : memref<64x128xf32, #tpu.memory_space<vmem>>, vector<1x128xf32>
      %swap3A_597 = vector.shape_cast %swap3A_596 : vector<1x128xf32> to vector<128xf32>
      %swap3A_598 = vector.shape_cast %max3A : vector<128xf32> to vector<1x128xf32>
      tpu.vector_store %arg7[%swap3A_594, %swap3A_595], %swap3A_598 {strides = array<i32>} : memref<64x128xf32, #tpu.memory_space<vmem>>, vector<1x128xf32>,
    } else {
    }
    %le3A_553 = arith.constant 61 : i32
    %le3A_554 = arith.cmpi sle, %reduce_min3A_63, %le3A_553 : i32
    %ge3A_555 = arith.constant 61 : i32
    %ge3A_556 = arith.cmpi sge, %reduce_max3A_67, %ge3A_555 : i32
    %and3A_557 = arith.andi %le3A_554, %ge3A_556 : i1
    %convert_element_type3A_558 = arith.extui %and3A_557 : i1 to i32
    %cond3A_559 = arith.constant 0 : i32
    %cond3A_560 = arith.cmpi ne, %convert_element_type3A_558, %cond3A_559 : i32
    scf.if %cond3A_560 {
      %eq3A_582 = arith.constant 61 : i32
      %eq3A_583 = vector.broadcast %eq3A_582 : i32 to vector<1000x1xi32>
      %eq3A_584 = arith.cmpi eq, %get3A_37, %eq3A_583 : vector<1000x1xi32>
      %jit3A = arith.constant 0xFF800000 : f32
      %broadcast_in_dim3A_585 = vector.shape_cast %eq3A_584 : vector<1000x1xi1> to vector<1000x1xi1>
      %broadcast_in_dim3A_586 = vector.broadcast %broadcast_in_dim3A_585 : vector<1000x1xi1> to vector<1000x128xi1>
      %broadcast_in_dim3A_587 = vector.broadcast %jit3A : f32 to vector<1000x128xf32>
      %select_n3A = arith.select %broadcast_in_dim3A_586, %add3A_34, %broadcast_in_dim3A_587 : vector<1000x128xi1>, vector<1000x128xf32>
      %get3A_588 = arith.constant 61 : index
      %get3A_589 = arith.constant 0 : index
      %get3A_590 = vector.load %arg7[%get3A_588, %get3A_589] : memref<64x128xf32, #tpu.memory_space<vmem>>, vector<1x128xf32>
      %get3A_591 = vector.shape_cast %get3A_590 : vector<1x128xf32> to vector<128xf32>
      %reduce_max3A_592 = arith.constant dense<0xFF800000> : vector<128xf32>
      %reduce_max3A_593 = vector.multi_reduction <maximumf>, %select_n3A, %reduce_max3A_592 [0] : vector<1000x128xf32> to vector<128xf32>
      %max3A = arith.maximumf %get3A_591, %reduce_max3A_593 : vector<128xf32>
      %swap3A_594 = arith.constant 61 : index
      %swap3A_595 = arith.constant 0 : index
      %swap3A_596 = vector.load %arg7[%swap3A_594, %swap3A_595] : memref<64x128xf32, #tpu.memory_space<vmem>>, vector<1x128xf32>
      %swap3A_597 = vector.shape_cast %swap3A_596 : vector<1x128xf32> to vector<128xf32>
      %swap3A_598 = vector.shape_cast %max3A : vector<128xf32> to vector<1x128xf32>
      tpu.vector_store %arg7[%swap3A_594, %swap3A_595], %swap3A_598 {strides = array<i32>} : memref<64x128xf32, #tpu.memory_space<vmem>>, vector<1x128xf32>,
    } else {
    }
    %le3A_561 = arith.constant 62 : i32
    %le3A_562 = arith.cmpi sle, %reduce_min3A_63, %le3A_561 : i32
    %ge3A_563 = arith.constant 62 : i32
    %ge3A_564 = arith.cmpi sge, %reduce_max3A_67, %ge3A_563 : i32
    %and3A_565 = arith.andi %le3A_562, %ge3A_564 : i1
    %convert_element_type3A_566 = arith.extui %and3A_565 : i1 to i32
    %cond3A_567 = arith.constant 0 : i32
    %cond3A_568 = arith.cmpi ne, %convert_element_type3A_566, %cond3A_567 : i32
    scf.if %cond3A_568 {
      %eq3A_582 = arith.constant 62 : i32
      %eq3A_583 = vector.broadcast %eq3A_582 : i32 to vector<1000x1xi32>
      %eq3A_584 = arith.cmpi eq, %get3A_37, %eq3A_583 : vector<1000x1xi32>
      %jit3A = arith.constant 0xFF800000 : f32
      %broadcast_in_dim3A_585 = vector.shape_cast %eq3A_584 : vector<1000x1xi1> to vector<1000x1xi1>
      %broadcast_in_dim3A_586 = vector.broadcast %broadcast_in_dim3A_585 : vector<1000x1xi1> to vector<1000x128xi1>
      %broadcast_in_dim3A_587 = vector.broadcast %jit3A : f32 to vector<1000x128xf32>
      %select_n3A = arith.select %broadcast_in_dim3A_586, %add3A_34, %broadcast_in_dim3A_587 : vector<1000x128xi1>, vector<1000x128xf32>
      %get3A_588 = arith.constant 62 : index
      %get3A_589 = arith.constant 0 : index
      %get3A_590 = vector.load %arg7[%get3A_588, %get3A_589] : memref<64x128xf32, #tpu.memory_space<vmem>>, vector<1x128xf32>
      %get3A_591 = vector.shape_cast %get3A_590 : vector<1x128xf32> to vector<128xf32>
      %reduce_max3A_592 = arith.constant dense<0xFF800000> : vector<128xf32>
      %reduce_max3A_593 = vector.multi_reduction <maximumf>, %select_n3A, %reduce_max3A_592 [0] : vector<1000x128xf32> to vector<128xf32>
      %max3A = arith.maximumf %get3A_591, %reduce_max3A_593 : vector<128xf32>
      %swap3A_594 = arith.constant 62 : index
      %swap3A_595 = arith.constant 0 : index
      %swap3A_596 = vector.load %arg7[%swap3A_594, %swap3A_595] : memref<64x128xf32, #tpu.memory_space<vmem>>, vector<1x128xf32>
      %swap3A_597 = vector.shape_cast %swap3A_596 : vector<1x128xf32> to vector<128xf32>
      %swap3A_598 = vector.shape_cast %max3A : vector<128xf32> to vector<1x128xf32>
      tpu.vector_store %arg7[%swap3A_594, %swap3A_595], %swap3A_598 {strides = array<i32>} : memref<64x128xf32, #tpu.memory_space<vmem>>, vector<1x128xf32>,
    } else {
    }
    %le3A_569 = arith.constant 63 : i32
    %le3A_570 = arith.cmpi sle, %reduce_min3A_63, %le3A_569 : i32
    %ge3A_571 = arith.constant 63 : i32
    %ge3A_572 = arith.cmpi sge, %reduce_max3A_67, %ge3A_571 : i32
    %and3A_573 = arith.andi %le3A_570, %ge3A_572 : i1
    %convert_element_type3A_574 = arith.extui %and3A_573 : i1 to i32
    %cond3A_575 = arith.constant 0 : i32
    %cond3A_576 = arith.cmpi ne, %convert_element_type3A_574, %cond3A_575 : i32
    scf.if %cond3A_576 {
      %eq3A_582 = arith.constant 63 : i32
      %eq3A_583 = vector.broadcast %eq3A_582 : i32 to vector<1000x1xi32>
      %eq3A_584 = arith.cmpi eq, %get3A_37, %eq3A_583 : vector<1000x1xi32>
      %jit3A = arith.constant 0xFF800000 : f32
      %broadcast_in_dim3A_585 = vector.shape_cast %eq3A_584 : vector<1000x1xi1> to vector<1000x1xi1>
      %broadcast_in_dim3A_586 = vector.broadcast %broadcast_in_dim3A_585 : vector<1000x1xi1> to vector<1000x128xi1>
      %broadcast_in_dim3A_587 = vector.broadcast %jit3A : f32 to vector<1000x128xf32>
      %select_n3A = arith.select %broadcast_in_dim3A_586, %add3A_34, %broadcast_in_dim3A_587 : vector<1000x128xi1>, vector<1000x128xf32>
      %get3A_588 = arith.constant 63 : index
      %get3A_589 = arith.constant 0 : index
      %get3A_590 = vector.load %arg7[%get3A_588, %get3A_589] : memref<64x128xf32, #tpu.memory_space<vmem>>, vector<1x128xf32>
      %get3A_591 = vector.shape_cast %get3A_590 : vector<1x128xf32> to vector<128xf32>
      %reduce_max3A_592 = arith.constant dense<0xFF800000> : vector<128xf32>
      %reduce_max3A_593 = vector.multi_reduction <maximumf>, %select_n3A, %reduce_max3A_592 [0] : vector<1000x128xf32> to vector<128xf32>
      %max3A = arith.maximumf %get3A_591, %reduce_max3A_593 : vector<128xf32>
      %swap3A_594 = arith.constant 63 : index
      %swap3A_595 = arith.constant 0 : index
      %swap3A_596 = vector.load %arg7[%swap3A_594, %swap3A_595] : memref<64x128xf32, #tpu.memory_space<vmem>>, vector<1x128xf32>
      %swap3A_597 = vector.shape_cast %swap3A_596 : vector<1x128xf32> to vector<128xf32>
      %swap3A_598 = vector.shape_cast %max3A : vector<128xf32> to vector<1x128xf32>
      tpu.vector_store %arg7[%swap3A_594, %swap3A_595], %swap3A_598 {strides = array<i32>} : memref<64x128xf32, #tpu.memory_space<vmem>>, vector<1x128xf32>,
    } else {
    }
    %eq3A_577 = arith.constant 9 : i32
    %eq3A_578 = arith.cmpi eq, %arg0, %eq3A_577 : i32
    %convert_element_type3A_579 = arith.extui %eq3A_578 : i1 to i32
    %cond3A_580 = arith.constant 0 : i32
    %cond3A_581 = arith.cmpi ne, %convert_element_type3A_579, %cond3A_580 : i32
    scf.if %cond3A_581 {
      %get3A_582 = arith.constant 0 : index
      %get3A_583 = arith.constant 0 : index
      %get3A_584 = vector.load %arg9[%get3A_582, %get3A_583] : memref<64x1xf32, #tpu.memory_space<vmem>>, vector<64x1xf32>
      %gt3A = arith.constant 0.000000e+00 : f32
      %gt3A_585 = vector.broadcast %gt3A : f32 to vector<64x1xf32>
      %gt3A_586 = arith.cmpf ogt, %get3A_584, %gt3A_585 : vector<64x1xf32>
      %get3A_587 = arith.constant 0 : index
      %get3A_588 = arith.constant 0 : index
      %get3A_589 = vector.load %arg7[%get3A_587, %get3A_588] : memref<64x128xf32, #tpu.memory_space<vmem>>, vector<64x128xf32>
      %jit3A = arith.constant 0.000000e+00 : f32
      %broadcast_in_dim3A_590 = vector.shape_cast %gt3A_586 : vector<64x1xi1> to vector<64x1xi1>
      %broadcast_in_dim3A_591 = vector.broadcast %broadcast_in_dim3A_590 : vector<64x1xi1> to vector<64x128xi1>
      %broadcast_in_dim3A_592 = vector.broadcast %jit3A : f32 to vector<64x128xf32>
      %select_n3A = arith.select %broadcast_in_dim3A_591, %get3A_589, %broadcast_in_dim3A_592 : vector<64x128xi1>, vector<64x128xf32>
      %get3A_593 = arith.constant 0 : index
      %get3A_594 = arith.constant 0 : index
      %get3A_595 = vector.load %arg8[%get3A_593, %get3A_594] : memref<64x128xf32, #tpu.memory_space<vmem>>, vector<64x128xf32>
      %max3A = arith.constant 1.000000e+00 : f32
      %max3A_596 = vector.broadcast %max3A : f32 to vector<64x1xf32>
      %max3A_597 = arith.maximumf %get3A_584, %max3A_596 : vector<64x1xf32>
      %div3A = vector.broadcast %max3A_597 : vector<64x1xf32> to vector<64x128xf32>
      %div3A_598 = arith.divf %get3A_595, %div3A : vector<64x128xf32>
      %swap3A_599 = arith.constant 0 : index
      %swap3A_600 = arith.constant 0 : index
      %swap3A_601 = vector.load %arg6[%swap3A_599, %swap3A_600] : memref<64x256xf32, #tpu.memory_space<vmem>>, vector<64x128xf32>
      tpu.vector_store %arg6[%swap3A_599, %swap3A_600], %select_n3A {strides = array<i32>} : memref<64x256xf32, #tpu.memory_space<vmem>>, vector<64x128xf32>,
      %swap3A_602 = arith.constant 0 : index
      %swap3A_603 = arith.constant 128 : index
      %swap3A_604 = vector.load %arg6[%swap3A_602, %swap3A_603] : memref<64x256xf32, #tpu.memory_space<vmem>>, vector<64x128xf32>
      tpu.vector_store %arg6[%swap3A_602, %swap3A_603], %div3A_598 {strides = array<i32>} : memref<64x256xf32, #tpu.memory_space<vmem>>, vector<64x128xf32>,
    } else {
    }
    return
  }
  func.func @transform_0(%arg0: i32) -> (i32, i32, i32) {
    %c0_i32 = arith.constant 0 : i32
    %c0_i32_0 = arith.constant 0 : i32
    %c0_i32_1 = arith.constant 0 : i32
    return %c0_i32, %arg0, %c0_i32_0 : i32, i32, i32
  }
  func.func @transform_1(%arg0: i32) -> (i32, i32) {
    %c0_i32 = arith.constant 0 : i32
    %c0_i32_0 = arith.constant 0 : i32
    return %arg0, %c0_i32 : i32, i32
  }
  func.func @transform_2(%arg0: i32) -> (i32, i32, i32) {
    %c0_i32 = arith.constant 0 : i32
    %c0_i32_0 = arith.constant 0 : i32
    %c0_i32_1 = arith.constant 0 : i32
    return %c0_i32, %arg0, %c0_i32_0 : i32, i32, i32
  }
  func.func @transform_3(%arg0: i32) -> (i32, i32) {
    %c0_i32 = arith.constant 0 : i32
    %c0_i32_0 = arith.constant 0 : i32
    %c0_i32_1 = arith.constant 0 : i32
    return %c0_i32, %c0_i32_0 : i32, i32
  }
  func.func @transform_4(%arg0: i32) -> (i32, i32) {
    %c0_i32 = arith.constant 0 : i32
    %c0_i32_0 = arith.constant 0 : i32
    return %arg0, %c0_i32 : i32, i32
  }
  func.func @transform_5(%arg0: i32) -> (i32, i32) {
    %c0_i32 = arith.constant 0 : i32
    %c0_i32_0 = arith.constant 0 : i32
    %c0_i32_1 = arith.constant 0 : i32
    return %c0_i32, %c0_i32_0 : i32, i32
  }
}

</mosaic_0001>

<sc_bundles>
// kernel: kernel.11.cloned.1.call-start
scs
__scs_entry_jumppad:
0x0: {  	(pc) =	sbr.rel $0x88, $3  }
0x1: {  	(tag) =	ssettag $0x0;
	lr =	simm.s32 $0x1  }
0x2: {  	[smem:$0x3F9A] =	sst lr;
	_ =	strace $0xD0000000  }
0x3: {  	_ = 	snop  }
0x4: {  	_ = 	snop  }
0x5: {  	_ = 	snop  }
0x6: {  	_ = 	snop  }
0x7: {  	_ = 	snop  }
__scs_overlays_trampoline_lowered:
0x8: {  	[smem:$0x3FA9] =	sst s0  }
0x9: {  	[smem:$0x3FAA] =	sst s1  }
0xa: {  	[smem:$0x3FAB] =	sst s2  }
0xb: {  	[smem:$0x3FAC] =	sst s3  }
0xc: {  	[smem:$0x3FAD] =	sst s4  }
0xd: {  	[smem:$0x3FAE] =	sst s5  }
0xe: {  	[smem:$0x3FAF] =	sst s6  }
0xf: {  	[smem:$0x3FB0] =	sst s7  }
0x10: {  	[smem:$0x3FB1] =	sst s8  }
0x11: {  	[smem:$0x3FB2] =	sst s9;
	s0 =	simm.s32 @!p0 $0x0  }
0x12: {  	s1 =	sld [smem:$0x3F98];
	s0 =	simm.s32 @p0 $0x1  }
0x13: {  	[smem:$0x3FB3] =	sst s0;
	s0 =	simm.s32 @!p1 $0x0  }
0x14: {  	s2 =	sld [smem:$0x3F97];
	s0 =	simm.s32 @p1 $0x1  }
0x15: {  	[smem:$0x3FB4] =	sst s0;
	s0 =	simm.s32 @!p2 $0x0  }
0x16: {  	s3 =	sld [smem:$0x3FDB];
	s0 =	simm.s32 @p2 $0x1  }
0x17: {  	s4 =	simm.s32 $0x1BF5;
	[smem:$0x3FB6] =	sst s0  }
0x18: {  	s0 =	sld [smem:$0x3F99];
	_ =	swait.ge [sflag:s4], $0x0  }
0x19: {  	s7 =	sld [smem:$0x3F9A]  }
0x1a: {  	s8 =	sadd.s32 $0xFFFFE003, lr  }
0x1b: {  	s9 =	sadd.s32 $0xFFFFFEF7, lr;
	s5 =	simm.s32 $0xFFFFFFFF;
	p2 =	slt.u32 s8, $0xFFFFF086  }
0x1c: {  	p1 =	slt.u32 s9, $0xF7A;
	s5 =	simm.s32 @!p2 $0x0  }
0x1d: {  	s5 =	simm.s32 @p1 $0x1;
	p0 =	seq.s32 s7, s2  }
0x1e: {  	s7 =	smul.u32 @!p0 $0xF7A, s2;
	p2 =	seq.s32 @!p0 s5, $0x0  }
0x1f: {  	s9 =	smul.u32 $0xF7A, s1;
	s8 =	simm.s32 @!p0 $0x1BF5;
	p2 =	por !p2, p0  }
0x20: {  	[sflag:s8] =	ssyncset.s32 @!p0 $0xFFFFF086;
	s6 =	sadd.s32 @!p0 s3, s7;
	s7 =	simm.s32 @!p0 $0x108  }
0x21: {  	s3 =	sadd.s32 s3, s9;
	s6 =	sadd.s32 @!p0 $0x88, s6;
	s7 =	simm.s32 @p2 $0x1082  }
0x22: {  	[simem:s7], [sflag:s8] =	dma.local @!p0 [hbm:s6], $0xF7A  }
0x23: {  	s9 =	sor.u32 $0xD0000000, s2;
	s6 =	simm.s32 $0x108;
	_ =	swait.ge @!p0 [sflag:s8], $0x0  }
0x24: {  	s3 =	sadd.s32 $0x88, s3;
	s6 =	simm.s32 @!p1 $0x1082;
	[sflag:s4] =	ssyncset.s32 $0xFFFFF086  }
0x25: {  	[simem:s6], [sflag:s4] =	dma.local [hbm:s3], $0xF7A  }
0x26: {  	[smem:$0x3F9A] =	sst s1;
	(tag) =	ssettag s2;
	_ =	strace s9  }
0x27: {  	s1 =	sld [smem:$0x3FAA]  }
0x28: {  	s2 =	sld [smem:$0x3FAB]  }
0x29: {  	s4 =	sld [smem:$0x3FAD]  }
0x2a: {  	p0 =	seq.s32 s5, $0x0;
	s5 =	sld [smem:$0x3FAE]  }
0x2b: {  	s6 =	sld [smem:$0x3FAF]  }
0x2c: {  	s7 =	sld [smem:$0x3FB0]  }
0x2d: {  	s3 =	simm.s32 $0x108;
	s8 =	sld [smem:$0x3FB1]  }
0x2e: {  	s3 =	simm.s32 @!p0 $0x1082;
	s9 =	sld [smem:$0x3FB2]  }
0x2f: {  	lr =	sadd.s32 s0, s3;
	s0 =	sld [smem:$0x3FA9]  }
0x30: {  	s3 =	sld [smem:$0x3FAC]  }
0x31: {  	[smem:$0x3FB5] =	sst s10  }
0x32: {  	s10 =	sld [smem:$0x3FB3];
	_ =	sdelay $0x3  }
0x33: {  	p0 =	seq.s32 s10, $0x1;
	s10 =	sld [smem:$0x3FB5];
	_ =	sdelay $0x3  }
0x34: {  	[smem:$0x3FB5] =	sst s10  }
0x35: {  	s10 =	sld [smem:$0x3FB4];
	_ =	sdelay $0x3  }
0x36: {  	p1 =	seq.s32 s10, $0x1;
	s10 =	sld [smem:$0x3FB5];
	_ =	sdelay $0x3  }
0x37: {  	[smem:$0x3FB5] =	sst s10  }
0x38: {  	s10 =	sld [smem:$0x3FB6]  }
0x39: {  	_ = 	snop;
	(pc) =	sbr.ind lr, $3  }
0x3a: {  	_ = 	snop  }
0x3b: {  	_ = 	snop  }
0x3c: {  	p2 =	seq.s32 s10, $0x1;
	s10 =	sld [smem:$0x3FB5]  }
0x3d: {  	_ =	shalt  }
0x3e: {  	_ =	shalt  }
0x3f: {  	_ =	shalt  }
0x40: {  	_ =	shalt  }
0x41: {  	_ =	shalt  }
0x42: {  	_ =	shalt  }
0x43: {  	_ =	shalt  }
0x44: {  	_ =	shalt  }
0x45: {  	_ =	shalt  }
0x46: {  	_ =	shalt  }
0x47: {  	_ =	shalt  }
0x48: {  	_ =	shalt  }
0x49: {  	_ =	shalt  }
0x4a: {  	_ =	shalt  }
0x4b: {  	_ =	shalt  }
0x4c: {  	_ =	shalt  }
0x4d: {  	_ =	shalt  }
0x4e: {  	_ =	shalt  }
0x4f: {  	_ =	shalt  }
0x50: {  	_ =	shalt  }
0x51: {  	_ =	shalt  }
0x52: {  	_ =	shalt  }
0x53: {  	_ =	shalt  }
0x54: {  	_ =	shalt  }
0x55: {  	_ =	shalt  }
0x56: {  	_ =	shalt  }
0x57: {  	_ =	shalt  }
0x58: {  	_ =	shalt  }
0x59: {  	_ =	shalt  }
0x5a: {  	_ =	shalt  }
0x5b: {  	_ =	shalt  }
0x5c: {  	_ =	shalt  }
0x5d: {  	_ =	shalt  }
0x5e: {  	_ =	shalt  }
0x5f: {  	_ =	shalt  }
0x60: {  	_ =	shalt  }
0x61: {  	_ =	shalt  }
0x62: {  	_ =	shalt  }
0x63: {  	_ =	shalt  }
0x64: {  	_ =	shalt  }
0x65: {  	_ =	shalt  }
0x66: {  	_ =	shalt  }
0x67: {  	_ =	shalt  }
0x68: {  	_ =	shalt  }
0x69: {  	_ =	shalt  }
0x6a: {  	_ =	shalt  }
0x6b: {  	_ =	shalt  }
0x6c: {  	_ =	shalt  }
0x6d: {  	_ =	shalt  }
0x6e: {  	_ =	shalt  }
0x6f: {  	_ =	shalt  }
0x70: {  	_ =	shalt  }
0x71: {  	_ =	shalt  }
0x72: {  	_ =	shalt  }
0x73: {  	_ =	shalt  }
0x74: {  	_ =	shalt  }
0x75: {  	_ =	shalt  }
0x76: {  	_ =	shalt  }
0x77: {  	_ =	shalt  }
0x78: {  	_ =	shalt  }
0x79: {  	_ =	shalt  }
0x7a: {  	_ =	shalt  }
0x7b: {  	_ =	shalt  }
0x7c: {  	_ =	shalt  }
0x7d: {  	_ =	shalt  }
0x7e: {  	_ =	shalt  }
0x7f: {  	_ =	shalt  }
0x80: {  	_ =	shalt  }
0x81: {  	_ =	shalt  }
0x82: {  	_ =	shalt  }
0x83: {  	_ =	shalt  }
0x84: {  	_ =	shalt  }
0x85: {  	_ =	shalt  }
0x86: {  	_ =	shalt  }
0x87: {  	_ =	shalt  }
.Lfunc_end0:
.L_simem_size_0:
called_computation.1_lowered:
.L_overlay_start_0:
0x88: {  	s2 =	sld [smem:$0x3FD9]  }
0x89: {  	s3 =	sld [smem:$0x3FFE];
	_ =	sdelay $0x1  }
0x8a: {  	s1 =	srdreg.scid  }
0x8b: {  	s0 =	sand.u32 $0x1, s1  }
0x8c: {  	s16 =	sshll.u32 s0, $0xA;
	s2 =	sadd.s32 s3, s2  }
0x8d: {  	s2 =	sadd.s32 s2, s16  }
0x8e: {  	[smem:$0x3FC1] =	sst s2  }
0x8f: {  	_ = 	snop  }
0x90: {  	(tm) =	ssettm $0x1  }
0x91: {  	s17 =	sld [smem:$0x3FFB];
	_ =	sdelay $0x3  }
0x92: {  	_ =	strace s17  }
0x93: {  	s2 =	sld [smem:$0x3FFC];
	_ =	sdelay $0x3  }
0x94: {  	_ =	strace s2  }
0x95: {  	s2 =	sld [smem:$0x3FFD];
	_ =	sdelay $0x3  }
0x96: {  	_ =	strace s2  }
0x97: {  	_ =	strace $0x8FFFFFFF  }
0x98: {  	s18 =	sld [smem:$0x3FDB];
	_ =	sdelay $0x1  }
0x99: {  	s19 =	simm.s32 $_scs_section_size  }
0x9a: {  	s4 =	simm.s32 $_size__tile_overlayer_lowered;
	s5 =	simm.s32 $_tile_overlayer_lowered  }
0x9b: {  	s22 =	simm.s32 $0x1BFF;
	s21 =	sshll.u32 s5, $0x1;
	s2 =	sadd.s32 s19, s18  }
0x9c: {  	s6 =	simm.s32 $0x0;
	s20 =	sshll.u32 s4, $0x1;
	s4 =	sadd.s32 s21, s2  }
0x9d: {  	[timem:s6], [sflag:s22] =	dma.local [hbm:s4], s20  }
0x9e: {  	_ =	swait.ge [sflag:s22], s20  }
0x9f: {  	s3 =	ssub.s32 $0x0, s20;
	[sflag:s22] =	ssyncset.done $0x0  }
0xa0: {  	[sflag:s22] =	ssyncadd.s32 s3;
	_ =	sdelay $0x1  }
0xa1: {  	s23 =	simm.s32 $0x1B8B  }
0xa2: {  	_ =	swait.ge [sflag:s23], $0x1  }
0xa3: {  	[sflag:s23] =	ssyncset.done $0x0  }
0xa4: {  	s25 =	simm.s32 $0x1B8E;
	s24 =	sld [smem:$0x3FFE];
	[sflag:s23] =	ssyncadd.s32 $0xFFFFFFFF  }
0xa5: {  	s26 =	simm.s32 $execute0_lowered;
	[smem:$0x3FD2] =	sst s25  }
0xa6: {  	s4 =	sshll.u32 s26, $0x1;
	_ =	strace $0x80000049;
	[dreg:$0x1] =	wrdreg $0xFFFFFFFF  }
0xa7: {  	s28 =	simm.s32 $_size_execute0_lowered;
	s2 =	sadd.s32 s2, s4;
	[dreg:$0x0] =	wrdreg $0x0  }
0xa8: {  	s4 =	sshll.u32 s28, $0x1;
	[dreg:$0x2] =	wrdreg s2  }
0xa9: {  	[dreg:$0x3] =	wrdreg s4  }
0xaa: {  	[dreg:$0x4] =	wrdreg $0xC0  }
0xab: {  	_ =	task [dreg:s6], $0x5FFFF  }
0xac: {  	[dreg:$0x1] =	wrdreg $0xFFFFFFFF  }
0xad: {  	[dreg:$0x0] =	wrdreg $0x60  }
0xae: {  	[dreg:$0x2] =	wrdreg s24  }
0xaf: {  	[dreg:$0x3] =	wrdreg $0xB7800  }
0xb0: {  	[dreg:$0x4] =	wrdreg $0x9  }
0xb1: {  	_ =	task.clear_ibuf [dreg:s6], $0x5FFFF;
	_ =	strace $0x90000049  }
0xb2: {  	s29 =	simm.s32 $0x9;
	_ =	strace $0x8000004B  }
0xb3: {  	_ =	swait.ge [sflag:s29], $0x1  }
0xb4: {  	[sflag:s29] =	ssyncadd.s32 $0xFFFFFFFF  }
0xb5: {  	_ =	strace $0x9000004B  }
0xb6: {  	_ =	sfence  }
0xb7: {  	s30 =	sld [smem:$0x0];
	_ =	sdelay $0x2  }
0xb8: {  	s31 =	sshll.u32 s1, $0xD;
	s1 =	sshrl.u32 s1, $0x2  }
0xb9: {  	s3 =	sand.u32 $0x4000, s31;
	s1 =	sadd.s32 s1, s30  }
0xba: {  	s0 =	sor.u32 s3, s0;
	s1 =	sshll.u32 s1, $0x11  }
0xbb: {  	s0 =	sor.u32 s1, s0  }
0xbc: {  	s0 =	sadd.s32 $0x8F2B, s0  }
0xbd: {  	[sflag:s0] =	ssyncadd.remote.s32 $0x1  }
0xbe: {  	_ =	sfence.sel $0xFFFF  }
0xbf: {  	[dreg:$0x0] =	wrdreg $0xFFFFFFFF;
	(pc) =	sbr.abs _section_cstart, $3  }
0xc0: {  	[dreg:$0x1] =	wrdreg $0xFFFFFFFF  }
0xc1: {  	_ =	task.clear_ibuf [dreg:s6], $0x2FFFF;
	_ =	strace $0x9FFFFFFF  }
0xc2: {  	(tm) =	ssettm $0x7FFFFFFF  }
0xc3: {  	_ =	shalt  }
tec
execute0_lowered:
.L_overlay_start_1:
0x0: {  	(tag) =	ssettag $0x1  }
0x1: {  	s6 =	rddreg [dreg:$0x0]  }
0x2: {  	s0 =	srdreg.scid;
	s2 =	rddreg [dreg:$0x1]  }
0x3: {  	s3 =	simm.s32 $0x0;
	s13 =	simm.s32 $0x2780;
	s14 =	simm.s32 $0x50  }
0x4: {  	s15 =	simm.s32 $0x6780;
	s16 =	simm.s32 $0x8F80;
	s19 =	simm.s32 $0x1  }
0x5: {  	s20 =	simm.s32 $0x2;
	s21 =	simm.s32 $0x6480;
	s22 =	simm.s32 $0x26C0  }
0x6: {  	s23 =	simm.s32 $0x6500;
	s5 =	sand.u32 $0x1, s0;
	s0 =	stileid.u32  }
0x7: {  	s24 =	simm.s32 $0x6580;
	s25 =	simm.s32 $0x0;
	s30 =	smul.u32 $0x2780, s0  }
0x8: {  	[smem:$0x7FF] =	sst s3;
	s1 =	sshll.u32 s5, $0x4;
	s9 =	smul.u32 $0x27800, s5  }
0x9: {  	s8 =	sshll.u32 s0, $0x7;
	s5 =	ssub.s32 $0x2, s5;
	s12 =	smul.u32 $0x4F000, s0  }
0xa: {  	s17 =	sshll.u32 s0, $0x6;
	s4 =	sor.u32 s0, s1;
	s8 =	sand.u32 $0x380, s8  }
0xb: {  	s11 =	sshrl.u32 s5, $0x1;
	s17 =	sor.u32 $0x1C03, s17;
	s1 =	sshrl.u32 s4, $0x3  }
0xc: {  	s4 =	sshll.u32 s4, $0xB;
	s9 =	sadd.s32 s30, s9;
	s11 =	ssub.s32 s5, s11  }
0xd: {  	s31 =	sshrl.u32 s12, $0x2;
	s12 =	simm.s32 $0x3;
	s7 =	smul.u32 $0x13C00, s1  }
0xe: {  	s1 =	rddreg [dreg:$0x2];
	_ =	strace $0x8000004A;
	s10 =	sadd.s32 s4, s6  }
0xf: {  	s4 =	sadd.s32 $0x6CC00, s6;
	s18 =	sadd.s32 s31, s2;
	s7 =	sor.u32 s8, s7  }
0x10: {  	s9 =	sadd.s32 s9, s6;
	s18 =	sshrl.u32 s18, $0x3;
	s7 =	sshrl.u32 s7, $0x3  }
0x11: {  	s8 =	sadd.s32 s30, s6;
	s7 =	sadd.s32 s7, s6;
	s6 =	sadd.s32 $0x2400, s10  }
0x12: {  	s10 =	simm.s32 $0x80;
	s5 =	sadd.s32 $0x12E00, s7;
	s7 =	sadd.s32 $0x93E00, s8  }
0x13: {  	s8 =	sadd.s32 $0xBB600, s9;
	s9 =	smax.u32 s11, $0x1;
	s11 =	simm.s32 $0x400  }
.LBB2_1:
0x14: {  	[tilespmem:s3], [sflag:$0x3] =	stream.strided.gather [hbm4b:s5+s10], $0x2780, s11, s10, $0x38;
	[tilespmem:$0x1F380] =	vst v63  }
0x15: {  	_ =	swait.ge [sflag:s12], $0x2780  }
0x16: {  	[sflag:s12] =	ssyncset.done $0x0  }
0x17: {  	[sflag:s12] =	ssyncadd.s32 $0xFFFFD880  }
0x18: {  	[tilespmem:s13], [sflag:$0x3] =	stream.linear.gather [hbm4b:s6+s3], $0x3E80, $0x38;
	[tilespmem:$0x1F380] =	vst v63  }
0x19: {  	_ =	swait.ge [sflag:s12], $0x3E80  }
0x1a: {  	[sflag:s12] =	ssyncset.done $0x0  }
0x1b: {  	[sflag:s12] =	ssyncadd.s32 $0xFFFFC180  }
0x1c: {  	[tilespmem:s15], [sflag:$0x1] =	stream.indirect.gather [hbm4b:s4+s14], $0x80, s3, s14, $0xb8;
	[tilespmem:$0x1F380] =	vst v63  }
0x1d: {  	_ = 	snop  }
0x1e: {  	[tilespmem:s16], [sflag:$0x2] =	stream.indirect.gather [hbm4b:s4+s14], $0x80, s14, s14, $0xb8;
	[tilespmem:$0x1F380] =	vst v63  }
0x1f: {  	[spmem:s18], [sflag:s17] =	dma.local [hbm:s7], $0x2780  }
0x20: {  	_ =	swait.ge [sflag:s12], $0x2780  }
0x21: {  	[sflag:s12] =	ssyncset.done $0x0  }
0x22: {  	[sflag:s12] =	ssyncadd.s32 $0xFFFFD880  }
0x23: {  	[bflag:$0x0] =	sbarrier.arrive $0xFFFF  }
0x24: {  	_ =	swait.ge [sflag:s19], $0x2800  }
0x25: {  	[sflag:s19] =	ssyncset.done $0x0  }
0x26: {  	s26 =	simm.s32 $0x2780;
	[sflag:s19] =	ssyncadd.s32 $0xFFFFD800  }
0x27: {  	[spmem:s2] =	stream.indirect.scatter.add.f32 [tilespmem:s15], [sflag:$0x3], $0x80, s26, s14, $0xb8;
	[tilespmem:$0x1F380] =	vst v63  }
0x28: {  	_ =	swait.ge [sflag:s12], $0x2800  }
0x29: {  	[sflag:s12] =	ssyncset.done $0x0  }
0x2a: {  	s30 =	simm.s32 $0xA0;
	[sflag:s12] =	ssyncadd.s32 $0xFFFFD800  }
0x2b: {  	[tilespmem:s15], [sflag:$0x1] =	stream.indirect.gather [hbm4b:s4+s14], $0x80, s30, s14, $0xb8;
	[tilespmem:$0x1F380] =	vst v63  }
0x2c: {  	_ =	swait.ge [sflag:s20], $0x2800  }
0x2d: {  	[sflag:s20] =	ssyncset.done $0x0  }
0x2e: {  	s31 =	simm.s32 $0x2800;
	[sflag:s20] =	ssyncadd.s32 $0xFFFFD800  }
0x2f: {  	[spmem:s2] =	stream.indirect.scatter.add.f32 [tilespmem:s16], [sflag:$0x3], $0x80, s31, s14, $0xb8;
	[tilespmem:$0x1F380] =	vst v63  }
0x30: {  	_ =	swait.ge [sflag:s12], $0x2800  }
0x31: {  	s28 =	simm.s32 $0x400;
	[sflag:s12] =	ssyncset.done $0x0  }
0x32: {  	s29 =	simm.s32 $0x190;
	s26 =	simm.s32 $0xF0;
	[sflag:s12] =	ssyncadd.s32 $0xFFFFD800  }
.LBB2_2:
0x33: {  	[tilespmem:s16], [sflag:$0x2] =	stream.indirect.gather [hbm4b:s4+s14], $0x80, s26, s14, $0xb8;
	[tilespmem:$0x1F380] =	vst v63  }
0x34: {  	s30 =	smov.u32 s28;
	s26 =	smov.u32 s29  }
0x35: {  	p0 =	sne.s32 s28, $0xF000;
	s28 =	sadd.s32 $0x400, s28;
	_ =	swait.ge [sflag:s19], $0x2800  }
0x36: {  	s30 =	sshra.s32 s30, $0x2;
	[sflag:s19] =	ssyncset.done $0x0  }
0x37: {  	s31 =	sadd.s32 $0x2780, s30;
	[sflag:s19] =	ssyncadd.s32 $0xFFFFD800  }
0x38: {  	[spmem:s2] =	stream.indirect.scatter.add.f32 [tilespmem:s15], [sflag:$0x3], $0x80, s31, s14, $0xb8;
	[tilespmem:$0x1F380] =	vst v63  }
0x39: {  	_ =	swait.ge [sflag:s12], $0x2800  }
0x3a: {  	[sflag:s12] =	ssyncset.done $0x0  }
0x3b: {  	s31 =	sadd.s32 $0xFFFFFFB0, s29;
	[sflag:s12] =	ssyncadd.s32 $0xFFFFD800  }
0x3c: {  	[tilespmem:s15], [sflag:$0x1] =	stream.indirect.gather [hbm4b:s4+s14], $0x80, s31, s14, $0xb8;
	[tilespmem:$0x1F380] =	vst v63  }
0x3d: {  	_ =	swait.ge [sflag:s20], $0x2800  }
0x3e: {  	[sflag:s20] =	ssyncset.done $0x0  }
.Ltmp0:
0x3f: {  	s30 =	sadd.s32 $0x2800, s30;
	[sflag:s20] =	ssyncadd.s32 $0xFFFFD800;
	(pc) =	sbr.rel @p0 .LBB2_2-.Ltmp0, $4  }
0x40: {  	[spmem:s2] =	stream.indirect.scatter.add.f32 [tilespmem:s16], [sflag:$0x3], $0x80, s30, s14, $0xb8;
	[tilespmem:$0x1F380] =	vst v63  }
0x41: {  	_ =	swait.ge [sflag:s12], $0x2800  }
0x42: {  	[sflag:s12] =	ssyncset.done $0x0  }
0x43: {  	s29 =	sadd.s32 $0xA0, s29;
	[sflag:s12] =	ssyncadd.s32 $0xFFFFD800  }
0x44: {  	[tilespmem:s16], [sflag:$0x2] =	stream.indirect.gather [hbm4b:s4+s14], $0x80, s26, s14, $0xb8;
	[tilespmem:$0x1F380] =	vst v63  }
0x45: {  	_ =	swait.ge [sflag:s19], $0x2800  }
0x46: {  	[sflag:s19] =	ssyncset.done $0x0  }
0x47: {  	[sflag:s19] =	ssyncadd.s32 $0xFFFFD800  }
0x48: {  	[spmem:s2] =	stream.indirect.scatter.add.f32 [tilespmem:s15], [sflag:$0x3], $0x80, s21, s14, $0xb8;
	[tilespmem:$0x1F380] =	vst v63  }
0x49: {  	_ =	swait.ge [sflag:s12], $0x2800  }
0x4a: {  	[sflag:s12] =	ssyncset.done $0x0  }
0x4b: {  	[sflag:s12] =	ssyncadd.s32 $0xFFFFD800  }
0x4c: {  	[tilespmem:s15], [sflag:$0x1] =	stream.indirect.gather [hbm4b:s4+s14], $0x80, s22, s14, $0xb8;
	[tilespmem:$0x1F380] =	vst v63  }
0x4d: {  	_ =	swait.ge [sflag:s20], $0x2800  }
0x4e: {  	[sflag:s20] =	ssyncset.done $0x0  }
0x4f: {  	[sflag:s20] =	ssyncadd.s32 $0xFFFFD800  }
0x50: {  	[spmem:s2] =	stream.indirect.scatter.add.f32 [tilespmem:s16], [sflag:$0x3], $0x80, s23, s14, $0xb8;
	[tilespmem:$0x1F380] =	vst v63  }
0x51: {  	_ =	swait.ge [sflag:s12], $0x2800  }
0x52: {  	[sflag:s12] =	ssyncset.done $0x0  }
0x53: {  	[sflag:s12] =	ssyncadd.s32 $0xFFFFD800  }
0x54: {  	_ =	swait.ge [sflag:s19], $0x2800  }
0x55: {  	[sflag:s19] =	ssyncset.done $0x0  }
0x56: {  	[sflag:s19] =	ssyncadd.s32 $0xFFFFD800  }
0x57: {  	[spmem:s2] =	stream.indirect.scatter.add.f32 [tilespmem:s15], [sflag:$0x3], $0x80, s24, s14, $0xb8;
	[tilespmem:$0x1F380] =	vst v63  }
0x58: {  	_ =	swait.ge [sflag:s12], $0x2800  }
0x59: {  	s25 =	sadd.s32 $0x1, s25;
	[sflag:s12] =	ssyncset.done $0x0  }
0x5a: {  	p0 =	sne.s32 s25, s9;
	[sflag:s12] =	ssyncadd.s32 $0xFFFFD800  }
.Ltmp1:
0x5b: {  	[bflag:$0x0] =	sbarrier.arrive $0xFFFF;
	(pc) =	sbr.rel @p0 .LBB2_1-.Ltmp1, $4  }
0x5c: {  	[hbm:s8], [sflag:s17] =	dma.local [spmem:s18], $0x2780  }
0x5d: {  	_ =	swait.ge [sflag:s12], $0x2780  }
0x5e: {  	[sflag:s12] =	ssyncset.done $0x0  }
0x5f: {  	[sflag:s12] =	ssyncadd.s32 $0xFFFFD880  }
0x60: {  	_ =	sfence.sel $0x180000  }
0x61: {  	[bflag:$0x0] =	sbarrier.arrive $0xFFFF  }
0x62: {  	p0 =	sne.s32 s0, $0x0;
	_ =	strace $0x9000004A  }
0x63: {  	s0 =	sadd.s32 @!p0 $0x100000, s1;
	[bflag:$0x2] =	sbarrier.arrive $0xFFFF  }
0x64: {  	[sflag:s0] =	ssyncadd.tile.s32 @!p0 $0x1;
	_ =	shalt  }
.Lfunc_end2:
_tile_overlayer_lowered:
.L_overlay_start_2:
0x65: {  	(tag) =	ssettag $0x2  }
0x66: {  	s0 =	rddreg [dreg:$0x0];
	s2 =	stileid.u32  }
0x67: {  	s1 =	rddreg [dreg:$0x1];
	p0 =	sne.s32 s2, $0x0  }
0x68: {  	s3 =	rddreg [dreg:$0x2];
	[bflag:$0x3] =	sbarrier.arrive $0xFFFF;
	s2 =	simm.s32 @!p0 $0x1C03  }
0x69: {  	[timem:s3], [sflag:s2] =	dma.local @!p0 [hbm:s0], s1  }
0x6a: {  	s0 =	simm.s32 @!p0 $0x3  }
0x6b: {  	_ =	swait.ge @!p0 [sflag:s0], s1  }
0x6c: {  	s1 =	ssub.s32 @!p0 $0x0, s1;
	[sflag:s0] =	ssyncset.done @!p0 $0x0  }
0x6d: {  	[sflag:s0] =	ssyncadd.s32 @!p0 s1  }
0x6e: {  	[bflag:$0x3] =	sbarrier.arrive $0xFFFF  }
0x6f: {  	_ =	shalt  }

// kernel: kernel.14.cloned.1.call-start
scs
__scs_entry_jumppad:
0x0: {  	(pc) =	sbr.rel $0x88, $3  }
0x1: {  	(tag) =	ssettag $0x0;
	lr =	simm.s32 $0x1  }
0x2: {  	[smem:$0x3F9A] =	sst lr;
	_ =	strace $0xD0000000  }
0x3: {  	_ = 	snop  }
0x4: {  	_ = 	snop  }
0x5: {  	_ = 	snop  }
0x6: {  	_ = 	snop  }
0x7: {  	_ = 	snop  }
__scs_overlays_trampoline_lowered:
0x8: {  	[smem:$0x3FA9] =	sst s0  }
0x9: {  	[smem:$0x3FAA] =	sst s1  }
0xa: {  	[smem:$0x3FAB] =	sst s2  }
0xb: {  	[smem:$0x3FAC] =	sst s3  }
0xc: {  	[smem:$0x3FAD] =	sst s4  }
0xd: {  	[smem:$0x3FAE] =	sst s5  }
0xe: {  	[smem:$0x3FAF] =	sst s6  }
0xf: {  	[smem:$0x3FB0] =	sst s7  }
0x10: {  	[smem:$0x3FB1] =	sst s8  }
0x11: {  	[smem:$0x3FB2] =	sst s9;
	s0 =	simm.s32 @!p0 $0x0  }
0x12: {  	s1 =	sld [smem:$0x3F98];
	s0 =	simm.s32 @p0 $0x1  }
0x13: {  	[smem:$0x3FB3] =	sst s0;
	s0 =	simm.s32 @!p1 $0x0  }
0x14: {  	s2 =	sld [smem:$0x3F97];
	s0 =	simm.s32 @p1 $0x1  }
0x15: {  	[smem:$0x3FB4] =	sst s0;
	s0 =	simm.s32 @!p2 $0x0  }
0x16: {  	s3 =	sld [smem:$0x3FDB];
	s0 =	simm.s32 @p2 $0x1  }
0x17: {  	s4 =	simm.s32 $0x1BF5;
	[smem:$0x3FB6] =	sst s0  }
0x18: {  	s0 =	sld [smem:$0x3F99];
	_ =	swait.ge [sflag:s4], $0x0  }
0x19: {  	s7 =	sld [smem:$0x3F9A]  }
0x1a: {  	s8 =	sadd.s32 $0xFFFFE003, lr  }
0x1b: {  	s9 =	sadd.s32 $0xFFFFFEF7, lr;
	s5 =	simm.s32 $0xFFFFFFFF;
	p2 =	slt.u32 s8, $0xFFFFF086  }
0x1c: {  	p1 =	slt.u32 s9, $0xF7A;
	s5 =	simm.s32 @!p2 $0x0  }
0x1d: {  	s5 =	simm.s32 @p1 $0x1;
	p0 =	seq.s32 s7, s2  }
0x1e: {  	s7 =	smul.u32 @!p0 $0xF7A, s2;
	p2 =	seq.s32 @!p0 s5, $0x0  }
0x1f: {  	s9 =	smul.u32 $0xF7A, s1;
	s8 =	simm.s32 @!p0 $0x1BF5;
	p2 =	por !p2, p0  }
0x20: {  	[sflag:s8] =	ssyncset.s32 @!p0 $0xFFFFF086;
	s6 =	sadd.s32 @!p0 s3, s7;
	s7 =	simm.s32 @!p0 $0x108  }
0x21: {  	s3 =	sadd.s32 s3, s9;
	s6 =	sadd.s32 @!p0 $0x88, s6;
	s7 =	simm.s32 @p2 $0x1082  }
0x22: {  	[simem:s7], [sflag:s8] =	dma.local @!p0 [hbm:s6], $0xF7A  }
0x23: {  	s9 =	sor.u32 $0xD0000000, s2;
	s6 =	simm.s32 $0x108;
	_ =	swait.ge @!p0 [sflag:s8], $0x0  }
0x24: {  	s3 =	sadd.s32 $0x88, s3;
	s6 =	simm.s32 @!p1 $0x1082;
	[sflag:s4] =	ssyncset.s32 $0xFFFFF086  }
0x25: {  	[simem:s6], [sflag:s4] =	dma.local [hbm:s3], $0xF7A  }
0x26: {  	[smem:$0x3F9A] =	sst s1;
	(tag) =	ssettag s2;
	_ =	strace s9  }
0x27: {  	s1 =	sld [smem:$0x3FAA]  }
0x28: {  	s2 =	sld [smem:$0x3FAB]  }
0x29: {  	s4 =	sld [smem:$0x3FAD]  }
0x2a: {  	p0 =	seq.s32 s5, $0x0;
	s5 =	sld [smem:$0x3FAE]  }
0x2b: {  	s6 =	sld [smem:$0x3FAF]  }
0x2c: {  	s7 =	sld [smem:$0x3FB0]  }
0x2d: {  	s3 =	simm.s32 $0x108;
	s8 =	sld [smem:$0x3FB1]  }
0x2e: {  	s3 =	simm.s32 @!p0 $0x1082;
	s9 =	sld [smem:$0x3FB2]  }
0x2f: {  	lr =	sadd.s32 s0, s3;
	s0 =	sld [smem:$0x3FA9]  }
0x30: {  	s3 =	sld [smem:$0x3FAC]  }
0x31: {  	[smem:$0x3FB5] =	sst s10  }
0x32: {  	s10 =	sld [smem:$0x3FB3];
	_ =	sdelay $0x3  }
0x33: {  	p0 =	seq.s32 s10, $0x1;
	s10 =	sld [smem:$0x3FB5];
	_ =	sdelay $0x3  }
0x34: {  	[smem:$0x3FB5] =	sst s10  }
0x35: {  	s10 =	sld [smem:$0x3FB4];
	_ =	sdelay $0x3  }
0x36: {  	p1 =	seq.s32 s10, $0x1;
	s10 =	sld [smem:$0x3FB5];
	_ =	sdelay $0x3  }
0x37: {  	[smem:$0x3FB5] =	sst s10  }
0x38: {  	s10 =	sld [smem:$0x3FB6]  }
0x39: {  	_ = 	snop;
	(pc) =	sbr.ind lr, $3  }
0x3a: {  	_ = 	snop  }
0x3b: {  	_ = 	snop  }
0x3c: {  	p2 =	seq.s32 s10, $0x1;
	s10 =	sld [smem:$0x3FB5]  }
0x3d: {  	_ =	shalt  }
0x3e: {  	_ =	shalt  }
0x3f: {  	_ =	shalt  }
0x40: {  	_ =	shalt  }
0x41: {  	_ =	shalt  }
0x42: {  	_ =	shalt  }
0x43: {  	_ =	shalt  }
0x44: {  	_ =	shalt  }
0x45: {  	_ =	shalt  }
0x46: {  	_ =	shalt  }
0x47: {  	_ =	shalt  }
0x48: {  	_ =	shalt  }
0x49: {  	_ =	shalt  }
0x4a: {  	_ =	shalt  }
0x4b: {  	_ =	shalt  }
0x4c: {  	_ =	shalt  }
0x4d: {  	_ =	shalt  }
0x4e: {  	_ =	shalt  }
0x4f: {  	_ =	shalt  }
0x50: {  	_ =	shalt  }
0x51: {  	_ =	shalt  }
0x52: {  	_ =	shalt  }
0x53: {  	_ =	shalt  }
0x54: {  	_ =	shalt  }
0x55: {  	_ =	shalt  }
0x56: {  	_ =	shalt  }
0x57: {  	_ =	shalt  }
0x58: {  	_ =	shalt  }
0x59: {  	_ =	shalt  }
0x5a: {  	_ =	shalt  }
0x5b: {  	_ =	shalt  }
0x5c: {  	_ =	shalt  }
0x5d: {  	_ =	shalt  }
0x5e: {  	_ =	shalt  }
0x5f: {  	_ =	shalt  }
0x60: {  	_ =	shalt  }
0x61: {  	_ =	shalt  }
0x62: {  	_ =	shalt  }
0x63: {  	_ =	shalt  }
0x64: {  	_ =	shalt  }
0x65: {  	_ =	shalt  }
0x66: {  	_ =	shalt  }
0x67: {  	_ =	shalt  }
0x68: {  	_ =	shalt  }
0x69: {  	_ =	shalt  }
0x6a: {  	_ =	shalt  }
0x6b: {  	_ =	shalt  }
0x6c: {  	_ =	shalt  }
0x6d: {  	_ =	shalt  }
0x6e: {  	_ =	shalt  }
0x6f: {  	_ =	shalt  }
0x70: {  	_ =	shalt  }
0x71: {  	_ =	shalt  }
0x72: {  	_ =	shalt  }
0x73: {  	_ =	shalt  }
0x74: {  	_ =	shalt  }
0x75: {  	_ =	shalt  }
0x76: {  	_ =	shalt  }
0x77: {  	_ =	shalt  }
0x78: {  	_ =	shalt  }
0x79: {  	_ =	shalt  }
0x7a: {  	_ =	shalt  }
0x7b: {  	_ =	shalt  }
0x7c: {  	_ =	shalt  }
0x7d: {  	_ =	shalt  }
0x7e: {  	_ =	shalt  }
0x7f: {  	_ =	shalt  }
0x80: {  	_ =	shalt  }
0x81: {  	_ =	shalt  }
0x82: {  	_ =	shalt  }
0x83: {  	_ =	shalt  }
0x84: {  	_ =	shalt  }
0x85: {  	_ =	shalt  }
0x86: {  	_ =	shalt  }
0x87: {  	_ =	shalt  }
.Lfunc_end0:
.L_simem_size_0:
called_computation.2_lowered:
.L_overlay_start_0:
0x88: {  	s2 =	sld [smem:$0x3FD9]  }
0x89: {  	s3 =	sld [smem:$0x3FFE];
	_ =	sdelay $0x1  }
0x8a: {  	s1 =	srdreg.scid  }
0x8b: {  	s0 =	sand.u32 $0x1, s1  }
0x8c: {  	s16 =	sshll.u32 s0, $0xA;
	s2 =	sadd.s32 s3, s2  }
0x8d: {  	s2 =	sadd.s32 s2, s16  }
0x8e: {  	[smem:$0x3FC1] =	sst s2  }
0x8f: {  	_ = 	snop  }
0x90: {  	(tm) =	ssettm $0x1  }
0x91: {  	s17 =	sld [smem:$0x3FFB];
	_ =	sdelay $0x3  }
0x92: {  	_ =	strace s17  }
0x93: {  	s2 =	sld [smem:$0x3FFC];
	_ =	sdelay $0x3  }
0x94: {  	_ =	strace s2  }
0x95: {  	s2 =	sld [smem:$0x3FFD];
	_ =	sdelay $0x3  }
0x96: {  	_ =	strace s2  }
0x97: {  	_ =	strace $0x8FFFFFFF  }
0x98: {  	s18 =	sld [smem:$0x3FDB];
	_ =	sdelay $0x1  }
0x99: {  	s19 =	simm.s32 $_scs_section_size  }
0x9a: {  	s4 =	simm.s32 $_size__tile_overlayer_lowered;
	s5 =	simm.s32 $_tile_overlayer_lowered  }
0x9b: {  	s22 =	simm.s32 $0x1BFF;
	s21 =	sshll.u32 s5, $0x1;
	s2 =	sadd.s32 s19, s18  }
0x9c: {  	s6 =	simm.s32 $0x0;
	s20 =	sshll.u32 s4, $0x1;
	s4 =	sadd.s32 s21, s2  }
0x9d: {  	[timem:s6], [sflag:s22] =	dma.local [hbm:s4], s20  }
0x9e: {  	_ =	swait.ge [sflag:s22], s20  }
0x9f: {  	s3 =	ssub.s32 $0x0, s20;
	[sflag:s22] =	ssyncset.done $0x0  }
0xa0: {  	[sflag:s22] =	ssyncadd.s32 s3;
	_ =	sdelay $0x1  }
0xa1: {  	s23 =	simm.s32 $0x1B8B  }
0xa2: {  	_ =	swait.ge [sflag:s23], $0x1  }
0xa3: {  	[sflag:s23] =	ssyncset.done $0x0  }
0xa4: {  	s25 =	simm.s32 $0x1B8E;
	s24 =	sld [smem:$0x3FFE];
	[sflag:s23] =	ssyncadd.s32 $0xFFFFFFFF  }
0xa5: {  	s26 =	simm.s32 $execute0_lowered;
	[smem:$0x3FD2] =	sst s25  }
0xa6: {  	s4 =	sshll.u32 s26, $0x1;
	_ =	strace $0x8000004C;
	[dreg:$0x1] =	wrdreg $0xFFFFFFFF  }
0xa7: {  	s28 =	simm.s32 $_size_execute0_lowered;
	s2 =	sadd.s32 s2, s4;
	[dreg:$0x0] =	wrdreg $0x0  }
0xa8: {  	s4 =	sshll.u32 s28, $0x1;
	[dreg:$0x2] =	wrdreg s2  }
0xa9: {  	[dreg:$0x3] =	wrdreg s4  }
0xaa: {  	[dreg:$0x4] =	wrdreg $0xC0  }
0xab: {  	_ =	task [dreg:s6], $0x5FFFF  }
0xac: {  	[dreg:$0x1] =	wrdreg $0xFFFFFFFF  }
0xad: {  	[dreg:$0x0] =	wrdreg $0x60  }
0xae: {  	[dreg:$0x2] =	wrdreg s24  }
0xaf: {  	[dreg:$0x3] =	wrdreg $0xB7800  }
0xb0: {  	[dreg:$0x4] =	wrdreg $0x9  }
0xb1: {  	_ =	task.clear_ibuf [dreg:s6], $0x5FFFF;
	_ =	strace $0x9000004C  }
0xb2: {  	s29 =	simm.s32 $0x9;
	_ =	strace $0x8000004E  }
0xb3: {  	_ =	swait.ge [sflag:s29], $0x1  }
0xb4: {  	[sflag:s29] =	ssyncadd.s32 $0xFFFFFFFF  }
0xb5: {  	_ =	strace $0x9000004E  }
0xb6: {  	_ =	sfence  }
0xb7: {  	s30 =	sld [smem:$0x0];
	_ =	sdelay $0x2  }
0xb8: {  	s31 =	sshll.u32 s1, $0xD;
	s1 =	sshrl.u32 s1, $0x2  }
0xb9: {  	s3 =	sand.u32 $0x4000, s31;
	s1 =	sadd.s32 s1, s30  }
0xba: {  	s0 =	sor.u32 s3, s0;
	s1 =	sshll.u32 s1, $0x11  }
0xbb: {  	s0 =	sor.u32 s1, s0  }
0xbc: {  	s0 =	sadd.s32 $0x8F2B, s0  }
0xbd: {  	[sflag:s0] =	ssyncadd.remote.s32 $0x1  }
0xbe: {  	_ =	sfence.sel $0xFFFF  }
0xbf: {  	[dreg:$0x0] =	wrdreg $0xFFFFFFFF;
	(pc) =	sbr.abs _section_cstart, $3  }
0xc0: {  	[dreg:$0x1] =	wrdreg $0xFFFFFFFF  }
0xc1: {  	_ =	task.clear_ibuf [dreg:s6], $0x2FFFF;
	_ =	strace $0x9FFFFFFF  }
0xc2: {  	(tm) =	ssettm $0x7FFFFFFF  }
0xc3: {  	_ =	shalt  }
tec
execute0_lowered:
.L_overlay_start_1:
0x0: {  	(tag) =	ssettag $0x1  }
0x1: {  	s6 =	rddreg [dreg:$0x0]  }
0x2: {  	s0 =	srdreg.scid;
	s2 =	rddreg [dreg:$0x1]  }
0x3: {  	s3 =	simm.s32 $0x0;
	s13 =	simm.s32 $0x2780;
	s14 =	simm.s32 $0x50  }
0x4: {  	s15 =	simm.s32 $0x6780;
	s16 =	simm.s32 $0x8F80;
	s19 =	simm.s32 $0x1  }
0x5: {  	s20 =	simm.s32 $0x2;
	s21 =	simm.s32 $0x6480;
	s22 =	simm.s32 $0x26C0  }
0x6: {  	s23 =	simm.s32 $0x6500;
	s5 =	sand.u32 $0x1, s0;
	s0 =	stileid.u32  }
0x7: {  	s24 =	simm.s32 $0x6580;
	s25 =	simm.s32 $0x0;
	s30 =	smul.u32 $0x2780, s0  }
0x8: {  	[smem:$0x7FF] =	sst s3;
	s1 =	sshll.u32 s5, $0x4;
	s9 =	smul.u32 $0x27800, s5  }
0x9: {  	s8 =	sshll.u32 s0, $0x7;
	s5 =	ssub.s32 $0x2, s5;
	s12 =	smul.u32 $0x4F000, s0  }
0xa: {  	s17 =	sshll.u32 s0, $0x6;
	s4 =	sor.u32 s0, s1;
	s8 =	sand.u32 $0x380, s8  }
0xb: {  	s11 =	sshrl.u32 s5, $0x1;
	s17 =	sor.u32 $0x1C03, s17;
	s1 =	sshrl.u32 s4, $0x3  }
0xc: {  	s4 =	sshll.u32 s4, $0xB;
	s9 =	sadd.s32 s30, s9;
	s11 =	ssub.s32 s5, s11  }
0xd: {  	s31 =	sshrl.u32 s12, $0x2;
	s12 =	simm.s32 $0x3;
	s7 =	smul.u32 $0x13C00, s1  }
0xe: {  	s1 =	rddreg [dreg:$0x2];
	_ =	strace $0x8000004D;
	s10 =	sadd.s32 s4, s6  }
0xf: {  	s4 =	sadd.s32 $0x6CC00, s6;
	s18 =	sadd.s32 s31, s2;
	s7 =	sor.u32 s8, s7  }
0x10: {  	s9 =	sadd.s32 s9, s6;
	s18 =	sshrl.u32 s18, $0x3;
	s7 =	sshrl.u32 s7, $0x3  }
0x11: {  	s8 =	sadd.s32 s30, s6;
	s7 =	sadd.s32 s7, s6;
	s6 =	sadd.s32 $0x2400, s10  }
0x12: {  	s10 =	simm.s32 $0x80;
	s5 =	sadd.s32 $0x12E00, s7;
	s7 =	sadd.s32 $0x93E00, s8  }
0x13: {  	s8 =	sadd.s32 $0xBB600, s9;
	s9 =	smax.u32 s11, $0x1;
	s11 =	simm.s32 $0x400  }
.LBB2_1:
0x14: {  	[tilespmem:s3], [sflag:$0x3] =	stream.strided.gather [hbm4b:s5+s10], $0x2780, s11, s10, $0x38;
	[tilespmem:$0x1F380] =	vst v63  }
0x15: {  	_ =	swait.ge [sflag:s12], $0x2780  }
0x16: {  	[sflag:s12] =	ssyncset.done $0x0  }
0x17: {  	[sflag:s12] =	ssyncadd.s32 $0xFFFFD880  }
0x18: {  	[tilespmem:s13], [sflag:$0x3] =	stream.linear.gather [hbm4b:s6+s3], $0x3E80, $0x38;
	[tilespmem:$0x1F380] =	vst v63  }
0x19: {  	_ =	swait.ge [sflag:s12], $0x3E80  }
0x1a: {  	[sflag:s12] =	ssyncset.done $0x0  }
0x1b: {  	[sflag:s12] =	ssyncadd.s32 $0xFFFFC180  }
0x1c: {  	[tilespmem:s15], [sflag:$0x1] =	stream.indirect.gather [hbm4b:s4+s14], $0x80, s3, s14, $0xb8;
	[tilespmem:$0x1F380] =	vst v63  }
0x1d: {  	_ = 	snop  }
0x1e: {  	[tilespmem:s16], [sflag:$0x2] =	stream.indirect.gather [hbm4b:s4+s14], $0x80, s14, s14, $0xb8;
	[tilespmem:$0x1F380] =	vst v63  }
0x1f: {  	[spmem:s18], [sflag:s17] =	dma.local [hbm:s7], $0x2780  }
0x20: {  	_ =	swait.ge [sflag:s12], $0x2780  }
0x21: {  	[sflag:s12] =	ssyncset.done $0x0  }
0x22: {  	[sflag:s12] =	ssyncadd.s32 $0xFFFFD880  }
0x23: {  	[bflag:$0x0] =	sbarrier.arrive $0xFFFF  }
0x24: {  	_ =	swait.ge [sflag:s19], $0x2800  }
0x25: {  	[sflag:s19] =	ssyncset.done $0x0  }
0x26: {  	s26 =	simm.s32 $0x2780;
	[sflag:s19] =	ssyncadd.s32 $0xFFFFD800  }
0x27: {  	[spmem:s2] =	stream.indirect.scatter.add.f32 [tilespmem:s15], [sflag:$0x3], $0x80, s26, s14, $0xb8;
	[tilespmem:$0x1F380] =	vst v63  }
0x28: {  	_ =	swait.ge [sflag:s12], $0x2800  }
0x29: {  	[sflag:s12] =	ssyncset.done $0x0  }
0x2a: {  	s30 =	simm.s32 $0xA0;
	[sflag:s12] =	ssyncadd.s32 $0xFFFFD800  }
0x2b: {  	[tilespmem:s15], [sflag:$0x1] =	stream.indirect.gather [hbm4b:s4+s14], $0x80, s30, s14, $0xb8;
	[tilespmem:$0x1F380] =	vst v63  }
0x2c: {  	_ =	swait.ge [sflag:s20], $0x2800  }
0x2d: {  	[sflag:s20] =	ssyncset.done $0x0  }
0x2e: {  	s31 =	simm.s32 $0x2800;
	[sflag:s20] =	ssyncadd.s32 $0xFFFFD800  }
0x2f: {  	[spmem:s2] =	stream.indirect.scatter.add.f32 [tilespmem:s16], [sflag:$0x3], $0x80, s31, s14, $0xb8;
	[tilespmem:$0x1F380] =	vst v63  }
0x30: {  	_ =	swait.ge [sflag:s12], $0x2800  }
0x31: {  	s28 =	simm.s32 $0x400;
	[sflag:s12] =	ssyncset.done $0x0  }
0x32: {  	s29 =	simm.s32 $0x190;
	s26 =	simm.s32 $0xF0;
	[sflag:s12] =	ssyncadd.s32 $0xFFFFD800  }
.LBB2_2:
0x33: {  	[tilespmem:s16], [sflag:$0x2] =	stream.indirect.gather [hbm4b:s4+s14], $0x80, s26, s14, $0xb8;
	[tilespmem:$0x1F380] =	vst v63  }
0x34: {  	s30 =	smov.u32 s28;
	s26 =	smov.u32 s29  }
0x35: {  	p0 =	sne.s32 s28, $0xF000;
	s28 =	sadd.s32 $0x400, s28;
	_ =	swait.ge [sflag:s19], $0x2800  }
0x36: {  	s30 =	sshra.s32 s30, $0x2;
	[sflag:s19] =	ssyncset.done $0x0  }
0x37: {  	s31 =	sadd.s32 $0x2780, s30;
	[sflag:s19] =	ssyncadd.s32 $0xFFFFD800  }
0x38: {  	[spmem:s2] =	stream.indirect.scatter.add.f32 [tilespmem:s15], [sflag:$0x3], $0x80, s31, s14, $0xb8;
	[tilespmem:$0x1F380] =	vst v63  }
0x39: {  	_ =	swait.ge [sflag:s12], $0x2800  }
0x3a: {  	[sflag:s12] =	ssyncset.done $0x0  }
0x3b: {  	s31 =	sadd.s32 $0xFFFFFFB0, s29;
	[sflag:s12] =	ssyncadd.s32 $0xFFFFD800  }
0x3c: {  	[tilespmem:s15], [sflag:$0x1] =	stream.indirect.gather [hbm4b:s4+s14], $0x80, s31, s14, $0xb8;
	[tilespmem:$0x1F380] =	vst v63  }
0x3d: {  	_ =	swait.ge [sflag:s20], $0x2800  }
0x3e: {  	[sflag:s20] =	ssyncset.done $0x0  }
.Ltmp0:
0x3f: {  	s30 =	sadd.s32 $0x2800, s30;
	[sflag:s20] =	ssyncadd.s32 $0xFFFFD800;
	(pc) =	sbr.rel @p0 .LBB2_2-.Ltmp0, $4  }
0x40: {  	[spmem:s2] =	stream.indirect.scatter.add.f32 [tilespmem:s16], [sflag:$0x3], $0x80, s30, s14, $0xb8;
	[tilespmem:$0x1F380] =	vst v63  }
0x41: {  	_ =	swait.ge [sflag:s12], $0x2800  }
0x42: {  	[sflag:s12] =	ssyncset.done $0x0  }
0x43: {  	s29 =	sadd.s32 $0xA0, s29;
	[sflag:s12] =	ssyncadd.s32 $0xFFFFD800  }
0x44: {  	[tilespmem:s16], [sflag:$0x2] =	stream.indirect.gather [hbm4b:s4+s14], $0x80, s26, s14, $0xb8;
	[tilespmem:$0x1F380] =	vst v63  }
0x45: {  	_ =	swait.ge [sflag:s19], $0x2800  }
0x46: {  	[sflag:s19] =	ssyncset.done $0x0  }
0x47: {  	[sflag:s19] =	ssyncadd.s32 $0xFFFFD800  }
0x48: {  	[spmem:s2] =	stream.indirect.scatter.add.f32 [tilespmem:s15], [sflag:$0x3], $0x80, s21, s14, $0xb8;
	[tilespmem:$0x1F380] =	vst v63  }
0x49: {  	_ =	swait.ge [sflag:s12], $0x2800  }
0x4a: {  	[sflag:s12] =	ssyncset.done $0x0  }
0x4b: {  	[sflag:s12] =	ssyncadd.s32 $0xFFFFD800  }
0x4c: {  	[tilespmem:s15], [sflag:$0x1] =	stream.indirect.gather [hbm4b:s4+s14], $0x80, s22, s14, $0xb8;
	[tilespmem:$0x1F380] =	vst v63  }
0x4d: {  	_ =	swait.ge [sflag:s20], $0x2800  }
0x4e: {  	[sflag:s20] =	ssyncset.done $0x0  }
0x4f: {  	[sflag:s20] =	ssyncadd.s32 $0xFFFFD800  }
0x50: {  	[spmem:s2] =	stream.indirect.scatter.add.f32 [tilespmem:s16], [sflag:$0x3], $0x80, s23, s14, $0xb8;
	[tilespmem:$0x1F380] =	vst v63  }
0x51: {  	_ =	swait.ge [sflag:s12], $0x2800  }
0x52: {  	[sflag:s12] =	ssyncset.done $0x0  }
0x53: {  	[sflag:s12] =	ssyncadd.s32 $0xFFFFD800  }
0x54: {  	_ =	swait.ge [sflag:s19], $0x2800  }
0x55: {  	[sflag:s19] =	ssyncset.done $0x0  }
0x56: {  	[sflag:s19] =	ssyncadd.s32 $0xFFFFD800  }
0x57: {  	[spmem:s2] =	stream.indirect.scatter.add.f32 [tilespmem:s15], [sflag:$0x3], $0x80, s24, s14, $0xb8;
	[tilespmem:$0x1F380] =	vst v63  }
0x58: {  	_ =	swait.ge [sflag:s12], $0x2800  }
0x59: {  	s25 =	sadd.s32 $0x1, s25;
	[sflag:s12] =	ssyncset.done $0x0  }
0x5a: {  	p0 =	sne.s32 s25, s9;
	[sflag:s12] =	ssyncadd.s32 $0xFFFFD800  }
.Ltmp1:
0x5b: {  	[bflag:$0x0] =	sbarrier.arrive $0xFFFF;
	(pc) =	sbr.rel @p0 .LBB2_1-.Ltmp1, $4  }
0x5c: {  	[hbm:s8], [sflag:s17] =	dma.local [spmem:s18], $0x2780  }
0x5d: {  	_ =	swait.ge [sflag:s12], $0x2780  }
0x5e: {  	[sflag:s12] =	ssyncset.done $0x0  }
0x5f: {  	[sflag:s12] =	ssyncadd.s32 $0xFFFFD880  }
0x60: {  	_ =	sfence.sel $0x180000  }
0x61: {  	[bflag:$0x0] =	sbarrier.arrive $0xFFFF  }
0x62: {  	p0 =	sne.s32 s0, $0x0;
	_ =	strace $0x9000004D  }
0x63: {  	s0 =	sadd.s32 @!p0 $0x100000, s1;
	[bflag:$0x2] =	sbarrier.arrive $0xFFFF  }
0x64: {  	[sflag:s0] =	ssyncadd.tile.s32 @!p0 $0x1;
	_ =	shalt  }
.Lfunc_end2:
_tile_overlayer_lowered:
.L_overlay_start_2:
0x65: {  	(tag) =	ssettag $0x2  }
0x66: {  	s0 =	rddreg [dreg:$0x0];
	s2 =	stileid.u32  }
0x67: {  	s1 =	rddreg [dreg:$0x1];
	p0 =	sne.s32 s2, $0x0  }
0x68: {  	s3 =	rddreg [dreg:$0x2];
	[bflag:$0x3] =	sbarrier.arrive $0xFFFF;
	s2 =	simm.s32 @!p0 $0x1C03  }
0x69: {  	[timem:s3], [sflag:s2] =	dma.local @!p0 [hbm:s0], s1  }
0x6a: {  	s0 =	simm.s32 @!p0 $0x3  }
0x6b: {  	_ =	swait.ge @!p0 [sflag:s0], s1  }
0x6c: {  	s1 =	ssub.s32 @!p0 $0x0, s1;
	[sflag:s0] =	ssyncset.done @!p0 $0x0  }
0x6d: {  	[sflag:s0] =	ssyncadd.s32 @!p0 s1  }
0x6e: {  	[bflag:$0x3] =	sbarrier.arrive $0xFFFF  }
0x6f: {  	_ =	shalt  }

// kernel: kernel.8.cloned.1.call-start
scs
__scs_entry_jumppad:
0x0: {  	(pc) =	sbr.rel $0x88, $3  }
0x1: {  	(tag) =	ssettag $0x0;
	lr =	simm.s32 $0x1  }
0x2: {  	[smem:$0x3F9A] =	sst lr;
	_ =	strace $0xD0000000  }
0x3: {  	_ = 	snop  }
0x4: {  	_ = 	snop  }
0x5: {  	_ = 	snop  }
0x6: {  	_ = 	snop  }
0x7: {  	_ = 	snop  }
__scs_overlays_trampoline_lowered:
0x8: {  	[smem:$0x3FA9] =	sst s0  }
0x9: {  	[smem:$0x3FAA] =	sst s1  }
0xa: {  	[smem:$0x3FAB] =	sst s2  }
0xb: {  	[smem:$0x3FAC] =	sst s3  }
0xc: {  	[smem:$0x3FAD] =	sst s4  }
0xd: {  	[smem:$0x3FAE] =	sst s5  }
0xe: {  	[smem:$0x3FAF] =	sst s6  }
0xf: {  	[smem:$0x3FB0] =	sst s7  }
0x10: {  	[smem:$0x3FB1] =	sst s8  }
0x11: {  	[smem:$0x3FB2] =	sst s9;
	s0 =	simm.s32 @!p0 $0x0  }
0x12: {  	s1 =	sld [smem:$0x3F98];
	s0 =	simm.s32 @p0 $0x1  }
0x13: {  	[smem:$0x3FB3] =	sst s0;
	s0 =	simm.s32 @!p1 $0x0  }
0x14: {  	s2 =	sld [smem:$0x3F97];
	s0 =	simm.s32 @p1 $0x1  }
0x15: {  	[smem:$0x3FB4] =	sst s0;
	s0 =	simm.s32 @!p2 $0x0  }
0x16: {  	s3 =	sld [smem:$0x3FDB];
	s0 =	simm.s32 @p2 $0x1  }
0x17: {  	s4 =	simm.s32 $0x1BF5;
	[smem:$0x3FB6] =	sst s0  }
0x18: {  	s0 =	sld [smem:$0x3F99];
	_ =	swait.ge [sflag:s4], $0x0  }
0x19: {  	s7 =	sld [smem:$0x3F9A]  }
0x1a: {  	s8 =	sadd.s32 $0xFFFFE003, lr  }
0x1b: {  	s9 =	sadd.s32 $0xFFFFFEF7, lr;
	s5 =	simm.s32 $0xFFFFFFFF;
	p2 =	slt.u32 s8, $0xFFFFF086  }
0x1c: {  	p1 =	slt.u32 s9, $0xF7A;
	s5 =	simm.s32 @!p2 $0x0  }
0x1d: {  	s5 =	simm.s32 @p1 $0x1;
	p0 =	seq.s32 s7, s2  }
0x1e: {  	s7 =	smul.u32 @!p0 $0xF7A, s2;
	p2 =	seq.s32 @!p0 s5, $0x0  }
0x1f: {  	s9 =	smul.u32 $0xF7A, s1;
	s8 =	simm.s32 @!p0 $0x1BF5;
	p2 =	por !p2, p0  }
0x20: {  	[sflag:s8] =	ssyncset.s32 @!p0 $0xFFFFF086;
	s6 =	sadd.s32 @!p0 s3, s7;
	s7 =	simm.s32 @!p0 $0x108  }
0x21: {  	s3 =	sadd.s32 s3, s9;
	s6 =	sadd.s32 @!p0 $0x88, s6;
	s7 =	simm.s32 @p2 $0x1082  }
0x22: {  	[simem:s7], [sflag:s8] =	dma.local @!p0 [hbm:s6], $0xF7A  }
0x23: {  	s9 =	sor.u32 $0xD0000000, s2;
	s6 =	simm.s32 $0x108;
	_ =	swait.ge @!p0 [sflag:s8], $0x0  }
0x24: {  	s3 =	sadd.s32 $0x88, s3;
	s6 =	simm.s32 @!p1 $0x1082;
	[sflag:s4] =	ssyncset.s32 $0xFFFFF086  }
0x25: {  	[simem:s6], [sflag:s4] =	dma.local [hbm:s3], $0xF7A  }
0x26: {  	[smem:$0x3F9A] =	sst s1;
	(tag) =	ssettag s2;
	_ =	strace s9  }
0x27: {  	s1 =	sld [smem:$0x3FAA]  }
0x28: {  	s2 =	sld [smem:$0x3FAB]  }
0x29: {  	s4 =	sld [smem:$0x3FAD]  }
0x2a: {  	p0 =	seq.s32 s5, $0x0;
	s5 =	sld [smem:$0x3FAE]  }
0x2b: {  	s6 =	sld [smem:$0x3FAF]  }
0x2c: {  	s7 =	sld [smem:$0x3FB0]  }
0x2d: {  	s3 =	simm.s32 $0x108;
	s8 =	sld [smem:$0x3FB1]  }
0x2e: {  	s3 =	simm.s32 @!p0 $0x1082;
	s9 =	sld [smem:$0x3FB2]  }
0x2f: {  	lr =	sadd.s32 s0, s3;
	s0 =	sld [smem:$0x3FA9]  }
0x30: {  	s3 =	sld [smem:$0x3FAC]  }
0x31: {  	[smem:$0x3FB5] =	sst s10  }
0x32: {  	s10 =	sld [smem:$0x3FB3];
	_ =	sdelay $0x3  }
0x33: {  	p0 =	seq.s32 s10, $0x1;
	s10 =	sld [smem:$0x3FB5];
	_ =	sdelay $0x3  }
0x34: {  	[smem:$0x3FB5] =	sst s10  }
0x35: {  	s10 =	sld [smem:$0x3FB4];
	_ =	sdelay $0x3  }
0x36: {  	p1 =	seq.s32 s10, $0x1;
	s10 =	sld [smem:$0x3FB5];
	_ =	sdelay $0x3  }
0x37: {  	[smem:$0x3FB5] =	sst s10  }
0x38: {  	s10 =	sld [smem:$0x3FB6]  }
0x39: {  	_ = 	snop;
	(pc) =	sbr.ind lr, $3  }
0x3a: {  	_ = 	snop  }
0x3b: {  	_ = 	snop  }
0x3c: {  	p2 =	seq.s32 s10, $0x1;
	s10 =	sld [smem:$0x3FB5]  }
0x3d: {  	_ =	shalt  }
0x3e: {  	_ =	shalt  }
0x3f: {  	_ =	shalt  }
0x40: {  	_ =	shalt  }
0x41: {  	_ =	shalt  }
0x42: {  	_ =	shalt  }
0x43: {  	_ =	shalt  }
0x44: {  	_ =	shalt  }
0x45: {  	_ =	shalt  }
0x46: {  	_ =	shalt  }
0x47: {  	_ =	shalt  }
0x48: {  	_ =	shalt  }
0x49: {  	_ =	shalt  }
0x4a: {  	_ =	shalt  }
0x4b: {  	_ =	shalt  }
0x4c: {  	_ =	shalt  }
0x4d: {  	_ =	shalt  }
0x4e: {  	_ =	shalt  }
0x4f: {  	_ =	shalt  }
0x50: {  	_ =	shalt  }
0x51: {  	_ =	shalt  }
0x52: {  	_ =	shalt  }
0x53: {  	_ =	shalt  }
0x54: {  	_ =	shalt  }
0x55: {  	_ =	shalt  }
0x56: {  	_ =	shalt  }
0x57: {  	_ =	shalt  }
0x58: {  	_ =	shalt  }
0x59: {  	_ =	shalt  }
0x5a: {  	_ =	shalt  }
0x5b: {  	_ =	shalt  }
0x5c: {  	_ =	shalt  }
0x5d: {  	_ =	shalt  }
0x5e: {  	_ =	shalt  }
0x5f: {  	_ =	shalt  }
0x60: {  	_ =	shalt  }
0x61: {  	_ =	shalt  }
0x62: {  	_ =	shalt  }
0x63: {  	_ =	shalt  }
0x64: {  	_ =	shalt  }
0x65: {  	_ =	shalt  }
0x66: {  	_ =	shalt  }
0x67: {  	_ =	shalt  }
0x68: {  	_ =	shalt  }
0x69: {  	_ =	shalt  }
0x6a: {  	_ =	shalt  }
0x6b: {  	_ =	shalt  }
0x6c: {  	_ =	shalt  }
0x6d: {  	_ =	shalt  }
0x6e: {  	_ =	shalt  }
0x6f: {  	_ =	shalt  }
0x70: {  	_ =	shalt  }
0x71: {  	_ =	shalt  }
0x72: {  	_ =	shalt  }
0x73: {  	_ =	shalt  }
0x74: {  	_ =	shalt  }
0x75: {  	_ =	shalt  }
0x76: {  	_ =	shalt  }
0x77: {  	_ =	shalt  }
0x78: {  	_ =	shalt  }
0x79: {  	_ =	shalt  }
0x7a: {  	_ =	shalt  }
0x7b: {  	_ =	shalt  }
0x7c: {  	_ =	shalt  }
0x7d: {  	_ =	shalt  }
0x7e: {  	_ =	shalt  }
0x7f: {  	_ =	shalt  }
0x80: {  	_ =	shalt  }
0x81: {  	_ =	shalt  }
0x82: {  	_ =	shalt  }
0x83: {  	_ =	shalt  }
0x84: {  	_ =	shalt  }
0x85: {  	_ =	shalt  }
0x86: {  	_ =	shalt  }
0x87: {  	_ =	shalt  }
.Lfunc_end0:
.L_simem_size_0:
called_computation_lowered:
.L_overlay_start_0:
0x88: {  	s2 =	sld [smem:$0x3FD9]  }
0x89: {  	s3 =	sld [smem:$0x3FFE];
	_ =	sdelay $0x1  }
0x8a: {  	s1 =	srdreg.scid  }
0x8b: {  	s0 =	sand.u32 $0x1, s1  }
0x8c: {  	s16 =	sshll.u32 s0, $0xA;
	s2 =	sadd.s32 s3, s2  }
0x8d: {  	s2 =	sadd.s32 s2, s16  }
0x8e: {  	[smem:$0x3FC1] =	sst s2  }
0x8f: {  	_ = 	snop  }
0x90: {  	(tm) =	ssettm $0x1  }
0x91: {  	s17 =	sld [smem:$0x3FFB];
	_ =	sdelay $0x3  }
0x92: {  	_ =	strace s17  }
0x93: {  	s2 =	sld [smem:$0x3FFC];
	_ =	sdelay $0x3  }
0x94: {  	_ =	strace s2  }
0x95: {  	s2 =	sld [smem:$0x3FFD];
	_ =	sdelay $0x3  }
0x96: {  	_ =	strace s2  }
0x97: {  	_ =	strace $0x8FFFFFFF  }
0x98: {  	s18 =	sld [smem:$0x3FDB];
	_ =	sdelay $0x1  }
0x99: {  	s19 =	simm.s32 $_scs_section_size  }
0x9a: {  	s4 =	simm.s32 $_size__tile_overlayer_lowered;
	s5 =	simm.s32 $_tile_overlayer_lowered  }
0x9b: {  	s22 =	simm.s32 $0x1BFF;
	s21 =	sshll.u32 s5, $0x1;
	s2 =	sadd.s32 s19, s18  }
0x9c: {  	s6 =	simm.s32 $0x0;
	s20 =	sshll.u32 s4, $0x1;
	s4 =	sadd.s32 s21, s2  }
0x9d: {  	[timem:s6], [sflag:s22] =	dma.local [hbm:s4], s20  }
0x9e: {  	_ =	swait.ge [sflag:s22], s20  }
0x9f: {  	s3 =	ssub.s32 $0x0, s20;
	[sflag:s22] =	ssyncset.done $0x0  }
0xa0: {  	[sflag:s22] =	ssyncadd.s32 s3;
	_ =	sdelay $0x1  }
0xa1: {  	s23 =	simm.s32 $0x1B8B  }
0xa2: {  	_ =	swait.ge [sflag:s23], $0x1  }
0xa3: {  	[sflag:s23] =	ssyncset.done $0x0  }
0xa4: {  	s25 =	simm.s32 $0x1B8E;
	s24 =	sld [smem:$0x3FFE];
	[sflag:s23] =	ssyncadd.s32 $0xFFFFFFFF  }
0xa5: {  	s26 =	simm.s32 $execute0_lowered;
	[smem:$0x3FD2] =	sst s25  }
0xa6: {  	s4 =	sshll.u32 s26, $0x1;
	_ =	strace $0x80000046;
	[dreg:$0x1] =	wrdreg $0xFFFFFFFF  }
0xa7: {  	s28 =	simm.s32 $_size_execute0_lowered;
	s2 =	sadd.s32 s2, s4;
	[dreg:$0x0] =	wrdreg $0x0  }
0xa8: {  	s4 =	sshll.u32 s28, $0x1;
	[dreg:$0x2] =	wrdreg s2  }
0xa9: {  	[dreg:$0x3] =	wrdreg s4  }
0xaa: {  	[dreg:$0x4] =	wrdreg $0xC0  }
0xab: {  	_ =	task [dreg:s6], $0x5FFFF  }
0xac: {  	[dreg:$0x1] =	wrdreg $0xFFFFFFFF  }
0xad: {  	[dreg:$0x0] =	wrdreg $0x60  }
0xae: {  	[dreg:$0x2] =	wrdreg s24  }
0xaf: {  	[dreg:$0x3] =	wrdreg $0x43000  }
0xb0: {  	[dreg:$0x4] =	wrdreg $0x9  }
0xb1: {  	_ =	task.clear_ibuf [dreg:s6], $0x5FFFF;
	_ =	strace $0x90000046  }
0xb2: {  	s29 =	simm.s32 $0x9;
	_ =	strace $0x80000048  }
0xb3: {  	_ =	swait.ge [sflag:s29], $0x1  }
0xb4: {  	[sflag:s29] =	ssyncadd.s32 $0xFFFFFFFF  }
0xb5: {  	_ =	strace $0x90000048  }
0xb6: {  	_ =	sfence  }
0xb7: {  	s30 =	sld [smem:$0x0];
	_ =	sdelay $0x2  }
0xb8: {  	s31 =	sshll.u32 s1, $0xD;
	s1 =	sshrl.u32 s1, $0x2  }
0xb9: {  	s3 =	sand.u32 $0x4000, s31;
	s1 =	sadd.s32 s1, s30  }
0xba: {  	s0 =	sor.u32 s3, s0;
	s1 =	sshll.u32 s1, $0x11  }
0xbb: {  	s0 =	sor.u32 s1, s0  }
0xbc: {  	s0 =	sadd.s32 $0x8F2B, s0  }
0xbd: {  	[sflag:s0] =	ssyncadd.remote.s32 $0x1  }
0xbe: {  	_ =	sfence.sel $0xFFFF  }
0xbf: {  	[dreg:$0x0] =	wrdreg $0xFFFFFFFF;
	(pc) =	sbr.abs _section_cstart, $3  }
0xc0: {  	[dreg:$0x1] =	wrdreg $0xFFFFFFFF  }
0xc1: {  	_ =	task.clear_ibuf [dreg:s6], $0x2FFFF;
	_ =	strace $0x9FFFFFFF  }
0xc2: {  	(tm) =	ssettm $0x7FFFFFFF  }
0xc3: {  	_ =	shalt  }
tec
execute0_lowered:
.L_overlay_start_1:
0x0: {  	(tag) =	ssettag $0x1  }
0x1: {  	s4 =	rddreg [dreg:$0x0]  }
0x2: {  	s2 =	rddreg [dreg:$0x1]  }
0x3: {  	s0 =	rddreg [dreg:$0x2]  }
0x4: {  	s1 =	stileid.u32;
	s5 =	srdreg.scid;
	s3 =	simm.s32 $0x0  }
0x5: {  	s11 =	simm.s32 $0x4000;
	s14 =	simm.s32 $0x0;
	s5 =	sand.u32 $0x1, s5  }
0x6: {  	s6 =	smul.u32 $0x280, s1;
	[smem:$0x7FF] =	sst s3;
	s8 =	sshll.u32 s1, $0xB  }
0x7: {  	s12 =	sshll.u32 s1, $0x6;
	s7 =	smul.u32 $0x2800, s5;
	_ =	strace $0x80000047  }
0x8: {  	s8 =	sadd.s32 s8, s4;
	s9 =	ssub.s32 $0x2, s5;
	s5 =	sshll.u32 s5, $0xF  }
0x9: {  	s12 =	sor.u32 $0x1C01, s12;
	s10 =	sshrl.u32 s9, $0x1;
	s7 =	sadd.s32 s6, s7  }
0xa: {  	s5 =	sadd.s32 s5, s8;
	s8 =	simm.s32 $0x4080;
	s7 =	sshrl.u32 s7, $0x3  }
0xb: {  	s9 =	ssub.s32 s9, s10;
	s5 =	sadd.s32 $0x2400, s5;
	s7 =	sadd.s32 s7, s4  }
0xc: {  	s10 =	simm.s32 $0x50;
	s4 =	sadd.s32 s6, s2;
	s6 =	sadd.s32 $0x12400, s7  }
0xd: {  	v0 =	vimm.f32 $1.000000000e+00;
	v1 =	vimm.f32 $0.0e+00;
	s7 =	smax.u32 s9, $0x1;
	s9 =	simm.s32 $0x1;
	s13 =	sshrl.u32 s4, $0x3  }
.LBB2_1:
0xe: {  	[tilespmem:$0x4000] =	vst v0  }
0xf: {  	[tilespmem:$0x4010] =	vst v0  }
0x10: {  	[tilespmem:$0x4020] =	vst v0  }
0x11: {  	[tilespmem:$0x4030] =	vst v0  }
0x12: {  	[tilespmem:$0x4040] =	vst v0  }
0x13: {  	[tilespmem:$0x4050] =	vst v0  }
0x14: {  	[tilespmem:$0x4060] =	vst v0  }
0x15: {  	[tilespmem:$0x4070] =	vst v0  }
0x16: {  	[tilespmem:$0x4080] =	vst v1  }
0x17: {  	[tilespmem:$0x4090] =	vst v1  }
0x18: {  	[tilespmem:$0x40A0] =	vst v1  }
0x19: {  	[tilespmem:$0x40B0] =	vst v1  }
0x1a: {  	[tilespmem:$0x40C0] =	vst v1  }
0x1b: {  	[tilespmem:$0x40D0] =	vst v1  }
0x1c: {  	[tilespmem:$0x40E0] =	vst v1  }
0x1d: {  	[tilespmem:$0x40F0] =	vst v1  }
0x1e: {  	[tilespmem:$0x4100] =	vst v1  }
0x1f: {  	[tilespmem:$0x4110] =	vst v1  }
0x20: {  	[tilespmem:$0x4120] =	vst v1  }
0x21: {  	[tilespmem:$0x4130] =	vst v1  }
0x22: {  	[tilespmem:$0x4140] =	vst v1  }
0x23: {  	[tilespmem:$0x4150] =	vst v1  }
0x24: {  	[tilespmem:$0x4160] =	vst v1  }
0x25: {  	[tilespmem:$0x4170] =	vst v1  }
0x26: {  	[tilespmem:$0x4180] =	vst v1  }
0x27: {  	[tilespmem:$0x4190] =	vst v1  }
0x28: {  	[tilespmem:$0x41A0] =	vst v1  }
0x29: {  	[tilespmem:$0x41B0] =	vst v1  }
0x2a: {  	[tilespmem:$0x41C0] =	vst v1  }
0x2b: {  	[tilespmem:$0x41D0] =	vst v1  }
0x2c: {  	[tilespmem:$0x41E0] =	vst v1  }
0x2d: {  	[tilespmem:$0x41F0] =	vst v1  }
0x2e: {  	[tilespmem:$0x4200] =	vst v1  }
0x2f: {  	[tilespmem:$0x4210] =	vst v1  }
0x30: {  	[tilespmem:$0x4220] =	vst v1  }
0x31: {  	[tilespmem:$0x4230] =	vst v1  }
0x32: {  	[tilespmem:$0x4240] =	vst v1  }
0x33: {  	[tilespmem:$0x4250] =	vst v1  }
0x34: {  	[tilespmem:$0x4260] =	vst v1  }
0x35: {  	[tilespmem:$0x4270] =	vst v1  }
0x36: {  	[tilespmem:$0x4280] =	vst v1  }
0x37: {  	[tilespmem:$0x4290] =	vst v1  }
0x38: {  	[tilespmem:$0x42A0] =	vst v1  }
0x39: {  	[tilespmem:$0x42B0] =	vst v1  }
0x3a: {  	[tilespmem:$0x42C0] =	vst v1  }
0x3b: {  	[tilespmem:$0x42D0] =	vst v1  }
0x3c: {  	[tilespmem:$0x42E0] =	vst v1  }
0x3d: {  	[tilespmem:$0x42F0] =	vst v1  }
0x3e: {  	[spmem:s4] =	stream.linear.scatter [tilespmem:s8], [sflag:$0x1], $0x280, $0x38;
	[tilespmem:$0x4580] =	vst v63  }
0x3f: {  	_ =	swait.ge [sflag:s9], $0x280  }
0x40: {  	[sflag:s9] =	ssyncset.done $0x0  }
0x41: {  	[sflag:s9] =	ssyncadd.s32 $0xFFFFFD80  }
0x42: {  	[bflag:$0x0] =	sbarrier.arrive $0xFFFF  }
0x43: {  	[tilespmem:s3], [sflag:$0x1] =	stream.linear.gather [hbm4b:s5+s3], $0x3E80, $0x38;
	[tilespmem:$0x4580] =	vst v63  }
0x44: {  	_ =	swait.ge [sflag:s9], $0x3E80  }
0x45: {  	[sflag:s9] =	ssyncset.done $0x0  }
0x46: {  	s15 =	simm.s32 $0x0;
	[sflag:s9] =	ssyncadd.s32 $0xFFFFC180  }
0x47: {  	[spmem:s2] =	stream.indirect.scatter.add.f32 [tilespmem:s11], [sflag:$0x1], $0x1, s15, s10, $0xb8;
	[tilespmem:$0x4580] =	vst v63  }
0x48: {  	_ =	swait.ge [sflag:s9], $0x50  }
0x49: {  	s15 =	simm.s32 $0x200;
	[sflag:s9] =	ssyncset.done $0x0  }
.LBB2_2:
0x4a: {  	s16 =	sshra.s32 s15, $0x2;
	[sflag:s9] =	ssyncadd.s32 $0xFFFFFFB0;
	p0 =	sne.s32 s15, $0xF800  }
0x4b: {  	[spmem:s2] =	stream.indirect.scatter.add.f32 [tilespmem:s11], [sflag:$0x1], $0x1, s16, s10, $0xb8;
	[tilespmem:$0x4580] =	vst v63  }
.Ltmp0:
0x4c: {  	_ = 	snop;
	(pc) =	sbr.rel @p0 .LBB2_2-.Ltmp0, $4  }
0x4d: {  	_ = 	snop  }
0x4e: {  	s15 =	sadd.s32 $0x200, s15  }
0x4f: {  	_ =	swait.ge [sflag:s9], $0x50  }
0x50: {  	[sflag:s9] =	ssyncset.done $0x0  }
0x51: {  	s14 =	sadd.s32 $0x1, s14  }
0x52: {  	[sflag:s9] =	ssyncadd.s32 $0xFFFFFFB0;
	p0 =	sne.s32 s14, s7  }
.Ltmp1:
0x53: {  	[bflag:$0x0] =	sbarrier.arrive $0xFFFF;
	(pc) =	sbr.rel @p0 .LBB2_1-.Ltmp1, $4  }
0x54: {  	[hbm:s6], [sflag:s12] =	dma.local [spmem:s13], $0x50  }
0x55: {  	_ =	swait.ge [sflag:s9], $0x50  }
0x56: {  	[sflag:s9] =	ssyncset.done $0x0  }
0x57: {  	[sflag:s9] =	ssyncadd.s32 $0xFFFFFFB0  }
0x58: {  	_ =	sfence.sel $0x180000  }
0x59: {  	[bflag:$0x0] =	sbarrier.arrive $0xFFFF  }
0x5a: {  	p0 =	sne.s32 s1, $0x0;
	_ =	strace $0x90000047  }
0x5b: {  	s0 =	sadd.s32 @!p0 $0x100000, s0;
	[bflag:$0x2] =	sbarrier.arrive $0xFFFF  }
0x5c: {  	[sflag:s0] =	ssyncadd.tile.s32 @!p0 $0x1;
	_ =	shalt  }
.Lfunc_end2:
_tile_overlayer_lowered:
.L_overlay_start_2:
0x5d: {  	(tag) =	ssettag $0x2  }
0x5e: {  	s0 =	rddreg [dreg:$0x0];
	s2 =	stileid.u32  }
0x5f: {  	s1 =	rddreg [dreg:$0x1];
	p0 =	sne.s32 s2, $0x0  }
0x60: {  	s3 =	rddreg [dreg:$0x2];
	[bflag:$0x3] =	sbarrier.arrive $0xFFFF;
	s2 =	simm.s32 @!p0 $0x1C01  }
0x61: {  	[timem:s3], [sflag:s2] =	dma.local @!p0 [hbm:s0], s1  }
0x62: {  	s0 =	simm.s32 @!p0 $0x1  }
0x63: {  	_ =	swait.ge @!p0 [sflag:s0], s1  }
0x64: {  	s1 =	ssub.s32 @!p0 $0x0, s1;
	[sflag:s0] =	ssyncset.done @!p0 $0x0  }
0x65: {  	[sflag:s0] =	ssyncadd.s32 @!p0 s1  }
0x66: {  	[bflag:$0x3] =	sbarrier.arrive $0xFFFF  }
0x67: {  	_ =	shalt  }

</sc_bundles>
